<compile_context>
chip_gen: v7x
topology: tpu7x:2x2x1
jax: 0.10.2.dev20260603
libtpu: 0.0.44.dev20260713+nightly
codegen_flags: <defaults>
</compile_context>

<pallas_src>
import functools

import jax
import jax.numpy as jnp
from jax import lax
from jax.experimental import pallas as pl
from jax.experimental.pallas import tpu as pltpu
from jax.experimental.pallas import tpu_sc as plsc

N_NODES = 10000
N_EDGES = 320000
D = 128

NC = 2
NS = 16
NW = NC * NS

CHUNK = 80
CH_PER_W = 128
NCHUNK = NW * CH_PER_W
E_PAD = NCHUNK * CHUNK
NSLOT = 4
N_PHASE = 4
K_PH = CH_PER_W // N_PHASE
N_REAL_CHUNK = N_EDGES // CHUNK
ROWS_PER_SUB = 624
TAIL_ROWS = N_NODES - NS * ROWS_PER_SUB


def _sc_aggregate(x, src2d, dst2d):
    mesh = plsc.VectorSubcoreMesh(core_axis_name="c", subcore_axis_name="s")

    @functools.partial(
        pl.kernel,
        mesh=mesh,
        out_type=(jax.ShapeDtypeStruct((N_NODES, D), jnp.float32),
                  jax.ShapeDtypeStruct((N_NODES, D), jnp.float32)),
        scratch_types=[
            pltpu.VMEM((K_PH, CHUNK), jnp.int32),
            pltpu.VMEM((K_PH, CHUNK), jnp.int32),
            pltpu.VMEM((NSLOT, CHUNK, D), jnp.float32),
            pltpu.VMEM_SHARED((N_NODES, D), jnp.float32),
            [pltpu.SemaphoreType.DMA] * NSLOT,
        ],
    )
    def agg(x_hbm, src_hbm, dst_hbm, out0_hbm, out1_hbm,
            src_v, dst_v, rows_v, acc, sems):
        c = lax.axis_index("c")
        s = lax.axis_index("s")
        wid = s * NC + c

        row0 = s * ROWS_PER_SUB
        t0 = NS * ROWS_PER_SUB

        @pl.when(c == 0)
        def _():
            pltpu.sync_copy(x_hbm.at[pl.ds(row0, ROWS_PER_SUB)],
                            acc.at[pl.ds(row0, ROWS_PER_SUB)])

            @pl.when(s == NS - 1)
            def _():
                pltpu.sync_copy(x_hbm.at[pl.ds(t0, TAIL_ROWS)],
                                acc.at[pl.ds(t0, TAIL_ROWS)])

        @pl.when(c == 1)
        def _():
            z16 = jnp.zeros((16,), jnp.float32)

            def zrow(r, carry):
                for col in range(D // 16):
                    rows_v[0, r, pl.ds(col * 16, 16)] = z16
                return carry

            lax.fori_loop(0, CHUNK, zrow, 0)
            for k in range(ROWS_PER_SUB // CHUNK):
                pltpu.sync_copy(rows_v.at[0],
                                acc.at[pl.ds(row0 + k * CHUNK, CHUNK)])
            rem = ROWS_PER_SUB % CHUNK
            pltpu.sync_copy(
                rows_v.at[0, pl.ds(0, rem)],
                acc.at[pl.ds(row0 + ROWS_PER_SUB - rem, rem)])

            @pl.when(s == NS - 1)
            def _():
                pltpu.sync_copy(rows_v.at[0, pl.ds(0, TAIL_ROWS)],
                                acc.at[pl.ds(t0, TAIL_ROWS)])

        plsc.subcore_barrier()

        c0 = wid * CH_PER_W
        for p in range(N_PHASE):
            ph0 = c0 + p * K_PH
            nreal = N_REAL_CHUNK - ph0

            @pl.when(nreal > 0)
            def _():
                pltpu.sync_copy(src_hbm.at[pl.ds(ph0, K_PH)], src_v)
                pltpu.sync_copy(dst_hbm.at[pl.ds(ph0, K_PH)], dst_v)

            for b in range(NSLOT):
                @pl.when(b < nreal)
                def _():
                    pltpu.async_copy(x_hbm.at[src_v.at[b]],
                                     rows_v.at[b], sems[b])

            def step(j, b, lookahead):
                pltpu.make_async_copy(x_hbm.at[src_v.at[j]],
                                      rows_v.at[b], sems[b]).wait()
                pltpu.async_copy(rows_v.at[b], acc.at[dst_v.at[j]],
                                 sems[b], add=True).wait()

                if lookahead:
                    @pl.when(j + NSLOT < nreal)
                    def _():
                        pltpu.async_copy(x_hbm.at[src_v.at[j + NSLOT]],
                                         rows_v.at[b], sems[b])

            def body(i, carry):
                for b in range(NSLOT):
                    j = NSLOT * i + b

                    @pl.when(j < nreal)
                    def _():
                        step(j, b, lookahead=True)

                return carry

            lax.fori_loop(0, K_PH // NSLOT - 1, body, 0)

            for b in range(NSLOT):
                j = K_PH - NSLOT + b

                @pl.when(j < nreal)
                def _():
                    step(j, b, lookahead=False)

        plsc.subcore_barrier()

        for ci, out_hbm in ((0, out0_hbm), (1, out1_hbm)):
            @pl.when(c == ci)
            def _():
                pltpu.sync_copy(acc.at[pl.ds(row0, ROWS_PER_SUB)],
                                out_hbm.at[pl.ds(row0, ROWS_PER_SUB)])

                @pl.when(s == NS - 1)
                def _():
                    pltpu.sync_copy(acc.at[pl.ds(t0, TAIL_ROWS)],
                                    out_hbm.at[pl.ds(t0, TAIL_ROWS)])

    return agg(x, src2d, dst2d)


def _mlp_block(p0_ref, p1_ref, w1_ref, b1_ref, w2_ref, b2_ref, o_ref):
    h = p0_ref[...] + p1_ref[...]
    h = jnp.dot(h, w1_ref[...], preferred_element_type=jnp.float32) + b1_ref[...]
    h = jnp.maximum(h, 0.0)
    o_ref[...] = (
        jnp.dot(h, w2_ref[...], preferred_element_type=jnp.float32) + b2_ref[...]
    )


def _tc_mlp(p0, p1, W1, b1, W2, b2):
    blk = 2000
    grid = (N_NODES // blk,)
    row_spec = pl.BlockSpec((blk, D), lambda i: (i, 0))
    full_spec = pl.BlockSpec((D, D), lambda i: (0, 0))
    bias_spec = pl.BlockSpec((1, D), lambda i: (0, 0))
    return pl.pallas_call(
        _mlp_block,
        grid=grid,
        in_specs=[row_spec, row_spec,
                  full_spec, bias_spec, full_spec, bias_spec],
        out_specs=row_spec,
        out_shape=jax.ShapeDtypeStruct((N_NODES, D), jnp.float32),
    )(p0, p1, W1.T, b1.reshape(1, D), W2.T, b2.reshape(1, D))


def kernel(x, edge_index, W1, b1, W2, b2):
    src2d = edge_index[0].astype(jnp.int32).reshape(N_REAL_CHUNK, CHUNK)
    dst2d = edge_index[1].astype(jnp.int32).reshape(N_REAL_CHUNK, CHUNK)
    p0, p1 = _sc_aggregate(x, src2d, dst2d)
    return _tc_mlp(p0, p1, W1, b1, W2, b2)

# --- scband reference (transcript-rebuilt; emitter-appended) ---
"""Pipeline reference for scband-gin-16484084483578 (READ-ONLY COPY).

The authoritative reference and input builder live on the scoring server;
editing this copy changes nothing except your own understanding.
"""

import jax, jax.numpy as jnp
import numpy as np

N_NODES = 10000
N_EDGES = 320000
D_IN = 128
D_OUT = 128

def setup_inputs(seed: int = 0) -> dict:
    key = jax.random.key(seed)
    k_x, k_ei, k_w1, k_b1, k_w2, k_b2 = jax.random.split(key, 6)
    x = jax.random.normal(k_x, (N_NODES, D_IN), dtype=jnp.float32)
    edge_index = jax.random.randint(k_ei, (2, N_EDGES), 0, N_NODES, dtype=jnp.int64)
    # Linear layer params (kaiming-uniform-like init, torch Linear convention W: [out, in])
    bound1 = float(np.sqrt(6.0 / D_IN))
    W1 = jax.random.uniform(k_w1, (D_OUT, D_IN), dtype=jnp.float32, minval=-bound1, maxval=bound1)
    b1 = jax.random.uniform(k_b1, (D_OUT,), dtype=jnp.float32, minval=-1.0/np.sqrt(D_IN), maxval=1.0/np.sqrt(D_IN))
    bound2 = float(np.sqrt(6.0 / D_OUT))
    W2 = jax.random.uniform(k_w2, (D_OUT, D_OUT), dtype=jnp.float32, minval=-bound2, maxval=bound2)
    b2 = jax.random.uniform(k_b2, (D_OUT,), dtype=jnp.float32, minval=-1.0/np.sqrt(D_OUT), maxval=1.0/np.sqrt(D_OUT))
    return {"x": x, "edge_index": edge_index, "W1": W1, "b1": b1, "W2": W2, "b2": b2}

def reference(x, edge_index, W1, b1, W2, b2):
    # GINConv with eps=0: h = (1 + eps) * x + sum_{j in N(i)} x_j
    src = edge_index[0]
    dst = edge_index[1]
    messages = jnp.take(x, src, axis=0)               # gather: [E, D]
    aggr = jax.ops.segment_sum(messages, dst, num_segments=N_NODES)  # scatter-add
    h = x + aggr                                      # (1 + 0) * x + aggr
    # MLP: Linear -> ReLU -> Linear
    h = h @ W1.T + b1
    h = jax.nn.relu(h)
    h = h @ W2.T + b2
    return h

if __name__ == "__main__":
    import jax
    _d = setup_inputs()
    print(jax.jit(kernel)(*tuple(_d.values())))

</pallas_src>

<mosaic_0001>
#map = affine_map<(d0, d1) -> (0, 0)>
module attributes {stable_mosaic.version = 14 : i64} {
  func.func @agg(%arg0: i32, %arg1: i32, %arg2: memref<10000x128xf32, #tpu.memory_space<hbm>>, %arg3: memref<4000x80xi32, #tpu.memory_space<hbm>>, %arg4: memref<4000x80xi32, #tpu.memory_space<hbm>>, %arg5: memref<10000x128xf32, #tpu.memory_space<hbm>>, %arg6: memref<10000x128xf32, #tpu.memory_space<hbm>>, %arg7: memref<32x80xi32, #tpu.memory_space<vmem>>, %arg8: memref<32x80xi32, #tpu.memory_space<vmem>>, %arg9: memref<4x80x128xf32, #tpu.memory_space<vmem>>, %arg10: memref<10000x128xf32, #tpu.memory_space<vmem_shared>>, %arg11: memref<!tpu.dma_semaphore, #tpu.memory_space<semaphore_mem>>, %arg12: memref<!tpu.dma_semaphore, #tpu.memory_space<semaphore_mem>>, %arg13: memref<!tpu.dma_semaphore, #tpu.memory_space<semaphore_mem>>, %arg14: memref<!tpu.dma_semaphore, #tpu.memory_space<semaphore_mem>>) attributes {dimension_semantics = [#tpu.dimension_semantics<core_parallel>, #tpu.dimension_semantics<subcore_parallel>], iteration_bounds = array<i64: 2, 16>, scalar_prefetch = 0 : i64, scratch_operands = 8 : i64, tpu.core_type = #tpu.core_type<sc_vector_subcore>, window_params = [{transform_indices = #map}, {transform_indices = #map}, {transform_indices = #map}, {transform_indices = #map}, {transform_indices = #map}]} {
    %mul3A = arith.constant 2 : i32
    %mul3A_0 = arith.muli %arg1, %mul3A : i32
    %add3A = arith.addi %mul3A_0, %arg0 : i32
    %mul3A_1 = arith.constant 624 : i32
    %mul3A_2 = arith.muli %arg1, %mul3A_1 : i32
    %eq3A = arith.constant 0 : i32
    %eq3A_3 = arith.cmpi eq, %arg0, %eq3A : i32
    %convert_element_type3A = arith.extui %eq3A_3 : i1 to i32
    %cond3A = arith.constant 0 : i32
    %cond3A_4 = arith.cmpi ne, %convert_element_type3A, %cond3A : i32
    scf.if %cond3A_4 {
      "tpu.region"() ({
        %run_scoped3A = tpu.sem_alloc : memref<!tpu.dma_semaphore, #tpu.memory_space<semaphore_mem>>
        %dma_start3A = arith.constant 0 : i32
        %dma_start3A_245 = tpu.memref_slice %arg10[%mul3A_2, %dma_start3A] : memref<10000x128xf32, #tpu.memory_space<vmem_shared>> -> memref<624x128xf32, #tpu.memory_space<vmem_shared>>
        %dma_start3A_246 = arith.constant 0 : i32
        %dma_start3A_247 = tpu.memref_slice %arg2[%mul3A_2, %dma_start3A_246] : memref<10000x128xf32, #tpu.memory_space<hbm>> -> memref<624x128xf32, #tpu.memory_space<hbm>>
        tpu.enqueue_dma source(%dma_start3A_247 : memref<624x128xf32, #tpu.memory_space<hbm>>) target(%dma_start3A_245 : memref<624x128xf32, #tpu.memory_space<vmem_shared>>) target_semaphore(%run_scoped3A : memref<!tpu.dma_semaphore, #tpu.memory_space<semaphore_mem>>)
        %dma_wait3A = arith.constant 0 : i32
        %dma_wait3A_248 = tpu.memref_slice %arg10[%mul3A_2, %dma_wait3A] : memref<10000x128xf32, #tpu.memory_space<vmem_shared>> -> memref<624x128xf32, #tpu.memory_space<vmem_shared>>
        %dma_wait3A_249 = arith.constant 0 : i32
        %dma_wait3A_250 = tpu.memref_slice %arg2[%mul3A_2, %dma_wait3A_249] : memref<10000x128xf32, #tpu.memory_space<hbm>> -> memref<624x128xf32, #tpu.memory_space<hbm>>
        tpu.wait_dma2 semaphore(%run_scoped3A : memref<!tpu.dma_semaphore, #tpu.memory_space<semaphore_mem>>) src(%dma_wait3A_250 : memref<624x128xf32, #tpu.memory_space<hbm>>) dst(%dma_wait3A_248 : memref<624x128xf32, #tpu.memory_space<vmem_shared>>)
        tpu.yield
      }) : () -> ()
      %eq3A_240 = arith.constant 15 : i32
      %eq3A_241 = arith.cmpi eq, %arg1, %eq3A_240 : i32
      %convert_element_type3A_242 = arith.extui %eq3A_241 : i1 to i32
      %cond3A_243 = arith.constant 0 : i32
      %cond3A_244 = arith.cmpi ne, %convert_element_type3A_242, %cond3A_243 : i32
      scf.if %cond3A_244 {
        "tpu.region"() ({
          %run_scoped3A = tpu.sem_alloc : memref<!tpu.dma_semaphore, #tpu.memory_space<semaphore_mem>>
          %dma_start3A = arith.constant 9984 : i32
          %dma_start3A_245 = arith.constant 0 : i32
          %dma_start3A_246 = tpu.memref_slice %arg10[%dma_start3A, %dma_start3A_245] : memref<10000x128xf32, #tpu.memory_space<vmem_shared>> -> memref<16x128xf32, #tpu.memory_space<vmem_shared>>
          %dma_start3A_247 = arith.constant 9984 : i32
          %dma_start3A_248 = arith.constant 0 : i32
          %dma_start3A_249 = tpu.memref_slice %arg2[%dma_start3A_247, %dma_start3A_248] : memref<10000x128xf32, #tpu.memory_space<hbm>> -> memref<16x128xf32, #tpu.memory_space<hbm>>
          tpu.enqueue_dma source(%dma_start3A_249 : memref<16x128xf32, #tpu.memory_space<hbm>>) target(%dma_start3A_246 : memref<16x128xf32, #tpu.memory_space<vmem_shared>>) target_semaphore(%run_scoped3A : memref<!tpu.dma_semaphore, #tpu.memory_space<semaphore_mem>>)
          %dma_wait3A = arith.constant 9984 : i32
          %dma_wait3A_250 = arith.constant 0 : i32
          %dma_wait3A_251 = tpu.memref_slice %arg10[%dma_wait3A, %dma_wait3A_250] : memref<10000x128xf32, #tpu.memory_space<vmem_shared>> -> memref<16x128xf32, #tpu.memory_space<vmem_shared>>
          %dma_wait3A_252 = arith.constant 9984 : i32
          %dma_wait3A_253 = arith.constant 0 : i32
          %dma_wait3A_254 = tpu.memref_slice %arg2[%dma_wait3A_252, %dma_wait3A_253] : memref<10000x128xf32, #tpu.memory_space<hbm>> -> memref<16x128xf32, #tpu.memory_space<hbm>>
          tpu.wait_dma2 semaphore(%run_scoped3A : memref<!tpu.dma_semaphore, #tpu.memory_space<semaphore_mem>>) src(%dma_wait3A_254 : memref<16x128xf32, #tpu.memory_space<hbm>>) dst(%dma_wait3A_251 : memref<16x128xf32, #tpu.memory_space<vmem_shared>>)
          tpu.yield
        }) : () -> ()
      } else {
      }
    } else {
    }
    %eq3A_5 = arith.constant 1 : i32
    %eq3A_6 = arith.cmpi eq, %arg0, %eq3A_5 : i32
    %convert_element_type3A_7 = arith.extui %eq3A_6 : i1 to i32
    %cond3A_8 = arith.constant 0 : i32
    %cond3A_9 = arith.cmpi ne, %convert_element_type3A_7, %cond3A_8 : i32
    scf.if %cond3A_9 {
      %broadcast_in_dim3A = arith.constant 0.000000e+00 : f32
      %broadcast_in_dim3A_240 = vector.broadcast %broadcast_in_dim3A : f32 to vector<16xf32>
      %scan3A_241 = arith.constant 0 : i32
      %scan3A_242 = arith.constant 0 : i32
      %scan3A_243 = arith.constant 80 : i32
      %scan3A_244 = arith.addi %scan3A_242, %scan3A_243 : i32
      %scan3A_245 = arith.constant 1 : i32
      scf.for %scan3A_277 = %scan3A_242 to %scan3A_244 step %scan3A_245  : i32 {
        %swap3A = arith.constant 0 : i32
        %swap3A_278 = arith.index_cast %swap3A : i32 to index
        %swap3A_279 = arith.index_cast %scan3A_277 : i32 to index
        %swap3A_280 = arith.constant 0 : index
        %swap3A_281 = tpu.vector_load %arg9[%swap3A_278, %swap3A_279, %swap3A_280] {strides = array<i32>} : memref<4x80x128xf32, #tpu.memory_space<vmem>>, vector<1x1x16xf32>,
        %swap3A_282 = vector.shape_cast %swap3A_281 : vector<1x1x16xf32> to vector<16xf32>
        %swap3A_283 = vector.shape_cast %broadcast_in_dim3A_240 : vector<16xf32> to vector<1x1x16xf32>
        tpu.vector_store %arg9[%swap3A_278, %swap3A_279, %swap3A_280], %swap3A_283 {strides = array<i32>} : memref<4x80x128xf32, #tpu.memory_space<vmem>>, vector<1x1x16xf32>,
        %swap3A_284 = arith.constant 0 : i32
        %swap3A_285 = arith.index_cast %swap3A_284 : i32 to index
        %swap3A_286 = arith.index_cast %scan3A_277 : i32 to index
        %swap3A_287 = arith.constant 16 : index
        %swap3A_288 = tpu.vector_load %arg9[%swap3A_285, %swap3A_286, %swap3A_287] {strides = array<i32>} : memref<4x80x128xf32, #tpu.memory_space<vmem>>, vector<1x1x16xf32>,
        %swap3A_289 = vector.shape_cast %swap3A_288 : vector<1x1x16xf32> to vector<16xf32>
        %swap3A_290 = vector.shape_cast %broadcast_in_dim3A_240 : vector<16xf32> to vector<1x1x16xf32>
        tpu.vector_store %arg9[%swap3A_285, %swap3A_286, %swap3A_287], %swap3A_290 {strides = array<i32>} : memref<4x80x128xf32, #tpu.memory_space<vmem>>, vector<1x1x16xf32>,
        %swap3A_291 = arith.constant 0 : i32
        %swap3A_292 = arith.index_cast %swap3A_291 : i32 to index
        %swap3A_293 = arith.index_cast %scan3A_277 : i32 to index
        %swap3A_294 = arith.constant 32 : index
        %swap3A_295 = tpu.vector_load %arg9[%swap3A_292, %swap3A_293, %swap3A_294] {strides = array<i32>} : memref<4x80x128xf32, #tpu.memory_space<vmem>>, vector<1x1x16xf32>,
        %swap3A_296 = vector.shape_cast %swap3A_295 : vector<1x1x16xf32> to vector<16xf32>
        %swap3A_297 = vector.shape_cast %broadcast_in_dim3A_240 : vector<16xf32> to vector<1x1x16xf32>
        tpu.vector_store %arg9[%swap3A_292, %swap3A_293, %swap3A_294], %swap3A_297 {strides = array<i32>} : memref<4x80x128xf32, #tpu.memory_space<vmem>>, vector<1x1x16xf32>,
        %swap3A_298 = arith.constant 0 : i32
        %swap3A_299 = arith.index_cast %swap3A_298 : i32 to index
        %swap3A_300 = arith.index_cast %scan3A_277 : i32 to index
        %swap3A_301 = arith.constant 48 : index
        %swap3A_302 = tpu.vector_load %arg9[%swap3A_299, %swap3A_300, %swap3A_301] {strides = array<i32>} : memref<4x80x128xf32, #tpu.memory_space<vmem>>, vector<1x1x16xf32>,
        %swap3A_303 = vector.shape_cast %swap3A_302 : vector<1x1x16xf32> to vector<16xf32>
        %swap3A_304 = vector.shape_cast %broadcast_in_dim3A_240 : vector<16xf32> to vector<1x1x16xf32>
        tpu.vector_store %arg9[%swap3A_299, %swap3A_300, %swap3A_301], %swap3A_304 {strides = array<i32>} : memref<4x80x128xf32, #tpu.memory_space<vmem>>, vector<1x1x16xf32>,
        %swap3A_305 = arith.constant 0 : i32
        %swap3A_306 = arith.index_cast %swap3A_305 : i32 to index
        %swap3A_307 = arith.index_cast %scan3A_277 : i32 to index
        %swap3A_308 = arith.constant 64 : index
        %swap3A_309 = tpu.vector_load %arg9[%swap3A_306, %swap3A_307, %swap3A_308] {strides = array<i32>} : memref<4x80x128xf32, #tpu.memory_space<vmem>>, vector<1x1x16xf32>,
        %swap3A_310 = vector.shape_cast %swap3A_309 : vector<1x1x16xf32> to vector<16xf32>
        %swap3A_311 = vector.shape_cast %broadcast_in_dim3A_240 : vector<16xf32> to vector<1x1x16xf32>
        tpu.vector_store %arg9[%swap3A_306, %swap3A_307, %swap3A_308], %swap3A_311 {strides = array<i32>} : memref<4x80x128xf32, #tpu.memory_space<vmem>>, vector<1x1x16xf32>,
        %swap3A_312 = arith.constant 0 : i32
        %swap3A_313 = arith.index_cast %swap3A_312 : i32 to index
        %swap3A_314 = arith.index_cast %scan3A_277 : i32 to index
        %swap3A_315 = arith.constant 80 : index
        %swap3A_316 = tpu.vector_load %arg9[%swap3A_313, %swap3A_314, %swap3A_315] {strides = array<i32>} : memref<4x80x128xf32, #tpu.memory_space<vmem>>, vector<1x1x16xf32>,
        %swap3A_317 = vector.shape_cast %swap3A_316 : vector<1x1x16xf32> to vector<16xf32>
        %swap3A_318 = vector.shape_cast %broadcast_in_dim3A_240 : vector<16xf32> to vector<1x1x16xf32>
        tpu.vector_store %arg9[%swap3A_313, %swap3A_314, %swap3A_315], %swap3A_318 {strides = array<i32>} : memref<4x80x128xf32, #tpu.memory_space<vmem>>, vector<1x1x16xf32>,
        %swap3A_319 = arith.constant 0 : i32
        %swap3A_320 = arith.index_cast %swap3A_319 : i32 to index
        %swap3A_321 = arith.index_cast %scan3A_277 : i32 to index
        %swap3A_322 = arith.constant 96 : index
        %swap3A_323 = tpu.vector_load %arg9[%swap3A_320, %swap3A_321, %swap3A_322] {strides = array<i32>} : memref<4x80x128xf32, #tpu.memory_space<vmem>>, vector<1x1x16xf32>,
        %swap3A_324 = vector.shape_cast %swap3A_323 : vector<1x1x16xf32> to vector<16xf32>
        %swap3A_325 = vector.shape_cast %broadcast_in_dim3A_240 : vector<16xf32> to vector<1x1x16xf32>
        tpu.vector_store %arg9[%swap3A_320, %swap3A_321, %swap3A_322], %swap3A_325 {strides = array<i32>} : memref<4x80x128xf32, #tpu.memory_space<vmem>>, vector<1x1x16xf32>,
        %swap3A_326 = arith.constant 0 : i32
        %swap3A_327 = arith.index_cast %swap3A_326 : i32 to index
        %swap3A_328 = arith.index_cast %scan3A_277 : i32 to index
        %swap3A_329 = arith.constant 112 : index
        %swap3A_330 = tpu.vector_load %arg9[%swap3A_327, %swap3A_328, %swap3A_329] {strides = array<i32>} : memref<4x80x128xf32, #tpu.memory_space<vmem>>, vector<1x1x16xf32>,
        %swap3A_331 = vector.shape_cast %swap3A_330 : vector<1x1x16xf32> to vector<16xf32>
        %swap3A_332 = vector.shape_cast %broadcast_in_dim3A_240 : vector<16xf32> to vector<1x1x16xf32>
        tpu.vector_store %arg9[%swap3A_327, %swap3A_328, %swap3A_329], %swap3A_332 {strides = array<i32>} : memref<4x80x128xf32, #tpu.memory_space<vmem>>, vector<1x1x16xf32>,
      }
      %scan3A_246 = arith.constant 80 : i32
      %add3A_247 = arith.constant 0 : i32
      %add3A_248 = arith.addi %mul3A_2, %add3A_247 : i32
      %run_scoped3A = arith.constant 0 : i32
      "tpu.region"() ({
        %run_scoped3A_277 = tpu.sem_alloc : memref<!tpu.dma_semaphore, #tpu.memory_space<semaphore_mem>>
        %dma_start3A = arith.constant 0 : i32
        %dma_start3A_278 = arith.constant 0 : i32
        %dma_start3A_279 = tpu.memref_slice %arg9[%run_scoped3A, %dma_start3A, %dma_start3A_278] : memref<4x80x128xf32, #tpu.memory_space<vmem>> -> memref<1x80x128xf32, #tpu.memory_space<vmem>>
        %dma_start3A_280 = tpu.memref_squeeze %dma_start3A_279 : memref<1x80x128xf32, #tpu.memory_space<vmem>> -> memref<80x128xf32, #tpu.memory_space<vmem>>
        %dma_start3A_281 = arith.constant 0 : i32
        %dma_start3A_282 = tpu.memref_slice %arg10[%add3A_248, %dma_start3A_281] : memref<10000x128xf32, #tpu.memory_space<vmem_shared>> -> memref<80x128xf32, #tpu.memory_space<vmem_shared>>
        %dma_start3A_283 = arith.constant 0 : i32
        %dma_start3A_284 = tpu.memref_slice %arg10[%add3A_248, %dma_start3A_283] : memref<10000x128xf32, #tpu.memory_space<vmem_shared>> -> memref<80x128xf32, #tpu.memory_space<vmem_shared>>
        %dma_start3A_285 = arith.constant 0 : i32
        %dma_start3A_286 = arith.constant 0 : i32
        %dma_start3A_287 = tpu.memref_slice %arg9[%run_scoped3A, %dma_start3A_285, %dma_start3A_286] : memref<4x80x128xf32, #tpu.memory_space<vmem>> -> memref<1x80x128xf32, #tpu.memory_space<vmem>>
        %dma_start3A_288 = tpu.memref_squeeze %dma_start3A_287 : memref<1x80x128xf32, #tpu.memory_space<vmem>> -> memref<80x128xf32, #tpu.memory_space<vmem>>
        tpu.enqueue_dma source(%dma_start3A_288 : memref<80x128xf32, #tpu.memory_space<vmem>>) target(%dma_start3A_284 : memref<80x128xf32, #tpu.memory_space<vmem_shared>>) target_semaphore(%run_scoped3A_277 : memref<!tpu.dma_semaphore, #tpu.memory_space<semaphore_mem>>)
        %dma_wait3A = arith.constant 0 : i32
        %dma_wait3A_289 = arith.constant 0 : i32
        %dma_wait3A_290 = tpu.memref_slice %arg9[%run_scoped3A, %dma_wait3A, %dma_wait3A_289] : memref<4x80x128xf32, #tpu.memory_space<vmem>> -> memref<1x80x128xf32, #tpu.memory_space<vmem>>
        %dma_wait3A_291 = tpu.memref_squeeze %dma_wait3A_290 : memref<1x80x128xf32, #tpu.memory_space<vmem>> -> memref<80x128xf32, #tpu.memory_space<vmem>>
        %dma_wait3A_292 = arith.constant 0 : i32
        %dma_wait3A_293 = tpu.memref_slice %arg10[%add3A_248, %dma_wait3A_292] : memref<10000x128xf32, #tpu.memory_space<vmem_shared>> -> memref<80x128xf32, #tpu.memory_space<vmem_shared>>
        %dma_wait3A_294 = arith.constant 0 : i32
        %dma_wait3A_295 = tpu.memref_slice %arg10[%add3A_248, %dma_wait3A_294] : memref<10000x128xf32, #tpu.memory_space<vmem_shared>> -> memref<80x128xf32, #tpu.memory_space<vmem_shared>>
        %dma_wait3A_296 = arith.constant 0 : i32
        %dma_wait3A_297 = arith.constant 0 : i32
        %dma_wait3A_298 = tpu.memref_slice %arg9[%run_scoped3A, %dma_wait3A_296, %dma_wait3A_297] : memref<4x80x128xf32, #tpu.memory_space<vmem>> -> memref<1x80x128xf32, #tpu.memory_space<vmem>>
        %dma_wait3A_299 = tpu.memref_squeeze %dma_wait3A_298 : memref<1x80x128xf32, #tpu.memory_space<vmem>> -> memref<80x128xf32, #tpu.memory_space<vmem>>
        tpu.wait_dma2 semaphore(%run_scoped3A_277 : memref<!tpu.dma_semaphore, #tpu.memory_space<semaphore_mem>>) src(%dma_wait3A_299 : memref<80x128xf32, #tpu.memory_space<vmem>>) dst(%dma_wait3A_295 : memref<80x128xf32, #tpu.memory_space<vmem_shared>>)
        tpu.yield
      }) : () -> ()
      %add3A_249 = arith.constant 80 : i32
      %add3A_250 = arith.addi %mul3A_2, %add3A_249 : i32
      %run_scoped3A_251 = arith.constant 0 : i32
      "tpu.region"() ({
        %run_scoped3A_277 = tpu.sem_alloc : memref<!tpu.dma_semaphore, #tpu.memory_space<semaphore_mem>>
        %dma_start3A = arith.constant 0 : i32
        %dma_start3A_278 = arith.constant 0 : i32
        %dma_start3A_279 = tpu.memref_slice %arg9[%run_scoped3A_251, %dma_start3A, %dma_start3A_278] : memref<4x80x128xf32, #tpu.memory_space<vmem>> -> memref<1x80x128xf32, #tpu.memory_space<vmem>>
        %dma_start3A_280 = tpu.memref_squeeze %dma_start3A_279 : memref<1x80x128xf32, #tpu.memory_space<vmem>> -> memref<80x128xf32, #tpu.memory_space<vmem>>
        %dma_start3A_281 = arith.constant 0 : i32
        %dma_start3A_282 = tpu.memref_slice %arg10[%add3A_250, %dma_start3A_281] : memref<10000x128xf32, #tpu.memory_space<vmem_shared>> -> memref<80x128xf32, #tpu.memory_space<vmem_shared>>
        %dma_start3A_283 = arith.constant 0 : i32
        %dma_start3A_284 = tpu.memref_slice %arg10[%add3A_250, %dma_start3A_283] : memref<10000x128xf32, #tpu.memory_space<vmem_shared>> -> memref<80x128xf32, #tpu.memory_space<vmem_shared>>
        %dma_start3A_285 = arith.constant 0 : i32
        %dma_start3A_286 = arith.constant 0 : i32
        %dma_start3A_287 = tpu.memref_slice %arg9[%run_scoped3A_251, %dma_start3A_285, %dma_start3A_286] : memref<4x80x128xf32, #tpu.memory_space<vmem>> -> memref<1x80x128xf32, #tpu.memory_space<vmem>>
        %dma_start3A_288 = tpu.memref_squeeze %dma_start3A_287 : memref<1x80x128xf32, #tpu.memory_space<vmem>> -> memref<80x128xf32, #tpu.memory_space<vmem>>
        tpu.enqueue_dma source(%dma_start3A_288 : memref<80x128xf32, #tpu.memory_space<vmem>>) target(%dma_start3A_284 : memref<80x128xf32, #tpu.memory_space<vmem_shared>>) target_semaphore(%run_scoped3A_277 : memref<!tpu.dma_semaphore, #tpu.memory_space<semaphore_mem>>)
        %dma_wait3A = arith.constant 0 : i32
        %dma_wait3A_289 = arith.constant 0 : i32
        %dma_wait3A_290 = tpu.memref_slice %arg9[%run_scoped3A_251, %dma_wait3A, %dma_wait3A_289] : memref<4x80x128xf32, #tpu.memory_space<vmem>> -> memref<1x80x128xf32, #tpu.memory_space<vmem>>
        %dma_wait3A_291 = tpu.memref_squeeze %dma_wait3A_290 : memref<1x80x128xf32, #tpu.memory_space<vmem>> -> memref<80x128xf32, #tpu.memory_space<vmem>>
        %dma_wait3A_292 = arith.constant 0 : i32
        %dma_wait3A_293 = tpu.memref_slice %arg10[%add3A_250, %dma_wait3A_292] : memref<10000x128xf32, #tpu.memory_space<vmem_shared>> -> memref<80x128xf32, #tpu.memory_space<vmem_shared>>
        %dma_wait3A_294 = arith.constant 0 : i32
        %dma_wait3A_295 = tpu.memref_slice %arg10[%add3A_250, %dma_wait3A_294] : memref<10000x128xf32, #tpu.memory_space<vmem_shared>> -> memref<80x128xf32, #tpu.memory_space<vmem_shared>>
        %dma_wait3A_296 = arith.constant 0 : i32
        %dma_wait3A_297 = arith.constant 0 : i32
        %dma_wait3A_298 = tpu.memref_slice %arg9[%run_scoped3A_251, %dma_wait3A_296, %dma_wait3A_297] : memref<4x80x128xf32, #tpu.memory_space<vmem>> -> memref<1x80x128xf32, #tpu.memory_space<vmem>>
        %dma_wait3A_299 = tpu.memref_squeeze %dma_wait3A_298 : memref<1x80x128xf32, #tpu.memory_space<vmem>> -> memref<80x128xf32, #tpu.memory_space<vmem>>
        tpu.wait_dma2 semaphore(%run_scoped3A_277 : memref<!tpu.dma_semaphore, #tpu.memory_space<semaphore_mem>>) src(%dma_wait3A_299 : memref<80x128xf32, #tpu.memory_space<vmem>>) dst(%dma_wait3A_295 : memref<80x128xf32, #tpu.memory_space<vmem_shared>>)
        tpu.yield
      }) : () -> ()
      %add3A_252 = arith.constant 160 : i32
      %add3A_253 = arith.addi %mul3A_2, %add3A_252 : i32
      %run_scoped3A_254 = arith.constant 0 : i32
      "tpu.region"() ({
        %run_scoped3A_277 = tpu.sem_alloc : memref<!tpu.dma_semaphore, #tpu.memory_space<semaphore_mem>>
        %dma_start3A = arith.constant 0 : i32
        %dma_start3A_278 = arith.constant 0 : i32
        %dma_start3A_279 = tpu.memref_slice %arg9[%run_scoped3A_254, %dma_start3A, %dma_start3A_278] : memref<4x80x128xf32, #tpu.memory_space<vmem>> -> memref<1x80x128xf32, #tpu.memory_space<vmem>>
        %dma_start3A_280 = tpu.memref_squeeze %dma_start3A_279 : memref<1x80x128xf32, #tpu.memory_space<vmem>> -> memref<80x128xf32, #tpu.memory_space<vmem>>
        %dma_start3A_281 = arith.constant 0 : i32
        %dma_start3A_282 = tpu.memref_slice %arg10[%add3A_253, %dma_start3A_281] : memref<10000x128xf32, #tpu.memory_space<vmem_shared>> -> memref<80x128xf32, #tpu.memory_space<vmem_shared>>
        %dma_start3A_283 = arith.constant 0 : i32
        %dma_start3A_284 = tpu.memref_slice %arg10[%add3A_253, %dma_start3A_283] : memref<10000x128xf32, #tpu.memory_space<vmem_shared>> -> memref<80x128xf32, #tpu.memory_space<vmem_shared>>
        %dma_start3A_285 = arith.constant 0 : i32
        %dma_start3A_286 = arith.constant 0 : i32
        %dma_start3A_287 = tpu.memref_slice %arg9[%run_scoped3A_254, %dma_start3A_285, %dma_start3A_286] : memref<4x80x128xf32, #tpu.memory_space<vmem>> -> memref<1x80x128xf32, #tpu.memory_space<vmem>>
        %dma_start3A_288 = tpu.memref_squeeze %dma_start3A_287 : memref<1x80x128xf32, #tpu.memory_space<vmem>> -> memref<80x128xf32, #tpu.memory_space<vmem>>
        tpu.enqueue_dma source(%dma_start3A_288 : memref<80x128xf32, #tpu.memory_space<vmem>>) target(%dma_start3A_284 : memref<80x128xf32, #tpu.memory_space<vmem_shared>>) target_semaphore(%run_scoped3A_277 : memref<!tpu.dma_semaphore, #tpu.memory_space<semaphore_mem>>)
        %dma_wait3A = arith.constant 0 : i32
        %dma_wait3A_289 = arith.constant 0 : i32
        %dma_wait3A_290 = tpu.memref_slice %arg9[%run_scoped3A_254, %dma_wait3A, %dma_wait3A_289] : memref<4x80x128xf32, #tpu.memory_space<vmem>> -> memref<1x80x128xf32, #tpu.memory_space<vmem>>
        %dma_wait3A_291 = tpu.memref_squeeze %dma_wait3A_290 : memref<1x80x128xf32, #tpu.memory_space<vmem>> -> memref<80x128xf32, #tpu.memory_space<vmem>>
        %dma_wait3A_292 = arith.constant 0 : i32
        %dma_wait3A_293 = tpu.memref_slice %arg10[%add3A_253, %dma_wait3A_292] : memref<10000x128xf32, #tpu.memory_space<vmem_shared>> -> memref<80x128xf32, #tpu.memory_space<vmem_shared>>
        %dma_wait3A_294 = arith.constant 0 : i32
        %dma_wait3A_295 = tpu.memref_slice %arg10[%add3A_253, %dma_wait3A_294] : memref<10000x128xf32, #tpu.memory_space<vmem_shared>> -> memref<80x128xf32, #tpu.memory_space<vmem_shared>>
        %dma_wait3A_296 = arith.constant 0 : i32
        %dma_wait3A_297 = arith.constant 0 : i32
        %dma_wait3A_298 = tpu.memref_slice %arg9[%run_scoped3A_254, %dma_wait3A_296, %dma_wait3A_297] : memref<4x80x128xf32, #tpu.memory_space<vmem>> -> memref<1x80x128xf32, #tpu.memory_space<vmem>>
        %dma_wait3A_299 = tpu.memref_squeeze %dma_wait3A_298 : memref<1x80x128xf32, #tpu.memory_space<vmem>> -> memref<80x128xf32, #tpu.memory_space<vmem>>
        tpu.wait_dma2 semaphore(%run_scoped3A_277 : memref<!tpu.dma_semaphore, #tpu.memory_space<semaphore_mem>>) src(%dma_wait3A_299 : memref<80x128xf32, #tpu.memory_space<vmem>>) dst(%dma_wait3A_295 : memref<80x128xf32, #tpu.memory_space<vmem_shared>>)
        tpu.yield
      }) : () -> ()
      %add3A_255 = arith.constant 240 : i32
      %add3A_256 = arith.addi %mul3A_2, %add3A_255 : i32
      %run_scoped3A_257 = arith.constant 0 : i32
      "tpu.region"() ({
        %run_scoped3A_277 = tpu.sem_alloc : memref<!tpu.dma_semaphore, #tpu.memory_space<semaphore_mem>>
        %dma_start3A = arith.constant 0 : i32
        %dma_start3A_278 = arith.constant 0 : i32
        %dma_start3A_279 = tpu.memref_slice %arg9[%run_scoped3A_257, %dma_start3A, %dma_start3A_278] : memref<4x80x128xf32, #tpu.memory_space<vmem>> -> memref<1x80x128xf32, #tpu.memory_space<vmem>>
        %dma_start3A_280 = tpu.memref_squeeze %dma_start3A_279 : memref<1x80x128xf32, #tpu.memory_space<vmem>> -> memref<80x128xf32, #tpu.memory_space<vmem>>
        %dma_start3A_281 = arith.constant 0 : i32
        %dma_start3A_282 = tpu.memref_slice %arg10[%add3A_256, %dma_start3A_281] : memref<10000x128xf32, #tpu.memory_space<vmem_shared>> -> memref<80x128xf32, #tpu.memory_space<vmem_shared>>
        %dma_start3A_283 = arith.constant 0 : i32
        %dma_start3A_284 = tpu.memref_slice %arg10[%add3A_256, %dma_start3A_283] : memref<10000x128xf32, #tpu.memory_space<vmem_shared>> -> memref<80x128xf32, #tpu.memory_space<vmem_shared>>
        %dma_start3A_285 = arith.constant 0 : i32
        %dma_start3A_286 = arith.constant 0 : i32
        %dma_start3A_287 = tpu.memref_slice %arg9[%run_scoped3A_257, %dma_start3A_285, %dma_start3A_286] : memref<4x80x128xf32, #tpu.memory_space<vmem>> -> memref<1x80x128xf32, #tpu.memory_space<vmem>>
        %dma_start3A_288 = tpu.memref_squeeze %dma_start3A_287 : memref<1x80x128xf32, #tpu.memory_space<vmem>> -> memref<80x128xf32, #tpu.memory_space<vmem>>
        tpu.enqueue_dma source(%dma_start3A_288 : memref<80x128xf32, #tpu.memory_space<vmem>>) target(%dma_start3A_284 : memref<80x128xf32, #tpu.memory_space<vmem_shared>>) target_semaphore(%run_scoped3A_277 : memref<!tpu.dma_semaphore, #tpu.memory_space<semaphore_mem>>)
        %dma_wait3A = arith.constant 0 : i32
        %dma_wait3A_289 = arith.constant 0 : i32
        %dma_wait3A_290 = tpu.memref_slice %arg9[%run_scoped3A_257, %dma_wait3A, %dma_wait3A_289] : memref<4x80x128xf32, #tpu.memory_space<vmem>> -> memref<1x80x128xf32, #tpu.memory_space<vmem>>
        %dma_wait3A_291 = tpu.memref_squeeze %dma_wait3A_290 : memref<1x80x128xf32, #tpu.memory_space<vmem>> -> memref<80x128xf32, #tpu.memory_space<vmem>>
        %dma_wait3A_292 = arith.constant 0 : i32
        %dma_wait3A_293 = tpu.memref_slice %arg10[%add3A_256, %dma_wait3A_292] : memref<10000x128xf32, #tpu.memory_space<vmem_shared>> -> memref<80x128xf32, #tpu.memory_space<vmem_shared>>
        %dma_wait3A_294 = arith.constant 0 : i32
        %dma_wait3A_295 = tpu.memref_slice %arg10[%add3A_256, %dma_wait3A_294] : memref<10000x128xf32, #tpu.memory_space<vmem_shared>> -> memref<80x128xf32, #tpu.memory_space<vmem_shared>>
        %dma_wait3A_296 = arith.constant 0 : i32
        %dma_wait3A_297 = arith.constant 0 : i32
        %dma_wait3A_298 = tpu.memref_slice %arg9[%run_scoped3A_257, %dma_wait3A_296, %dma_wait3A_297] : memref<4x80x128xf32, #tpu.memory_space<vmem>> -> memref<1x80x128xf32, #tpu.memory_space<vmem>>
        %dma_wait3A_299 = tpu.memref_squeeze %dma_wait3A_298 : memref<1x80x128xf32, #tpu.memory_space<vmem>> -> memref<80x128xf32, #tpu.memory_space<vmem>>
        tpu.wait_dma2 semaphore(%run_scoped3A_277 : memref<!tpu.dma_semaphore, #tpu.memory_space<semaphore_mem>>) src(%dma_wait3A_299 : memref<80x128xf32, #tpu.memory_space<vmem>>) dst(%dma_wait3A_295 : memref<80x128xf32, #tpu.memory_space<vmem_shared>>)
        tpu.yield
      }) : () -> ()
      %add3A_258 = arith.constant 320 : i32
      %add3A_259 = arith.addi %mul3A_2, %add3A_258 : i32
      %run_scoped3A_260 = arith.constant 0 : i32
      "tpu.region"() ({
        %run_scoped3A_277 = tpu.sem_alloc : memref<!tpu.dma_semaphore, #tpu.memory_space<semaphore_mem>>
        %dma_start3A = arith.constant 0 : i32
        %dma_start3A_278 = arith.constant 0 : i32
        %dma_start3A_279 = tpu.memref_slice %arg9[%run_scoped3A_260, %dma_start3A, %dma_start3A_278] : memref<4x80x128xf32, #tpu.memory_space<vmem>> -> memref<1x80x128xf32, #tpu.memory_space<vmem>>
        %dma_start3A_280 = tpu.memref_squeeze %dma_start3A_279 : memref<1x80x128xf32, #tpu.memory_space<vmem>> -> memref<80x128xf32, #tpu.memory_space<vmem>>
        %dma_start3A_281 = arith.constant 0 : i32
        %dma_start3A_282 = tpu.memref_slice %arg10[%add3A_259, %dma_start3A_281] : memref<10000x128xf32, #tpu.memory_space<vmem_shared>> -> memref<80x128xf32, #tpu.memory_space<vmem_shared>>
        %dma_start3A_283 = arith.constant 0 : i32
        %dma_start3A_284 = tpu.memref_slice %arg10[%add3A_259, %dma_start3A_283] : memref<10000x128xf32, #tpu.memory_space<vmem_shared>> -> memref<80x128xf32, #tpu.memory_space<vmem_shared>>
        %dma_start3A_285 = arith.constant 0 : i32
        %dma_start3A_286 = arith.constant 0 : i32
        %dma_start3A_287 = tpu.memref_slice %arg9[%run_scoped3A_260, %dma_start3A_285, %dma_start3A_286] : memref<4x80x128xf32, #tpu.memory_space<vmem>> -> memref<1x80x128xf32, #tpu.memory_space<vmem>>
        %dma_start3A_288 = tpu.memref_squeeze %dma_start3A_287 : memref<1x80x128xf32, #tpu.memory_space<vmem>> -> memref<80x128xf32, #tpu.memory_space<vmem>>
        tpu.enqueue_dma source(%dma_start3A_288 : memref<80x128xf32, #tpu.memory_space<vmem>>) target(%dma_start3A_284 : memref<80x128xf32, #tpu.memory_space<vmem_shared>>) target_semaphore(%run_scoped3A_277 : memref<!tpu.dma_semaphore, #tpu.memory_space<semaphore_mem>>)
        %dma_wait3A = arith.constant 0 : i32
        %dma_wait3A_289 = arith.constant 0 : i32
        %dma_wait3A_290 = tpu.memref_slice %arg9[%run_scoped3A_260, %dma_wait3A, %dma_wait3A_289] : memref<4x80x128xf32, #tpu.memory_space<vmem>> -> memref<1x80x128xf32, #tpu.memory_space<vmem>>
        %dma_wait3A_291 = tpu.memref_squeeze %dma_wait3A_290 : memref<1x80x128xf32, #tpu.memory_space<vmem>> -> memref<80x128xf32, #tpu.memory_space<vmem>>
        %dma_wait3A_292 = arith.constant 0 : i32
        %dma_wait3A_293 = tpu.memref_slice %arg10[%add3A_259, %dma_wait3A_292] : memref<10000x128xf32, #tpu.memory_space<vmem_shared>> -> memref<80x128xf32, #tpu.memory_space<vmem_shared>>
        %dma_wait3A_294 = arith.constant 0 : i32
        %dma_wait3A_295 = tpu.memref_slice %arg10[%add3A_259, %dma_wait3A_294] : memref<10000x128xf32, #tpu.memory_space<vmem_shared>> -> memref<80x128xf32, #tpu.memory_space<vmem_shared>>
        %dma_wait3A_296 = arith.constant 0 : i32
        %dma_wait3A_297 = arith.constant 0 : i32
        %dma_wait3A_298 = tpu.memref_slice %arg9[%run_scoped3A_260, %dma_wait3A_296, %dma_wait3A_297] : memref<4x80x128xf32, #tpu.memory_space<vmem>> -> memref<1x80x128xf32, #tpu.memory_space<vmem>>
        %dma_wait3A_299 = tpu.memref_squeeze %dma_wait3A_298 : memref<1x80x128xf32, #tpu.memory_space<vmem>> -> memref<80x128xf32, #tpu.memory_space<vmem>>
        tpu.wait_dma2 semaphore(%run_scoped3A_277 : memref<!tpu.dma_semaphore, #tpu.memory_space<semaphore_mem>>) src(%dma_wait3A_299 : memref<80x128xf32, #tpu.memory_space<vmem>>) dst(%dma_wait3A_295 : memref<80x128xf32, #tpu.memory_space<vmem_shared>>)
        tpu.yield
      }) : () -> ()
      %add3A_261 = arith.constant 400 : i32
      %add3A_262 = arith.addi %mul3A_2, %add3A_261 : i32
      %run_scoped3A_263 = arith.constant 0 : i32
      "tpu.region"() ({
        %run_scoped3A_277 = tpu.sem_alloc : memref<!tpu.dma_semaphore, #tpu.memory_space<semaphore_mem>>
        %dma_start3A = arith.constant 0 : i32
        %dma_start3A_278 = arith.constant 0 : i32
        %dma_start3A_279 = tpu.memref_slice %arg9[%run_scoped3A_263, %dma_start3A, %dma_start3A_278] : memref<4x80x128xf32, #tpu.memory_space<vmem>> -> memref<1x80x128xf32, #tpu.memory_space<vmem>>
        %dma_start3A_280 = tpu.memref_squeeze %dma_start3A_279 : memref<1x80x128xf32, #tpu.memory_space<vmem>> -> memref<80x128xf32, #tpu.memory_space<vmem>>
        %dma_start3A_281 = arith.constant 0 : i32
        %dma_start3A_282 = tpu.memref_slice %arg10[%add3A_262, %dma_start3A_281] : memref<10000x128xf32, #tpu.memory_space<vmem_shared>> -> memref<80x128xf32, #tpu.memory_space<vmem_shared>>
        %dma_start3A_283 = arith.constant 0 : i32
        %dma_start3A_284 = tpu.memref_slice %arg10[%add3A_262, %dma_start3A_283] : memref<10000x128xf32, #tpu.memory_space<vmem_shared>> -> memref<80x128xf32, #tpu.memory_space<vmem_shared>>
        %dma_start3A_285 = arith.constant 0 : i32
        %dma_start3A_286 = arith.constant 0 : i32
        %dma_start3A_287 = tpu.memref_slice %arg9[%run_scoped3A_263, %dma_start3A_285, %dma_start3A_286] : memref<4x80x128xf32, #tpu.memory_space<vmem>> -> memref<1x80x128xf32, #tpu.memory_space<vmem>>
        %dma_start3A_288 = tpu.memref_squeeze %dma_start3A_287 : memref<1x80x128xf32, #tpu.memory_space<vmem>> -> memref<80x128xf32, #tpu.memory_space<vmem>>
        tpu.enqueue_dma source(%dma_start3A_288 : memref<80x128xf32, #tpu.memory_space<vmem>>) target(%dma_start3A_284 : memref<80x128xf32, #tpu.memory_space<vmem_shared>>) target_semaphore(%run_scoped3A_277 : memref<!tpu.dma_semaphore, #tpu.memory_space<semaphore_mem>>)
        %dma_wait3A = arith.constant 0 : i32
        %dma_wait3A_289 = arith.constant 0 : i32
        %dma_wait3A_290 = tpu.memref_slice %arg9[%run_scoped3A_263, %dma_wait3A, %dma_wait3A_289] : memref<4x80x128xf32, #tpu.memory_space<vmem>> -> memref<1x80x128xf32, #tpu.memory_space<vmem>>
        %dma_wait3A_291 = tpu.memref_squeeze %dma_wait3A_290 : memref<1x80x128xf32, #tpu.memory_space<vmem>> -> memref<80x128xf32, #tpu.memory_space<vmem>>
        %dma_wait3A_292 = arith.constant 0 : i32
        %dma_wait3A_293 = tpu.memref_slice %arg10[%add3A_262, %dma_wait3A_292] : memref<10000x128xf32, #tpu.memory_space<vmem_shared>> -> memref<80x128xf32, #tpu.memory_space<vmem_shared>>
        %dma_wait3A_294 = arith.constant 0 : i32
        %dma_wait3A_295 = tpu.memref_slice %arg10[%add3A_262, %dma_wait3A_294] : memref<10000x128xf32, #tpu.memory_space<vmem_shared>> -> memref<80x128xf32, #tpu.memory_space<vmem_shared>>
        %dma_wait3A_296 = arith.constant 0 : i32
        %dma_wait3A_297 = arith.constant 0 : i32
        %dma_wait3A_298 = tpu.memref_slice %arg9[%run_scoped3A_263, %dma_wait3A_296, %dma_wait3A_297] : memref<4x80x128xf32, #tpu.memory_space<vmem>> -> memref<1x80x128xf32, #tpu.memory_space<vmem>>
        %dma_wait3A_299 = tpu.memref_squeeze %dma_wait3A_298 : memref<1x80x128xf32, #tpu.memory_space<vmem>> -> memref<80x128xf32, #tpu.memory_space<vmem>>
        tpu.wait_dma2 semaphore(%run_scoped3A_277 : memref<!tpu.dma_semaphore, #tpu.memory_space<semaphore_mem>>) src(%dma_wait3A_299 : memref<80x128xf32, #tpu.memory_space<vmem>>) dst(%dma_wait3A_295 : memref<80x128xf32, #tpu.memory_space<vmem_shared>>)
        tpu.yield
      }) : () -> ()
      %add3A_264 = arith.constant 480 : i32
      %add3A_265 = arith.addi %mul3A_2, %add3A_264 : i32
      %run_scoped3A_266 = arith.constant 0 : i32
      "tpu.region"() ({
        %run_scoped3A_277 = tpu.sem_alloc : memref<!tpu.dma_semaphore, #tpu.memory_space<semaphore_mem>>
        %dma_start3A = arith.constant 0 : i32
        %dma_start3A_278 = arith.constant 0 : i32
        %dma_start3A_279 = tpu.memref_slice %arg9[%run_scoped3A_266, %dma_start3A, %dma_start3A_278] : memref<4x80x128xf32, #tpu.memory_space<vmem>> -> memref<1x80x128xf32, #tpu.memory_space<vmem>>
        %dma_start3A_280 = tpu.memref_squeeze %dma_start3A_279 : memref<1x80x128xf32, #tpu.memory_space<vmem>> -> memref<80x128xf32, #tpu.memory_space<vmem>>
        %dma_start3A_281 = arith.constant 0 : i32
        %dma_start3A_282 = tpu.memref_slice %arg10[%add3A_265, %dma_start3A_281] : memref<10000x128xf32, #tpu.memory_space<vmem_shared>> -> memref<80x128xf32, #tpu.memory_space<vmem_shared>>
        %dma_start3A_283 = arith.constant 0 : i32
        %dma_start3A_284 = tpu.memref_slice %arg10[%add3A_265, %dma_start3A_283] : memref<10000x128xf32, #tpu.memory_space<vmem_shared>> -> memref<80x128xf32, #tpu.memory_space<vmem_shared>>
        %dma_start3A_285 = arith.constant 0 : i32
        %dma_start3A_286 = arith.constant 0 : i32
        %dma_start3A_287 = tpu.memref_slice %arg9[%run_scoped3A_266, %dma_start3A_285, %dma_start3A_286] : memref<4x80x128xf32, #tpu.memory_space<vmem>> -> memref<1x80x128xf32, #tpu.memory_space<vmem>>
        %dma_start3A_288 = tpu.memref_squeeze %dma_start3A_287 : memref<1x80x128xf32, #tpu.memory_space<vmem>> -> memref<80x128xf32, #tpu.memory_space<vmem>>
        tpu.enqueue_dma source(%dma_start3A_288 : memref<80x128xf32, #tpu.memory_space<vmem>>) target(%dma_start3A_284 : memref<80x128xf32, #tpu.memory_space<vmem_shared>>) target_semaphore(%run_scoped3A_277 : memref<!tpu.dma_semaphore, #tpu.memory_space<semaphore_mem>>)
        %dma_wait3A = arith.constant 0 : i32
        %dma_wait3A_289 = arith.constant 0 : i32
        %dma_wait3A_290 = tpu.memref_slice %arg9[%run_scoped3A_266, %dma_wait3A, %dma_wait3A_289] : memref<4x80x128xf32, #tpu.memory_space<vmem>> -> memref<1x80x128xf32, #tpu.memory_space<vmem>>
        %dma_wait3A_291 = tpu.memref_squeeze %dma_wait3A_290 : memref<1x80x128xf32, #tpu.memory_space<vmem>> -> memref<80x128xf32, #tpu.memory_space<vmem>>
        %dma_wait3A_292 = arith.constant 0 : i32
        %dma_wait3A_293 = tpu.memref_slice %arg10[%add3A_265, %dma_wait3A_292] : memref<10000x128xf32, #tpu.memory_space<vmem_shared>> -> memref<80x128xf32, #tpu.memory_space<vmem_shared>>
        %dma_wait3A_294 = arith.constant 0 : i32
        %dma_wait3A_295 = tpu.memref_slice %arg10[%add3A_265, %dma_wait3A_294] : memref<10000x128xf32, #tpu.memory_space<vmem_shared>> -> memref<80x128xf32, #tpu.memory_space<vmem_shared>>
        %dma_wait3A_296 = arith.constant 0 : i32
        %dma_wait3A_297 = arith.constant 0 : i32
        %dma_wait3A_298 = tpu.memref_slice %arg9[%run_scoped3A_266, %dma_wait3A_296, %dma_wait3A_297] : memref<4x80x128xf32, #tpu.memory_space<vmem>> -> memref<1x80x128xf32, #tpu.memory_space<vmem>>
        %dma_wait3A_299 = tpu.memref_squeeze %dma_wait3A_298 : memref<1x80x128xf32, #tpu.memory_space<vmem>> -> memref<80x128xf32, #tpu.memory_space<vmem>>
        tpu.wait_dma2 semaphore(%run_scoped3A_277 : memref<!tpu.dma_semaphore, #tpu.memory_space<semaphore_mem>>) src(%dma_wait3A_299 : memref<80x128xf32, #tpu.memory_space<vmem>>) dst(%dma_wait3A_295 : memref<80x128xf32, #tpu.memory_space<vmem_shared>>)
        tpu.yield
      }) : () -> ()
      %add3A_267 = arith.constant 624 : i32
      %add3A_268 = arith.addi %mul3A_2, %add3A_267 : i32
      %sub3A_269 = arith.constant 64 : i32
      %sub3A_270 = arith.subi %add3A_268, %sub3A_269 : i32
      %run_scoped3A_271 = arith.constant 0 : i32
      "tpu.region"() ({
        %run_scoped3A_277 = tpu.sem_alloc : memref<!tpu.dma_semaphore, #tpu.memory_space<semaphore_mem>>
        %dma_start3A = arith.constant 0 : i32
        %dma_start3A_278 = arith.constant 0 : i32
        %dma_start3A_279 = tpu.memref_slice %arg9[%run_scoped3A_271, %dma_start3A, %dma_start3A_278] : memref<4x80x128xf32, #tpu.memory_space<vmem>> -> memref<1x64x128xf32, #tpu.memory_space<vmem>>
        %dma_start3A_280 = tpu.memref_squeeze %dma_start3A_279 : memref<1x64x128xf32, #tpu.memory_space<vmem>> -> memref<64x128xf32, #tpu.memory_space<vmem>>
        %dma_start3A_281 = arith.constant 0 : i32
        %dma_start3A_282 = tpu.memref_slice %arg10[%sub3A_270, %dma_start3A_281] : memref<10000x128xf32, #tpu.memory_space<vmem_shared>> -> memref<64x128xf32, #tpu.memory_space<vmem_shared>>
        %dma_start3A_283 = arith.constant 0 : i32
        %dma_start3A_284 = tpu.memref_slice %arg10[%sub3A_270, %dma_start3A_283] : memref<10000x128xf32, #tpu.memory_space<vmem_shared>> -> memref<64x128xf32, #tpu.memory_space<vmem_shared>>
        %dma_start3A_285 = arith.constant 0 : i32
        %dma_start3A_286 = arith.constant 0 : i32
        %dma_start3A_287 = tpu.memref_slice %arg9[%run_scoped3A_271, %dma_start3A_285, %dma_start3A_286] : memref<4x80x128xf32, #tpu.memory_space<vmem>> -> memref<1x64x128xf32, #tpu.memory_space<vmem>>
        %dma_start3A_288 = tpu.memref_squeeze %dma_start3A_287 : memref<1x64x128xf32, #tpu.memory_space<vmem>> -> memref<64x128xf32, #tpu.memory_space<vmem>>
        tpu.enqueue_dma source(%dma_start3A_288 : memref<64x128xf32, #tpu.memory_space<vmem>>) target(%dma_start3A_284 : memref<64x128xf32, #tpu.memory_space<vmem_shared>>) target_semaphore(%run_scoped3A_277 : memref<!tpu.dma_semaphore, #tpu.memory_space<semaphore_mem>>)
        %dma_wait3A = arith.constant 0 : i32
        %dma_wait3A_289 = arith.constant 0 : i32
        %dma_wait3A_290 = tpu.memref_slice %arg9[%run_scoped3A_271, %dma_wait3A, %dma_wait3A_289] : memref<4x80x128xf32, #tpu.memory_space<vmem>> -> memref<1x64x128xf32, #tpu.memory_space<vmem>>
        %dma_wait3A_291 = tpu.memref_squeeze %dma_wait3A_290 : memref<1x64x128xf32, #tpu.memory_space<vmem>> -> memref<64x128xf32, #tpu.memory_space<vmem>>
        %dma_wait3A_292 = arith.constant 0 : i32
        %dma_wait3A_293 = tpu.memref_slice %arg10[%sub3A_270, %dma_wait3A_292] : memref<10000x128xf32, #tpu.memory_space<vmem_shared>> -> memref<64x128xf32, #tpu.memory_space<vmem_shared>>
        %dma_wait3A_294 = arith.constant 0 : i32
        %dma_wait3A_295 = tpu.memref_slice %arg10[%sub3A_270, %dma_wait3A_294] : memref<10000x128xf32, #tpu.memory_space<vmem_shared>> -> memref<64x128xf32, #tpu.memory_space<vmem_shared>>
        %dma_wait3A_296 = arith.constant 0 : i32
        %dma_wait3A_297 = arith.constant 0 : i32
        %dma_wait3A_298 = tpu.memref_slice %arg9[%run_scoped3A_271, %dma_wait3A_296, %dma_wait3A_297] : memref<4x80x128xf32, #tpu.memory_space<vmem>> -> memref<1x64x128xf32, #tpu.memory_space<vmem>>
        %dma_wait3A_299 = tpu.memref_squeeze %dma_wait3A_298 : memref<1x64x128xf32, #tpu.memory_space<vmem>> -> memref<64x128xf32, #tpu.memory_space<vmem>>
        tpu.wait_dma2 semaphore(%run_scoped3A_277 : memref<!tpu.dma_semaphore, #tpu.memory_space<semaphore_mem>>) src(%dma_wait3A_299 : memref<64x128xf32, #tpu.memory_space<vmem>>) dst(%dma_wait3A_295 : memref<64x128xf32, #tpu.memory_space<vmem_shared>>)
        tpu.yield
      }) : () -> ()
      %eq3A_272 = arith.constant 15 : i32
      %eq3A_273 = arith.cmpi eq, %arg1, %eq3A_272 : i32
      %convert_element_type3A_274 = arith.extui %eq3A_273 : i1 to i32
      %cond3A_275 = arith.constant 0 : i32
      %cond3A_276 = arith.cmpi ne, %convert_element_type3A_274, %cond3A_275 : i32
      scf.if %cond3A_276 {
        %run_scoped3A_277 = arith.constant 0 : i32
        "tpu.region"() ({
          %run_scoped3A_278 = tpu.sem_alloc : memref<!tpu.dma_semaphore, #tpu.memory_space<semaphore_mem>>
          %dma_start3A = arith.constant 0 : i32
          %dma_start3A_279 = arith.constant 0 : i32
          %dma_start3A_280 = tpu.memref_slice %arg9[%run_scoped3A_277, %dma_start3A, %dma_start3A_279] : memref<4x80x128xf32, #tpu.memory_space<vmem>> -> memref<1x16x128xf32, #tpu.memory_space<vmem>>
          %dma_start3A_281 = tpu.memref_squeeze %dma_start3A_280 : memref<1x16x128xf32, #tpu.memory_space<vmem>> -> memref<16x128xf32, #tpu.memory_space<vmem>>
          %dma_start3A_282 = arith.constant 9984 : i32
          %dma_start3A_283 = arith.constant 0 : i32
          %dma_start3A_284 = tpu.memref_slice %arg10[%dma_start3A_282, %dma_start3A_283] : memref<10000x128xf32, #tpu.memory_space<vmem_shared>> -> memref<16x128xf32, #tpu.memory_space<vmem_shared>>
          %dma_start3A_285 = arith.constant 9984 : i32
          %dma_start3A_286 = arith.constant 0 : i32
          %dma_start3A_287 = tpu.memref_slice %arg10[%dma_start3A_285, %dma_start3A_286] : memref<10000x128xf32, #tpu.memory_space<vmem_shared>> -> memref<16x128xf32, #tpu.memory_space<vmem_shared>>
          %dma_start3A_288 = arith.constant 0 : i32
          %dma_start3A_289 = arith.constant 0 : i32
          %dma_start3A_290 = tpu.memref_slice %arg9[%run_scoped3A_277, %dma_start3A_288, %dma_start3A_289] : memref<4x80x128xf32, #tpu.memory_space<vmem>> -> memref<1x16x128xf32, #tpu.memory_space<vmem>>
          %dma_start3A_291 = tpu.memref_squeeze %dma_start3A_290 : memref<1x16x128xf32, #tpu.memory_space<vmem>> -> memref<16x128xf32, #tpu.memory_space<vmem>>
          tpu.enqueue_dma source(%dma_start3A_291 : memref<16x128xf32, #tpu.memory_space<vmem>>) target(%dma_start3A_287 : memref<16x128xf32, #tpu.memory_space<vmem_shared>>) target_semaphore(%run_scoped3A_278 : memref<!tpu.dma_semaphore, #tpu.memory_space<semaphore_mem>>)
          %dma_wait3A = arith.constant 0 : i32
          %dma_wait3A_292 = arith.constant 0 : i32
          %dma_wait3A_293 = tpu.memref_slice %arg9[%run_scoped3A_277, %dma_wait3A, %dma_wait3A_292] : memref<4x80x128xf32, #tpu.memory_space<vmem>> -> memref<1x16x128xf32, #tpu.memory_space<vmem>>
          %dma_wait3A_294 = tpu.memref_squeeze %dma_wait3A_293 : memref<1x16x128xf32, #tpu.memory_space<vmem>> -> memref<16x128xf32, #tpu.memory_space<vmem>>
          %dma_wait3A_295 = arith.constant 9984 : i32
          %dma_wait3A_296 = arith.constant 0 : i32
          %dma_wait3A_297 = tpu.memref_slice %arg10[%dma_wait3A_295, %dma_wait3A_296] : memref<10000x128xf32, #tpu.memory_space<vmem_shared>> -> memref<16x128xf32, #tpu.memory_space<vmem_shared>>
          %dma_wait3A_298 = arith.constant 9984 : i32
          %dma_wait3A_299 = arith.constant 0 : i32
          %dma_wait3A_300 = tpu.memref_slice %arg10[%dma_wait3A_298, %dma_wait3A_299] : memref<10000x128xf32, #tpu.memory_space<vmem_shared>> -> memref<16x128xf32, #tpu.memory_space<vmem_shared>>
          %dma_wait3A_301 = arith.constant 0 : i32
          %dma_wait3A_302 = arith.constant 0 : i32
          %dma_wait3A_303 = tpu.memref_slice %arg9[%run_scoped3A_277, %dma_wait3A_301, %dma_wait3A_302] : memref<4x80x128xf32, #tpu.memory_space<vmem>> -> memref<1x16x128xf32, #tpu.memory_space<vmem>>
          %dma_wait3A_304 = tpu.memref_squeeze %dma_wait3A_303 : memref<1x16x128xf32, #tpu.memory_space<vmem>> -> memref<16x128xf32, #tpu.memory_space<vmem>>
          tpu.wait_dma2 semaphore(%run_scoped3A_278 : memref<!tpu.dma_semaphore, #tpu.memory_space<semaphore_mem>>) src(%dma_wait3A_304 : memref<16x128xf32, #tpu.memory_space<vmem>>) dst(%dma_wait3A_300 : memref<16x128xf32, #tpu.memory_space<vmem_shared>>)
          tpu.yield
        }) : () -> ()
      } else {
      }
    } else {
    }
    %barrier3A = arith.constant 0 : index
    tpu.barrier barrier_id(%barrier3A)
    %mul3A_10 = arith.constant 128 : i32
    %mul3A_11 = arith.muli %add3A, %mul3A_10 : i32
    %add3A_12 = arith.constant 0 : i32
    %add3A_13 = arith.addi %mul3A_11, %add3A_12 : i32
    %sub3A = arith.constant 4000 : i32
    %sub3A_14 = arith.subi %sub3A, %add3A_13 : i32
    %gt3A = arith.constant 0 : i32
    %gt3A_15 = arith.cmpi sgt, %sub3A_14, %gt3A : i32
    %convert_element_type3A_16 = arith.extui %gt3A_15 : i1 to i32
    %cond3A_17 = arith.constant 0 : i32
    %cond3A_18 = arith.cmpi ne, %convert_element_type3A_16, %cond3A_17 : i32
    scf.if %cond3A_18 {
      "tpu.region"() ({
        %run_scoped3A = tpu.sem_alloc : memref<!tpu.dma_semaphore, #tpu.memory_space<semaphore_mem>>
        %dma_start3A = arith.constant 0 : i32
        %dma_start3A_240 = tpu.memref_slice %arg3[%add3A_13, %dma_start3A] : memref<4000x80xi32, #tpu.memory_space<hbm>> -> memref<32x80xi32, #tpu.memory_space<hbm>>
        %dma_start3A_241 = arith.constant 0 : i32
        %dma_start3A_242 = tpu.memref_slice %arg3[%add3A_13, %dma_start3A_241] : memref<4000x80xi32, #tpu.memory_space<hbm>> -> memref<32x80xi32, #tpu.memory_space<hbm>>
        tpu.enqueue_dma source(%dma_start3A_242 : memref<32x80xi32, #tpu.memory_space<hbm>>) target(%arg7 : memref<32x80xi32, #tpu.memory_space<vmem>>) target_semaphore(%run_scoped3A : memref<!tpu.dma_semaphore, #tpu.memory_space<semaphore_mem>>)
        %dma_wait3A = arith.constant 0 : i32
        %dma_wait3A_243 = tpu.memref_slice %arg3[%add3A_13, %dma_wait3A] : memref<4000x80xi32, #tpu.memory_space<hbm>> -> memref<32x80xi32, #tpu.memory_space<hbm>>
        %dma_wait3A_244 = arith.constant 0 : i32
        %dma_wait3A_245 = tpu.memref_slice %arg3[%add3A_13, %dma_wait3A_244] : memref<4000x80xi32, #tpu.memory_space<hbm>> -> memref<32x80xi32, #tpu.memory_space<hbm>>
        tpu.wait_dma2 semaphore(%run_scoped3A : memref<!tpu.dma_semaphore, #tpu.memory_space<semaphore_mem>>) src(%dma_wait3A_245 : memref<32x80xi32, #tpu.memory_space<hbm>>) dst(%arg7 : memref<32x80xi32, #tpu.memory_space<vmem>>)
        tpu.yield
      }) : () -> ()
      "tpu.region"() ({
        %run_scoped3A = tpu.sem_alloc : memref<!tpu.dma_semaphore, #tpu.memory_space<semaphore_mem>>
        %dma_start3A = arith.constant 0 : i32
        %dma_start3A_240 = tpu.memref_slice %arg4[%add3A_13, %dma_start3A] : memref<4000x80xi32, #tpu.memory_space<hbm>> -> memref<32x80xi32, #tpu.memory_space<hbm>>
        %dma_start3A_241 = arith.constant 0 : i32
        %dma_start3A_242 = tpu.memref_slice %arg4[%add3A_13, %dma_start3A_241] : memref<4000x80xi32, #tpu.memory_space<hbm>> -> memref<32x80xi32, #tpu.memory_space<hbm>>
        tpu.enqueue_dma source(%dma_start3A_242 : memref<32x80xi32, #tpu.memory_space<hbm>>) target(%arg8 : memref<32x80xi32, #tpu.memory_space<vmem>>) target_semaphore(%run_scoped3A : memref<!tpu.dma_semaphore, #tpu.memory_space<semaphore_mem>>)
        %dma_wait3A = arith.constant 0 : i32
        %dma_wait3A_243 = tpu.memref_slice %arg4[%add3A_13, %dma_wait3A] : memref<4000x80xi32, #tpu.memory_space<hbm>> -> memref<32x80xi32, #tpu.memory_space<hbm>>
        %dma_wait3A_244 = arith.constant 0 : i32
        %dma_wait3A_245 = tpu.memref_slice %arg4[%add3A_13, %dma_wait3A_244] : memref<4000x80xi32, #tpu.memory_space<hbm>> -> memref<32x80xi32, #tpu.memory_space<hbm>>
        tpu.wait_dma2 semaphore(%run_scoped3A : memref<!tpu.dma_semaphore, #tpu.memory_space<semaphore_mem>>) src(%dma_wait3A_245 : memref<32x80xi32, #tpu.memory_space<hbm>>) dst(%arg8 : memref<32x80xi32, #tpu.memory_space<vmem>>)
        tpu.yield
      }) : () -> ()
    } else {
    }
    %gt3A_19 = arith.constant 0 : i32
    %gt3A_20 = arith.cmpi sgt, %sub3A_14, %gt3A_19 : i32
    %convert_element_type3A_21 = arith.extui %gt3A_20 : i1 to i32
    %cond3A_22 = arith.constant 0 : i32
    %cond3A_23 = arith.cmpi ne, %convert_element_type3A_21, %cond3A_22 : i32
    scf.if %cond3A_23 {
      %dma_start3A = arith.constant 0 : i32
      %dma_start3A_240 = arith.constant 0 : i32
      %dma_start3A_241 = arith.constant 0 : i32
      %dma_start3A_242 = arith.constant 0 : i32
      %dma_start3A_243 = tpu.memref_slice %arg9[%dma_start3A_240, %dma_start3A_241, %dma_start3A_242] : memref<4x80x128xf32, #tpu.memory_space<vmem>> -> memref<1x80x128xf32, #tpu.memory_space<vmem>>
      %dma_start3A_244 = tpu.memref_squeeze %dma_start3A_243 : memref<1x80x128xf32, #tpu.memory_space<vmem>> -> memref<80x128xf32, #tpu.memory_space<vmem>>
      %dma_start3A_245 = arith.constant 0 : i32
      %dma_start3A_246 = tpu.memref_slice %arg7[%dma_start3A, %dma_start3A_245] : memref<32x80xi32, #tpu.memory_space<vmem>> -> memref<1x80xi32, #tpu.memory_space<vmem>>
      %dma_start3A_247 = tpu.memref_squeeze %dma_start3A_246 : memref<1x80xi32, #tpu.memory_space<vmem>> -> memref<80xi32, #tpu.memory_space<vmem>>
      %dma_start3A_248 = arith.constant 0 : i32
      %dma_start3A_249 = arith.constant 0 : i32
      %dma_start3A_250 = tpu.memref_slice %arg2[%dma_start3A_248, %dma_start3A_249] : memref<10000x128xf32, #tpu.memory_space<hbm>> -> memref<10000x128xf32, #tpu.memory_space<hbm>>
      tpu.enqueue_indirect_dma source(%dma_start3A_250 : memref<10000x128xf32, #tpu.memory_space<hbm>>) target(%dma_start3A_244 : memref<80x128xf32, #tpu.memory_space<vmem>>) offsets(%dma_start3A_247 : memref<80xi32, #tpu.memory_space<vmem>>) semaphore(%arg11 : memref<!tpu.dma_semaphore, #tpu.memory_space<semaphore_mem>>)
    } else {
    }
    %gt3A_24 = arith.constant 1 : i32
    %gt3A_25 = arith.cmpi sgt, %sub3A_14, %gt3A_24 : i32
    %convert_element_type3A_26 = arith.extui %gt3A_25 : i1 to i32
    %cond3A_27 = arith.constant 0 : i32
    %cond3A_28 = arith.cmpi ne, %convert_element_type3A_26, %cond3A_27 : i32
    scf.if %cond3A_28 {
      %dma_start3A = arith.constant 1 : i32
      %dma_start3A_240 = arith.constant 1 : i32
      %dma_start3A_241 = arith.constant 0 : i32
      %dma_start3A_242 = arith.constant 0 : i32
      %dma_start3A_243 = tpu.memref_slice %arg9[%dma_start3A_240, %dma_start3A_241, %dma_start3A_242] : memref<4x80x128xf32, #tpu.memory_space<vmem>> -> memref<1x80x128xf32, #tpu.memory_space<vmem>>
      %dma_start3A_244 = tpu.memref_squeeze %dma_start3A_243 : memref<1x80x128xf32, #tpu.memory_space<vmem>> -> memref<80x128xf32, #tpu.memory_space<vmem>>
      %dma_start3A_245 = arith.constant 0 : i32
      %dma_start3A_246 = tpu.memref_slice %arg7[%dma_start3A, %dma_start3A_245] : memref<32x80xi32, #tpu.memory_space<vmem>> -> memref<1x80xi32, #tpu.memory_space<vmem>>
      %dma_start3A_247 = tpu.memref_squeeze %dma_start3A_246 : memref<1x80xi32, #tpu.memory_space<vmem>> -> memref<80xi32, #tpu.memory_space<vmem>>
      %dma_start3A_248 = arith.constant 0 : i32
      %dma_start3A_249 = arith.constant 0 : i32
      %dma_start3A_250 = tpu.memref_slice %arg2[%dma_start3A_248, %dma_start3A_249] : memref<10000x128xf32, #tpu.memory_space<hbm>> -> memref<10000x128xf32, #tpu.memory_space<hbm>>
      tpu.enqueue_indirect_dma source(%dma_start3A_250 : memref<10000x128xf32, #tpu.memory_space<hbm>>) target(%dma_start3A_244 : memref<80x128xf32, #tpu.memory_space<vmem>>) offsets(%dma_start3A_247 : memref<80xi32, #tpu.memory_space<vmem>>) semaphore(%arg12 : memref<!tpu.dma_semaphore, #tpu.memory_space<semaphore_mem>>)
    } else {
    }
    %gt3A_29 = arith.constant 2 : i32
    %gt3A_30 = arith.cmpi sgt, %sub3A_14, %gt3A_29 : i32
    %convert_element_type3A_31 = arith.extui %gt3A_30 : i1 to i32
    %cond3A_32 = arith.constant 0 : i32
    %cond3A_33 = arith.cmpi ne, %convert_element_type3A_31, %cond3A_32 : i32
    scf.if %cond3A_33 {
      %dma_start3A = arith.constant 2 : i32
      %dma_start3A_240 = arith.constant 2 : i32
      %dma_start3A_241 = arith.constant 0 : i32
      %dma_start3A_242 = arith.constant 0 : i32
      %dma_start3A_243 = tpu.memref_slice %arg9[%dma_start3A_240, %dma_start3A_241, %dma_start3A_242] : memref<4x80x128xf32, #tpu.memory_space<vmem>> -> memref<1x80x128xf32, #tpu.memory_space<vmem>>
      %dma_start3A_244 = tpu.memref_squeeze %dma_start3A_243 : memref<1x80x128xf32, #tpu.memory_space<vmem>> -> memref<80x128xf32, #tpu.memory_space<vmem>>
      %dma_start3A_245 = arith.constant 0 : i32
      %dma_start3A_246 = tpu.memref_slice %arg7[%dma_start3A, %dma_start3A_245] : memref<32x80xi32, #tpu.memory_space<vmem>> -> memref<1x80xi32, #tpu.memory_space<vmem>>
      %dma_start3A_247 = tpu.memref_squeeze %dma_start3A_246 : memref<1x80xi32, #tpu.memory_space<vmem>> -> memref<80xi32, #tpu.memory_space<vmem>>
      %dma_start3A_248 = arith.constant 0 : i32
      %dma_start3A_249 = arith.constant 0 : i32
      %dma_start3A_250 = tpu.memref_slice %arg2[%dma_start3A_248, %dma_start3A_249] : memref<10000x128xf32, #tpu.memory_space<hbm>> -> memref<10000x128xf32, #tpu.memory_space<hbm>>
      tpu.enqueue_indirect_dma source(%dma_start3A_250 : memref<10000x128xf32, #tpu.memory_space<hbm>>) target(%dma_start3A_244 : memref<80x128xf32, #tpu.memory_space<vmem>>) offsets(%dma_start3A_247 : memref<80xi32, #tpu.memory_space<vmem>>) semaphore(%arg13 : memref<!tpu.dma_semaphore, #tpu.memory_space<semaphore_mem>>)
    } else {
    }
    %gt3A_34 = arith.constant 3 : i32
    %gt3A_35 = arith.cmpi sgt, %sub3A_14, %gt3A_34 : i32
    %convert_element_type3A_36 = arith.extui %gt3A_35 : i1 to i32
    %cond3A_37 = arith.constant 0 : i32
    %cond3A_38 = arith.cmpi ne, %convert_element_type3A_36, %cond3A_37 : i32
    scf.if %cond3A_38 {
      %dma_start3A = arith.constant 3 : i32
      %dma_start3A_240 = arith.constant 3 : i32
      %dma_start3A_241 = arith.constant 0 : i32
      %dma_start3A_242 = arith.constant 0 : i32
      %dma_start3A_243 = tpu.memref_slice %arg9[%dma_start3A_240, %dma_start3A_241, %dma_start3A_242] : memref<4x80x128xf32, #tpu.memory_space<vmem>> -> memref<1x80x128xf32, #tpu.memory_space<vmem>>
      %dma_start3A_244 = tpu.memref_squeeze %dma_start3A_243 : memref<1x80x128xf32, #tpu.memory_space<vmem>> -> memref<80x128xf32, #tpu.memory_space<vmem>>
      %dma_start3A_245 = arith.constant 0 : i32
      %dma_start3A_246 = tpu.memref_slice %arg7[%dma_start3A, %dma_start3A_245] : memref<32x80xi32, #tpu.memory_space<vmem>> -> memref<1x80xi32, #tpu.memory_space<vmem>>
      %dma_start3A_247 = tpu.memref_squeeze %dma_start3A_246 : memref<1x80xi32, #tpu.memory_space<vmem>> -> memref<80xi32, #tpu.memory_space<vmem>>
      %dma_start3A_248 = arith.constant 0 : i32
      %dma_start3A_249 = arith.constant 0 : i32
      %dma_start3A_250 = tpu.memref_slice %arg2[%dma_start3A_248, %dma_start3A_249] : memref<10000x128xf32, #tpu.memory_space<hbm>> -> memref<10000x128xf32, #tpu.memory_space<hbm>>
      tpu.enqueue_indirect_dma source(%dma_start3A_250 : memref<10000x128xf32, #tpu.memory_space<hbm>>) target(%dma_start3A_244 : memref<80x128xf32, #tpu.memory_space<vmem>>) offsets(%dma_start3A_247 : memref<80xi32, #tpu.memory_space<vmem>>) semaphore(%arg14 : memref<!tpu.dma_semaphore, #tpu.memory_space<semaphore_mem>>)
    } else {
    }
    %scan3A = arith.constant 0 : i32
    %scan3A_39 = arith.constant 0 : i32
    %scan3A_40 = arith.constant 7 : i32
    %scan3A_41 = arith.addi %scan3A_39, %scan3A_40 : i32
    %scan3A_42 = arith.constant 1 : i32
    scf.for %scan3A_240 = %scan3A_39 to %scan3A_41 step %scan3A_42  : i32 {
      %mul3A_241 = arith.constant 4 : i32
      %mul3A_242 = arith.muli %mul3A_241, %scan3A_240 : i32
      %add3A_243 = arith.constant 0 : i32
      %add3A_244 = arith.addi %mul3A_242, %add3A_243 : i32
      %lt3A = arith.cmpi slt, %add3A_244, %sub3A_14 : i32
      %convert_element_type3A_245 = arith.extui %lt3A : i1 to i32
      %cond3A_246 = arith.constant 0 : i32
      %cond3A_247 = arith.cmpi ne, %convert_element_type3A_245, %cond3A_246 : i32
      scf.if %cond3A_247 {
        %dma_wait3A = arith.constant 0 : i32
        %dma_wait3A_272 = arith.constant 0 : i32
        %dma_wait3A_273 = arith.constant 0 : i32
        %dma_wait3A_274 = tpu.memref_slice %arg9[%dma_wait3A, %dma_wait3A_272, %dma_wait3A_273] : memref<4x80x128xf32, #tpu.memory_space<vmem>> -> memref<1x80x128xf32, #tpu.memory_space<vmem>>
        %dma_wait3A_275 = tpu.memref_squeeze %dma_wait3A_274 : memref<1x80x128xf32, #tpu.memory_space<vmem>> -> memref<80x128xf32, #tpu.memory_space<vmem>>
        %dma_wait3A_276 = arith.constant 0 : i32
        %dma_wait3A_277 = tpu.memref_slice %arg7[%add3A_244, %dma_wait3A_276] : memref<32x80xi32, #tpu.memory_space<vmem>> -> memref<1x80xi32, #tpu.memory_space<vmem>>
        %dma_wait3A_278 = tpu.memref_squeeze %dma_wait3A_277 : memref<1x80xi32, #tpu.memory_space<vmem>> -> memref<80xi32, #tpu.memory_space<vmem>>
        %dma_wait3A_279 = arith.constant 0 : i32
        %dma_wait3A_280 = arith.constant 0 : i32
        %dma_wait3A_281 = tpu.memref_slice %arg2[%dma_wait3A_279, %dma_wait3A_280] : memref<10000x128xf32, #tpu.memory_space<hbm>> -> memref<10000x128xf32, #tpu.memory_space<hbm>>
        tpu.wait_indirect_dma semaphore(%arg11 : memref<!tpu.dma_semaphore, #tpu.memory_space<semaphore_mem>>) src(%dma_wait3A_281 : memref<10000x128xf32, #tpu.memory_space<hbm>>) dst(%dma_wait3A_275 : memref<80x128xf32, #tpu.memory_space<vmem>>)
        %dma_start3A = arith.constant 0 : i32
        %dma_start3A_282 = arith.constant 0 : i32
        %dma_start3A_283 = arith.constant 0 : i32
        %dma_start3A_284 = tpu.memref_slice %arg9[%dma_start3A, %dma_start3A_282, %dma_start3A_283] : memref<4x80x128xf32, #tpu.memory_space<vmem>> -> memref<1x80x128xf32, #tpu.memory_space<vmem>>
        %dma_start3A_285 = tpu.memref_squeeze %dma_start3A_284 : memref<1x80x128xf32, #tpu.memory_space<vmem>> -> memref<80x128xf32, #tpu.memory_space<vmem>>
        %dma_start3A_286 = arith.constant 0 : i32
        %dma_start3A_287 = tpu.memref_slice %arg8[%add3A_244, %dma_start3A_286] : memref<32x80xi32, #tpu.memory_space<vmem>> -> memref<1x80xi32, #tpu.memory_space<vmem>>
        %dma_start3A_288 = tpu.memref_squeeze %dma_start3A_287 : memref<1x80xi32, #tpu.memory_space<vmem>> -> memref<80xi32, #tpu.memory_space<vmem>>
        %dma_start3A_289 = arith.constant 0 : i32
        %dma_start3A_290 = arith.constant 0 : i32
        %dma_start3A_291 = tpu.memref_slice %arg10[%dma_start3A_289, %dma_start3A_290] : memref<10000x128xf32, #tpu.memory_space<vmem_shared>> -> memref<10000x128xf32, #tpu.memory_space<vmem_shared>>
        tpu.enqueue_indirect_dma source(%dma_start3A_285 : memref<80x128xf32, #tpu.memory_space<vmem>>) target(%dma_start3A_291 : memref<10000x128xf32, #tpu.memory_space<vmem_shared>>) offsets(%dma_start3A_288 : memref<80xi32, #tpu.memory_space<vmem>>) semaphore(%arg11 : memref<!tpu.dma_semaphore, #tpu.memory_space<semaphore_mem>>) {add = true}
        %dma_wait3A_292 = arith.constant 0 : i32
        %dma_wait3A_293 = arith.constant 0 : i32
        %dma_wait3A_294 = arith.constant 0 : i32
        %dma_wait3A_295 = tpu.memref_slice %arg9[%dma_wait3A_292, %dma_wait3A_293, %dma_wait3A_294] : memref<4x80x128xf32, #tpu.memory_space<vmem>> -> memref<1x80x128xf32, #tpu.memory_space<vmem>>
        %dma_wait3A_296 = tpu.memref_squeeze %dma_wait3A_295 : memref<1x80x128xf32, #tpu.memory_space<vmem>> -> memref<80x128xf32, #tpu.memory_space<vmem>>
        %dma_wait3A_297 = arith.constant 0 : i32
        %dma_wait3A_298 = tpu.memref_slice %arg8[%add3A_244, %dma_wait3A_297] : memref<32x80xi32, #tpu.memory_space<vmem>> -> memref<1x80xi32, #tpu.memory_space<vmem>>
        %dma_wait3A_299 = tpu.memref_squeeze %dma_wait3A_298 : memref<1x80xi32, #tpu.memory_space<vmem>> -> memref<80xi32, #tpu.memory_space<vmem>>
        %dma_wait3A_300 = arith.constant 0 : i32
        %dma_wait3A_301 = arith.constant 0 : i32
        %dma_wait3A_302 = tpu.memref_slice %arg10[%dma_wait3A_300, %dma_wait3A_301] : memref<10000x128xf32, #tpu.memory_space<vmem_shared>> -> memref<10000x128xf32, #tpu.memory_space<vmem_shared>>
        tpu.wait_indirect_dma semaphore(%arg11 : memref<!tpu.dma_semaphore, #tpu.memory_space<semaphore_mem>>) src(%dma_wait3A_296 : memref<80x128xf32, #tpu.memory_space<vmem>>) dst(%dma_wait3A_302 : memref<10000x128xf32, #tpu.memory_space<vmem_shared>>)
        %add3A_303 = arith.constant 4 : i32
        %add3A_304 = arith.addi %add3A_244, %add3A_303 : i32
        %lt3A_305 = arith.cmpi slt, %add3A_304, %sub3A_14 : i32
        %convert_element_type3A_306 = arith.extui %lt3A_305 : i1 to i32
        %cond3A_307 = arith.constant 0 : i32
        %cond3A_308 = arith.cmpi ne, %convert_element_type3A_306, %cond3A_307 : i32
        scf.if %cond3A_308 {
          %add3A_309 = arith.constant 4 : i32
          %add3A_310 = arith.addi %add3A_244, %add3A_309 : i32
          %dma_start3A_311 = arith.constant 0 : i32
          %dma_start3A_312 = arith.constant 0 : i32
          %dma_start3A_313 = arith.constant 0 : i32
          %dma_start3A_314 = tpu.memref_slice %arg9[%dma_start3A_311, %dma_start3A_312, %dma_start3A_313] : memref<4x80x128xf32, #tpu.memory_space<vmem>> -> memref<1x80x128xf32, #tpu.memory_space<vmem>>
          %dma_start3A_315 = tpu.memref_squeeze %dma_start3A_314 : memref<1x80x128xf32, #tpu.memory_space<vmem>> -> memref<80x128xf32, #tpu.memory_space<vmem>>
          %dma_start3A_316 = arith.constant 0 : i32
          %dma_start3A_317 = tpu.memref_slice %arg7[%add3A_310, %dma_start3A_316] : memref<32x80xi32, #tpu.memory_space<vmem>> -> memref<1x80xi32, #tpu.memory_space<vmem>>
          %dma_start3A_318 = tpu.memref_squeeze %dma_start3A_317 : memref<1x80xi32, #tpu.memory_space<vmem>> -> memref<80xi32, #tpu.memory_space<vmem>>
          %dma_start3A_319 = arith.constant 0 : i32
          %dma_start3A_320 = arith.constant 0 : i32
          %dma_start3A_321 = tpu.memref_slice %arg2[%dma_start3A_319, %dma_start3A_320] : memref<10000x128xf32, #tpu.memory_space<hbm>> -> memref<10000x128xf32, #tpu.memory_space<hbm>>
          tpu.enqueue_indirect_dma source(%dma_start3A_321 : memref<10000x128xf32, #tpu.memory_space<hbm>>) target(%dma_start3A_315 : memref<80x128xf32, #tpu.memory_space<vmem>>) offsets(%dma_start3A_318 : memref<80xi32, #tpu.memory_space<vmem>>) semaphore(%arg11 : memref<!tpu.dma_semaphore, #tpu.memory_space<semaphore_mem>>)
        } else {
        }
      } else {
      }
      %mul3A_248 = arith.constant 4 : i32
      %mul3A_249 = arith.muli %mul3A_248, %scan3A_240 : i32
      %add3A_250 = arith.constant 1 : i32
      %add3A_251 = arith.addi %mul3A_249, %add3A_250 : i32
      %lt3A_252 = arith.cmpi slt, %add3A_251, %sub3A_14 : i32
      %convert_element_type3A_253 = arith.extui %lt3A_252 : i1 to i32
      %cond3A_254 = arith.constant 0 : i32
      %cond3A_255 = arith.cmpi ne, %convert_element_type3A_253, %cond3A_254 : i32
      scf.if %cond3A_255 {
        %dma_wait3A = arith.constant 1 : i32
        %dma_wait3A_272 = arith.constant 0 : i32
        %dma_wait3A_273 = arith.constant 0 : i32
        %dma_wait3A_274 = tpu.memref_slice %arg9[%dma_wait3A, %dma_wait3A_272, %dma_wait3A_273] : memref<4x80x128xf32, #tpu.memory_space<vmem>> -> memref<1x80x128xf32, #tpu.memory_space<vmem>>
        %dma_wait3A_275 = tpu.memref_squeeze %dma_wait3A_274 : memref<1x80x128xf32, #tpu.memory_space<vmem>> -> memref<80x128xf32, #tpu.memory_space<vmem>>
        %dma_wait3A_276 = arith.constant 0 : i32
        %dma_wait3A_277 = tpu.memref_slice %arg7[%add3A_251, %dma_wait3A_276] : memref<32x80xi32, #tpu.memory_space<vmem>> -> memref<1x80xi32, #tpu.memory_space<vmem>>
        %dma_wait3A_278 = tpu.memref_squeeze %dma_wait3A_277 : memref<1x80xi32, #tpu.memory_space<vmem>> -> memref<80xi32, #tpu.memory_space<vmem>>
        %dma_wait3A_279 = arith.constant 0 : i32
        %dma_wait3A_280 = arith.constant 0 : i32
        %dma_wait3A_281 = tpu.memref_slice %arg2[%dma_wait3A_279, %dma_wait3A_280] : memref<10000x128xf32, #tpu.memory_space<hbm>> -> memref<10000x128xf32, #tpu.memory_space<hbm>>
        tpu.wait_indirect_dma semaphore(%arg12 : memref<!tpu.dma_semaphore, #tpu.memory_space<semaphore_mem>>) src(%dma_wait3A_281 : memref<10000x128xf32, #tpu.memory_space<hbm>>) dst(%dma_wait3A_275 : memref<80x128xf32, #tpu.memory_space<vmem>>)
        %dma_start3A = arith.constant 1 : i32
        %dma_start3A_282 = arith.constant 0 : i32
        %dma_start3A_283 = arith.constant 0 : i32
        %dma_start3A_284 = tpu.memref_slice %arg9[%dma_start3A, %dma_start3A_282, %dma_start3A_283] : memref<4x80x128xf32, #tpu.memory_space<vmem>> -> memref<1x80x128xf32, #tpu.memory_space<vmem>>
        %dma_start3A_285 = tpu.memref_squeeze %dma_start3A_284 : memref<1x80x128xf32, #tpu.memory_space<vmem>> -> memref<80x128xf32, #tpu.memory_space<vmem>>
        %dma_start3A_286 = arith.constant 0 : i32
        %dma_start3A_287 = tpu.memref_slice %arg8[%add3A_251, %dma_start3A_286] : memref<32x80xi32, #tpu.memory_space<vmem>> -> memref<1x80xi32, #tpu.memory_space<vmem>>
        %dma_start3A_288 = tpu.memref_squeeze %dma_start3A_287 : memref<1x80xi32, #tpu.memory_space<vmem>> -> memref<80xi32, #tpu.memory_space<vmem>>
        %dma_start3A_289 = arith.constant 0 : i32
        %dma_start3A_290 = arith.constant 0 : i32
        %dma_start3A_291 = tpu.memref_slice %arg10[%dma_start3A_289, %dma_start3A_290] : memref<10000x128xf32, #tpu.memory_space<vmem_shared>> -> memref<10000x128xf32, #tpu.memory_space<vmem_shared>>
        tpu.enqueue_indirect_dma source(%dma_start3A_285 : memref<80x128xf32, #tpu.memory_space<vmem>>) target(%dma_start3A_291 : memref<10000x128xf32, #tpu.memory_space<vmem_shared>>) offsets(%dma_start3A_288 : memref<80xi32, #tpu.memory_space<vmem>>) semaphore(%arg12 : memref<!tpu.dma_semaphore, #tpu.memory_space<semaphore_mem>>) {add = true}
        %dma_wait3A_292 = arith.constant 1 : i32
        %dma_wait3A_293 = arith.constant 0 : i32
        %dma_wait3A_294 = arith.constant 0 : i32
        %dma_wait3A_295 = tpu.memref_slice %arg9[%dma_wait3A_292, %dma_wait3A_293, %dma_wait3A_294] : memref<4x80x128xf32, #tpu.memory_space<vmem>> -> memref<1x80x128xf32, #tpu.memory_space<vmem>>
        %dma_wait3A_296 = tpu.memref_squeeze %dma_wait3A_295 : memref<1x80x128xf32, #tpu.memory_space<vmem>> -> memref<80x128xf32, #tpu.memory_space<vmem>>
        %dma_wait3A_297 = arith.constant 0 : i32
        %dma_wait3A_298 = tpu.memref_slice %arg8[%add3A_251, %dma_wait3A_297] : memref<32x80xi32, #tpu.memory_space<vmem>> -> memref<1x80xi32, #tpu.memory_space<vmem>>
        %dma_wait3A_299 = tpu.memref_squeeze %dma_wait3A_298 : memref<1x80xi32, #tpu.memory_space<vmem>> -> memref<80xi32, #tpu.memory_space<vmem>>
        %dma_wait3A_300 = arith.constant 0 : i32
        %dma_wait3A_301 = arith.constant 0 : i32
        %dma_wait3A_302 = tpu.memref_slice %arg10[%dma_wait3A_300, %dma_wait3A_301] : memref<10000x128xf32, #tpu.memory_space<vmem_shared>> -> memref<10000x128xf32, #tpu.memory_space<vmem_shared>>
        tpu.wait_indirect_dma semaphore(%arg12 : memref<!tpu.dma_semaphore, #tpu.memory_space<semaphore_mem>>) src(%dma_wait3A_296 : memref<80x128xf32, #tpu.memory_space<vmem>>) dst(%dma_wait3A_302 : memref<10000x128xf32, #tpu.memory_space<vmem_shared>>)
        %add3A_303 = arith.constant 4 : i32
        %add3A_304 = arith.addi %add3A_251, %add3A_303 : i32
        %lt3A_305 = arith.cmpi slt, %add3A_304, %sub3A_14 : i32
        %convert_element_type3A_306 = arith.extui %lt3A_305 : i1 to i32
        %cond3A_307 = arith.constant 0 : i32
        %cond3A_308 = arith.cmpi ne, %convert_element_type3A_306, %cond3A_307 : i32
        scf.if %cond3A_308 {
          %add3A_309 = arith.constant 4 : i32
          %add3A_310 = arith.addi %add3A_251, %add3A_309 : i32
          %dma_start3A_311 = arith.constant 1 : i32
          %dma_start3A_312 = arith.constant 0 : i32
          %dma_start3A_313 = arith.constant 0 : i32
          %dma_start3A_314 = tpu.memref_slice %arg9[%dma_start3A_311, %dma_start3A_312, %dma_start3A_313] : memref<4x80x128xf32, #tpu.memory_space<vmem>> -> memref<1x80x128xf32, #tpu.memory_space<vmem>>
          %dma_start3A_315 = tpu.memref_squeeze %dma_start3A_314 : memref<1x80x128xf32, #tpu.memory_space<vmem>> -> memref<80x128xf32, #tpu.memory_space<vmem>>
          %dma_start3A_316 = arith.constant 0 : i32
          %dma_start3A_317 = tpu.memref_slice %arg7[%add3A_310, %dma_start3A_316] : memref<32x80xi32, #tpu.memory_space<vmem>> -> memref<1x80xi32, #tpu.memory_space<vmem>>
          %dma_start3A_318 = tpu.memref_squeeze %dma_start3A_317 : memref<1x80xi32, #tpu.memory_space<vmem>> -> memref<80xi32, #tpu.memory_space<vmem>>
          %dma_start3A_319 = arith.constant 0 : i32
          %dma_start3A_320 = arith.constant 0 : i32
          %dma_start3A_321 = tpu.memref_slice %arg2[%dma_start3A_319, %dma_start3A_320] : memref<10000x128xf32, #tpu.memory_space<hbm>> -> memref<10000x128xf32, #tpu.memory_space<hbm>>
          tpu.enqueue_indirect_dma source(%dma_start3A_321 : memref<10000x128xf32, #tpu.memory_space<hbm>>) target(%dma_start3A_315 : memref<80x128xf32, #tpu.memory_space<vmem>>) offsets(%dma_start3A_318 : memref<80xi32, #tpu.memory_space<vmem>>) semaphore(%arg12 : memref<!tpu.dma_semaphore, #tpu.memory_space<semaphore_mem>>)
        } else {
        }
      } else {
      }
      %mul3A_256 = arith.constant 4 : i32
      %mul3A_257 = arith.muli %mul3A_256, %scan3A_240 : i32
      %add3A_258 = arith.constant 2 : i32
      %add3A_259 = arith.addi %mul3A_257, %add3A_258 : i32
      %lt3A_260 = arith.cmpi slt, %add3A_259, %sub3A_14 : i32
      %convert_element_type3A_261 = arith.extui %lt3A_260 : i1 to i32
      %cond3A_262 = arith.constant 0 : i32
      %cond3A_263 = arith.cmpi ne, %convert_element_type3A_261, %cond3A_262 : i32
      scf.if %cond3A_263 {
        %dma_wait3A = arith.constant 2 : i32
        %dma_wait3A_272 = arith.constant 0 : i32
        %dma_wait3A_273 = arith.constant 0 : i32
        %dma_wait3A_274 = tpu.memref_slice %arg9[%dma_wait3A, %dma_wait3A_272, %dma_wait3A_273] : memref<4x80x128xf32, #tpu.memory_space<vmem>> -> memref<1x80x128xf32, #tpu.memory_space<vmem>>
        %dma_wait3A_275 = tpu.memref_squeeze %dma_wait3A_274 : memref<1x80x128xf32, #tpu.memory_space<vmem>> -> memref<80x128xf32, #tpu.memory_space<vmem>>
        %dma_wait3A_276 = arith.constant 0 : i32
        %dma_wait3A_277 = tpu.memref_slice %arg7[%add3A_259, %dma_wait3A_276] : memref<32x80xi32, #tpu.memory_space<vmem>> -> memref<1x80xi32, #tpu.memory_space<vmem>>
        %dma_wait3A_278 = tpu.memref_squeeze %dma_wait3A_277 : memref<1x80xi32, #tpu.memory_space<vmem>> -> memref<80xi32, #tpu.memory_space<vmem>>
        %dma_wait3A_279 = arith.constant 0 : i32
        %dma_wait3A_280 = arith.constant 0 : i32
        %dma_wait3A_281 = tpu.memref_slice %arg2[%dma_wait3A_279, %dma_wait3A_280] : memref<10000x128xf32, #tpu.memory_space<hbm>> -> memref<10000x128xf32, #tpu.memory_space<hbm>>
        tpu.wait_indirect_dma semaphore(%arg13 : memref<!tpu.dma_semaphore, #tpu.memory_space<semaphore_mem>>) src(%dma_wait3A_281 : memref<10000x128xf32, #tpu.memory_space<hbm>>) dst(%dma_wait3A_275 : memref<80x128xf32, #tpu.memory_space<vmem>>)
        %dma_start3A = arith.constant 2 : i32
        %dma_start3A_282 = arith.constant 0 : i32
        %dma_start3A_283 = arith.constant 0 : i32
        %dma_start3A_284 = tpu.memref_slice %arg9[%dma_start3A, %dma_start3A_282, %dma_start3A_283] : memref<4x80x128xf32, #tpu.memory_space<vmem>> -> memref<1x80x128xf32, #tpu.memory_space<vmem>>
        %dma_start3A_285 = tpu.memref_squeeze %dma_start3A_284 : memref<1x80x128xf32, #tpu.memory_space<vmem>> -> memref<80x128xf32, #tpu.memory_space<vmem>>
        %dma_start3A_286 = arith.constant 0 : i32
        %dma_start3A_287 = tpu.memref_slice %arg8[%add3A_259, %dma_start3A_286] : memref<32x80xi32, #tpu.memory_space<vmem>> -> memref<1x80xi32, #tpu.memory_space<vmem>>
        %dma_start3A_288 = tpu.memref_squeeze %dma_start3A_287 : memref<1x80xi32, #tpu.memory_space<vmem>> -> memref<80xi32, #tpu.memory_space<vmem>>
        %dma_start3A_289 = arith.constant 0 : i32
        %dma_start3A_290 = arith.constant 0 : i32
        %dma_start3A_291 = tpu.memref_slice %arg10[%dma_start3A_289, %dma_start3A_290] : memref<10000x128xf32, #tpu.memory_space<vmem_shared>> -> memref<10000x128xf32, #tpu.memory_space<vmem_shared>>
        tpu.enqueue_indirect_dma source(%dma_start3A_285 : memref<80x128xf32, #tpu.memory_space<vmem>>) target(%dma_start3A_291 : memref<10000x128xf32, #tpu.memory_space<vmem_shared>>) offsets(%dma_start3A_288 : memref<80xi32, #tpu.memory_space<vmem>>) semaphore(%arg13 : memref<!tpu.dma_semaphore, #tpu.memory_space<semaphore_mem>>) {add = true}
        %dma_wait3A_292 = arith.constant 2 : i32
        %dma_wait3A_293 = arith.constant 0 : i32
        %dma_wait3A_294 = arith.constant 0 : i32
        %dma_wait3A_295 = tpu.memref_slice %arg9[%dma_wait3A_292, %dma_wait3A_293, %dma_wait3A_294] : memref<4x80x128xf32, #tpu.memory_space<vmem>> -> memref<1x80x128xf32, #tpu.memory_space<vmem>>
        %dma_wait3A_296 = tpu.memref_squeeze %dma_wait3A_295 : memref<1x80x128xf32, #tpu.memory_space<vmem>> -> memref<80x128xf32, #tpu.memory_space<vmem>>
        %dma_wait3A_297 = arith.constant 0 : i32
        %dma_wait3A_298 = tpu.memref_slice %arg8[%add3A_259, %dma_wait3A_297] : memref<32x80xi32, #tpu.memory_space<vmem>> -> memref<1x80xi32, #tpu.memory_space<vmem>>
        %dma_wait3A_299 = tpu.memref_squeeze %dma_wait3A_298 : memref<1x80xi32, #tpu.memory_space<vmem>> -> memref<80xi32, #tpu.memory_space<vmem>>
        %dma_wait3A_300 = arith.constant 0 : i32
        %dma_wait3A_301 = arith.constant 0 : i32
        %dma_wait3A_302 = tpu.memref_slice %arg10[%dma_wait3A_300, %dma_wait3A_301] : memref<10000x128xf32, #tpu.memory_space<vmem_shared>> -> memref<10000x128xf32, #tpu.memory_space<vmem_shared>>
        tpu.wait_indirect_dma semaphore(%arg13 : memref<!tpu.dma_semaphore, #tpu.memory_space<semaphore_mem>>) src(%dma_wait3A_296 : memref<80x128xf32, #tpu.memory_space<vmem>>) dst(%dma_wait3A_302 : memref<10000x128xf32, #tpu.memory_space<vmem_shared>>)
        %add3A_303 = arith.constant 4 : i32
        %add3A_304 = arith.addi %add3A_259, %add3A_303 : i32
        %lt3A_305 = arith.cmpi slt, %add3A_304, %sub3A_14 : i32
        %convert_element_type3A_306 = arith.extui %lt3A_305 : i1 to i32
        %cond3A_307 = arith.constant 0 : i32
        %cond3A_308 = arith.cmpi ne, %convert_element_type3A_306, %cond3A_307 : i32
        scf.if %cond3A_308 {
          %add3A_309 = arith.constant 4 : i32
          %add3A_310 = arith.addi %add3A_259, %add3A_309 : i32
          %dma_start3A_311 = arith.constant 2 : i32
          %dma_start3A_312 = arith.constant 0 : i32
          %dma_start3A_313 = arith.constant 0 : i32
          %dma_start3A_314 = tpu.memref_slice %arg9[%dma_start3A_311, %dma_start3A_312, %dma_start3A_313] : memref<4x80x128xf32, #tpu.memory_space<vmem>> -> memref<1x80x128xf32, #tpu.memory_space<vmem>>
          %dma_start3A_315 = tpu.memref_squeeze %dma_start3A_314 : memref<1x80x128xf32, #tpu.memory_space<vmem>> -> memref<80x128xf32, #tpu.memory_space<vmem>>
          %dma_start3A_316 = arith.constant 0 : i32
          %dma_start3A_317 = tpu.memref_slice %arg7[%add3A_310, %dma_start3A_316] : memref<32x80xi32, #tpu.memory_space<vmem>> -> memref<1x80xi32, #tpu.memory_space<vmem>>
          %dma_start3A_318 = tpu.memref_squeeze %dma_start3A_317 : memref<1x80xi32, #tpu.memory_space<vmem>> -> memref<80xi32, #tpu.memory_space<vmem>>
          %dma_start3A_319 = arith.constant 0 : i32
          %dma_start3A_320 = arith.constant 0 : i32
          %dma_start3A_321 = tpu.memref_slice %arg2[%dma_start3A_319, %dma_start3A_320] : memref<10000x128xf32, #tpu.memory_space<hbm>> -> memref<10000x128xf32, #tpu.memory_space<hbm>>
          tpu.enqueue_indirect_dma source(%dma_start3A_321 : memref<10000x128xf32, #tpu.memory_space<hbm>>) target(%dma_start3A_315 : memref<80x128xf32, #tpu.memory_space<vmem>>) offsets(%dma_start3A_318 : memref<80xi32, #tpu.memory_space<vmem>>) semaphore(%arg13 : memref<!tpu.dma_semaphore, #tpu.memory_space<semaphore_mem>>)
        } else {
        }
      } else {
      }
      %mul3A_264 = arith.constant 4 : i32
      %mul3A_265 = arith.muli %mul3A_264, %scan3A_240 : i32
      %add3A_266 = arith.constant 3 : i32
      %add3A_267 = arith.addi %mul3A_265, %add3A_266 : i32
      %lt3A_268 = arith.cmpi slt, %add3A_267, %sub3A_14 : i32
      %convert_element_type3A_269 = arith.extui %lt3A_268 : i1 to i32
      %cond3A_270 = arith.constant 0 : i32
      %cond3A_271 = arith.cmpi ne, %convert_element_type3A_269, %cond3A_270 : i32
      scf.if %cond3A_271 {
        %dma_wait3A = arith.constant 3 : i32
        %dma_wait3A_272 = arith.constant 0 : i32
        %dma_wait3A_273 = arith.constant 0 : i32
        %dma_wait3A_274 = tpu.memref_slice %arg9[%dma_wait3A, %dma_wait3A_272, %dma_wait3A_273] : memref<4x80x128xf32, #tpu.memory_space<vmem>> -> memref<1x80x128xf32, #tpu.memory_space<vmem>>
        %dma_wait3A_275 = tpu.memref_squeeze %dma_wait3A_274 : memref<1x80x128xf32, #tpu.memory_space<vmem>> -> memref<80x128xf32, #tpu.memory_space<vmem>>
        %dma_wait3A_276 = arith.constant 0 : i32
        %dma_wait3A_277 = tpu.memref_slice %arg7[%add3A_267, %dma_wait3A_276] : memref<32x80xi32, #tpu.memory_space<vmem>> -> memref<1x80xi32, #tpu.memory_space<vmem>>
        %dma_wait3A_278 = tpu.memref_squeeze %dma_wait3A_277 : memref<1x80xi32, #tpu.memory_space<vmem>> -> memref<80xi32, #tpu.memory_space<vmem>>
        %dma_wait3A_279 = arith.constant 0 : i32
        %dma_wait3A_280 = arith.constant 0 : i32
        %dma_wait3A_281 = tpu.memref_slice %arg2[%dma_wait3A_279, %dma_wait3A_280] : memref<10000x128xf32, #tpu.memory_space<hbm>> -> memref<10000x128xf32, #tpu.memory_space<hbm>>
        tpu.wait_indirect_dma semaphore(%arg14 : memref<!tpu.dma_semaphore, #tpu.memory_space<semaphore_mem>>) src(%dma_wait3A_281 : memref<10000x128xf32, #tpu.memory_space<hbm>>) dst(%dma_wait3A_275 : memref<80x128xf32, #tpu.memory_space<vmem>>)
        %dma_start3A = arith.constant 3 : i32
        %dma_start3A_282 = arith.constant 0 : i32
        %dma_start3A_283 = arith.constant 0 : i32
        %dma_start3A_284 = tpu.memref_slice %arg9[%dma_start3A, %dma_start3A_282, %dma_start3A_283] : memref<4x80x128xf32, #tpu.memory_space<vmem>> -> memref<1x80x128xf32, #tpu.memory_space<vmem>>
        %dma_start3A_285 = tpu.memref_squeeze %dma_start3A_284 : memref<1x80x128xf32, #tpu.memory_space<vmem>> -> memref<80x128xf32, #tpu.memory_space<vmem>>
        %dma_start3A_286 = arith.constant 0 : i32
        %dma_start3A_287 = tpu.memref_slice %arg8[%add3A_267, %dma_start3A_286] : memref<32x80xi32, #tpu.memory_space<vmem>> -> memref<1x80xi32, #tpu.memory_space<vmem>>
        %dma_start3A_288 = tpu.memref_squeeze %dma_start3A_287 : memref<1x80xi32, #tpu.memory_space<vmem>> -> memref<80xi32, #tpu.memory_space<vmem>>
        %dma_start3A_289 = arith.constant 0 : i32
        %dma_start3A_290 = arith.constant 0 : i32
        %dma_start3A_291 = tpu.memref_slice %arg10[%dma_start3A_289, %dma_start3A_290] : memref<10000x128xf32, #tpu.memory_space<vmem_shared>> -> memref<10000x128xf32, #tpu.memory_space<vmem_shared>>
        tpu.enqueue_indirect_dma source(%dma_start3A_285 : memref<80x128xf32, #tpu.memory_space<vmem>>) target(%dma_start3A_291 : memref<10000x128xf32, #tpu.memory_space<vmem_shared>>) offsets(%dma_start3A_288 : memref<80xi32, #tpu.memory_space<vmem>>) semaphore(%arg14 : memref<!tpu.dma_semaphore, #tpu.memory_space<semaphore_mem>>) {add = true}
        %dma_wait3A_292 = arith.constant 3 : i32
        %dma_wait3A_293 = arith.constant 0 : i32
        %dma_wait3A_294 = arith.constant 0 : i32
        %dma_wait3A_295 = tpu.memref_slice %arg9[%dma_wait3A_292, %dma_wait3A_293, %dma_wait3A_294] : memref<4x80x128xf32, #tpu.memory_space<vmem>> -> memref<1x80x128xf32, #tpu.memory_space<vmem>>
        %dma_wait3A_296 = tpu.memref_squeeze %dma_wait3A_295 : memref<1x80x128xf32, #tpu.memory_space<vmem>> -> memref<80x128xf32, #tpu.memory_space<vmem>>
        %dma_wait3A_297 = arith.constant 0 : i32
        %dma_wait3A_298 = tpu.memref_slice %arg8[%add3A_267, %dma_wait3A_297] : memref<32x80xi32, #tpu.memory_space<vmem>> -> memref<1x80xi32, #tpu.memory_space<vmem>>
        %dma_wait3A_299 = tpu.memref_squeeze %dma_wait3A_298 : memref<1x80xi32, #tpu.memory_space<vmem>> -> memref<80xi32, #tpu.memory_space<vmem>>
        %dma_wait3A_300 = arith.constant 0 : i32
        %dma_wait3A_301 = arith.constant 0 : i32
        %dma_wait3A_302 = tpu.memref_slice %arg10[%dma_wait3A_300, %dma_wait3A_301] : memref<10000x128xf32, #tpu.memory_space<vmem_shared>> -> memref<10000x128xf32, #tpu.memory_space<vmem_shared>>
        tpu.wait_indirect_dma semaphore(%arg14 : memref<!tpu.dma_semaphore, #tpu.memory_space<semaphore_mem>>) src(%dma_wait3A_296 : memref<80x128xf32, #tpu.memory_space<vmem>>) dst(%dma_wait3A_302 : memref<10000x128xf32, #tpu.memory_space<vmem_shared>>)
        %add3A_303 = arith.constant 4 : i32
        %add3A_304 = arith.addi %add3A_267, %add3A_303 : i32
        %lt3A_305 = arith.cmpi slt, %add3A_304, %sub3A_14 : i32
        %convert_element_type3A_306 = arith.extui %lt3A_305 : i1 to i32
        %cond3A_307 = arith.constant 0 : i32
        %cond3A_308 = arith.cmpi ne, %convert_element_type3A_306, %cond3A_307 : i32
        scf.if %cond3A_308 {
          %add3A_309 = arith.constant 4 : i32
          %add3A_310 = arith.addi %add3A_267, %add3A_309 : i32
          %dma_start3A_311 = arith.constant 3 : i32
          %dma_start3A_312 = arith.constant 0 : i32
          %dma_start3A_313 = arith.constant 0 : i32
          %dma_start3A_314 = tpu.memref_slice %arg9[%dma_start3A_311, %dma_start3A_312, %dma_start3A_313] : memref<4x80x128xf32, #tpu.memory_space<vmem>> -> memref<1x80x128xf32, #tpu.memory_space<vmem>>
          %dma_start3A_315 = tpu.memref_squeeze %dma_start3A_314 : memref<1x80x128xf32, #tpu.memory_space<vmem>> -> memref<80x128xf32, #tpu.memory_space<vmem>>
          %dma_start3A_316 = arith.constant 0 : i32
          %dma_start3A_317 = tpu.memref_slice %arg7[%add3A_310, %dma_start3A_316] : memref<32x80xi32, #tpu.memory_space<vmem>> -> memref<1x80xi32, #tpu.memory_space<vmem>>
          %dma_start3A_318 = tpu.memref_squeeze %dma_start3A_317 : memref<1x80xi32, #tpu.memory_space<vmem>> -> memref<80xi32, #tpu.memory_space<vmem>>
          %dma_start3A_319 = arith.constant 0 : i32
          %dma_start3A_320 = arith.constant 0 : i32
          %dma_start3A_321 = tpu.memref_slice %arg2[%dma_start3A_319, %dma_start3A_320] : memref<10000x128xf32, #tpu.memory_space<hbm>> -> memref<10000x128xf32, #tpu.memory_space<hbm>>
          tpu.enqueue_indirect_dma source(%dma_start3A_321 : memref<10000x128xf32, #tpu.memory_space<hbm>>) target(%dma_start3A_315 : memref<80x128xf32, #tpu.memory_space<vmem>>) offsets(%dma_start3A_318 : memref<80xi32, #tpu.memory_space<vmem>>) semaphore(%arg14 : memref<!tpu.dma_semaphore, #tpu.memory_space<semaphore_mem>>)
        } else {
        }
      } else {
      }
    }
    %scan3A_43 = arith.constant 7 : i32
    %gt3A_44 = arith.constant 28 : i32
    %gt3A_45 = arith.cmpi sgt, %sub3A_14, %gt3A_44 : i32
    %convert_element_type3A_46 = arith.extui %gt3A_45 : i1 to i32
    %cond3A_47 = arith.constant 0 : i32
    %cond3A_48 = arith.cmpi ne, %convert_element_type3A_46, %cond3A_47 : i32
    scf.if %cond3A_48 {
      %dma_wait3A = arith.constant 28 : i32
      %dma_wait3A_240 = arith.constant 0 : i32
      %dma_wait3A_241 = arith.constant 0 : i32
      %dma_wait3A_242 = arith.constant 0 : i32
      %dma_wait3A_243 = tpu.memref_slice %arg9[%dma_wait3A_240, %dma_wait3A_241, %dma_wait3A_242] : memref<4x80x128xf32, #tpu.memory_space<vmem>> -> memref<1x80x128xf32, #tpu.memory_space<vmem>>
      %dma_wait3A_244 = tpu.memref_squeeze %dma_wait3A_243 : memref<1x80x128xf32, #tpu.memory_space<vmem>> -> memref<80x128xf32, #tpu.memory_space<vmem>>
      %dma_wait3A_245 = arith.constant 0 : i32
      %dma_wait3A_246 = tpu.memref_slice %arg7[%dma_wait3A, %dma_wait3A_245] : memref<32x80xi32, #tpu.memory_space<vmem>> -> memref<1x80xi32, #tpu.memory_space<vmem>>
      %dma_wait3A_247 = tpu.memref_squeeze %dma_wait3A_246 : memref<1x80xi32, #tpu.memory_space<vmem>> -> memref<80xi32, #tpu.memory_space<vmem>>
      %dma_wait3A_248 = arith.constant 0 : i32
      %dma_wait3A_249 = arith.constant 0 : i32
      %dma_wait3A_250 = tpu.memref_slice %arg2[%dma_wait3A_248, %dma_wait3A_249] : memref<10000x128xf32, #tpu.memory_space<hbm>> -> memref<10000x128xf32, #tpu.memory_space<hbm>>
      tpu.wait_indirect_dma semaphore(%arg11 : memref<!tpu.dma_semaphore, #tpu.memory_space<semaphore_mem>>) src(%dma_wait3A_250 : memref<10000x128xf32, #tpu.memory_space<hbm>>) dst(%dma_wait3A_244 : memref<80x128xf32, #tpu.memory_space<vmem>>)
      %dma_start3A = arith.constant 0 : i32
      %dma_start3A_251 = arith.constant 28 : i32
      %dma_start3A_252 = arith.constant 0 : i32
      %dma_start3A_253 = arith.constant 0 : i32
      %dma_start3A_254 = tpu.memref_slice %arg9[%dma_start3A, %dma_start3A_252, %dma_start3A_253] : memref<4x80x128xf32, #tpu.memory_space<vmem>> -> memref<1x80x128xf32, #tpu.memory_space<vmem>>
      %dma_start3A_255 = tpu.memref_squeeze %dma_start3A_254 : memref<1x80x128xf32, #tpu.memory_space<vmem>> -> memref<80x128xf32, #tpu.memory_space<vmem>>
      %dma_start3A_256 = arith.constant 0 : i32
      %dma_start3A_257 = tpu.memref_slice %arg8[%dma_start3A_251, %dma_start3A_256] : memref<32x80xi32, #tpu.memory_space<vmem>> -> memref<1x80xi32, #tpu.memory_space<vmem>>
      %dma_start3A_258 = tpu.memref_squeeze %dma_start3A_257 : memref<1x80xi32, #tpu.memory_space<vmem>> -> memref<80xi32, #tpu.memory_space<vmem>>
      %dma_start3A_259 = arith.constant 0 : i32
      %dma_start3A_260 = arith.constant 0 : i32
      %dma_start3A_261 = tpu.memref_slice %arg10[%dma_start3A_259, %dma_start3A_260] : memref<10000x128xf32, #tpu.memory_space<vmem_shared>> -> memref<10000x128xf32, #tpu.memory_space<vmem_shared>>
      tpu.enqueue_indirect_dma source(%dma_start3A_255 : memref<80x128xf32, #tpu.memory_space<vmem>>) target(%dma_start3A_261 : memref<10000x128xf32, #tpu.memory_space<vmem_shared>>) offsets(%dma_start3A_258 : memref<80xi32, #tpu.memory_space<vmem>>) semaphore(%arg11 : memref<!tpu.dma_semaphore, #tpu.memory_space<semaphore_mem>>) {add = true}
      %dma_wait3A_262 = arith.constant 0 : i32
      %dma_wait3A_263 = arith.constant 28 : i32
      %dma_wait3A_264 = arith.constant 0 : i32
      %dma_wait3A_265 = arith.constant 0 : i32
      %dma_wait3A_266 = tpu.memref_slice %arg9[%dma_wait3A_262, %dma_wait3A_264, %dma_wait3A_265] : memref<4x80x128xf32, #tpu.memory_space<vmem>> -> memref<1x80x128xf32, #tpu.memory_space<vmem>>
      %dma_wait3A_267 = tpu.memref_squeeze %dma_wait3A_266 : memref<1x80x128xf32, #tpu.memory_space<vmem>> -> memref<80x128xf32, #tpu.memory_space<vmem>>
      %dma_wait3A_268 = arith.constant 0 : i32
      %dma_wait3A_269 = tpu.memref_slice %arg8[%dma_wait3A_263, %dma_wait3A_268] : memref<32x80xi32, #tpu.memory_space<vmem>> -> memref<1x80xi32, #tpu.memory_space<vmem>>
      %dma_wait3A_270 = tpu.memref_squeeze %dma_wait3A_269 : memref<1x80xi32, #tpu.memory_space<vmem>> -> memref<80xi32, #tpu.memory_space<vmem>>
      %dma_wait3A_271 = arith.constant 0 : i32
      %dma_wait3A_272 = arith.constant 0 : i32
      %dma_wait3A_273 = tpu.memref_slice %arg10[%dma_wait3A_271, %dma_wait3A_272] : memref<10000x128xf32, #tpu.memory_space<vmem_shared>> -> memref<10000x128xf32, #tpu.memory_space<vmem_shared>>
      tpu.wait_indirect_dma semaphore(%arg11 : memref<!tpu.dma_semaphore, #tpu.memory_space<semaphore_mem>>) src(%dma_wait3A_267 : memref<80x128xf32, #tpu.memory_space<vmem>>) dst(%dma_wait3A_273 : memref<10000x128xf32, #tpu.memory_space<vmem_shared>>)
    } else {
    }
    %gt3A_49 = arith.constant 29 : i32
    %gt3A_50 = arith.cmpi sgt, %sub3A_14, %gt3A_49 : i32
    %convert_element_type3A_51 = arith.extui %gt3A_50 : i1 to i32
    %cond3A_52 = arith.constant 0 : i32
    %cond3A_53 = arith.cmpi ne, %convert_element_type3A_51, %cond3A_52 : i32
    scf.if %cond3A_53 {
      %dma_wait3A = arith.constant 29 : i32
      %dma_wait3A_240 = arith.constant 1 : i32
      %dma_wait3A_241 = arith.constant 0 : i32
      %dma_wait3A_242 = arith.constant 0 : i32
      %dma_wait3A_243 = tpu.memref_slice %arg9[%dma_wait3A_240, %dma_wait3A_241, %dma_wait3A_242] : memref<4x80x128xf32, #tpu.memory_space<vmem>> -> memref<1x80x128xf32, #tpu.memory_space<vmem>>
      %dma_wait3A_244 = tpu.memref_squeeze %dma_wait3A_243 : memref<1x80x128xf32, #tpu.memory_space<vmem>> -> memref<80x128xf32, #tpu.memory_space<vmem>>
      %dma_wait3A_245 = arith.constant 0 : i32
      %dma_wait3A_246 = tpu.memref_slice %arg7[%dma_wait3A, %dma_wait3A_245] : memref<32x80xi32, #tpu.memory_space<vmem>> -> memref<1x80xi32, #tpu.memory_space<vmem>>
      %dma_wait3A_247 = tpu.memref_squeeze %dma_wait3A_246 : memref<1x80xi32, #tpu.memory_space<vmem>> -> memref<80xi32, #tpu.memory_space<vmem>>
      %dma_wait3A_248 = arith.constant 0 : i32
      %dma_wait3A_249 = arith.constant 0 : i32
      %dma_wait3A_250 = tpu.memref_slice %arg2[%dma_wait3A_248, %dma_wait3A_249] : memref<10000x128xf32, #tpu.memory_space<hbm>> -> memref<10000x128xf32, #tpu.memory_space<hbm>>
      tpu.wait_indirect_dma semaphore(%arg12 : memref<!tpu.dma_semaphore, #tpu.memory_space<semaphore_mem>>) src(%dma_wait3A_250 : memref<10000x128xf32, #tpu.memory_space<hbm>>) dst(%dma_wait3A_244 : memref<80x128xf32, #tpu.memory_space<vmem>>)
      %dma_start3A = arith.constant 1 : i32
      %dma_start3A_251 = arith.constant 29 : i32
      %dma_start3A_252 = arith.constant 0 : i32
      %dma_start3A_253 = arith.constant 0 : i32
      %dma_start3A_254 = tpu.memref_slice %arg9[%dma_start3A, %dma_start3A_252, %dma_start3A_253] : memref<4x80x128xf32, #tpu.memory_space<vmem>> -> memref<1x80x128xf32, #tpu.memory_space<vmem>>
      %dma_start3A_255 = tpu.memref_squeeze %dma_start3A_254 : memref<1x80x128xf32, #tpu.memory_space<vmem>> -> memref<80x128xf32, #tpu.memory_space<vmem>>
      %dma_start3A_256 = arith.constant 0 : i32
      %dma_start3A_257 = tpu.memref_slice %arg8[%dma_start3A_251, %dma_start3A_256] : memref<32x80xi32, #tpu.memory_space<vmem>> -> memref<1x80xi32, #tpu.memory_space<vmem>>
      %dma_start3A_258 = tpu.memref_squeeze %dma_start3A_257 : memref<1x80xi32, #tpu.memory_space<vmem>> -> memref<80xi32, #tpu.memory_space<vmem>>
      %dma_start3A_259 = arith.constant 0 : i32
      %dma_start3A_260 = arith.constant 0 : i32
      %dma_start3A_261 = tpu.memref_slice %arg10[%dma_start3A_259, %dma_start3A_260] : memref<10000x128xf32, #tpu.memory_space<vmem_shared>> -> memref<10000x128xf32, #tpu.memory_space<vmem_shared>>
      tpu.enqueue_indirect_dma source(%dma_start3A_255 : memref<80x128xf32, #tpu.memory_space<vmem>>) target(%dma_start3A_261 : memref<10000x128xf32, #tpu.memory_space<vmem_shared>>) offsets(%dma_start3A_258 : memref<80xi32, #tpu.memory_space<vmem>>) semaphore(%arg12 : memref<!tpu.dma_semaphore, #tpu.memory_space<semaphore_mem>>) {add = true}
      %dma_wait3A_262 = arith.constant 1 : i32
      %dma_wait3A_263 = arith.constant 29 : i32
      %dma_wait3A_264 = arith.constant 0 : i32
      %dma_wait3A_265 = arith.constant 0 : i32
      %dma_wait3A_266 = tpu.memref_slice %arg9[%dma_wait3A_262, %dma_wait3A_264, %dma_wait3A_265] : memref<4x80x128xf32, #tpu.memory_space<vmem>> -> memref<1x80x128xf32, #tpu.memory_space<vmem>>
      %dma_wait3A_267 = tpu.memref_squeeze %dma_wait3A_266 : memref<1x80x128xf32, #tpu.memory_space<vmem>> -> memref<80x128xf32, #tpu.memory_space<vmem>>
      %dma_wait3A_268 = arith.constant 0 : i32
      %dma_wait3A_269 = tpu.memref_slice %arg8[%dma_wait3A_263, %dma_wait3A_268] : memref<32x80xi32, #tpu.memory_space<vmem>> -> memref<1x80xi32, #tpu.memory_space<vmem>>
      %dma_wait3A_270 = tpu.memref_squeeze %dma_wait3A_269 : memref<1x80xi32, #tpu.memory_space<vmem>> -> memref<80xi32, #tpu.memory_space<vmem>>
      %dma_wait3A_271 = arith.constant 0 : i32
      %dma_wait3A_272 = arith.constant 0 : i32
      %dma_wait3A_273 = tpu.memref_slice %arg10[%dma_wait3A_271, %dma_wait3A_272] : memref<10000x128xf32, #tpu.memory_space<vmem_shared>> -> memref<10000x128xf32, #tpu.memory_space<vmem_shared>>
      tpu.wait_indirect_dma semaphore(%arg12 : memref<!tpu.dma_semaphore, #tpu.memory_space<semaphore_mem>>) src(%dma_wait3A_267 : memref<80x128xf32, #tpu.memory_space<vmem>>) dst(%dma_wait3A_273 : memref<10000x128xf32, #tpu.memory_space<vmem_shared>>)
    } else {
    }
    %gt3A_54 = arith.constant 30 : i32
    %gt3A_55 = arith.cmpi sgt, %sub3A_14, %gt3A_54 : i32
    %convert_element_type3A_56 = arith.extui %gt3A_55 : i1 to i32
    %cond3A_57 = arith.constant 0 : i32
    %cond3A_58 = arith.cmpi ne, %convert_element_type3A_56, %cond3A_57 : i32
    scf.if %cond3A_58 {
      %dma_wait3A = arith.constant 30 : i32
      %dma_wait3A_240 = arith.constant 2 : i32
      %dma_wait3A_241 = arith.constant 0 : i32
      %dma_wait3A_242 = arith.constant 0 : i32
      %dma_wait3A_243 = tpu.memref_slice %arg9[%dma_wait3A_240, %dma_wait3A_241, %dma_wait3A_242] : memref<4x80x128xf32, #tpu.memory_space<vmem>> -> memref<1x80x128xf32, #tpu.memory_space<vmem>>
      %dma_wait3A_244 = tpu.memref_squeeze %dma_wait3A_243 : memref<1x80x128xf32, #tpu.memory_space<vmem>> -> memref<80x128xf32, #tpu.memory_space<vmem>>
      %dma_wait3A_245 = arith.constant 0 : i32
      %dma_wait3A_246 = tpu.memref_slice %arg7[%dma_wait3A, %dma_wait3A_245] : memref<32x80xi32, #tpu.memory_space<vmem>> -> memref<1x80xi32, #tpu.memory_space<vmem>>
      %dma_wait3A_247 = tpu.memref_squeeze %dma_wait3A_246 : memref<1x80xi32, #tpu.memory_space<vmem>> -> memref<80xi32, #tpu.memory_space<vmem>>
      %dma_wait3A_248 = arith.constant 0 : i32
      %dma_wait3A_249 = arith.constant 0 : i32
      %dma_wait3A_250 = tpu.memref_slice %arg2[%dma_wait3A_248, %dma_wait3A_249] : memref<10000x128xf32, #tpu.memory_space<hbm>> -> memref<10000x128xf32, #tpu.memory_space<hbm>>
      tpu.wait_indirect_dma semaphore(%arg13 : memref<!tpu.dma_semaphore, #tpu.memory_space<semaphore_mem>>) src(%dma_wait3A_250 : memref<10000x128xf32, #tpu.memory_space<hbm>>) dst(%dma_wait3A_244 : memref<80x128xf32, #tpu.memory_space<vmem>>)
      %dma_start3A = arith.constant 2 : i32
      %dma_start3A_251 = arith.constant 30 : i32
      %dma_start3A_252 = arith.constant 0 : i32
      %dma_start3A_253 = arith.constant 0 : i32
      %dma_start3A_254 = tpu.memref_slice %arg9[%dma_start3A, %dma_start3A_252, %dma_start3A_253] : memref<4x80x128xf32, #tpu.memory_space<vmem>> -> memref<1x80x128xf32, #tpu.memory_space<vmem>>
      %dma_start3A_255 = tpu.memref_squeeze %dma_start3A_254 : memref<1x80x128xf32, #tpu.memory_space<vmem>> -> memref<80x128xf32, #tpu.memory_space<vmem>>
      %dma_start3A_256 = arith.constant 0 : i32
      %dma_start3A_257 = tpu.memref_slice %arg8[%dma_start3A_251, %dma_start3A_256] : memref<32x80xi32, #tpu.memory_space<vmem>> -> memref<1x80xi32, #tpu.memory_space<vmem>>
      %dma_start3A_258 = tpu.memref_squeeze %dma_start3A_257 : memref<1x80xi32, #tpu.memory_space<vmem>> -> memref<80xi32, #tpu.memory_space<vmem>>
      %dma_start3A_259 = arith.constant 0 : i32
      %dma_start3A_260 = arith.constant 0 : i32
      %dma_start3A_261 = tpu.memref_slice %arg10[%dma_start3A_259, %dma_start3A_260] : memref<10000x128xf32, #tpu.memory_space<vmem_shared>> -> memref<10000x128xf32, #tpu.memory_space<vmem_shared>>
      tpu.enqueue_indirect_dma source(%dma_start3A_255 : memref<80x128xf32, #tpu.memory_space<vmem>>) target(%dma_start3A_261 : memref<10000x128xf32, #tpu.memory_space<vmem_shared>>) offsets(%dma_start3A_258 : memref<80xi32, #tpu.memory_space<vmem>>) semaphore(%arg13 : memref<!tpu.dma_semaphore, #tpu.memory_space<semaphore_mem>>) {add = true}
      %dma_wait3A_262 = arith.constant 2 : i32
      %dma_wait3A_263 = arith.constant 30 : i32
      %dma_wait3A_264 = arith.constant 0 : i32
      %dma_wait3A_265 = arith.constant 0 : i32
      %dma_wait3A_266 = tpu.memref_slice %arg9[%dma_wait3A_262, %dma_wait3A_264, %dma_wait3A_265] : memref<4x80x128xf32, #tpu.memory_space<vmem>> -> memref<1x80x128xf32, #tpu.memory_space<vmem>>
      %dma_wait3A_267 = tpu.memref_squeeze %dma_wait3A_266 : memref<1x80x128xf32, #tpu.memory_space<vmem>> -> memref<80x128xf32, #tpu.memory_space<vmem>>
      %dma_wait3A_268 = arith.constant 0 : i32
      %dma_wait3A_269 = tpu.memref_slice %arg8[%dma_wait3A_263, %dma_wait3A_268] : memref<32x80xi32, #tpu.memory_space<vmem>> -> memref<1x80xi32, #tpu.memory_space<vmem>>
      %dma_wait3A_270 = tpu.memref_squeeze %dma_wait3A_269 : memref<1x80xi32, #tpu.memory_space<vmem>> -> memref<80xi32, #tpu.memory_space<vmem>>
      %dma_wait3A_271 = arith.constant 0 : i32
      %dma_wait3A_272 = arith.constant 0 : i32
      %dma_wait3A_273 = tpu.memref_slice %arg10[%dma_wait3A_271, %dma_wait3A_272] : memref<10000x128xf32, #tpu.memory_space<vmem_shared>> -> memref<10000x128xf32, #tpu.memory_space<vmem_shared>>
      tpu.wait_indirect_dma semaphore(%arg13 : memref<!tpu.dma_semaphore, #tpu.memory_space<semaphore_mem>>) src(%dma_wait3A_267 : memref<80x128xf32, #tpu.memory_space<vmem>>) dst(%dma_wait3A_273 : memref<10000x128xf32, #tpu.memory_space<vmem_shared>>)
    } else {
    }
    %gt3A_59 = arith.constant 31 : i32
    %gt3A_60 = arith.cmpi sgt, %sub3A_14, %gt3A_59 : i32
    %convert_element_type3A_61 = arith.extui %gt3A_60 : i1 to i32
    %cond3A_62 = arith.constant 0 : i32
    %cond3A_63 = arith.cmpi ne, %convert_element_type3A_61, %cond3A_62 : i32
    scf.if %cond3A_63 {
      %dma_wait3A = arith.constant 31 : i32
      %dma_wait3A_240 = arith.constant 3 : i32
      %dma_wait3A_241 = arith.constant 0 : i32
      %dma_wait3A_242 = arith.constant 0 : i32
      %dma_wait3A_243 = tpu.memref_slice %arg9[%dma_wait3A_240, %dma_wait3A_241, %dma_wait3A_242] : memref<4x80x128xf32, #tpu.memory_space<vmem>> -> memref<1x80x128xf32, #tpu.memory_space<vmem>>
      %dma_wait3A_244 = tpu.memref_squeeze %dma_wait3A_243 : memref<1x80x128xf32, #tpu.memory_space<vmem>> -> memref<80x128xf32, #tpu.memory_space<vmem>>
      %dma_wait3A_245 = arith.constant 0 : i32
      %dma_wait3A_246 = tpu.memref_slice %arg7[%dma_wait3A, %dma_wait3A_245] : memref<32x80xi32, #tpu.memory_space<vmem>> -> memref<1x80xi32, #tpu.memory_space<vmem>>
      %dma_wait3A_247 = tpu.memref_squeeze %dma_wait3A_246 : memref<1x80xi32, #tpu.memory_space<vmem>> -> memref<80xi32, #tpu.memory_space<vmem>>
      %dma_wait3A_248 = arith.constant 0 : i32
      %dma_wait3A_249 = arith.constant 0 : i32
      %dma_wait3A_250 = tpu.memref_slice %arg2[%dma_wait3A_248, %dma_wait3A_249] : memref<10000x128xf32, #tpu.memory_space<hbm>> -> memref<10000x128xf32, #tpu.memory_space<hbm>>
      tpu.wait_indirect_dma semaphore(%arg14 : memref<!tpu.dma_semaphore, #tpu.memory_space<semaphore_mem>>) src(%dma_wait3A_250 : memref<10000x128xf32, #tpu.memory_space<hbm>>) dst(%dma_wait3A_244 : memref<80x128xf32, #tpu.memory_space<vmem>>)
      %dma_start3A = arith.constant 3 : i32
      %dma_start3A_251 = arith.constant 31 : i32
      %dma_start3A_252 = arith.constant 0 : i32
      %dma_start3A_253 = arith.constant 0 : i32
      %dma_start3A_254 = tpu.memref_slice %arg9[%dma_start3A, %dma_start3A_252, %dma_start3A_253] : memref<4x80x128xf32, #tpu.memory_space<vmem>> -> memref<1x80x128xf32, #tpu.memory_space<vmem>>
      %dma_start3A_255 = tpu.memref_squeeze %dma_start3A_254 : memref<1x80x128xf32, #tpu.memory_space<vmem>> -> memref<80x128xf32, #tpu.memory_space<vmem>>
      %dma_start3A_256 = arith.constant 0 : i32
      %dma_start3A_257 = tpu.memref_slice %arg8[%dma_start3A_251, %dma_start3A_256] : memref<32x80xi32, #tpu.memory_space<vmem>> -> memref<1x80xi32, #tpu.memory_space<vmem>>
      %dma_start3A_258 = tpu.memref_squeeze %dma_start3A_257 : memref<1x80xi32, #tpu.memory_space<vmem>> -> memref<80xi32, #tpu.memory_space<vmem>>
      %dma_start3A_259 = arith.constant 0 : i32
      %dma_start3A_260 = arith.constant 0 : i32
      %dma_start3A_261 = tpu.memref_slice %arg10[%dma_start3A_259, %dma_start3A_260] : memref<10000x128xf32, #tpu.memory_space<vmem_shared>> -> memref<10000x128xf32, #tpu.memory_space<vmem_shared>>
      tpu.enqueue_indirect_dma source(%dma_start3A_255 : memref<80x128xf32, #tpu.memory_space<vmem>>) target(%dma_start3A_261 : memref<10000x128xf32, #tpu.memory_space<vmem_shared>>) offsets(%dma_start3A_258 : memref<80xi32, #tpu.memory_space<vmem>>) semaphore(%arg14 : memref<!tpu.dma_semaphore, #tpu.memory_space<semaphore_mem>>) {add = true}
      %dma_wait3A_262 = arith.constant 3 : i32
      %dma_wait3A_263 = arith.constant 31 : i32
      %dma_wait3A_264 = arith.constant 0 : i32
      %dma_wait3A_265 = arith.constant 0 : i32
      %dma_wait3A_266 = tpu.memref_slice %arg9[%dma_wait3A_262, %dma_wait3A_264, %dma_wait3A_265] : memref<4x80x128xf32, #tpu.memory_space<vmem>> -> memref<1x80x128xf32, #tpu.memory_space<vmem>>
      %dma_wait3A_267 = tpu.memref_squeeze %dma_wait3A_266 : memref<1x80x128xf32, #tpu.memory_space<vmem>> -> memref<80x128xf32, #tpu.memory_space<vmem>>
      %dma_wait3A_268 = arith.constant 0 : i32
      %dma_wait3A_269 = tpu.memref_slice %arg8[%dma_wait3A_263, %dma_wait3A_268] : memref<32x80xi32, #tpu.memory_space<vmem>> -> memref<1x80xi32, #tpu.memory_space<vmem>>
      %dma_wait3A_270 = tpu.memref_squeeze %dma_wait3A_269 : memref<1x80xi32, #tpu.memory_space<vmem>> -> memref<80xi32, #tpu.memory_space<vmem>>
      %dma_wait3A_271 = arith.constant 0 : i32
      %dma_wait3A_272 = arith.constant 0 : i32
      %dma_wait3A_273 = tpu.memref_slice %arg10[%dma_wait3A_271, %dma_wait3A_272] : memref<10000x128xf32, #tpu.memory_space<vmem_shared>> -> memref<10000x128xf32, #tpu.memory_space<vmem_shared>>
      tpu.wait_indirect_dma semaphore(%arg14 : memref<!tpu.dma_semaphore, #tpu.memory_space<semaphore_mem>>) src(%dma_wait3A_267 : memref<80x128xf32, #tpu.memory_space<vmem>>) dst(%dma_wait3A_273 : memref<10000x128xf32, #tpu.memory_space<vmem_shared>>)
    } else {
    }
    %add3A_64 = arith.constant 32 : i32
    %add3A_65 = arith.addi %mul3A_11, %add3A_64 : i32
    %sub3A_66 = arith.constant 4000 : i32
    %sub3A_67 = arith.subi %sub3A_66, %add3A_65 : i32
    %gt3A_68 = arith.constant 0 : i32
    %gt3A_69 = arith.cmpi sgt, %sub3A_67, %gt3A_68 : i32
    %convert_element_type3A_70 = arith.extui %gt3A_69 : i1 to i32
    %cond3A_71 = arith.constant 0 : i32
    %cond3A_72 = arith.cmpi ne, %convert_element_type3A_70, %cond3A_71 : i32
    scf.if %cond3A_72 {
      "tpu.region"() ({
        %run_scoped3A = tpu.sem_alloc : memref<!tpu.dma_semaphore, #tpu.memory_space<semaphore_mem>>
        %dma_start3A = arith.constant 0 : i32
        %dma_start3A_240 = tpu.memref_slice %arg3[%add3A_65, %dma_start3A] : memref<4000x80xi32, #tpu.memory_space<hbm>> -> memref<32x80xi32, #tpu.memory_space<hbm>>
        %dma_start3A_241 = arith.constant 0 : i32
        %dma_start3A_242 = tpu.memref_slice %arg3[%add3A_65, %dma_start3A_241] : memref<4000x80xi32, #tpu.memory_space<hbm>> -> memref<32x80xi32, #tpu.memory_space<hbm>>
        tpu.enqueue_dma source(%dma_start3A_242 : memref<32x80xi32, #tpu.memory_space<hbm>>) target(%arg7 : memref<32x80xi32, #tpu.memory_space<vmem>>) target_semaphore(%run_scoped3A : memref<!tpu.dma_semaphore, #tpu.memory_space<semaphore_mem>>)
        %dma_wait3A = arith.constant 0 : i32
        %dma_wait3A_243 = tpu.memref_slice %arg3[%add3A_65, %dma_wait3A] : memref<4000x80xi32, #tpu.memory_space<hbm>> -> memref<32x80xi32, #tpu.memory_space<hbm>>
        %dma_wait3A_244 = arith.constant 0 : i32
        %dma_wait3A_245 = tpu.memref_slice %arg3[%add3A_65, %dma_wait3A_244] : memref<4000x80xi32, #tpu.memory_space<hbm>> -> memref<32x80xi32, #tpu.memory_space<hbm>>
        tpu.wait_dma2 semaphore(%run_scoped3A : memref<!tpu.dma_semaphore, #tpu.memory_space<semaphore_mem>>) src(%dma_wait3A_245 : memref<32x80xi32, #tpu.memory_space<hbm>>) dst(%arg7 : memref<32x80xi32, #tpu.memory_space<vmem>>)
        tpu.yield
      }) : () -> ()
      "tpu.region"() ({
        %run_scoped3A = tpu.sem_alloc : memref<!tpu.dma_semaphore, #tpu.memory_space<semaphore_mem>>
        %dma_start3A = arith.constant 0 : i32
        %dma_start3A_240 = tpu.memref_slice %arg4[%add3A_65, %dma_start3A] : memref<4000x80xi32, #tpu.memory_space<hbm>> -> memref<32x80xi32, #tpu.memory_space<hbm>>
        %dma_start3A_241 = arith.constant 0 : i32
        %dma_start3A_242 = tpu.memref_slice %arg4[%add3A_65, %dma_start3A_241] : memref<4000x80xi32, #tpu.memory_space<hbm>> -> memref<32x80xi32, #tpu.memory_space<hbm>>
        tpu.enqueue_dma source(%dma_start3A_242 : memref<32x80xi32, #tpu.memory_space<hbm>>) target(%arg8 : memref<32x80xi32, #tpu.memory_space<vmem>>) target_semaphore(%run_scoped3A : memref<!tpu.dma_semaphore, #tpu.memory_space<semaphore_mem>>)
        %dma_wait3A = arith.constant 0 : i32
        %dma_wait3A_243 = tpu.memref_slice %arg4[%add3A_65, %dma_wait3A] : memref<4000x80xi32, #tpu.memory_space<hbm>> -> memref<32x80xi32, #tpu.memory_space<hbm>>
        %dma_wait3A_244 = arith.constant 0 : i32
        %dma_wait3A_245 = tpu.memref_slice %arg4[%add3A_65, %dma_wait3A_244] : memref<4000x80xi32, #tpu.memory_space<hbm>> -> memref<32x80xi32, #tpu.memory_space<hbm>>
        tpu.wait_dma2 semaphore(%run_scoped3A : memref<!tpu.dma_semaphore, #tpu.memory_space<semaphore_mem>>) src(%dma_wait3A_245 : memref<32x80xi32, #tpu.memory_space<hbm>>) dst(%arg8 : memref<32x80xi32, #tpu.memory_space<vmem>>)
        tpu.yield
      }) : () -> ()
    } else {
    }
    %gt3A_73 = arith.constant 0 : i32
    %gt3A_74 = arith.cmpi sgt, %sub3A_67, %gt3A_73 : i32
    %convert_element_type3A_75 = arith.extui %gt3A_74 : i1 to i32
    %cond3A_76 = arith.constant 0 : i32
    %cond3A_77 = arith.cmpi ne, %convert_element_type3A_75, %cond3A_76 : i32
    scf.if %cond3A_77 {
      %dma_start3A = arith.constant 0 : i32
      %dma_start3A_240 = arith.constant 0 : i32
      %dma_start3A_241 = arith.constant 0 : i32
      %dma_start3A_242 = arith.constant 0 : i32
      %dma_start3A_243 = tpu.memref_slice %arg9[%dma_start3A_240, %dma_start3A_241, %dma_start3A_242] : memref<4x80x128xf32, #tpu.memory_space<vmem>> -> memref<1x80x128xf32, #tpu.memory_space<vmem>>
      %dma_start3A_244 = tpu.memref_squeeze %dma_start3A_243 : memref<1x80x128xf32, #tpu.memory_space<vmem>> -> memref<80x128xf32, #tpu.memory_space<vmem>>
      %dma_start3A_245 = arith.constant 0 : i32
      %dma_start3A_246 = tpu.memref_slice %arg7[%dma_start3A, %dma_start3A_245] : memref<32x80xi32, #tpu.memory_space<vmem>> -> memref<1x80xi32, #tpu.memory_space<vmem>>
      %dma_start3A_247 = tpu.memref_squeeze %dma_start3A_246 : memref<1x80xi32, #tpu.memory_space<vmem>> -> memref<80xi32, #tpu.memory_space<vmem>>
      %dma_start3A_248 = arith.constant 0 : i32
      %dma_start3A_249 = arith.constant 0 : i32
      %dma_start3A_250 = tpu.memref_slice %arg2[%dma_start3A_248, %dma_start3A_249] : memref<10000x128xf32, #tpu.memory_space<hbm>> -> memref<10000x128xf32, #tpu.memory_space<hbm>>
      tpu.enqueue_indirect_dma source(%dma_start3A_250 : memref<10000x128xf32, #tpu.memory_space<hbm>>) target(%dma_start3A_244 : memref<80x128xf32, #tpu.memory_space<vmem>>) offsets(%dma_start3A_247 : memref<80xi32, #tpu.memory_space<vmem>>) semaphore(%arg11 : memref<!tpu.dma_semaphore, #tpu.memory_space<semaphore_mem>>)
    } else {
    }
    %gt3A_78 = arith.constant 1 : i32
    %gt3A_79 = arith.cmpi sgt, %sub3A_67, %gt3A_78 : i32
    %convert_element_type3A_80 = arith.extui %gt3A_79 : i1 to i32
    %cond3A_81 = arith.constant 0 : i32
    %cond3A_82 = arith.cmpi ne, %convert_element_type3A_80, %cond3A_81 : i32
    scf.if %cond3A_82 {
      %dma_start3A = arith.constant 1 : i32
      %dma_start3A_240 = arith.constant 1 : i32
      %dma_start3A_241 = arith.constant 0 : i32
      %dma_start3A_242 = arith.constant 0 : i32
      %dma_start3A_243 = tpu.memref_slice %arg9[%dma_start3A_240, %dma_start3A_241, %dma_start3A_242] : memref<4x80x128xf32, #tpu.memory_space<vmem>> -> memref<1x80x128xf32, #tpu.memory_space<vmem>>
      %dma_start3A_244 = tpu.memref_squeeze %dma_start3A_243 : memref<1x80x128xf32, #tpu.memory_space<vmem>> -> memref<80x128xf32, #tpu.memory_space<vmem>>
      %dma_start3A_245 = arith.constant 0 : i32
      %dma_start3A_246 = tpu.memref_slice %arg7[%dma_start3A, %dma_start3A_245] : memref<32x80xi32, #tpu.memory_space<vmem>> -> memref<1x80xi32, #tpu.memory_space<vmem>>
      %dma_start3A_247 = tpu.memref_squeeze %dma_start3A_246 : memref<1x80xi32, #tpu.memory_space<vmem>> -> memref<80xi32, #tpu.memory_space<vmem>>
      %dma_start3A_248 = arith.constant 0 : i32
      %dma_start3A_249 = arith.constant 0 : i32
      %dma_start3A_250 = tpu.memref_slice %arg2[%dma_start3A_248, %dma_start3A_249] : memref<10000x128xf32, #tpu.memory_space<hbm>> -> memref<10000x128xf32, #tpu.memory_space<hbm>>
      tpu.enqueue_indirect_dma source(%dma_start3A_250 : memref<10000x128xf32, #tpu.memory_space<hbm>>) target(%dma_start3A_244 : memref<80x128xf32, #tpu.memory_space<vmem>>) offsets(%dma_start3A_247 : memref<80xi32, #tpu.memory_space<vmem>>) semaphore(%arg12 : memref<!tpu.dma_semaphore, #tpu.memory_space<semaphore_mem>>)
    } else {
    }
    %gt3A_83 = arith.constant 2 : i32
    %gt3A_84 = arith.cmpi sgt, %sub3A_67, %gt3A_83 : i32
    %convert_element_type3A_85 = arith.extui %gt3A_84 : i1 to i32
    %cond3A_86 = arith.constant 0 : i32
    %cond3A_87 = arith.cmpi ne, %convert_element_type3A_85, %cond3A_86 : i32
    scf.if %cond3A_87 {
      %dma_start3A = arith.constant 2 : i32
      %dma_start3A_240 = arith.constant 2 : i32
      %dma_start3A_241 = arith.constant 0 : i32
      %dma_start3A_242 = arith.constant 0 : i32
      %dma_start3A_243 = tpu.memref_slice %arg9[%dma_start3A_240, %dma_start3A_241, %dma_start3A_242] : memref<4x80x128xf32, #tpu.memory_space<vmem>> -> memref<1x80x128xf32, #tpu.memory_space<vmem>>
      %dma_start3A_244 = tpu.memref_squeeze %dma_start3A_243 : memref<1x80x128xf32, #tpu.memory_space<vmem>> -> memref<80x128xf32, #tpu.memory_space<vmem>>
      %dma_start3A_245 = arith.constant 0 : i32
      %dma_start3A_246 = tpu.memref_slice %arg7[%dma_start3A, %dma_start3A_245] : memref<32x80xi32, #tpu.memory_space<vmem>> -> memref<1x80xi32, #tpu.memory_space<vmem>>
      %dma_start3A_247 = tpu.memref_squeeze %dma_start3A_246 : memref<1x80xi32, #tpu.memory_space<vmem>> -> memref<80xi32, #tpu.memory_space<vmem>>
      %dma_start3A_248 = arith.constant 0 : i32
      %dma_start3A_249 = arith.constant 0 : i32
      %dma_start3A_250 = tpu.memref_slice %arg2[%dma_start3A_248, %dma_start3A_249] : memref<10000x128xf32, #tpu.memory_space<hbm>> -> memref<10000x128xf32, #tpu.memory_space<hbm>>
      tpu.enqueue_indirect_dma source(%dma_start3A_250 : memref<10000x128xf32, #tpu.memory_space<hbm>>) target(%dma_start3A_244 : memref<80x128xf32, #tpu.memory_space<vmem>>) offsets(%dma_start3A_247 : memref<80xi32, #tpu.memory_space<vmem>>) semaphore(%arg13 : memref<!tpu.dma_semaphore, #tpu.memory_space<semaphore_mem>>)
    } else {
    }
    %gt3A_88 = arith.constant 3 : i32
    %gt3A_89 = arith.cmpi sgt, %sub3A_67, %gt3A_88 : i32
    %convert_element_type3A_90 = arith.extui %gt3A_89 : i1 to i32
    %cond3A_91 = arith.constant 0 : i32
    %cond3A_92 = arith.cmpi ne, %convert_element_type3A_90, %cond3A_91 : i32
    scf.if %cond3A_92 {
      %dma_start3A = arith.constant 3 : i32
      %dma_start3A_240 = arith.constant 3 : i32
      %dma_start3A_241 = arith.constant 0 : i32
      %dma_start3A_242 = arith.constant 0 : i32
      %dma_start3A_243 = tpu.memref_slice %arg9[%dma_start3A_240, %dma_start3A_241, %dma_start3A_242] : memref<4x80x128xf32, #tpu.memory_space<vmem>> -> memref<1x80x128xf32, #tpu.memory_space<vmem>>
      %dma_start3A_244 = tpu.memref_squeeze %dma_start3A_243 : memref<1x80x128xf32, #tpu.memory_space<vmem>> -> memref<80x128xf32, #tpu.memory_space<vmem>>
      %dma_start3A_245 = arith.constant 0 : i32
      %dma_start3A_246 = tpu.memref_slice %arg7[%dma_start3A, %dma_start3A_245] : memref<32x80xi32, #tpu.memory_space<vmem>> -> memref<1x80xi32, #tpu.memory_space<vmem>>
      %dma_start3A_247 = tpu.memref_squeeze %dma_start3A_246 : memref<1x80xi32, #tpu.memory_space<vmem>> -> memref<80xi32, #tpu.memory_space<vmem>>
      %dma_start3A_248 = arith.constant 0 : i32
      %dma_start3A_249 = arith.constant 0 : i32
      %dma_start3A_250 = tpu.memref_slice %arg2[%dma_start3A_248, %dma_start3A_249] : memref<10000x128xf32, #tpu.memory_space<hbm>> -> memref<10000x128xf32, #tpu.memory_space<hbm>>
      tpu.enqueue_indirect_dma source(%dma_start3A_250 : memref<10000x128xf32, #tpu.memory_space<hbm>>) target(%dma_start3A_244 : memref<80x128xf32, #tpu.memory_space<vmem>>) offsets(%dma_start3A_247 : memref<80xi32, #tpu.memory_space<vmem>>) semaphore(%arg14 : memref<!tpu.dma_semaphore, #tpu.memory_space<semaphore_mem>>)
    } else {
    }
    %scan3A_93 = arith.constant 0 : i32
    %scan3A_94 = arith.constant 0 : i32
    %scan3A_95 = arith.constant 7 : i32
    %scan3A_96 = arith.addi %scan3A_94, %scan3A_95 : i32
    %scan3A_97 = arith.constant 1 : i32
    scf.for %scan3A_240 = %scan3A_94 to %scan3A_96 step %scan3A_97  : i32 {
      %mul3A_241 = arith.constant 4 : i32
      %mul3A_242 = arith.muli %mul3A_241, %scan3A_240 : i32
      %add3A_243 = arith.constant 0 : i32
      %add3A_244 = arith.addi %mul3A_242, %add3A_243 : i32
      %lt3A = arith.cmpi slt, %add3A_244, %sub3A_67 : i32
      %convert_element_type3A_245 = arith.extui %lt3A : i1 to i32
      %cond3A_246 = arith.constant 0 : i32
      %cond3A_247 = arith.cmpi ne, %convert_element_type3A_245, %cond3A_246 : i32
      scf.if %cond3A_247 {
        %dma_wait3A = arith.constant 0 : i32
        %dma_wait3A_272 = arith.constant 0 : i32
        %dma_wait3A_273 = arith.constant 0 : i32
        %dma_wait3A_274 = tpu.memref_slice %arg9[%dma_wait3A, %dma_wait3A_272, %dma_wait3A_273] : memref<4x80x128xf32, #tpu.memory_space<vmem>> -> memref<1x80x128xf32, #tpu.memory_space<vmem>>
        %dma_wait3A_275 = tpu.memref_squeeze %dma_wait3A_274 : memref<1x80x128xf32, #tpu.memory_space<vmem>> -> memref<80x128xf32, #tpu.memory_space<vmem>>
        %dma_wait3A_276 = arith.constant 0 : i32
        %dma_wait3A_277 = tpu.memref_slice %arg7[%add3A_244, %dma_wait3A_276] : memref<32x80xi32, #tpu.memory_space<vmem>> -> memref<1x80xi32, #tpu.memory_space<vmem>>
        %dma_wait3A_278 = tpu.memref_squeeze %dma_wait3A_277 : memref<1x80xi32, #tpu.memory_space<vmem>> -> memref<80xi32, #tpu.memory_space<vmem>>
        %dma_wait3A_279 = arith.constant 0 : i32
        %dma_wait3A_280 = arith.constant 0 : i32
        %dma_wait3A_281 = tpu.memref_slice %arg2[%dma_wait3A_279, %dma_wait3A_280] : memref<10000x128xf32, #tpu.memory_space<hbm>> -> memref<10000x128xf32, #tpu.memory_space<hbm>>
        tpu.wait_indirect_dma semaphore(%arg11 : memref<!tpu.dma_semaphore, #tpu.memory_space<semaphore_mem>>) src(%dma_wait3A_281 : memref<10000x128xf32, #tpu.memory_space<hbm>>) dst(%dma_wait3A_275 : memref<80x128xf32, #tpu.memory_space<vmem>>)
        %dma_start3A = arith.constant 0 : i32
        %dma_start3A_282 = arith.constant 0 : i32
        %dma_start3A_283 = arith.constant 0 : i32
        %dma_start3A_284 = tpu.memref_slice %arg9[%dma_start3A, %dma_start3A_282, %dma_start3A_283] : memref<4x80x128xf32, #tpu.memory_space<vmem>> -> memref<1x80x128xf32, #tpu.memory_space<vmem>>
        %dma_start3A_285 = tpu.memref_squeeze %dma_start3A_284 : memref<1x80x128xf32, #tpu.memory_space<vmem>> -> memref<80x128xf32, #tpu.memory_space<vmem>>
        %dma_start3A_286 = arith.constant 0 : i32
        %dma_start3A_287 = tpu.memref_slice %arg8[%add3A_244, %dma_start3A_286] : memref<32x80xi32, #tpu.memory_space<vmem>> -> memref<1x80xi32, #tpu.memory_space<vmem>>
        %dma_start3A_288 = tpu.memref_squeeze %dma_start3A_287 : memref<1x80xi32, #tpu.memory_space<vmem>> -> memref<80xi32, #tpu.memory_space<vmem>>
        %dma_start3A_289 = arith.constant 0 : i32
        %dma_start3A_290 = arith.constant 0 : i32
        %dma_start3A_291 = tpu.memref_slice %arg10[%dma_start3A_289, %dma_start3A_290] : memref<10000x128xf32, #tpu.memory_space<vmem_shared>> -> memref<10000x128xf32, #tpu.memory_space<vmem_shared>>
        tpu.enqueue_indirect_dma source(%dma_start3A_285 : memref<80x128xf32, #tpu.memory_space<vmem>>) target(%dma_start3A_291 : memref<10000x128xf32, #tpu.memory_space<vmem_shared>>) offsets(%dma_start3A_288 : memref<80xi32, #tpu.memory_space<vmem>>) semaphore(%arg11 : memref<!tpu.dma_semaphore, #tpu.memory_space<semaphore_mem>>) {add = true}
        %dma_wait3A_292 = arith.constant 0 : i32
        %dma_wait3A_293 = arith.constant 0 : i32
        %dma_wait3A_294 = arith.constant 0 : i32
        %dma_wait3A_295 = tpu.memref_slice %arg9[%dma_wait3A_292, %dma_wait3A_293, %dma_wait3A_294] : memref<4x80x128xf32, #tpu.memory_space<vmem>> -> memref<1x80x128xf32, #tpu.memory_space<vmem>>
        %dma_wait3A_296 = tpu.memref_squeeze %dma_wait3A_295 : memref<1x80x128xf32, #tpu.memory_space<vmem>> -> memref<80x128xf32, #tpu.memory_space<vmem>>
        %dma_wait3A_297 = arith.constant 0 : i32
        %dma_wait3A_298 = tpu.memref_slice %arg8[%add3A_244, %dma_wait3A_297] : memref<32x80xi32, #tpu.memory_space<vmem>> -> memref<1x80xi32, #tpu.memory_space<vmem>>
        %dma_wait3A_299 = tpu.memref_squeeze %dma_wait3A_298 : memref<1x80xi32, #tpu.memory_space<vmem>> -> memref<80xi32, #tpu.memory_space<vmem>>
        %dma_wait3A_300 = arith.constant 0 : i32
        %dma_wait3A_301 = arith.constant 0 : i32
        %dma_wait3A_302 = tpu.memref_slice %arg10[%dma_wait3A_300, %dma_wait3A_301] : memref<10000x128xf32, #tpu.memory_space<vmem_shared>> -> memref<10000x128xf32, #tpu.memory_space<vmem_shared>>
        tpu.wait_indirect_dma semaphore(%arg11 : memref<!tpu.dma_semaphore, #tpu.memory_space<semaphore_mem>>) src(%dma_wait3A_296 : memref<80x128xf32, #tpu.memory_space<vmem>>) dst(%dma_wait3A_302 : memref<10000x128xf32, #tpu.memory_space<vmem_shared>>)
        %add3A_303 = arith.constant 4 : i32
        %add3A_304 = arith.addi %add3A_244, %add3A_303 : i32
        %lt3A_305 = arith.cmpi slt, %add3A_304, %sub3A_67 : i32
        %convert_element_type3A_306 = arith.extui %lt3A_305 : i1 to i32
        %cond3A_307 = arith.constant 0 : i32
        %cond3A_308 = arith.cmpi ne, %convert_element_type3A_306, %cond3A_307 : i32
        scf.if %cond3A_308 {
          %add3A_309 = arith.constant 4 : i32
          %add3A_310 = arith.addi %add3A_244, %add3A_309 : i32
          %dma_start3A_311 = arith.constant 0 : i32
          %dma_start3A_312 = arith.constant 0 : i32
          %dma_start3A_313 = arith.constant 0 : i32
          %dma_start3A_314 = tpu.memref_slice %arg9[%dma_start3A_311, %dma_start3A_312, %dma_start3A_313] : memref<4x80x128xf32, #tpu.memory_space<vmem>> -> memref<1x80x128xf32, #tpu.memory_space<vmem>>
          %dma_start3A_315 = tpu.memref_squeeze %dma_start3A_314 : memref<1x80x128xf32, #tpu.memory_space<vmem>> -> memref<80x128xf32, #tpu.memory_space<vmem>>
          %dma_start3A_316 = arith.constant 0 : i32
          %dma_start3A_317 = tpu.memref_slice %arg7[%add3A_310, %dma_start3A_316] : memref<32x80xi32, #tpu.memory_space<vmem>> -> memref<1x80xi32, #tpu.memory_space<vmem>>
          %dma_start3A_318 = tpu.memref_squeeze %dma_start3A_317 : memref<1x80xi32, #tpu.memory_space<vmem>> -> memref<80xi32, #tpu.memory_space<vmem>>
          %dma_start3A_319 = arith.constant 0 : i32
          %dma_start3A_320 = arith.constant 0 : i32
          %dma_start3A_321 = tpu.memref_slice %arg2[%dma_start3A_319, %dma_start3A_320] : memref<10000x128xf32, #tpu.memory_space<hbm>> -> memref<10000x128xf32, #tpu.memory_space<hbm>>
          tpu.enqueue_indirect_dma source(%dma_start3A_321 : memref<10000x128xf32, #tpu.memory_space<hbm>>) target(%dma_start3A_315 : memref<80x128xf32, #tpu.memory_space<vmem>>) offsets(%dma_start3A_318 : memref<80xi32, #tpu.memory_space<vmem>>) semaphore(%arg11 : memref<!tpu.dma_semaphore, #tpu.memory_space<semaphore_mem>>)
        } else {
        }
      } else {
      }
      %mul3A_248 = arith.constant 4 : i32
      %mul3A_249 = arith.muli %mul3A_248, %scan3A_240 : i32
      %add3A_250 = arith.constant 1 : i32
      %add3A_251 = arith.addi %mul3A_249, %add3A_250 : i32
      %lt3A_252 = arith.cmpi slt, %add3A_251, %sub3A_67 : i32
      %convert_element_type3A_253 = arith.extui %lt3A_252 : i1 to i32
      %cond3A_254 = arith.constant 0 : i32
      %cond3A_255 = arith.cmpi ne, %convert_element_type3A_253, %cond3A_254 : i32
      scf.if %cond3A_255 {
        %dma_wait3A = arith.constant 1 : i32
        %dma_wait3A_272 = arith.constant 0 : i32
        %dma_wait3A_273 = arith.constant 0 : i32
        %dma_wait3A_274 = tpu.memref_slice %arg9[%dma_wait3A, %dma_wait3A_272, %dma_wait3A_273] : memref<4x80x128xf32, #tpu.memory_space<vmem>> -> memref<1x80x128xf32, #tpu.memory_space<vmem>>
        %dma_wait3A_275 = tpu.memref_squeeze %dma_wait3A_274 : memref<1x80x128xf32, #tpu.memory_space<vmem>> -> memref<80x128xf32, #tpu.memory_space<vmem>>
        %dma_wait3A_276 = arith.constant 0 : i32
        %dma_wait3A_277 = tpu.memref_slice %arg7[%add3A_251, %dma_wait3A_276] : memref<32x80xi32, #tpu.memory_space<vmem>> -> memref<1x80xi32, #tpu.memory_space<vmem>>
        %dma_wait3A_278 = tpu.memref_squeeze %dma_wait3A_277 : memref<1x80xi32, #tpu.memory_space<vmem>> -> memref<80xi32, #tpu.memory_space<vmem>>
        %dma_wait3A_279 = arith.constant 0 : i32
        %dma_wait3A_280 = arith.constant 0 : i32
        %dma_wait3A_281 = tpu.memref_slice %arg2[%dma_wait3A_279, %dma_wait3A_280] : memref<10000x128xf32, #tpu.memory_space<hbm>> -> memref<10000x128xf32, #tpu.memory_space<hbm>>
        tpu.wait_indirect_dma semaphore(%arg12 : memref<!tpu.dma_semaphore, #tpu.memory_space<semaphore_mem>>) src(%dma_wait3A_281 : memref<10000x128xf32, #tpu.memory_space<hbm>>) dst(%dma_wait3A_275 : memref<80x128xf32, #tpu.memory_space<vmem>>)
        %dma_start3A = arith.constant 1 : i32
        %dma_start3A_282 = arith.constant 0 : i32
        %dma_start3A_283 = arith.constant 0 : i32
        %dma_start3A_284 = tpu.memref_slice %arg9[%dma_start3A, %dma_start3A_282, %dma_start3A_283] : memref<4x80x128xf32, #tpu.memory_space<vmem>> -> memref<1x80x128xf32, #tpu.memory_space<vmem>>
        %dma_start3A_285 = tpu.memref_squeeze %dma_start3A_284 : memref<1x80x128xf32, #tpu.memory_space<vmem>> -> memref<80x128xf32, #tpu.memory_space<vmem>>
        %dma_start3A_286 = arith.constant 0 : i32
        %dma_start3A_287 = tpu.memref_slice %arg8[%add3A_251, %dma_start3A_286] : memref<32x80xi32, #tpu.memory_space<vmem>> -> memref<1x80xi32, #tpu.memory_space<vmem>>
        %dma_start3A_288 = tpu.memref_squeeze %dma_start3A_287 : memref<1x80xi32, #tpu.memory_space<vmem>> -> memref<80xi32, #tpu.memory_space<vmem>>
        %dma_start3A_289 = arith.constant 0 : i32
        %dma_start3A_290 = arith.constant 0 : i32
        %dma_start3A_291 = tpu.memref_slice %arg10[%dma_start3A_289, %dma_start3A_290] : memref<10000x128xf32, #tpu.memory_space<vmem_shared>> -> memref<10000x128xf32, #tpu.memory_space<vmem_shared>>
        tpu.enqueue_indirect_dma source(%dma_start3A_285 : memref<80x128xf32, #tpu.memory_space<vmem>>) target(%dma_start3A_291 : memref<10000x128xf32, #tpu.memory_space<vmem_shared>>) offsets(%dma_start3A_288 : memref<80xi32, #tpu.memory_space<vmem>>) semaphore(%arg12 : memref<!tpu.dma_semaphore, #tpu.memory_space<semaphore_mem>>) {add = true}
        %dma_wait3A_292 = arith.constant 1 : i32
        %dma_wait3A_293 = arith.constant 0 : i32
        %dma_wait3A_294 = arith.constant 0 : i32
        %dma_wait3A_295 = tpu.memref_slice %arg9[%dma_wait3A_292, %dma_wait3A_293, %dma_wait3A_294] : memref<4x80x128xf32, #tpu.memory_space<vmem>> -> memref<1x80x128xf32, #tpu.memory_space<vmem>>
        %dma_wait3A_296 = tpu.memref_squeeze %dma_wait3A_295 : memref<1x80x128xf32, #tpu.memory_space<vmem>> -> memref<80x128xf32, #tpu.memory_space<vmem>>
        %dma_wait3A_297 = arith.constant 0 : i32
        %dma_wait3A_298 = tpu.memref_slice %arg8[%add3A_251, %dma_wait3A_297] : memref<32x80xi32, #tpu.memory_space<vmem>> -> memref<1x80xi32, #tpu.memory_space<vmem>>
        %dma_wait3A_299 = tpu.memref_squeeze %dma_wait3A_298 : memref<1x80xi32, #tpu.memory_space<vmem>> -> memref<80xi32, #tpu.memory_space<vmem>>
        %dma_wait3A_300 = arith.constant 0 : i32
        %dma_wait3A_301 = arith.constant 0 : i32
        %dma_wait3A_302 = tpu.memref_slice %arg10[%dma_wait3A_300, %dma_wait3A_301] : memref<10000x128xf32, #tpu.memory_space<vmem_shared>> -> memref<10000x128xf32, #tpu.memory_space<vmem_shared>>
        tpu.wait_indirect_dma semaphore(%arg12 : memref<!tpu.dma_semaphore, #tpu.memory_space<semaphore_mem>>) src(%dma_wait3A_296 : memref<80x128xf32, #tpu.memory_space<vmem>>) dst(%dma_wait3A_302 : memref<10000x128xf32, #tpu.memory_space<vmem_shared>>)
        %add3A_303 = arith.constant 4 : i32
        %add3A_304 = arith.addi %add3A_251, %add3A_303 : i32
        %lt3A_305 = arith.cmpi slt, %add3A_304, %sub3A_67 : i32
        %convert_element_type3A_306 = arith.extui %lt3A_305 : i1 to i32
        %cond3A_307 = arith.constant 0 : i32
        %cond3A_308 = arith.cmpi ne, %convert_element_type3A_306, %cond3A_307 : i32
        scf.if %cond3A_308 {
          %add3A_309 = arith.constant 4 : i32
          %add3A_310 = arith.addi %add3A_251, %add3A_309 : i32
          %dma_start3A_311 = arith.constant 1 : i32
          %dma_start3A_312 = arith.constant 0 : i32
          %dma_start3A_313 = arith.constant 0 : i32
          %dma_start3A_314 = tpu.memref_slice %arg9[%dma_start3A_311, %dma_start3A_312, %dma_start3A_313] : memref<4x80x128xf32, #tpu.memory_space<vmem>> -> memref<1x80x128xf32, #tpu.memory_space<vmem>>
          %dma_start3A_315 = tpu.memref_squeeze %dma_start3A_314 : memref<1x80x128xf32, #tpu.memory_space<vmem>> -> memref<80x128xf32, #tpu.memory_space<vmem>>
          %dma_start3A_316 = arith.constant 0 : i32
          %dma_start3A_317 = tpu.memref_slice %arg7[%add3A_310, %dma_start3A_316] : memref<32x80xi32, #tpu.memory_space<vmem>> -> memref<1x80xi32, #tpu.memory_space<vmem>>
          %dma_start3A_318 = tpu.memref_squeeze %dma_start3A_317 : memref<1x80xi32, #tpu.memory_space<vmem>> -> memref<80xi32, #tpu.memory_space<vmem>>
          %dma_start3A_319 = arith.constant 0 : i32
          %dma_start3A_320 = arith.constant 0 : i32
          %dma_start3A_321 = tpu.memref_slice %arg2[%dma_start3A_319, %dma_start3A_320] : memref<10000x128xf32, #tpu.memory_space<hbm>> -> memref<10000x128xf32, #tpu.memory_space<hbm>>
          tpu.enqueue_indirect_dma source(%dma_start3A_321 : memref<10000x128xf32, #tpu.memory_space<hbm>>) target(%dma_start3A_315 : memref<80x128xf32, #tpu.memory_space<vmem>>) offsets(%dma_start3A_318 : memref<80xi32, #tpu.memory_space<vmem>>) semaphore(%arg12 : memref<!tpu.dma_semaphore, #tpu.memory_space<semaphore_mem>>)
        } else {
        }
      } else {
      }
      %mul3A_256 = arith.constant 4 : i32
      %mul3A_257 = arith.muli %mul3A_256, %scan3A_240 : i32
      %add3A_258 = arith.constant 2 : i32
      %add3A_259 = arith.addi %mul3A_257, %add3A_258 : i32
      %lt3A_260 = arith.cmpi slt, %add3A_259, %sub3A_67 : i32
      %convert_element_type3A_261 = arith.extui %lt3A_260 : i1 to i32
      %cond3A_262 = arith.constant 0 : i32
      %cond3A_263 = arith.cmpi ne, %convert_element_type3A_261, %cond3A_262 : i32
      scf.if %cond3A_263 {
        %dma_wait3A = arith.constant 2 : i32
        %dma_wait3A_272 = arith.constant 0 : i32
        %dma_wait3A_273 = arith.constant 0 : i32
        %dma_wait3A_274 = tpu.memref_slice %arg9[%dma_wait3A, %dma_wait3A_272, %dma_wait3A_273] : memref<4x80x128xf32, #tpu.memory_space<vmem>> -> memref<1x80x128xf32, #tpu.memory_space<vmem>>
        %dma_wait3A_275 = tpu.memref_squeeze %dma_wait3A_274 : memref<1x80x128xf32, #tpu.memory_space<vmem>> -> memref<80x128xf32, #tpu.memory_space<vmem>>
        %dma_wait3A_276 = arith.constant 0 : i32
        %dma_wait3A_277 = tpu.memref_slice %arg7[%add3A_259, %dma_wait3A_276] : memref<32x80xi32, #tpu.memory_space<vmem>> -> memref<1x80xi32, #tpu.memory_space<vmem>>
        %dma_wait3A_278 = tpu.memref_squeeze %dma_wait3A_277 : memref<1x80xi32, #tpu.memory_space<vmem>> -> memref<80xi32, #tpu.memory_space<vmem>>
        %dma_wait3A_279 = arith.constant 0 : i32
        %dma_wait3A_280 = arith.constant 0 : i32
        %dma_wait3A_281 = tpu.memref_slice %arg2[%dma_wait3A_279, %dma_wait3A_280] : memref<10000x128xf32, #tpu.memory_space<hbm>> -> memref<10000x128xf32, #tpu.memory_space<hbm>>
        tpu.wait_indirect_dma semaphore(%arg13 : memref<!tpu.dma_semaphore, #tpu.memory_space<semaphore_mem>>) src(%dma_wait3A_281 : memref<10000x128xf32, #tpu.memory_space<hbm>>) dst(%dma_wait3A_275 : memref<80x128xf32, #tpu.memory_space<vmem>>)
        %dma_start3A = arith.constant 2 : i32
        %dma_start3A_282 = arith.constant 0 : i32
        %dma_start3A_283 = arith.constant 0 : i32
        %dma_start3A_284 = tpu.memref_slice %arg9[%dma_start3A, %dma_start3A_282, %dma_start3A_283] : memref<4x80x128xf32, #tpu.memory_space<vmem>> -> memref<1x80x128xf32, #tpu.memory_space<vmem>>
        %dma_start3A_285 = tpu.memref_squeeze %dma_start3A_284 : memref<1x80x128xf32, #tpu.memory_space<vmem>> -> memref<80x128xf32, #tpu.memory_space<vmem>>
        %dma_start3A_286 = arith.constant 0 : i32
        %dma_start3A_287 = tpu.memref_slice %arg8[%add3A_259, %dma_start3A_286] : memref<32x80xi32, #tpu.memory_space<vmem>> -> memref<1x80xi32, #tpu.memory_space<vmem>>
        %dma_start3A_288 = tpu.memref_squeeze %dma_start3A_287 : memref<1x80xi32, #tpu.memory_space<vmem>> -> memref<80xi32, #tpu.memory_space<vmem>>
        %dma_start3A_289 = arith.constant 0 : i32
        %dma_start3A_290 = arith.constant 0 : i32
        %dma_start3A_291 = tpu.memref_slice %arg10[%dma_start3A_289, %dma_start3A_290] : memref<10000x128xf32, #tpu.memory_space<vmem_shared>> -> memref<10000x128xf32, #tpu.memory_space<vmem_shared>>
        tpu.enqueue_indirect_dma source(%dma_start3A_285 : memref<80x128xf32, #tpu.memory_space<vmem>>) target(%dma_start3A_291 : memref<10000x128xf32, #tpu.memory_space<vmem_shared>>) offsets(%dma_start3A_288 : memref<80xi32, #tpu.memory_space<vmem>>) semaphore(%arg13 : memref<!tpu.dma_semaphore, #tpu.memory_space<semaphore_mem>>) {add = true}
        %dma_wait3A_292 = arith.constant 2 : i32
        %dma_wait3A_293 = arith.constant 0 : i32
        %dma_wait3A_294 = arith.constant 0 : i32
        %dma_wait3A_295 = tpu.memref_slice %arg9[%dma_wait3A_292, %dma_wait3A_293, %dma_wait3A_294] : memref<4x80x128xf32, #tpu.memory_space<vmem>> -> memref<1x80x128xf32, #tpu.memory_space<vmem>>
        %dma_wait3A_296 = tpu.memref_squeeze %dma_wait3A_295 : memref<1x80x128xf32, #tpu.memory_space<vmem>> -> memref<80x128xf32, #tpu.memory_space<vmem>>
        %dma_wait3A_297 = arith.constant 0 : i32
        %dma_wait3A_298 = tpu.memref_slice %arg8[%add3A_259, %dma_wait3A_297] : memref<32x80xi32, #tpu.memory_space<vmem>> -> memref<1x80xi32, #tpu.memory_space<vmem>>
        %dma_wait3A_299 = tpu.memref_squeeze %dma_wait3A_298 : memref<1x80xi32, #tpu.memory_space<vmem>> -> memref<80xi32, #tpu.memory_space<vmem>>
        %dma_wait3A_300 = arith.constant 0 : i32
        %dma_wait3A_301 = arith.constant 0 : i32
        %dma_wait3A_302 = tpu.memref_slice %arg10[%dma_wait3A_300, %dma_wait3A_301] : memref<10000x128xf32, #tpu.memory_space<vmem_shared>> -> memref<10000x128xf32, #tpu.memory_space<vmem_shared>>
        tpu.wait_indirect_dma semaphore(%arg13 : memref<!tpu.dma_semaphore, #tpu.memory_space<semaphore_mem>>) src(%dma_wait3A_296 : memref<80x128xf32, #tpu.memory_space<vmem>>) dst(%dma_wait3A_302 : memref<10000x128xf32, #tpu.memory_space<vmem_shared>>)
        %add3A_303 = arith.constant 4 : i32
        %add3A_304 = arith.addi %add3A_259, %add3A_303 : i32
        %lt3A_305 = arith.cmpi slt, %add3A_304, %sub3A_67 : i32
        %convert_element_type3A_306 = arith.extui %lt3A_305 : i1 to i32
        %cond3A_307 = arith.constant 0 : i32
        %cond3A_308 = arith.cmpi ne, %convert_element_type3A_306, %cond3A_307 : i32
        scf.if %cond3A_308 {
          %add3A_309 = arith.constant 4 : i32
          %add3A_310 = arith.addi %add3A_259, %add3A_309 : i32
          %dma_start3A_311 = arith.constant 2 : i32
          %dma_start3A_312 = arith.constant 0 : i32
          %dma_start3A_313 = arith.constant 0 : i32
          %dma_start3A_314 = tpu.memref_slice %arg9[%dma_start3A_311, %dma_start3A_312, %dma_start3A_313] : memref<4x80x128xf32, #tpu.memory_space<vmem>> -> memref<1x80x128xf32, #tpu.memory_space<vmem>>
          %dma_start3A_315 = tpu.memref_squeeze %dma_start3A_314 : memref<1x80x128xf32, #tpu.memory_space<vmem>> -> memref<80x128xf32, #tpu.memory_space<vmem>>
          %dma_start3A_316 = arith.constant 0 : i32
          %dma_start3A_317 = tpu.memref_slice %arg7[%add3A_310, %dma_start3A_316] : memref<32x80xi32, #tpu.memory_space<vmem>> -> memref<1x80xi32, #tpu.memory_space<vmem>>
          %dma_start3A_318 = tpu.memref_squeeze %dma_start3A_317 : memref<1x80xi32, #tpu.memory_space<vmem>> -> memref<80xi32, #tpu.memory_space<vmem>>
          %dma_start3A_319 = arith.constant 0 : i32
          %dma_start3A_320 = arith.constant 0 : i32
          %dma_start3A_321 = tpu.memref_slice %arg2[%dma_start3A_319, %dma_start3A_320] : memref<10000x128xf32, #tpu.memory_space<hbm>> -> memref<10000x128xf32, #tpu.memory_space<hbm>>
          tpu.enqueue_indirect_dma source(%dma_start3A_321 : memref<10000x128xf32, #tpu.memory_space<hbm>>) target(%dma_start3A_315 : memref<80x128xf32, #tpu.memory_space<vmem>>) offsets(%dma_start3A_318 : memref<80xi32, #tpu.memory_space<vmem>>) semaphore(%arg13 : memref<!tpu.dma_semaphore, #tpu.memory_space<semaphore_mem>>)
        } else {
        }
      } else {
      }
      %mul3A_264 = arith.constant 4 : i32
      %mul3A_265 = arith.muli %mul3A_264, %scan3A_240 : i32
      %add3A_266 = arith.constant 3 : i32
      %add3A_267 = arith.addi %mul3A_265, %add3A_266 : i32
      %lt3A_268 = arith.cmpi slt, %add3A_267, %sub3A_67 : i32
      %convert_element_type3A_269 = arith.extui %lt3A_268 : i1 to i32
      %cond3A_270 = arith.constant 0 : i32
      %cond3A_271 = arith.cmpi ne, %convert_element_type3A_269, %cond3A_270 : i32
      scf.if %cond3A_271 {
        %dma_wait3A = arith.constant 3 : i32
        %dma_wait3A_272 = arith.constant 0 : i32
        %dma_wait3A_273 = arith.constant 0 : i32
        %dma_wait3A_274 = tpu.memref_slice %arg9[%dma_wait3A, %dma_wait3A_272, %dma_wait3A_273] : memref<4x80x128xf32, #tpu.memory_space<vmem>> -> memref<1x80x128xf32, #tpu.memory_space<vmem>>
        %dma_wait3A_275 = tpu.memref_squeeze %dma_wait3A_274 : memref<1x80x128xf32, #tpu.memory_space<vmem>> -> memref<80x128xf32, #tpu.memory_space<vmem>>
        %dma_wait3A_276 = arith.constant 0 : i32
        %dma_wait3A_277 = tpu.memref_slice %arg7[%add3A_267, %dma_wait3A_276] : memref<32x80xi32, #tpu.memory_space<vmem>> -> memref<1x80xi32, #tpu.memory_space<vmem>>
        %dma_wait3A_278 = tpu.memref_squeeze %dma_wait3A_277 : memref<1x80xi32, #tpu.memory_space<vmem>> -> memref<80xi32, #tpu.memory_space<vmem>>
        %dma_wait3A_279 = arith.constant 0 : i32
        %dma_wait3A_280 = arith.constant 0 : i32
        %dma_wait3A_281 = tpu.memref_slice %arg2[%dma_wait3A_279, %dma_wait3A_280] : memref<10000x128xf32, #tpu.memory_space<hbm>> -> memref<10000x128xf32, #tpu.memory_space<hbm>>
        tpu.wait_indirect_dma semaphore(%arg14 : memref<!tpu.dma_semaphore, #tpu.memory_space<semaphore_mem>>) src(%dma_wait3A_281 : memref<10000x128xf32, #tpu.memory_space<hbm>>) dst(%dma_wait3A_275 : memref<80x128xf32, #tpu.memory_space<vmem>>)
        %dma_start3A = arith.constant 3 : i32
        %dma_start3A_282 = arith.constant 0 : i32
        %dma_start3A_283 = arith.constant 0 : i32
        %dma_start3A_284 = tpu.memref_slice %arg9[%dma_start3A, %dma_start3A_282, %dma_start3A_283] : memref<4x80x128xf32, #tpu.memory_space<vmem>> -> memref<1x80x128xf32, #tpu.memory_space<vmem>>
        %dma_start3A_285 = tpu.memref_squeeze %dma_start3A_284 : memref<1x80x128xf32, #tpu.memory_space<vmem>> -> memref<80x128xf32, #tpu.memory_space<vmem>>
        %dma_start3A_286 = arith.constant 0 : i32
        %dma_start3A_287 = tpu.memref_slice %arg8[%add3A_267, %dma_start3A_286] : memref<32x80xi32, #tpu.memory_space<vmem>> -> memref<1x80xi32, #tpu.memory_space<vmem>>
        %dma_start3A_288 = tpu.memref_squeeze %dma_start3A_287 : memref<1x80xi32, #tpu.memory_space<vmem>> -> memref<80xi32, #tpu.memory_space<vmem>>
        %dma_start3A_289 = arith.constant 0 : i32
        %dma_start3A_290 = arith.constant 0 : i32
        %dma_start3A_291 = tpu.memref_slice %arg10[%dma_start3A_289, %dma_start3A_290] : memref<10000x128xf32, #tpu.memory_space<vmem_shared>> -> memref<10000x128xf32, #tpu.memory_space<vmem_shared>>
        tpu.enqueue_indirect_dma source(%dma_start3A_285 : memref<80x128xf32, #tpu.memory_space<vmem>>) target(%dma_start3A_291 : memref<10000x128xf32, #tpu.memory_space<vmem_shared>>) offsets(%dma_start3A_288 : memref<80xi32, #tpu.memory_space<vmem>>) semaphore(%arg14 : memref<!tpu.dma_semaphore, #tpu.memory_space<semaphore_mem>>) {add = true}
        %dma_wait3A_292 = arith.constant 3 : i32
        %dma_wait3A_293 = arith.constant 0 : i32
        %dma_wait3A_294 = arith.constant 0 : i32
        %dma_wait3A_295 = tpu.memref_slice %arg9[%dma_wait3A_292, %dma_wait3A_293, %dma_wait3A_294] : memref<4x80x128xf32, #tpu.memory_space<vmem>> -> memref<1x80x128xf32, #tpu.memory_space<vmem>>
        %dma_wait3A_296 = tpu.memref_squeeze %dma_wait3A_295 : memref<1x80x128xf32, #tpu.memory_space<vmem>> -> memref<80x128xf32, #tpu.memory_space<vmem>>
        %dma_wait3A_297 = arith.constant 0 : i32
        %dma_wait3A_298 = tpu.memref_slice %arg8[%add3A_267, %dma_wait3A_297] : memref<32x80xi32, #tpu.memory_space<vmem>> -> memref<1x80xi32, #tpu.memory_space<vmem>>
        %dma_wait3A_299 = tpu.memref_squeeze %dma_wait3A_298 : memref<1x80xi32, #tpu.memory_space<vmem>> -> memref<80xi32, #tpu.memory_space<vmem>>
        %dma_wait3A_300 = arith.constant 0 : i32
        %dma_wait3A_301 = arith.constant 0 : i32
        %dma_wait3A_302 = tpu.memref_slice %arg10[%dma_wait3A_300, %dma_wait3A_301] : memref<10000x128xf32, #tpu.memory_space<vmem_shared>> -> memref<10000x128xf32, #tpu.memory_space<vmem_shared>>
        tpu.wait_indirect_dma semaphore(%arg14 : memref<!tpu.dma_semaphore, #tpu.memory_space<semaphore_mem>>) src(%dma_wait3A_296 : memref<80x128xf32, #tpu.memory_space<vmem>>) dst(%dma_wait3A_302 : memref<10000x128xf32, #tpu.memory_space<vmem_shared>>)
        %add3A_303 = arith.constant 4 : i32
        %add3A_304 = arith.addi %add3A_267, %add3A_303 : i32
        %lt3A_305 = arith.cmpi slt, %add3A_304, %sub3A_67 : i32
        %convert_element_type3A_306 = arith.extui %lt3A_305 : i1 to i32
        %cond3A_307 = arith.constant 0 : i32
        %cond3A_308 = arith.cmpi ne, %convert_element_type3A_306, %cond3A_307 : i32
        scf.if %cond3A_308 {
          %add3A_309 = arith.constant 4 : i32
          %add3A_310 = arith.addi %add3A_267, %add3A_309 : i32
          %dma_start3A_311 = arith.constant 3 : i32
          %dma_start3A_312 = arith.constant 0 : i32
          %dma_start3A_313 = arith.constant 0 : i32
          %dma_start3A_314 = tpu.memref_slice %arg9[%dma_start3A_311, %dma_start3A_312, %dma_start3A_313] : memref<4x80x128xf32, #tpu.memory_space<vmem>> -> memref<1x80x128xf32, #tpu.memory_space<vmem>>
          %dma_start3A_315 = tpu.memref_squeeze %dma_start3A_314 : memref<1x80x128xf32, #tpu.memory_space<vmem>> -> memref<80x128xf32, #tpu.memory_space<vmem>>
          %dma_start3A_316 = arith.constant 0 : i32
          %dma_start3A_317 = tpu.memref_slice %arg7[%add3A_310, %dma_start3A_316] : memref<32x80xi32, #tpu.memory_space<vmem>> -> memref<1x80xi32, #tpu.memory_space<vmem>>
          %dma_start3A_318 = tpu.memref_squeeze %dma_start3A_317 : memref<1x80xi32, #tpu.memory_space<vmem>> -> memref<80xi32, #tpu.memory_space<vmem>>
          %dma_start3A_319 = arith.constant 0 : i32
          %dma_start3A_320 = arith.constant 0 : i32
          %dma_start3A_321 = tpu.memref_slice %arg2[%dma_start3A_319, %dma_start3A_320] : memref<10000x128xf32, #tpu.memory_space<hbm>> -> memref<10000x128xf32, #tpu.memory_space<hbm>>
          tpu.enqueue_indirect_dma source(%dma_start3A_321 : memref<10000x128xf32, #tpu.memory_space<hbm>>) target(%dma_start3A_315 : memref<80x128xf32, #tpu.memory_space<vmem>>) offsets(%dma_start3A_318 : memref<80xi32, #tpu.memory_space<vmem>>) semaphore(%arg14 : memref<!tpu.dma_semaphore, #tpu.memory_space<semaphore_mem>>)
        } else {
        }
      } else {
      }
    }
    %scan3A_98 = arith.constant 7 : i32
    %gt3A_99 = arith.constant 28 : i32
    %gt3A_100 = arith.cmpi sgt, %sub3A_67, %gt3A_99 : i32
    %convert_element_type3A_101 = arith.extui %gt3A_100 : i1 to i32
    %cond3A_102 = arith.constant 0 : i32
    %cond3A_103 = arith.cmpi ne, %convert_element_type3A_101, %cond3A_102 : i32
    scf.if %cond3A_103 {
      %dma_wait3A = arith.constant 28 : i32
      %dma_wait3A_240 = arith.constant 0 : i32
      %dma_wait3A_241 = arith.constant 0 : i32
      %dma_wait3A_242 = arith.constant 0 : i32
      %dma_wait3A_243 = tpu.memref_slice %arg9[%dma_wait3A_240, %dma_wait3A_241, %dma_wait3A_242] : memref<4x80x128xf32, #tpu.memory_space<vmem>> -> memref<1x80x128xf32, #tpu.memory_space<vmem>>
      %dma_wait3A_244 = tpu.memref_squeeze %dma_wait3A_243 : memref<1x80x128xf32, #tpu.memory_space<vmem>> -> memref<80x128xf32, #tpu.memory_space<vmem>>
      %dma_wait3A_245 = arith.constant 0 : i32
      %dma_wait3A_246 = tpu.memref_slice %arg7[%dma_wait3A, %dma_wait3A_245] : memref<32x80xi32, #tpu.memory_space<vmem>> -> memref<1x80xi32, #tpu.memory_space<vmem>>
      %dma_wait3A_247 = tpu.memref_squeeze %dma_wait3A_246 : memref<1x80xi32, #tpu.memory_space<vmem>> -> memref<80xi32, #tpu.memory_space<vmem>>
      %dma_wait3A_248 = arith.constant 0 : i32
      %dma_wait3A_249 = arith.constant 0 : i32
      %dma_wait3A_250 = tpu.memref_slice %arg2[%dma_wait3A_248, %dma_wait3A_249] : memref<10000x128xf32, #tpu.memory_space<hbm>> -> memref<10000x128xf32, #tpu.memory_space<hbm>>
      tpu.wait_indirect_dma semaphore(%arg11 : memref<!tpu.dma_semaphore, #tpu.memory_space<semaphore_mem>>) src(%dma_wait3A_250 : memref<10000x128xf32, #tpu.memory_space<hbm>>) dst(%dma_wait3A_244 : memref<80x128xf32, #tpu.memory_space<vmem>>)
      %dma_start3A = arith.constant 0 : i32
      %dma_start3A_251 = arith.constant 28 : i32
      %dma_start3A_252 = arith.constant 0 : i32
      %dma_start3A_253 = arith.constant 0 : i32
      %dma_start3A_254 = tpu.memref_slice %arg9[%dma_start3A, %dma_start3A_252, %dma_start3A_253] : memref<4x80x128xf32, #tpu.memory_space<vmem>> -> memref<1x80x128xf32, #tpu.memory_space<vmem>>
      %dma_start3A_255 = tpu.memref_squeeze %dma_start3A_254 : memref<1x80x128xf32, #tpu.memory_space<vmem>> -> memref<80x128xf32, #tpu.memory_space<vmem>>
      %dma_start3A_256 = arith.constant 0 : i32
      %dma_start3A_257 = tpu.memref_slice %arg8[%dma_start3A_251, %dma_start3A_256] : memref<32x80xi32, #tpu.memory_space<vmem>> -> memref<1x80xi32, #tpu.memory_space<vmem>>
      %dma_start3A_258 = tpu.memref_squeeze %dma_start3A_257 : memref<1x80xi32, #tpu.memory_space<vmem>> -> memref<80xi32, #tpu.memory_space<vmem>>
      %dma_start3A_259 = arith.constant 0 : i32
      %dma_start3A_260 = arith.constant 0 : i32
      %dma_start3A_261 = tpu.memref_slice %arg10[%dma_start3A_259, %dma_start3A_260] : memref<10000x128xf32, #tpu.memory_space<vmem_shared>> -> memref<10000x128xf32, #tpu.memory_space<vmem_shared>>
      tpu.enqueue_indirect_dma source(%dma_start3A_255 : memref<80x128xf32, #tpu.memory_space<vmem>>) target(%dma_start3A_261 : memref<10000x128xf32, #tpu.memory_space<vmem_shared>>) offsets(%dma_start3A_258 : memref<80xi32, #tpu.memory_space<vmem>>) semaphore(%arg11 : memref<!tpu.dma_semaphore, #tpu.memory_space<semaphore_mem>>) {add = true}
      %dma_wait3A_262 = arith.constant 0 : i32
      %dma_wait3A_263 = arith.constant 28 : i32
      %dma_wait3A_264 = arith.constant 0 : i32
      %dma_wait3A_265 = arith.constant 0 : i32
      %dma_wait3A_266 = tpu.memref_slice %arg9[%dma_wait3A_262, %dma_wait3A_264, %dma_wait3A_265] : memref<4x80x128xf32, #tpu.memory_space<vmem>> -> memref<1x80x128xf32, #tpu.memory_space<vmem>>
      %dma_wait3A_267 = tpu.memref_squeeze %dma_wait3A_266 : memref<1x80x128xf32, #tpu.memory_space<vmem>> -> memref<80x128xf32, #tpu.memory_space<vmem>>
      %dma_wait3A_268 = arith.constant 0 : i32
      %dma_wait3A_269 = tpu.memref_slice %arg8[%dma_wait3A_263, %dma_wait3A_268] : memref<32x80xi32, #tpu.memory_space<vmem>> -> memref<1x80xi32, #tpu.memory_space<vmem>>
      %dma_wait3A_270 = tpu.memref_squeeze %dma_wait3A_269 : memref<1x80xi32, #tpu.memory_space<vmem>> -> memref<80xi32, #tpu.memory_space<vmem>>
      %dma_wait3A_271 = arith.constant 0 : i32
      %dma_wait3A_272 = arith.constant 0 : i32
      %dma_wait3A_273 = tpu.memref_slice %arg10[%dma_wait3A_271, %dma_wait3A_272] : memref<10000x128xf32, #tpu.memory_space<vmem_shared>> -> memref<10000x128xf32, #tpu.memory_space<vmem_shared>>
      tpu.wait_indirect_dma semaphore(%arg11 : memref<!tpu.dma_semaphore, #tpu.memory_space<semaphore_mem>>) src(%dma_wait3A_267 : memref<80x128xf32, #tpu.memory_space<vmem>>) dst(%dma_wait3A_273 : memref<10000x128xf32, #tpu.memory_space<vmem_shared>>)
    } else {
    }
    %gt3A_104 = arith.constant 29 : i32
    %gt3A_105 = arith.cmpi sgt, %sub3A_67, %gt3A_104 : i32
    %convert_element_type3A_106 = arith.extui %gt3A_105 : i1 to i32
    %cond3A_107 = arith.constant 0 : i32
    %cond3A_108 = arith.cmpi ne, %convert_element_type3A_106, %cond3A_107 : i32
    scf.if %cond3A_108 {
      %dma_wait3A = arith.constant 29 : i32
      %dma_wait3A_240 = arith.constant 1 : i32
      %dma_wait3A_241 = arith.constant 0 : i32
      %dma_wait3A_242 = arith.constant 0 : i32
      %dma_wait3A_243 = tpu.memref_slice %arg9[%dma_wait3A_240, %dma_wait3A_241, %dma_wait3A_242] : memref<4x80x128xf32, #tpu.memory_space<vmem>> -> memref<1x80x128xf32, #tpu.memory_space<vmem>>
      %dma_wait3A_244 = tpu.memref_squeeze %dma_wait3A_243 : memref<1x80x128xf32, #tpu.memory_space<vmem>> -> memref<80x128xf32, #tpu.memory_space<vmem>>
      %dma_wait3A_245 = arith.constant 0 : i32
      %dma_wait3A_246 = tpu.memref_slice %arg7[%dma_wait3A, %dma_wait3A_245] : memref<32x80xi32, #tpu.memory_space<vmem>> -> memref<1x80xi32, #tpu.memory_space<vmem>>
      %dma_wait3A_247 = tpu.memref_squeeze %dma_wait3A_246 : memref<1x80xi32, #tpu.memory_space<vmem>> -> memref<80xi32, #tpu.memory_space<vmem>>
      %dma_wait3A_248 = arith.constant 0 : i32
      %dma_wait3A_249 = arith.constant 0 : i32
      %dma_wait3A_250 = tpu.memref_slice %arg2[%dma_wait3A_248, %dma_wait3A_249] : memref<10000x128xf32, #tpu.memory_space<hbm>> -> memref<10000x128xf32, #tpu.memory_space<hbm>>
      tpu.wait_indirect_dma semaphore(%arg12 : memref<!tpu.dma_semaphore, #tpu.memory_space<semaphore_mem>>) src(%dma_wait3A_250 : memref<10000x128xf32, #tpu.memory_space<hbm>>) dst(%dma_wait3A_244 : memref<80x128xf32, #tpu.memory_space<vmem>>)
      %dma_start3A = arith.constant 1 : i32
      %dma_start3A_251 = arith.constant 29 : i32
      %dma_start3A_252 = arith.constant 0 : i32
      %dma_start3A_253 = arith.constant 0 : i32
      %dma_start3A_254 = tpu.memref_slice %arg9[%dma_start3A, %dma_start3A_252, %dma_start3A_253] : memref<4x80x128xf32, #tpu.memory_space<vmem>> -> memref<1x80x128xf32, #tpu.memory_space<vmem>>
      %dma_start3A_255 = tpu.memref_squeeze %dma_start3A_254 : memref<1x80x128xf32, #tpu.memory_space<vmem>> -> memref<80x128xf32, #tpu.memory_space<vmem>>
      %dma_start3A_256 = arith.constant 0 : i32
      %dma_start3A_257 = tpu.memref_slice %arg8[%dma_start3A_251, %dma_start3A_256] : memref<32x80xi32, #tpu.memory_space<vmem>> -> memref<1x80xi32, #tpu.memory_space<vmem>>
      %dma_start3A_258 = tpu.memref_squeeze %dma_start3A_257 : memref<1x80xi32, #tpu.memory_space<vmem>> -> memref<80xi32, #tpu.memory_space<vmem>>
      %dma_start3A_259 = arith.constant 0 : i32
      %dma_start3A_260 = arith.constant 0 : i32
      %dma_start3A_261 = tpu.memref_slice %arg10[%dma_start3A_259, %dma_start3A_260] : memref<10000x128xf32, #tpu.memory_space<vmem_shared>> -> memref<10000x128xf32, #tpu.memory_space<vmem_shared>>
      tpu.enqueue_indirect_dma source(%dma_start3A_255 : memref<80x128xf32, #tpu.memory_space<vmem>>) target(%dma_start3A_261 : memref<10000x128xf32, #tpu.memory_space<vmem_shared>>) offsets(%dma_start3A_258 : memref<80xi32, #tpu.memory_space<vmem>>) semaphore(%arg12 : memref<!tpu.dma_semaphore, #tpu.memory_space<semaphore_mem>>) {add = true}
      %dma_wait3A_262 = arith.constant 1 : i32
      %dma_wait3A_263 = arith.constant 29 : i32
      %dma_wait3A_264 = arith.constant 0 : i32
      %dma_wait3A_265 = arith.constant 0 : i32
      %dma_wait3A_266 = tpu.memref_slice %arg9[%dma_wait3A_262, %dma_wait3A_264, %dma_wait3A_265] : memref<4x80x128xf32, #tpu.memory_space<vmem>> -> memref<1x80x128xf32, #tpu.memory_space<vmem>>
      %dma_wait3A_267 = tpu.memref_squeeze %dma_wait3A_266 : memref<1x80x128xf32, #tpu.memory_space<vmem>> -> memref<80x128xf32, #tpu.memory_space<vmem>>
      %dma_wait3A_268 = arith.constant 0 : i32
      %dma_wait3A_269 = tpu.memref_slice %arg8[%dma_wait3A_263, %dma_wait3A_268] : memref<32x80xi32, #tpu.memory_space<vmem>> -> memref<1x80xi32, #tpu.memory_space<vmem>>
      %dma_wait3A_270 = tpu.memref_squeeze %dma_wait3A_269 : memref<1x80xi32, #tpu.memory_space<vmem>> -> memref<80xi32, #tpu.memory_space<vmem>>
      %dma_wait3A_271 = arith.constant 0 : i32
      %dma_wait3A_272 = arith.constant 0 : i32
      %dma_wait3A_273 = tpu.memref_slice %arg10[%dma_wait3A_271, %dma_wait3A_272] : memref<10000x128xf32, #tpu.memory_space<vmem_shared>> -> memref<10000x128xf32, #tpu.memory_space<vmem_shared>>
      tpu.wait_indirect_dma semaphore(%arg12 : memref<!tpu.dma_semaphore, #tpu.memory_space<semaphore_mem>>) src(%dma_wait3A_267 : memref<80x128xf32, #tpu.memory_space<vmem>>) dst(%dma_wait3A_273 : memref<10000x128xf32, #tpu.memory_space<vmem_shared>>)
    } else {
    }
    %gt3A_109 = arith.constant 30 : i32
    %gt3A_110 = arith.cmpi sgt, %sub3A_67, %gt3A_109 : i32
    %convert_element_type3A_111 = arith.extui %gt3A_110 : i1 to i32
    %cond3A_112 = arith.constant 0 : i32
    %cond3A_113 = arith.cmpi ne, %convert_element_type3A_111, %cond3A_112 : i32
    scf.if %cond3A_113 {
      %dma_wait3A = arith.constant 30 : i32
      %dma_wait3A_240 = arith.constant 2 : i32
      %dma_wait3A_241 = arith.constant 0 : i32
      %dma_wait3A_242 = arith.constant 0 : i32
      %dma_wait3A_243 = tpu.memref_slice %arg9[%dma_wait3A_240, %dma_wait3A_241, %dma_wait3A_242] : memref<4x80x128xf32, #tpu.memory_space<vmem>> -> memref<1x80x128xf32, #tpu.memory_space<vmem>>
      %dma_wait3A_244 = tpu.memref_squeeze %dma_wait3A_243 : memref<1x80x128xf32, #tpu.memory_space<vmem>> -> memref<80x128xf32, #tpu.memory_space<vmem>>
      %dma_wait3A_245 = arith.constant 0 : i32
      %dma_wait3A_246 = tpu.memref_slice %arg7[%dma_wait3A, %dma_wait3A_245] : memref<32x80xi32, #tpu.memory_space<vmem>> -> memref<1x80xi32, #tpu.memory_space<vmem>>
      %dma_wait3A_247 = tpu.memref_squeeze %dma_wait3A_246 : memref<1x80xi32, #tpu.memory_space<vmem>> -> memref<80xi32, #tpu.memory_space<vmem>>
      %dma_wait3A_248 = arith.constant 0 : i32
      %dma_wait3A_249 = arith.constant 0 : i32
      %dma_wait3A_250 = tpu.memref_slice %arg2[%dma_wait3A_248, %dma_wait3A_249] : memref<10000x128xf32, #tpu.memory_space<hbm>> -> memref<10000x128xf32, #tpu.memory_space<hbm>>
      tpu.wait_indirect_dma semaphore(%arg13 : memref<!tpu.dma_semaphore, #tpu.memory_space<semaphore_mem>>) src(%dma_wait3A_250 : memref<10000x128xf32, #tpu.memory_space<hbm>>) dst(%dma_wait3A_244 : memref<80x128xf32, #tpu.memory_space<vmem>>)
      %dma_start3A = arith.constant 2 : i32
      %dma_start3A_251 = arith.constant 30 : i32
      %dma_start3A_252 = arith.constant 0 : i32
      %dma_start3A_253 = arith.constant 0 : i32
      %dma_start3A_254 = tpu.memref_slice %arg9[%dma_start3A, %dma_start3A_252, %dma_start3A_253] : memref<4x80x128xf32, #tpu.memory_space<vmem>> -> memref<1x80x128xf32, #tpu.memory_space<vmem>>
      %dma_start3A_255 = tpu.memref_squeeze %dma_start3A_254 : memref<1x80x128xf32, #tpu.memory_space<vmem>> -> memref<80x128xf32, #tpu.memory_space<vmem>>
      %dma_start3A_256 = arith.constant 0 : i32
      %dma_start3A_257 = tpu.memref_slice %arg8[%dma_start3A_251, %dma_start3A_256] : memref<32x80xi32, #tpu.memory_space<vmem>> -> memref<1x80xi32, #tpu.memory_space<vmem>>
      %dma_start3A_258 = tpu.memref_squeeze %dma_start3A_257 : memref<1x80xi32, #tpu.memory_space<vmem>> -> memref<80xi32, #tpu.memory_space<vmem>>
      %dma_start3A_259 = arith.constant 0 : i32
      %dma_start3A_260 = arith.constant 0 : i32
      %dma_start3A_261 = tpu.memref_slice %arg10[%dma_start3A_259, %dma_start3A_260] : memref<10000x128xf32, #tpu.memory_space<vmem_shared>> -> memref<10000x128xf32, #tpu.memory_space<vmem_shared>>
      tpu.enqueue_indirect_dma source(%dma_start3A_255 : memref<80x128xf32, #tpu.memory_space<vmem>>) target(%dma_start3A_261 : memref<10000x128xf32, #tpu.memory_space<vmem_shared>>) offsets(%dma_start3A_258 : memref<80xi32, #tpu.memory_space<vmem>>) semaphore(%arg13 : memref<!tpu.dma_semaphore, #tpu.memory_space<semaphore_mem>>) {add = true}
      %dma_wait3A_262 = arith.constant 2 : i32
      %dma_wait3A_263 = arith.constant 30 : i32
      %dma_wait3A_264 = arith.constant 0 : i32
      %dma_wait3A_265 = arith.constant 0 : i32
      %dma_wait3A_266 = tpu.memref_slice %arg9[%dma_wait3A_262, %dma_wait3A_264, %dma_wait3A_265] : memref<4x80x128xf32, #tpu.memory_space<vmem>> -> memref<1x80x128xf32, #tpu.memory_space<vmem>>
      %dma_wait3A_267 = tpu.memref_squeeze %dma_wait3A_266 : memref<1x80x128xf32, #tpu.memory_space<vmem>> -> memref<80x128xf32, #tpu.memory_space<vmem>>
      %dma_wait3A_268 = arith.constant 0 : i32
      %dma_wait3A_269 = tpu.memref_slice %arg8[%dma_wait3A_263, %dma_wait3A_268] : memref<32x80xi32, #tpu.memory_space<vmem>> -> memref<1x80xi32, #tpu.memory_space<vmem>>
      %dma_wait3A_270 = tpu.memref_squeeze %dma_wait3A_269 : memref<1x80xi32, #tpu.memory_space<vmem>> -> memref<80xi32, #tpu.memory_space<vmem>>
      %dma_wait3A_271 = arith.constant 0 : i32
      %dma_wait3A_272 = arith.constant 0 : i32
      %dma_wait3A_273 = tpu.memref_slice %arg10[%dma_wait3A_271, %dma_wait3A_272] : memref<10000x128xf32, #tpu.memory_space<vmem_shared>> -> memref<10000x128xf32, #tpu.memory_space<vmem_shared>>
      tpu.wait_indirect_dma semaphore(%arg13 : memref<!tpu.dma_semaphore, #tpu.memory_space<semaphore_mem>>) src(%dma_wait3A_267 : memref<80x128xf32, #tpu.memory_space<vmem>>) dst(%dma_wait3A_273 : memref<10000x128xf32, #tpu.memory_space<vmem_shared>>)
    } else {
    }
    %gt3A_114 = arith.constant 31 : i32
    %gt3A_115 = arith.cmpi sgt, %sub3A_67, %gt3A_114 : i32
    %convert_element_type3A_116 = arith.extui %gt3A_115 : i1 to i32
    %cond3A_117 = arith.constant 0 : i32
    %cond3A_118 = arith.cmpi ne, %convert_element_type3A_116, %cond3A_117 : i32
    scf.if %cond3A_118 {
      %dma_wait3A = arith.constant 31 : i32
      %dma_wait3A_240 = arith.constant 3 : i32
      %dma_wait3A_241 = arith.constant 0 : i32
      %dma_wait3A_242 = arith.constant 0 : i32
      %dma_wait3A_243 = tpu.memref_slice %arg9[%dma_wait3A_240, %dma_wait3A_241, %dma_wait3A_242] : memref<4x80x128xf32, #tpu.memory_space<vmem>> -> memref<1x80x128xf32, #tpu.memory_space<vmem>>
      %dma_wait3A_244 = tpu.memref_squeeze %dma_wait3A_243 : memref<1x80x128xf32, #tpu.memory_space<vmem>> -> memref<80x128xf32, #tpu.memory_space<vmem>>
      %dma_wait3A_245 = arith.constant 0 : i32
      %dma_wait3A_246 = tpu.memref_slice %arg7[%dma_wait3A, %dma_wait3A_245] : memref<32x80xi32, #tpu.memory_space<vmem>> -> memref<1x80xi32, #tpu.memory_space<vmem>>
      %dma_wait3A_247 = tpu.memref_squeeze %dma_wait3A_246 : memref<1x80xi32, #tpu.memory_space<vmem>> -> memref<80xi32, #tpu.memory_space<vmem>>
      %dma_wait3A_248 = arith.constant 0 : i32
      %dma_wait3A_249 = arith.constant 0 : i32
      %dma_wait3A_250 = tpu.memref_slice %arg2[%dma_wait3A_248, %dma_wait3A_249] : memref<10000x128xf32, #tpu.memory_space<hbm>> -> memref<10000x128xf32, #tpu.memory_space<hbm>>
      tpu.wait_indirect_dma semaphore(%arg14 : memref<!tpu.dma_semaphore, #tpu.memory_space<semaphore_mem>>) src(%dma_wait3A_250 : memref<10000x128xf32, #tpu.memory_space<hbm>>) dst(%dma_wait3A_244 : memref<80x128xf32, #tpu.memory_space<vmem>>)
      %dma_start3A = arith.constant 3 : i32
      %dma_start3A_251 = arith.constant 31 : i32
      %dma_start3A_252 = arith.constant 0 : i32
      %dma_start3A_253 = arith.constant 0 : i32
      %dma_start3A_254 = tpu.memref_slice %arg9[%dma_start3A, %dma_start3A_252, %dma_start3A_253] : memref<4x80x128xf32, #tpu.memory_space<vmem>> -> memref<1x80x128xf32, #tpu.memory_space<vmem>>
      %dma_start3A_255 = tpu.memref_squeeze %dma_start3A_254 : memref<1x80x128xf32, #tpu.memory_space<vmem>> -> memref<80x128xf32, #tpu.memory_space<vmem>>
      %dma_start3A_256 = arith.constant 0 : i32
      %dma_start3A_257 = tpu.memref_slice %arg8[%dma_start3A_251, %dma_start3A_256] : memref<32x80xi32, #tpu.memory_space<vmem>> -> memref<1x80xi32, #tpu.memory_space<vmem>>
      %dma_start3A_258 = tpu.memref_squeeze %dma_start3A_257 : memref<1x80xi32, #tpu.memory_space<vmem>> -> memref<80xi32, #tpu.memory_space<vmem>>
      %dma_start3A_259 = arith.constant 0 : i32
      %dma_start3A_260 = arith.constant 0 : i32
      %dma_start3A_261 = tpu.memref_slice %arg10[%dma_start3A_259, %dma_start3A_260] : memref<10000x128xf32, #tpu.memory_space<vmem_shared>> -> memref<10000x128xf32, #tpu.memory_space<vmem_shared>>
      tpu.enqueue_indirect_dma source(%dma_start3A_255 : memref<80x128xf32, #tpu.memory_space<vmem>>) target(%dma_start3A_261 : memref<10000x128xf32, #tpu.memory_space<vmem_shared>>) offsets(%dma_start3A_258 : memref<80xi32, #tpu.memory_space<vmem>>) semaphore(%arg14 : memref<!tpu.dma_semaphore, #tpu.memory_space<semaphore_mem>>) {add = true}
      %dma_wait3A_262 = arith.constant 3 : i32
      %dma_wait3A_263 = arith.constant 31 : i32
      %dma_wait3A_264 = arith.constant 0 : i32
      %dma_wait3A_265 = arith.constant 0 : i32
      %dma_wait3A_266 = tpu.memref_slice %arg9[%dma_wait3A_262, %dma_wait3A_264, %dma_wait3A_265] : memref<4x80x128xf32, #tpu.memory_space<vmem>> -> memref<1x80x128xf32, #tpu.memory_space<vmem>>
      %dma_wait3A_267 = tpu.memref_squeeze %dma_wait3A_266 : memref<1x80x128xf32, #tpu.memory_space<vmem>> -> memref<80x128xf32, #tpu.memory_space<vmem>>
      %dma_wait3A_268 = arith.constant 0 : i32
      %dma_wait3A_269 = tpu.memref_slice %arg8[%dma_wait3A_263, %dma_wait3A_268] : memref<32x80xi32, #tpu.memory_space<vmem>> -> memref<1x80xi32, #tpu.memory_space<vmem>>
      %dma_wait3A_270 = tpu.memref_squeeze %dma_wait3A_269 : memref<1x80xi32, #tpu.memory_space<vmem>> -> memref<80xi32, #tpu.memory_space<vmem>>
      %dma_wait3A_271 = arith.constant 0 : i32
      %dma_wait3A_272 = arith.constant 0 : i32
      %dma_wait3A_273 = tpu.memref_slice %arg10[%dma_wait3A_271, %dma_wait3A_272] : memref<10000x128xf32, #tpu.memory_space<vmem_shared>> -> memref<10000x128xf32, #tpu.memory_space<vmem_shared>>
      tpu.wait_indirect_dma semaphore(%arg14 : memref<!tpu.dma_semaphore, #tpu.memory_space<semaphore_mem>>) src(%dma_wait3A_267 : memref<80x128xf32, #tpu.memory_space<vmem>>) dst(%dma_wait3A_273 : memref<10000x128xf32, #tpu.memory_space<vmem_shared>>)
    } else {
    }
    %add3A_119 = arith.constant 64 : i32
    %add3A_120 = arith.addi %mul3A_11, %add3A_119 : i32
    %sub3A_121 = arith.constant 4000 : i32
    %sub3A_122 = arith.subi %sub3A_121, %add3A_120 : i32
    %gt3A_123 = arith.constant 0 : i32
    %gt3A_124 = arith.cmpi sgt, %sub3A_122, %gt3A_123 : i32
    %convert_element_type3A_125 = arith.extui %gt3A_124 : i1 to i32
    %cond3A_126 = arith.constant 0 : i32
    %cond3A_127 = arith.cmpi ne, %convert_element_type3A_125, %cond3A_126 : i32
    scf.if %cond3A_127 {
      "tpu.region"() ({
        %run_scoped3A = tpu.sem_alloc : memref<!tpu.dma_semaphore, #tpu.memory_space<semaphore_mem>>
        %dma_start3A = arith.constant 0 : i32
        %dma_start3A_240 = tpu.memref_slice %arg3[%add3A_120, %dma_start3A] : memref<4000x80xi32, #tpu.memory_space<hbm>> -> memref<32x80xi32, #tpu.memory_space<hbm>>
        %dma_start3A_241 = arith.constant 0 : i32
        %dma_start3A_242 = tpu.memref_slice %arg3[%add3A_120, %dma_start3A_241] : memref<4000x80xi32, #tpu.memory_space<hbm>> -> memref<32x80xi32, #tpu.memory_space<hbm>>
        tpu.enqueue_dma source(%dma_start3A_242 : memref<32x80xi32, #tpu.memory_space<hbm>>) target(%arg7 : memref<32x80xi32, #tpu.memory_space<vmem>>) target_semaphore(%run_scoped3A : memref<!tpu.dma_semaphore, #tpu.memory_space<semaphore_mem>>)
        %dma_wait3A = arith.constant 0 : i32
        %dma_wait3A_243 = tpu.memref_slice %arg3[%add3A_120, %dma_wait3A] : memref<4000x80xi32, #tpu.memory_space<hbm>> -> memref<32x80xi32, #tpu.memory_space<hbm>>
        %dma_wait3A_244 = arith.constant 0 : i32
        %dma_wait3A_245 = tpu.memref_slice %arg3[%add3A_120, %dma_wait3A_244] : memref<4000x80xi32, #tpu.memory_space<hbm>> -> memref<32x80xi32, #tpu.memory_space<hbm>>
        tpu.wait_dma2 semaphore(%run_scoped3A : memref<!tpu.dma_semaphore, #tpu.memory_space<semaphore_mem>>) src(%dma_wait3A_245 : memref<32x80xi32, #tpu.memory_space<hbm>>) dst(%arg7 : memref<32x80xi32, #tpu.memory_space<vmem>>)
        tpu.yield
      }) : () -> ()
      "tpu.region"() ({
        %run_scoped3A = tpu.sem_alloc : memref<!tpu.dma_semaphore, #tpu.memory_space<semaphore_mem>>
        %dma_start3A = arith.constant 0 : i32
        %dma_start3A_240 = tpu.memref_slice %arg4[%add3A_120, %dma_start3A] : memref<4000x80xi32, #tpu.memory_space<hbm>> -> memref<32x80xi32, #tpu.memory_space<hbm>>
        %dma_start3A_241 = arith.constant 0 : i32
        %dma_start3A_242 = tpu.memref_slice %arg4[%add3A_120, %dma_start3A_241] : memref<4000x80xi32, #tpu.memory_space<hbm>> -> memref<32x80xi32, #tpu.memory_space<hbm>>
        tpu.enqueue_dma source(%dma_start3A_242 : memref<32x80xi32, #tpu.memory_space<hbm>>) target(%arg8 : memref<32x80xi32, #tpu.memory_space<vmem>>) target_semaphore(%run_scoped3A : memref<!tpu.dma_semaphore, #tpu.memory_space<semaphore_mem>>)
        %dma_wait3A = arith.constant 0 : i32
        %dma_wait3A_243 = tpu.memref_slice %arg4[%add3A_120, %dma_wait3A] : memref<4000x80xi32, #tpu.memory_space<hbm>> -> memref<32x80xi32, #tpu.memory_space<hbm>>
        %dma_wait3A_244 = arith.constant 0 : i32
        %dma_wait3A_245 = tpu.memref_slice %arg4[%add3A_120, %dma_wait3A_244] : memref<4000x80xi32, #tpu.memory_space<hbm>> -> memref<32x80xi32, #tpu.memory_space<hbm>>
        tpu.wait_dma2 semaphore(%run_scoped3A : memref<!tpu.dma_semaphore, #tpu.memory_space<semaphore_mem>>) src(%dma_wait3A_245 : memref<32x80xi32, #tpu.memory_space<hbm>>) dst(%arg8 : memref<32x80xi32, #tpu.memory_space<vmem>>)
        tpu.yield
      }) : () -> ()
    } else {
    }
    %gt3A_128 = arith.constant 0 : i32
    %gt3A_129 = arith.cmpi sgt, %sub3A_122, %gt3A_128 : i32
    %convert_element_type3A_130 = arith.extui %gt3A_129 : i1 to i32
    %cond3A_131 = arith.constant 0 : i32
    %cond3A_132 = arith.cmpi ne, %convert_element_type3A_130, %cond3A_131 : i32
    scf.if %cond3A_132 {
      %dma_start3A = arith.constant 0 : i32
      %dma_start3A_240 = arith.constant 0 : i32
      %dma_start3A_241 = arith.constant 0 : i32
      %dma_start3A_242 = arith.constant 0 : i32
      %dma_start3A_243 = tpu.memref_slice %arg9[%dma_start3A_240, %dma_start3A_241, %dma_start3A_242] : memref<4x80x128xf32, #tpu.memory_space<vmem>> -> memref<1x80x128xf32, #tpu.memory_space<vmem>>
      %dma_start3A_244 = tpu.memref_squeeze %dma_start3A_243 : memref<1x80x128xf32, #tpu.memory_space<vmem>> -> memref<80x128xf32, #tpu.memory_space<vmem>>
      %dma_start3A_245 = arith.constant 0 : i32
      %dma_start3A_246 = tpu.memref_slice %arg7[%dma_start3A, %dma_start3A_245] : memref<32x80xi32, #tpu.memory_space<vmem>> -> memref<1x80xi32, #tpu.memory_space<vmem>>
      %dma_start3A_247 = tpu.memref_squeeze %dma_start3A_246 : memref<1x80xi32, #tpu.memory_space<vmem>> -> memref<80xi32, #tpu.memory_space<vmem>>
      %dma_start3A_248 = arith.constant 0 : i32
      %dma_start3A_249 = arith.constant 0 : i32
      %dma_start3A_250 = tpu.memref_slice %arg2[%dma_start3A_248, %dma_start3A_249] : memref<10000x128xf32, #tpu.memory_space<hbm>> -> memref<10000x128xf32, #tpu.memory_space<hbm>>
      tpu.enqueue_indirect_dma source(%dma_start3A_250 : memref<10000x128xf32, #tpu.memory_space<hbm>>) target(%dma_start3A_244 : memref<80x128xf32, #tpu.memory_space<vmem>>) offsets(%dma_start3A_247 : memref<80xi32, #tpu.memory_space<vmem>>) semaphore(%arg11 : memref<!tpu.dma_semaphore, #tpu.memory_space<semaphore_mem>>)
    } else {
    }
    %gt3A_133 = arith.constant 1 : i32
    %gt3A_134 = arith.cmpi sgt, %sub3A_122, %gt3A_133 : i32
    %convert_element_type3A_135 = arith.extui %gt3A_134 : i1 to i32
    %cond3A_136 = arith.constant 0 : i32
    %cond3A_137 = arith.cmpi ne, %convert_element_type3A_135, %cond3A_136 : i32
    scf.if %cond3A_137 {
      %dma_start3A = arith.constant 1 : i32
      %dma_start3A_240 = arith.constant 1 : i32
      %dma_start3A_241 = arith.constant 0 : i32
      %dma_start3A_242 = arith.constant 0 : i32
      %dma_start3A_243 = tpu.memref_slice %arg9[%dma_start3A_240, %dma_start3A_241, %dma_start3A_242] : memref<4x80x128xf32, #tpu.memory_space<vmem>> -> memref<1x80x128xf32, #tpu.memory_space<vmem>>
      %dma_start3A_244 = tpu.memref_squeeze %dma_start3A_243 : memref<1x80x128xf32, #tpu.memory_space<vmem>> -> memref<80x128xf32, #tpu.memory_space<vmem>>
      %dma_start3A_245 = arith.constant 0 : i32
      %dma_start3A_246 = tpu.memref_slice %arg7[%dma_start3A, %dma_start3A_245] : memref<32x80xi32, #tpu.memory_space<vmem>> -> memref<1x80xi32, #tpu.memory_space<vmem>>
      %dma_start3A_247 = tpu.memref_squeeze %dma_start3A_246 : memref<1x80xi32, #tpu.memory_space<vmem>> -> memref<80xi32, #tpu.memory_space<vmem>>
      %dma_start3A_248 = arith.constant 0 : i32
      %dma_start3A_249 = arith.constant 0 : i32
      %dma_start3A_250 = tpu.memref_slice %arg2[%dma_start3A_248, %dma_start3A_249] : memref<10000x128xf32, #tpu.memory_space<hbm>> -> memref<10000x128xf32, #tpu.memory_space<hbm>>
      tpu.enqueue_indirect_dma source(%dma_start3A_250 : memref<10000x128xf32, #tpu.memory_space<hbm>>) target(%dma_start3A_244 : memref<80x128xf32, #tpu.memory_space<vmem>>) offsets(%dma_start3A_247 : memref<80xi32, #tpu.memory_space<vmem>>) semaphore(%arg12 : memref<!tpu.dma_semaphore, #tpu.memory_space<semaphore_mem>>)
    } else {
    }
    %gt3A_138 = arith.constant 2 : i32
    %gt3A_139 = arith.cmpi sgt, %sub3A_122, %gt3A_138 : i32
    %convert_element_type3A_140 = arith.extui %gt3A_139 : i1 to i32
    %cond3A_141 = arith.constant 0 : i32
    %cond3A_142 = arith.cmpi ne, %convert_element_type3A_140, %cond3A_141 : i32
    scf.if %cond3A_142 {
      %dma_start3A = arith.constant 2 : i32
      %dma_start3A_240 = arith.constant 2 : i32
      %dma_start3A_241 = arith.constant 0 : i32
      %dma_start3A_242 = arith.constant 0 : i32
      %dma_start3A_243 = tpu.memref_slice %arg9[%dma_start3A_240, %dma_start3A_241, %dma_start3A_242] : memref<4x80x128xf32, #tpu.memory_space<vmem>> -> memref<1x80x128xf32, #tpu.memory_space<vmem>>
      %dma_start3A_244 = tpu.memref_squeeze %dma_start3A_243 : memref<1x80x128xf32, #tpu.memory_space<vmem>> -> memref<80x128xf32, #tpu.memory_space<vmem>>
      %dma_start3A_245 = arith.constant 0 : i32
      %dma_start3A_246 = tpu.memref_slice %arg7[%dma_start3A, %dma_start3A_245] : memref<32x80xi32, #tpu.memory_space<vmem>> -> memref<1x80xi32, #tpu.memory_space<vmem>>
      %dma_start3A_247 = tpu.memref_squeeze %dma_start3A_246 : memref<1x80xi32, #tpu.memory_space<vmem>> -> memref<80xi32, #tpu.memory_space<vmem>>
      %dma_start3A_248 = arith.constant 0 : i32
      %dma_start3A_249 = arith.constant 0 : i32
      %dma_start3A_250 = tpu.memref_slice %arg2[%dma_start3A_248, %dma_start3A_249] : memref<10000x128xf32, #tpu.memory_space<hbm>> -> memref<10000x128xf32, #tpu.memory_space<hbm>>
      tpu.enqueue_indirect_dma source(%dma_start3A_250 : memref<10000x128xf32, #tpu.memory_space<hbm>>) target(%dma_start3A_244 : memref<80x128xf32, #tpu.memory_space<vmem>>) offsets(%dma_start3A_247 : memref<80xi32, #tpu.memory_space<vmem>>) semaphore(%arg13 : memref<!tpu.dma_semaphore, #tpu.memory_space<semaphore_mem>>)
    } else {
    }
    %gt3A_143 = arith.constant 3 : i32
    %gt3A_144 = arith.cmpi sgt, %sub3A_122, %gt3A_143 : i32
    %convert_element_type3A_145 = arith.extui %gt3A_144 : i1 to i32
    %cond3A_146 = arith.constant 0 : i32
    %cond3A_147 = arith.cmpi ne, %convert_element_type3A_145, %cond3A_146 : i32
    scf.if %cond3A_147 {
      %dma_start3A = arith.constant 3 : i32
      %dma_start3A_240 = arith.constant 3 : i32
      %dma_start3A_241 = arith.constant 0 : i32
      %dma_start3A_242 = arith.constant 0 : i32
      %dma_start3A_243 = tpu.memref_slice %arg9[%dma_start3A_240, %dma_start3A_241, %dma_start3A_242] : memref<4x80x128xf32, #tpu.memory_space<vmem>> -> memref<1x80x128xf32, #tpu.memory_space<vmem>>
      %dma_start3A_244 = tpu.memref_squeeze %dma_start3A_243 : memref<1x80x128xf32, #tpu.memory_space<vmem>> -> memref<80x128xf32, #tpu.memory_space<vmem>>
      %dma_start3A_245 = arith.constant 0 : i32
      %dma_start3A_246 = tpu.memref_slice %arg7[%dma_start3A, %dma_start3A_245] : memref<32x80xi32, #tpu.memory_space<vmem>> -> memref<1x80xi32, #tpu.memory_space<vmem>>
      %dma_start3A_247 = tpu.memref_squeeze %dma_start3A_246 : memref<1x80xi32, #tpu.memory_space<vmem>> -> memref<80xi32, #tpu.memory_space<vmem>>
      %dma_start3A_248 = arith.constant 0 : i32
      %dma_start3A_249 = arith.constant 0 : i32
      %dma_start3A_250 = tpu.memref_slice %arg2[%dma_start3A_248, %dma_start3A_249] : memref<10000x128xf32, #tpu.memory_space<hbm>> -> memref<10000x128xf32, #tpu.memory_space<hbm>>
      tpu.enqueue_indirect_dma source(%dma_start3A_250 : memref<10000x128xf32, #tpu.memory_space<hbm>>) target(%dma_start3A_244 : memref<80x128xf32, #tpu.memory_space<vmem>>) offsets(%dma_start3A_247 : memref<80xi32, #tpu.memory_space<vmem>>) semaphore(%arg14 : memref<!tpu.dma_semaphore, #tpu.memory_space<semaphore_mem>>)
    } else {
    }
    %scan3A_148 = arith.constant 0 : i32
    %scan3A_149 = arith.constant 0 : i32
    %scan3A_150 = arith.constant 7 : i32
    %scan3A_151 = arith.addi %scan3A_149, %scan3A_150 : i32
    %scan3A_152 = arith.constant 1 : i32
    scf.for %scan3A_240 = %scan3A_149 to %scan3A_151 step %scan3A_152  : i32 {
      %mul3A_241 = arith.constant 4 : i32
      %mul3A_242 = arith.muli %mul3A_241, %scan3A_240 : i32
      %add3A_243 = arith.constant 0 : i32
      %add3A_244 = arith.addi %mul3A_242, %add3A_243 : i32
      %lt3A = arith.cmpi slt, %add3A_244, %sub3A_122 : i32
      %convert_element_type3A_245 = arith.extui %lt3A : i1 to i32
      %cond3A_246 = arith.constant 0 : i32
      %cond3A_247 = arith.cmpi ne, %convert_element_type3A_245, %cond3A_246 : i32
      scf.if %cond3A_247 {
        %dma_wait3A = arith.constant 0 : i32
        %dma_wait3A_272 = arith.constant 0 : i32
        %dma_wait3A_273 = arith.constant 0 : i32
        %dma_wait3A_274 = tpu.memref_slice %arg9[%dma_wait3A, %dma_wait3A_272, %dma_wait3A_273] : memref<4x80x128xf32, #tpu.memory_space<vmem>> -> memref<1x80x128xf32, #tpu.memory_space<vmem>>
        %dma_wait3A_275 = tpu.memref_squeeze %dma_wait3A_274 : memref<1x80x128xf32, #tpu.memory_space<vmem>> -> memref<80x128xf32, #tpu.memory_space<vmem>>
        %dma_wait3A_276 = arith.constant 0 : i32
        %dma_wait3A_277 = tpu.memref_slice %arg7[%add3A_244, %dma_wait3A_276] : memref<32x80xi32, #tpu.memory_space<vmem>> -> memref<1x80xi32, #tpu.memory_space<vmem>>
        %dma_wait3A_278 = tpu.memref_squeeze %dma_wait3A_277 : memref<1x80xi32, #tpu.memory_space<vmem>> -> memref<80xi32, #tpu.memory_space<vmem>>
        %dma_wait3A_279 = arith.constant 0 : i32
        %dma_wait3A_280 = arith.constant 0 : i32
        %dma_wait3A_281 = tpu.memref_slice %arg2[%dma_wait3A_279, %dma_wait3A_280] : memref<10000x128xf32, #tpu.memory_space<hbm>> -> memref<10000x128xf32, #tpu.memory_space<hbm>>
        tpu.wait_indirect_dma semaphore(%arg11 : memref<!tpu.dma_semaphore, #tpu.memory_space<semaphore_mem>>) src(%dma_wait3A_281 : memref<10000x128xf32, #tpu.memory_space<hbm>>) dst(%dma_wait3A_275 : memref<80x128xf32, #tpu.memory_space<vmem>>)
        %dma_start3A = arith.constant 0 : i32
        %dma_start3A_282 = arith.constant 0 : i32
        %dma_start3A_283 = arith.constant 0 : i32
        %dma_start3A_284 = tpu.memref_slice %arg9[%dma_start3A, %dma_start3A_282, %dma_start3A_283] : memref<4x80x128xf32, #tpu.memory_space<vmem>> -> memref<1x80x128xf32, #tpu.memory_space<vmem>>
        %dma_start3A_285 = tpu.memref_squeeze %dma_start3A_284 : memref<1x80x128xf32, #tpu.memory_space<vmem>> -> memref<80x128xf32, #tpu.memory_space<vmem>>
        %dma_start3A_286 = arith.constant 0 : i32
        %dma_start3A_287 = tpu.memref_slice %arg8[%add3A_244, %dma_start3A_286] : memref<32x80xi32, #tpu.memory_space<vmem>> -> memref<1x80xi32, #tpu.memory_space<vmem>>
        %dma_start3A_288 = tpu.memref_squeeze %dma_start3A_287 : memref<1x80xi32, #tpu.memory_space<vmem>> -> memref<80xi32, #tpu.memory_space<vmem>>
        %dma_start3A_289 = arith.constant 0 : i32
        %dma_start3A_290 = arith.constant 0 : i32
        %dma_start3A_291 = tpu.memref_slice %arg10[%dma_start3A_289, %dma_start3A_290] : memref<10000x128xf32, #tpu.memory_space<vmem_shared>> -> memref<10000x128xf32, #tpu.memory_space<vmem_shared>>
        tpu.enqueue_indirect_dma source(%dma_start3A_285 : memref<80x128xf32, #tpu.memory_space<vmem>>) target(%dma_start3A_291 : memref<10000x128xf32, #tpu.memory_space<vmem_shared>>) offsets(%dma_start3A_288 : memref<80xi32, #tpu.memory_space<vmem>>) semaphore(%arg11 : memref<!tpu.dma_semaphore, #tpu.memory_space<semaphore_mem>>) {add = true}
        %dma_wait3A_292 = arith.constant 0 : i32
        %dma_wait3A_293 = arith.constant 0 : i32
        %dma_wait3A_294 = arith.constant 0 : i32
        %dma_wait3A_295 = tpu.memref_slice %arg9[%dma_wait3A_292, %dma_wait3A_293, %dma_wait3A_294] : memref<4x80x128xf32, #tpu.memory_space<vmem>> -> memref<1x80x128xf32, #tpu.memory_space<vmem>>
        %dma_wait3A_296 = tpu.memref_squeeze %dma_wait3A_295 : memref<1x80x128xf32, #tpu.memory_space<vmem>> -> memref<80x128xf32, #tpu.memory_space<vmem>>
        %dma_wait3A_297 = arith.constant 0 : i32
        %dma_wait3A_298 = tpu.memref_slice %arg8[%add3A_244, %dma_wait3A_297] : memref<32x80xi32, #tpu.memory_space<vmem>> -> memref<1x80xi32, #tpu.memory_space<vmem>>
        %dma_wait3A_299 = tpu.memref_squeeze %dma_wait3A_298 : memref<1x80xi32, #tpu.memory_space<vmem>> -> memref<80xi32, #tpu.memory_space<vmem>>
        %dma_wait3A_300 = arith.constant 0 : i32
        %dma_wait3A_301 = arith.constant 0 : i32
        %dma_wait3A_302 = tpu.memref_slice %arg10[%dma_wait3A_300, %dma_wait3A_301] : memref<10000x128xf32, #tpu.memory_space<vmem_shared>> -> memref<10000x128xf32, #tpu.memory_space<vmem_shared>>
        tpu.wait_indirect_dma semaphore(%arg11 : memref<!tpu.dma_semaphore, #tpu.memory_space<semaphore_mem>>) src(%dma_wait3A_296 : memref<80x128xf32, #tpu.memory_space<vmem>>) dst(%dma_wait3A_302 : memref<10000x128xf32, #tpu.memory_space<vmem_shared>>)
        %add3A_303 = arith.constant 4 : i32
        %add3A_304 = arith.addi %add3A_244, %add3A_303 : i32
        %lt3A_305 = arith.cmpi slt, %add3A_304, %sub3A_122 : i32
        %convert_element_type3A_306 = arith.extui %lt3A_305 : i1 to i32
        %cond3A_307 = arith.constant 0 : i32
        %cond3A_308 = arith.cmpi ne, %convert_element_type3A_306, %cond3A_307 : i32
        scf.if %cond3A_308 {
          %add3A_309 = arith.constant 4 : i32
          %add3A_310 = arith.addi %add3A_244, %add3A_309 : i32
          %dma_start3A_311 = arith.constant 0 : i32
          %dma_start3A_312 = arith.constant 0 : i32
          %dma_start3A_313 = arith.constant 0 : i32
          %dma_start3A_314 = tpu.memref_slice %arg9[%dma_start3A_311, %dma_start3A_312, %dma_start3A_313] : memref<4x80x128xf32, #tpu.memory_space<vmem>> -> memref<1x80x128xf32, #tpu.memory_space<vmem>>
          %dma_start3A_315 = tpu.memref_squeeze %dma_start3A_314 : memref<1x80x128xf32, #tpu.memory_space<vmem>> -> memref<80x128xf32, #tpu.memory_space<vmem>>
          %dma_start3A_316 = arith.constant 0 : i32
          %dma_start3A_317 = tpu.memref_slice %arg7[%add3A_310, %dma_start3A_316] : memref<32x80xi32, #tpu.memory_space<vmem>> -> memref<1x80xi32, #tpu.memory_space<vmem>>
          %dma_start3A_318 = tpu.memref_squeeze %dma_start3A_317 : memref<1x80xi32, #tpu.memory_space<vmem>> -> memref<80xi32, #tpu.memory_space<vmem>>
          %dma_start3A_319 = arith.constant 0 : i32
          %dma_start3A_320 = arith.constant 0 : i32
          %dma_start3A_321 = tpu.memref_slice %arg2[%dma_start3A_319, %dma_start3A_320] : memref<10000x128xf32, #tpu.memory_space<hbm>> -> memref<10000x128xf32, #tpu.memory_space<hbm>>
          tpu.enqueue_indirect_dma source(%dma_start3A_321 : memref<10000x128xf32, #tpu.memory_space<hbm>>) target(%dma_start3A_315 : memref<80x128xf32, #tpu.memory_space<vmem>>) offsets(%dma_start3A_318 : memref<80xi32, #tpu.memory_space<vmem>>) semaphore(%arg11 : memref<!tpu.dma_semaphore, #tpu.memory_space<semaphore_mem>>)
        } else {
        }
      } else {
      }
      %mul3A_248 = arith.constant 4 : i32
      %mul3A_249 = arith.muli %mul3A_248, %scan3A_240 : i32
      %add3A_250 = arith.constant 1 : i32
      %add3A_251 = arith.addi %mul3A_249, %add3A_250 : i32
      %lt3A_252 = arith.cmpi slt, %add3A_251, %sub3A_122 : i32
      %convert_element_type3A_253 = arith.extui %lt3A_252 : i1 to i32
      %cond3A_254 = arith.constant 0 : i32
      %cond3A_255 = arith.cmpi ne, %convert_element_type3A_253, %cond3A_254 : i32
      scf.if %cond3A_255 {
        %dma_wait3A = arith.constant 1 : i32
        %dma_wait3A_272 = arith.constant 0 : i32
        %dma_wait3A_273 = arith.constant 0 : i32
        %dma_wait3A_274 = tpu.memref_slice %arg9[%dma_wait3A, %dma_wait3A_272, %dma_wait3A_273] : memref<4x80x128xf32, #tpu.memory_space<vmem>> -> memref<1x80x128xf32, #tpu.memory_space<vmem>>
        %dma_wait3A_275 = tpu.memref_squeeze %dma_wait3A_274 : memref<1x80x128xf32, #tpu.memory_space<vmem>> -> memref<80x128xf32, #tpu.memory_space<vmem>>
        %dma_wait3A_276 = arith.constant 0 : i32
        %dma_wait3A_277 = tpu.memref_slice %arg7[%add3A_251, %dma_wait3A_276] : memref<32x80xi32, #tpu.memory_space<vmem>> -> memref<1x80xi32, #tpu.memory_space<vmem>>
        %dma_wait3A_278 = tpu.memref_squeeze %dma_wait3A_277 : memref<1x80xi32, #tpu.memory_space<vmem>> -> memref<80xi32, #tpu.memory_space<vmem>>
        %dma_wait3A_279 = arith.constant 0 : i32
        %dma_wait3A_280 = arith.constant 0 : i32
        %dma_wait3A_281 = tpu.memref_slice %arg2[%dma_wait3A_279, %dma_wait3A_280] : memref<10000x128xf32, #tpu.memory_space<hbm>> -> memref<10000x128xf32, #tpu.memory_space<hbm>>
        tpu.wait_indirect_dma semaphore(%arg12 : memref<!tpu.dma_semaphore, #tpu.memory_space<semaphore_mem>>) src(%dma_wait3A_281 : memref<10000x128xf32, #tpu.memory_space<hbm>>) dst(%dma_wait3A_275 : memref<80x128xf32, #tpu.memory_space<vmem>>)
        %dma_start3A = arith.constant 1 : i32
        %dma_start3A_282 = arith.constant 0 : i32
        %dma_start3A_283 = arith.constant 0 : i32
        %dma_start3A_284 = tpu.memref_slice %arg9[%dma_start3A, %dma_start3A_282, %dma_start3A_283] : memref<4x80x128xf32, #tpu.memory_space<vmem>> -> memref<1x80x128xf32, #tpu.memory_space<vmem>>
        %dma_start3A_285 = tpu.memref_squeeze %dma_start3A_284 : memref<1x80x128xf32, #tpu.memory_space<vmem>> -> memref<80x128xf32, #tpu.memory_space<vmem>>
        %dma_start3A_286 = arith.constant 0 : i32
        %dma_start3A_287 = tpu.memref_slice %arg8[%add3A_251, %dma_start3A_286] : memref<32x80xi32, #tpu.memory_space<vmem>> -> memref<1x80xi32, #tpu.memory_space<vmem>>
        %dma_start3A_288 = tpu.memref_squeeze %dma_start3A_287 : memref<1x80xi32, #tpu.memory_space<vmem>> -> memref<80xi32, #tpu.memory_space<vmem>>
        %dma_start3A_289 = arith.constant 0 : i32
        %dma_start3A_290 = arith.constant 0 : i32
        %dma_start3A_291 = tpu.memref_slice %arg10[%dma_start3A_289, %dma_start3A_290] : memref<10000x128xf32, #tpu.memory_space<vmem_shared>> -> memref<10000x128xf32, #tpu.memory_space<vmem_shared>>
        tpu.enqueue_indirect_dma source(%dma_start3A_285 : memref<80x128xf32, #tpu.memory_space<vmem>>) target(%dma_start3A_291 : memref<10000x128xf32, #tpu.memory_space<vmem_shared>>) offsets(%dma_start3A_288 : memref<80xi32, #tpu.memory_space<vmem>>) semaphore(%arg12 : memref<!tpu.dma_semaphore, #tpu.memory_space<semaphore_mem>>) {add = true}
        %dma_wait3A_292 = arith.constant 1 : i32
        %dma_wait3A_293 = arith.constant 0 : i32
        %dma_wait3A_294 = arith.constant 0 : i32
        %dma_wait3A_295 = tpu.memref_slice %arg9[%dma_wait3A_292, %dma_wait3A_293, %dma_wait3A_294] : memref<4x80x128xf32, #tpu.memory_space<vmem>> -> memref<1x80x128xf32, #tpu.memory_space<vmem>>
        %dma_wait3A_296 = tpu.memref_squeeze %dma_wait3A_295 : memref<1x80x128xf32, #tpu.memory_space<vmem>> -> memref<80x128xf32, #tpu.memory_space<vmem>>
        %dma_wait3A_297 = arith.constant 0 : i32
        %dma_wait3A_298 = tpu.memref_slice %arg8[%add3A_251, %dma_wait3A_297] : memref<32x80xi32, #tpu.memory_space<vmem>> -> memref<1x80xi32, #tpu.memory_space<vmem>>
        %dma_wait3A_299 = tpu.memref_squeeze %dma_wait3A_298 : memref<1x80xi32, #tpu.memory_space<vmem>> -> memref<80xi32, #tpu.memory_space<vmem>>
        %dma_wait3A_300 = arith.constant 0 : i32
        %dma_wait3A_301 = arith.constant 0 : i32
        %dma_wait3A_302 = tpu.memref_slice %arg10[%dma_wait3A_300, %dma_wait3A_301] : memref<10000x128xf32, #tpu.memory_space<vmem_shared>> -> memref<10000x128xf32, #tpu.memory_space<vmem_shared>>
        tpu.wait_indirect_dma semaphore(%arg12 : memref<!tpu.dma_semaphore, #tpu.memory_space<semaphore_mem>>) src(%dma_wait3A_296 : memref<80x128xf32, #tpu.memory_space<vmem>>) dst(%dma_wait3A_302 : memref<10000x128xf32, #tpu.memory_space<vmem_shared>>)
        %add3A_303 = arith.constant 4 : i32
        %add3A_304 = arith.addi %add3A_251, %add3A_303 : i32
        %lt3A_305 = arith.cmpi slt, %add3A_304, %sub3A_122 : i32
        %convert_element_type3A_306 = arith.extui %lt3A_305 : i1 to i32
        %cond3A_307 = arith.constant 0 : i32
        %cond3A_308 = arith.cmpi ne, %convert_element_type3A_306, %cond3A_307 : i32
        scf.if %cond3A_308 {
          %add3A_309 = arith.constant 4 : i32
          %add3A_310 = arith.addi %add3A_251, %add3A_309 : i32
          %dma_start3A_311 = arith.constant 1 : i32
          %dma_start3A_312 = arith.constant 0 : i32
          %dma_start3A_313 = arith.constant 0 : i32
          %dma_start3A_314 = tpu.memref_slice %arg9[%dma_start3A_311, %dma_start3A_312, %dma_start3A_313] : memref<4x80x128xf32, #tpu.memory_space<vmem>> -> memref<1x80x128xf32, #tpu.memory_space<vmem>>
          %dma_start3A_315 = tpu.memref_squeeze %dma_start3A_314 : memref<1x80x128xf32, #tpu.memory_space<vmem>> -> memref<80x128xf32, #tpu.memory_space<vmem>>
          %dma_start3A_316 = arith.constant 0 : i32
          %dma_start3A_317 = tpu.memref_slice %arg7[%add3A_310, %dma_start3A_316] : memref<32x80xi32, #tpu.memory_space<vmem>> -> memref<1x80xi32, #tpu.memory_space<vmem>>
          %dma_start3A_318 = tpu.memref_squeeze %dma_start3A_317 : memref<1x80xi32, #tpu.memory_space<vmem>> -> memref<80xi32, #tpu.memory_space<vmem>>
          %dma_start3A_319 = arith.constant 0 : i32
          %dma_start3A_320 = arith.constant 0 : i32
          %dma_start3A_321 = tpu.memref_slice %arg2[%dma_start3A_319, %dma_start3A_320] : memref<10000x128xf32, #tpu.memory_space<hbm>> -> memref<10000x128xf32, #tpu.memory_space<hbm>>
          tpu.enqueue_indirect_dma source(%dma_start3A_321 : memref<10000x128xf32, #tpu.memory_space<hbm>>) target(%dma_start3A_315 : memref<80x128xf32, #tpu.memory_space<vmem>>) offsets(%dma_start3A_318 : memref<80xi32, #tpu.memory_space<vmem>>) semaphore(%arg12 : memref<!tpu.dma_semaphore, #tpu.memory_space<semaphore_mem>>)
        } else {
        }
      } else {
      }
      %mul3A_256 = arith.constant 4 : i32
      %mul3A_257 = arith.muli %mul3A_256, %scan3A_240 : i32
      %add3A_258 = arith.constant 2 : i32
      %add3A_259 = arith.addi %mul3A_257, %add3A_258 : i32
      %lt3A_260 = arith.cmpi slt, %add3A_259, %sub3A_122 : i32
      %convert_element_type3A_261 = arith.extui %lt3A_260 : i1 to i32
      %cond3A_262 = arith.constant 0 : i32
      %cond3A_263 = arith.cmpi ne, %convert_element_type3A_261, %cond3A_262 : i32
      scf.if %cond3A_263 {
        %dma_wait3A = arith.constant 2 : i32
        %dma_wait3A_272 = arith.constant 0 : i32
        %dma_wait3A_273 = arith.constant 0 : i32
        %dma_wait3A_274 = tpu.memref_slice %arg9[%dma_wait3A, %dma_wait3A_272, %dma_wait3A_273] : memref<4x80x128xf32, #tpu.memory_space<vmem>> -> memref<1x80x128xf32, #tpu.memory_space<vmem>>
        %dma_wait3A_275 = tpu.memref_squeeze %dma_wait3A_274 : memref<1x80x128xf32, #tpu.memory_space<vmem>> -> memref<80x128xf32, #tpu.memory_space<vmem>>
        %dma_wait3A_276 = arith.constant 0 : i32
        %dma_wait3A_277 = tpu.memref_slice %arg7[%add3A_259, %dma_wait3A_276] : memref<32x80xi32, #tpu.memory_space<vmem>> -> memref<1x80xi32, #tpu.memory_space<vmem>>
        %dma_wait3A_278 = tpu.memref_squeeze %dma_wait3A_277 : memref<1x80xi32, #tpu.memory_space<vmem>> -> memref<80xi32, #tpu.memory_space<vmem>>
        %dma_wait3A_279 = arith.constant 0 : i32
        %dma_wait3A_280 = arith.constant 0 : i32
        %dma_wait3A_281 = tpu.memref_slice %arg2[%dma_wait3A_279, %dma_wait3A_280] : memref<10000x128xf32, #tpu.memory_space<hbm>> -> memref<10000x128xf32, #tpu.memory_space<hbm>>
        tpu.wait_indirect_dma semaphore(%arg13 : memref<!tpu.dma_semaphore, #tpu.memory_space<semaphore_mem>>) src(%dma_wait3A_281 : memref<10000x128xf32, #tpu.memory_space<hbm>>) dst(%dma_wait3A_275 : memref<80x128xf32, #tpu.memory_space<vmem>>)
        %dma_start3A = arith.constant 2 : i32
        %dma_start3A_282 = arith.constant 0 : i32
        %dma_start3A_283 = arith.constant 0 : i32
        %dma_start3A_284 = tpu.memref_slice %arg9[%dma_start3A, %dma_start3A_282, %dma_start3A_283] : memref<4x80x128xf32, #tpu.memory_space<vmem>> -> memref<1x80x128xf32, #tpu.memory_space<vmem>>
        %dma_start3A_285 = tpu.memref_squeeze %dma_start3A_284 : memref<1x80x128xf32, #tpu.memory_space<vmem>> -> memref<80x128xf32, #tpu.memory_space<vmem>>
        %dma_start3A_286 = arith.constant 0 : i32
        %dma_start3A_287 = tpu.memref_slice %arg8[%add3A_259, %dma_start3A_286] : memref<32x80xi32, #tpu.memory_space<vmem>> -> memref<1x80xi32, #tpu.memory_space<vmem>>
        %dma_start3A_288 = tpu.memref_squeeze %dma_start3A_287 : memref<1x80xi32, #tpu.memory_space<vmem>> -> memref<80xi32, #tpu.memory_space<vmem>>
        %dma_start3A_289 = arith.constant 0 : i32
        %dma_start3A_290 = arith.constant 0 : i32
        %dma_start3A_291 = tpu.memref_slice %arg10[%dma_start3A_289, %dma_start3A_290] : memref<10000x128xf32, #tpu.memory_space<vmem_shared>> -> memref<10000x128xf32, #tpu.memory_space<vmem_shared>>
        tpu.enqueue_indirect_dma source(%dma_start3A_285 : memref<80x128xf32, #tpu.memory_space<vmem>>) target(%dma_start3A_291 : memref<10000x128xf32, #tpu.memory_space<vmem_shared>>) offsets(%dma_start3A_288 : memref<80xi32, #tpu.memory_space<vmem>>) semaphore(%arg13 : memref<!tpu.dma_semaphore, #tpu.memory_space<semaphore_mem>>) {add = true}
        %dma_wait3A_292 = arith.constant 2 : i32
        %dma_wait3A_293 = arith.constant 0 : i32
        %dma_wait3A_294 = arith.constant 0 : i32
        %dma_wait3A_295 = tpu.memref_slice %arg9[%dma_wait3A_292, %dma_wait3A_293, %dma_wait3A_294] : memref<4x80x128xf32, #tpu.memory_space<vmem>> -> memref<1x80x128xf32, #tpu.memory_space<vmem>>
        %dma_wait3A_296 = tpu.memref_squeeze %dma_wait3A_295 : memref<1x80x128xf32, #tpu.memory_space<vmem>> -> memref<80x128xf32, #tpu.memory_space<vmem>>
        %dma_wait3A_297 = arith.constant 0 : i32
        %dma_wait3A_298 = tpu.memref_slice %arg8[%add3A_259, %dma_wait3A_297] : memref<32x80xi32, #tpu.memory_space<vmem>> -> memref<1x80xi32, #tpu.memory_space<vmem>>
        %dma_wait3A_299 = tpu.memref_squeeze %dma_wait3A_298 : memref<1x80xi32, #tpu.memory_space<vmem>> -> memref<80xi32, #tpu.memory_space<vmem>>
        %dma_wait3A_300 = arith.constant 0 : i32
        %dma_wait3A_301 = arith.constant 0 : i32
        %dma_wait3A_302 = tpu.memref_slice %arg10[%dma_wait3A_300, %dma_wait3A_301] : memref<10000x128xf32, #tpu.memory_space<vmem_shared>> -> memref<10000x128xf32, #tpu.memory_space<vmem_shared>>
        tpu.wait_indirect_dma semaphore(%arg13 : memref<!tpu.dma_semaphore, #tpu.memory_space<semaphore_mem>>) src(%dma_wait3A_296 : memref<80x128xf32, #tpu.memory_space<vmem>>) dst(%dma_wait3A_302 : memref<10000x128xf32, #tpu.memory_space<vmem_shared>>)
        %add3A_303 = arith.constant 4 : i32
        %add3A_304 = arith.addi %add3A_259, %add3A_303 : i32
        %lt3A_305 = arith.cmpi slt, %add3A_304, %sub3A_122 : i32
        %convert_element_type3A_306 = arith.extui %lt3A_305 : i1 to i32
        %cond3A_307 = arith.constant 0 : i32
        %cond3A_308 = arith.cmpi ne, %convert_element_type3A_306, %cond3A_307 : i32
        scf.if %cond3A_308 {
          %add3A_309 = arith.constant 4 : i32
          %add3A_310 = arith.addi %add3A_259, %add3A_309 : i32
          %dma_start3A_311 = arith.constant 2 : i32
          %dma_start3A_312 = arith.constant 0 : i32
          %dma_start3A_313 = arith.constant 0 : i32
          %dma_start3A_314 = tpu.memref_slice %arg9[%dma_start3A_311, %dma_start3A_312, %dma_start3A_313] : memref<4x80x128xf32, #tpu.memory_space<vmem>> -> memref<1x80x128xf32, #tpu.memory_space<vmem>>
          %dma_start3A_315 = tpu.memref_squeeze %dma_start3A_314 : memref<1x80x128xf32, #tpu.memory_space<vmem>> -> memref<80x128xf32, #tpu.memory_space<vmem>>
          %dma_start3A_316 = arith.constant 0 : i32
          %dma_start3A_317 = tpu.memref_slice %arg7[%add3A_310, %dma_start3A_316] : memref<32x80xi32, #tpu.memory_space<vmem>> -> memref<1x80xi32, #tpu.memory_space<vmem>>
          %dma_start3A_318 = tpu.memref_squeeze %dma_start3A_317 : memref<1x80xi32, #tpu.memory_space<vmem>> -> memref<80xi32, #tpu.memory_space<vmem>>
          %dma_start3A_319 = arith.constant 0 : i32
          %dma_start3A_320 = arith.constant 0 : i32
          %dma_start3A_321 = tpu.memref_slice %arg2[%dma_start3A_319, %dma_start3A_320] : memref<10000x128xf32, #tpu.memory_space<hbm>> -> memref<10000x128xf32, #tpu.memory_space<hbm>>
          tpu.enqueue_indirect_dma source(%dma_start3A_321 : memref<10000x128xf32, #tpu.memory_space<hbm>>) target(%dma_start3A_315 : memref<80x128xf32, #tpu.memory_space<vmem>>) offsets(%dma_start3A_318 : memref<80xi32, #tpu.memory_space<vmem>>) semaphore(%arg13 : memref<!tpu.dma_semaphore, #tpu.memory_space<semaphore_mem>>)
        } else {
        }
      } else {
      }
      %mul3A_264 = arith.constant 4 : i32
      %mul3A_265 = arith.muli %mul3A_264, %scan3A_240 : i32
      %add3A_266 = arith.constant 3 : i32
      %add3A_267 = arith.addi %mul3A_265, %add3A_266 : i32
      %lt3A_268 = arith.cmpi slt, %add3A_267, %sub3A_122 : i32
      %convert_element_type3A_269 = arith.extui %lt3A_268 : i1 to i32
      %cond3A_270 = arith.constant 0 : i32
      %cond3A_271 = arith.cmpi ne, %convert_element_type3A_269, %cond3A_270 : i32
      scf.if %cond3A_271 {
        %dma_wait3A = arith.constant 3 : i32
        %dma_wait3A_272 = arith.constant 0 : i32
        %dma_wait3A_273 = arith.constant 0 : i32
        %dma_wait3A_274 = tpu.memref_slice %arg9[%dma_wait3A, %dma_wait3A_272, %dma_wait3A_273] : memref<4x80x128xf32, #tpu.memory_space<vmem>> -> memref<1x80x128xf32, #tpu.memory_space<vmem>>
        %dma_wait3A_275 = tpu.memref_squeeze %dma_wait3A_274 : memref<1x80x128xf32, #tpu.memory_space<vmem>> -> memref<80x128xf32, #tpu.memory_space<vmem>>
        %dma_wait3A_276 = arith.constant 0 : i32
        %dma_wait3A_277 = tpu.memref_slice %arg7[%add3A_267, %dma_wait3A_276] : memref<32x80xi32, #tpu.memory_space<vmem>> -> memref<1x80xi32, #tpu.memory_space<vmem>>
        %dma_wait3A_278 = tpu.memref_squeeze %dma_wait3A_277 : memref<1x80xi32, #tpu.memory_space<vmem>> -> memref<80xi32, #tpu.memory_space<vmem>>
        %dma_wait3A_279 = arith.constant 0 : i32
        %dma_wait3A_280 = arith.constant 0 : i32
        %dma_wait3A_281 = tpu.memref_slice %arg2[%dma_wait3A_279, %dma_wait3A_280] : memref<10000x128xf32, #tpu.memory_space<hbm>> -> memref<10000x128xf32, #tpu.memory_space<hbm>>
        tpu.wait_indirect_dma semaphore(%arg14 : memref<!tpu.dma_semaphore, #tpu.memory_space<semaphore_mem>>) src(%dma_wait3A_281 : memref<10000x128xf32, #tpu.memory_space<hbm>>) dst(%dma_wait3A_275 : memref<80x128xf32, #tpu.memory_space<vmem>>)
        %dma_start3A = arith.constant 3 : i32
        %dma_start3A_282 = arith.constant 0 : i32
        %dma_start3A_283 = arith.constant 0 : i32
        %dma_start3A_284 = tpu.memref_slice %arg9[%dma_start3A, %dma_start3A_282, %dma_start3A_283] : memref<4x80x128xf32, #tpu.memory_space<vmem>> -> memref<1x80x128xf32, #tpu.memory_space<vmem>>
        %dma_start3A_285 = tpu.memref_squeeze %dma_start3A_284 : memref<1x80x128xf32, #tpu.memory_space<vmem>> -> memref<80x128xf32, #tpu.memory_space<vmem>>
        %dma_start3A_286 = arith.constant 0 : i32
        %dma_start3A_287 = tpu.memref_slice %arg8[%add3A_267, %dma_start3A_286] : memref<32x80xi32, #tpu.memory_space<vmem>> -> memref<1x80xi32, #tpu.memory_space<vmem>>
        %dma_start3A_288 = tpu.memref_squeeze %dma_start3A_287 : memref<1x80xi32, #tpu.memory_space<vmem>> -> memref<80xi32, #tpu.memory_space<vmem>>
        %dma_start3A_289 = arith.constant 0 : i32
        %dma_start3A_290 = arith.constant 0 : i32
        %dma_start3A_291 = tpu.memref_slice %arg10[%dma_start3A_289, %dma_start3A_290] : memref<10000x128xf32, #tpu.memory_space<vmem_shared>> -> memref<10000x128xf32, #tpu.memory_space<vmem_shared>>
        tpu.enqueue_indirect_dma source(%dma_start3A_285 : memref<80x128xf32, #tpu.memory_space<vmem>>) target(%dma_start3A_291 : memref<10000x128xf32, #tpu.memory_space<vmem_shared>>) offsets(%dma_start3A_288 : memref<80xi32, #tpu.memory_space<vmem>>) semaphore(%arg14 : memref<!tpu.dma_semaphore, #tpu.memory_space<semaphore_mem>>) {add = true}
        %dma_wait3A_292 = arith.constant 3 : i32
        %dma_wait3A_293 = arith.constant 0 : i32
        %dma_wait3A_294 = arith.constant 0 : i32
        %dma_wait3A_295 = tpu.memref_slice %arg9[%dma_wait3A_292, %dma_wait3A_293, %dma_wait3A_294] : memref<4x80x128xf32, #tpu.memory_space<vmem>> -> memref<1x80x128xf32, #tpu.memory_space<vmem>>
        %dma_wait3A_296 = tpu.memref_squeeze %dma_wait3A_295 : memref<1x80x128xf32, #tpu.memory_space<vmem>> -> memref<80x128xf32, #tpu.memory_space<vmem>>
        %dma_wait3A_297 = arith.constant 0 : i32
        %dma_wait3A_298 = tpu.memref_slice %arg8[%add3A_267, %dma_wait3A_297] : memref<32x80xi32, #tpu.memory_space<vmem>> -> memref<1x80xi32, #tpu.memory_space<vmem>>
        %dma_wait3A_299 = tpu.memref_squeeze %dma_wait3A_298 : memref<1x80xi32, #tpu.memory_space<vmem>> -> memref<80xi32, #tpu.memory_space<vmem>>
        %dma_wait3A_300 = arith.constant 0 : i32
        %dma_wait3A_301 = arith.constant 0 : i32
        %dma_wait3A_302 = tpu.memref_slice %arg10[%dma_wait3A_300, %dma_wait3A_301] : memref<10000x128xf32, #tpu.memory_space<vmem_shared>> -> memref<10000x128xf32, #tpu.memory_space<vmem_shared>>
        tpu.wait_indirect_dma semaphore(%arg14 : memref<!tpu.dma_semaphore, #tpu.memory_space<semaphore_mem>>) src(%dma_wait3A_296 : memref<80x128xf32, #tpu.memory_space<vmem>>) dst(%dma_wait3A_302 : memref<10000x128xf32, #tpu.memory_space<vmem_shared>>)
        %add3A_303 = arith.constant 4 : i32
        %add3A_304 = arith.addi %add3A_267, %add3A_303 : i32
        %lt3A_305 = arith.cmpi slt, %add3A_304, %sub3A_122 : i32
        %convert_element_type3A_306 = arith.extui %lt3A_305 : i1 to i32
        %cond3A_307 = arith.constant 0 : i32
        %cond3A_308 = arith.cmpi ne, %convert_element_type3A_306, %cond3A_307 : i32
        scf.if %cond3A_308 {
          %add3A_309 = arith.constant 4 : i32
          %add3A_310 = arith.addi %add3A_267, %add3A_309 : i32
          %dma_start3A_311 = arith.constant 3 : i32
          %dma_start3A_312 = arith.constant 0 : i32
          %dma_start3A_313 = arith.constant 0 : i32
          %dma_start3A_314 = tpu.memref_slice %arg9[%dma_start3A_311, %dma_start3A_312, %dma_start3A_313] : memref<4x80x128xf32, #tpu.memory_space<vmem>> -> memref<1x80x128xf32, #tpu.memory_space<vmem>>
          %dma_start3A_315 = tpu.memref_squeeze %dma_start3A_314 : memref<1x80x128xf32, #tpu.memory_space<vmem>> -> memref<80x128xf32, #tpu.memory_space<vmem>>
          %dma_start3A_316 = arith.constant 0 : i32
          %dma_start3A_317 = tpu.memref_slice %arg7[%add3A_310, %dma_start3A_316] : memref<32x80xi32, #tpu.memory_space<vmem>> -> memref<1x80xi32, #tpu.memory_space<vmem>>
          %dma_start3A_318 = tpu.memref_squeeze %dma_start3A_317 : memref<1x80xi32, #tpu.memory_space<vmem>> -> memref<80xi32, #tpu.memory_space<vmem>>
          %dma_start3A_319 = arith.constant 0 : i32
          %dma_start3A_320 = arith.constant 0 : i32
          %dma_start3A_321 = tpu.memref_slice %arg2[%dma_start3A_319, %dma_start3A_320] : memref<10000x128xf32, #tpu.memory_space<hbm>> -> memref<10000x128xf32, #tpu.memory_space<hbm>>
          tpu.enqueue_indirect_dma source(%dma_start3A_321 : memref<10000x128xf32, #tpu.memory_space<hbm>>) target(%dma_start3A_315 : memref<80x128xf32, #tpu.memory_space<vmem>>) offsets(%dma_start3A_318 : memref<80xi32, #tpu.memory_space<vmem>>) semaphore(%arg14 : memref<!tpu.dma_semaphore, #tpu.memory_space<semaphore_mem>>)
        } else {
        }
      } else {
      }
    }
    %scan3A_153 = arith.constant 7 : i32
    %gt3A_154 = arith.constant 28 : i32
    %gt3A_155 = arith.cmpi sgt, %sub3A_122, %gt3A_154 : i32
    %convert_element_type3A_156 = arith.extui %gt3A_155 : i1 to i32
    %cond3A_157 = arith.constant 0 : i32
    %cond3A_158 = arith.cmpi ne, %convert_element_type3A_156, %cond3A_157 : i32
    scf.if %cond3A_158 {
      %dma_wait3A = arith.constant 28 : i32
      %dma_wait3A_240 = arith.constant 0 : i32
      %dma_wait3A_241 = arith.constant 0 : i32
      %dma_wait3A_242 = arith.constant 0 : i32
      %dma_wait3A_243 = tpu.memref_slice %arg9[%dma_wait3A_240, %dma_wait3A_241, %dma_wait3A_242] : memref<4x80x128xf32, #tpu.memory_space<vmem>> -> memref<1x80x128xf32, #tpu.memory_space<vmem>>
      %dma_wait3A_244 = tpu.memref_squeeze %dma_wait3A_243 : memref<1x80x128xf32, #tpu.memory_space<vmem>> -> memref<80x128xf32, #tpu.memory_space<vmem>>
      %dma_wait3A_245 = arith.constant 0 : i32
      %dma_wait3A_246 = tpu.memref_slice %arg7[%dma_wait3A, %dma_wait3A_245] : memref<32x80xi32, #tpu.memory_space<vmem>> -> memref<1x80xi32, #tpu.memory_space<vmem>>
      %dma_wait3A_247 = tpu.memref_squeeze %dma_wait3A_246 : memref<1x80xi32, #tpu.memory_space<vmem>> -> memref<80xi32, #tpu.memory_space<vmem>>
      %dma_wait3A_248 = arith.constant 0 : i32
      %dma_wait3A_249 = arith.constant 0 : i32
      %dma_wait3A_250 = tpu.memref_slice %arg2[%dma_wait3A_248, %dma_wait3A_249] : memref<10000x128xf32, #tpu.memory_space<hbm>> -> memref<10000x128xf32, #tpu.memory_space<hbm>>
      tpu.wait_indirect_dma semaphore(%arg11 : memref<!tpu.dma_semaphore, #tpu.memory_space<semaphore_mem>>) src(%dma_wait3A_250 : memref<10000x128xf32, #tpu.memory_space<hbm>>) dst(%dma_wait3A_244 : memref<80x128xf32, #tpu.memory_space<vmem>>)
      %dma_start3A = arith.constant 0 : i32
      %dma_start3A_251 = arith.constant 28 : i32
      %dma_start3A_252 = arith.constant 0 : i32
      %dma_start3A_253 = arith.constant 0 : i32
      %dma_start3A_254 = tpu.memref_slice %arg9[%dma_start3A, %dma_start3A_252, %dma_start3A_253] : memref<4x80x128xf32, #tpu.memory_space<vmem>> -> memref<1x80x128xf32, #tpu.memory_space<vmem>>
      %dma_start3A_255 = tpu.memref_squeeze %dma_start3A_254 : memref<1x80x128xf32, #tpu.memory_space<vmem>> -> memref<80x128xf32, #tpu.memory_space<vmem>>
      %dma_start3A_256 = arith.constant 0 : i32
      %dma_start3A_257 = tpu.memref_slice %arg8[%dma_start3A_251, %dma_start3A_256] : memref<32x80xi32, #tpu.memory_space<vmem>> -> memref<1x80xi32, #tpu.memory_space<vmem>>
      %dma_start3A_258 = tpu.memref_squeeze %dma_start3A_257 : memref<1x80xi32, #tpu.memory_space<vmem>> -> memref<80xi32, #tpu.memory_space<vmem>>
      %dma_start3A_259 = arith.constant 0 : i32
      %dma_start3A_260 = arith.constant 0 : i32
      %dma_start3A_261 = tpu.memref_slice %arg10[%dma_start3A_259, %dma_start3A_260] : memref<10000x128xf32, #tpu.memory_space<vmem_shared>> -> memref<10000x128xf32, #tpu.memory_space<vmem_shared>>
      tpu.enqueue_indirect_dma source(%dma_start3A_255 : memref<80x128xf32, #tpu.memory_space<vmem>>) target(%dma_start3A_261 : memref<10000x128xf32, #tpu.memory_space<vmem_shared>>) offsets(%dma_start3A_258 : memref<80xi32, #tpu.memory_space<vmem>>) semaphore(%arg11 : memref<!tpu.dma_semaphore, #tpu.memory_space<semaphore_mem>>) {add = true}
      %dma_wait3A_262 = arith.constant 0 : i32
      %dma_wait3A_263 = arith.constant 28 : i32
      %dma_wait3A_264 = arith.constant 0 : i32
      %dma_wait3A_265 = arith.constant 0 : i32
      %dma_wait3A_266 = tpu.memref_slice %arg9[%dma_wait3A_262, %dma_wait3A_264, %dma_wait3A_265] : memref<4x80x128xf32, #tpu.memory_space<vmem>> -> memref<1x80x128xf32, #tpu.memory_space<vmem>>
      %dma_wait3A_267 = tpu.memref_squeeze %dma_wait3A_266 : memref<1x80x128xf32, #tpu.memory_space<vmem>> -> memref<80x128xf32, #tpu.memory_space<vmem>>
      %dma_wait3A_268 = arith.constant 0 : i32
      %dma_wait3A_269 = tpu.memref_slice %arg8[%dma_wait3A_263, %dma_wait3A_268] : memref<32x80xi32, #tpu.memory_space<vmem>> -> memref<1x80xi32, #tpu.memory_space<vmem>>
      %dma_wait3A_270 = tpu.memref_squeeze %dma_wait3A_269 : memref<1x80xi32, #tpu.memory_space<vmem>> -> memref<80xi32, #tpu.memory_space<vmem>>
      %dma_wait3A_271 = arith.constant 0 : i32
      %dma_wait3A_272 = arith.constant 0 : i32
      %dma_wait3A_273 = tpu.memref_slice %arg10[%dma_wait3A_271, %dma_wait3A_272] : memref<10000x128xf32, #tpu.memory_space<vmem_shared>> -> memref<10000x128xf32, #tpu.memory_space<vmem_shared>>
      tpu.wait_indirect_dma semaphore(%arg11 : memref<!tpu.dma_semaphore, #tpu.memory_space<semaphore_mem>>) src(%dma_wait3A_267 : memref<80x128xf32, #tpu.memory_space<vmem>>) dst(%dma_wait3A_273 : memref<10000x128xf32, #tpu.memory_space<vmem_shared>>)
    } else {
    }
    %gt3A_159 = arith.constant 29 : i32
    %gt3A_160 = arith.cmpi sgt, %sub3A_122, %gt3A_159 : i32
    %convert_element_type3A_161 = arith.extui %gt3A_160 : i1 to i32
    %cond3A_162 = arith.constant 0 : i32
    %cond3A_163 = arith.cmpi ne, %convert_element_type3A_161, %cond3A_162 : i32
    scf.if %cond3A_163 {
      %dma_wait3A = arith.constant 29 : i32
      %dma_wait3A_240 = arith.constant 1 : i32
      %dma_wait3A_241 = arith.constant 0 : i32
      %dma_wait3A_242 = arith.constant 0 : i32
      %dma_wait3A_243 = tpu.memref_slice %arg9[%dma_wait3A_240, %dma_wait3A_241, %dma_wait3A_242] : memref<4x80x128xf32, #tpu.memory_space<vmem>> -> memref<1x80x128xf32, #tpu.memory_space<vmem>>
      %dma_wait3A_244 = tpu.memref_squeeze %dma_wait3A_243 : memref<1x80x128xf32, #tpu.memory_space<vmem>> -> memref<80x128xf32, #tpu.memory_space<vmem>>
      %dma_wait3A_245 = arith.constant 0 : i32
      %dma_wait3A_246 = tpu.memref_slice %arg7[%dma_wait3A, %dma_wait3A_245] : memref<32x80xi32, #tpu.memory_space<vmem>> -> memref<1x80xi32, #tpu.memory_space<vmem>>
      %dma_wait3A_247 = tpu.memref_squeeze %dma_wait3A_246 : memref<1x80xi32, #tpu.memory_space<vmem>> -> memref<80xi32, #tpu.memory_space<vmem>>
      %dma_wait3A_248 = arith.constant 0 : i32
      %dma_wait3A_249 = arith.constant 0 : i32
      %dma_wait3A_250 = tpu.memref_slice %arg2[%dma_wait3A_248, %dma_wait3A_249] : memref<10000x128xf32, #tpu.memory_space<hbm>> -> memref<10000x128xf32, #tpu.memory_space<hbm>>
      tpu.wait_indirect_dma semaphore(%arg12 : memref<!tpu.dma_semaphore, #tpu.memory_space<semaphore_mem>>) src(%dma_wait3A_250 : memref<10000x128xf32, #tpu.memory_space<hbm>>) dst(%dma_wait3A_244 : memref<80x128xf32, #tpu.memory_space<vmem>>)
      %dma_start3A = arith.constant 1 : i32
      %dma_start3A_251 = arith.constant 29 : i32
      %dma_start3A_252 = arith.constant 0 : i32
      %dma_start3A_253 = arith.constant 0 : i32
      %dma_start3A_254 = tpu.memref_slice %arg9[%dma_start3A, %dma_start3A_252, %dma_start3A_253] : memref<4x80x128xf32, #tpu.memory_space<vmem>> -> memref<1x80x128xf32, #tpu.memory_space<vmem>>
      %dma_start3A_255 = tpu.memref_squeeze %dma_start3A_254 : memref<1x80x128xf32, #tpu.memory_space<vmem>> -> memref<80x128xf32, #tpu.memory_space<vmem>>
      %dma_start3A_256 = arith.constant 0 : i32
      %dma_start3A_257 = tpu.memref_slice %arg8[%dma_start3A_251, %dma_start3A_256] : memref<32x80xi32, #tpu.memory_space<vmem>> -> memref<1x80xi32, #tpu.memory_space<vmem>>
      %dma_start3A_258 = tpu.memref_squeeze %dma_start3A_257 : memref<1x80xi32, #tpu.memory_space<vmem>> -> memref<80xi32, #tpu.memory_space<vmem>>
      %dma_start3A_259 = arith.constant 0 : i32
      %dma_start3A_260 = arith.constant 0 : i32
      %dma_start3A_261 = tpu.memref_slice %arg10[%dma_start3A_259, %dma_start3A_260] : memref<10000x128xf32, #tpu.memory_space<vmem_shared>> -> memref<10000x128xf32, #tpu.memory_space<vmem_shared>>
      tpu.enqueue_indirect_dma source(%dma_start3A_255 : memref<80x128xf32, #tpu.memory_space<vmem>>) target(%dma_start3A_261 : memref<10000x128xf32, #tpu.memory_space<vmem_shared>>) offsets(%dma_start3A_258 : memref<80xi32, #tpu.memory_space<vmem>>) semaphore(%arg12 : memref<!tpu.dma_semaphore, #tpu.memory_space<semaphore_mem>>) {add = true}
      %dma_wait3A_262 = arith.constant 1 : i32
      %dma_wait3A_263 = arith.constant 29 : i32
      %dma_wait3A_264 = arith.constant 0 : i32
      %dma_wait3A_265 = arith.constant 0 : i32
      %dma_wait3A_266 = tpu.memref_slice %arg9[%dma_wait3A_262, %dma_wait3A_264, %dma_wait3A_265] : memref<4x80x128xf32, #tpu.memory_space<vmem>> -> memref<1x80x128xf32, #tpu.memory_space<vmem>>
      %dma_wait3A_267 = tpu.memref_squeeze %dma_wait3A_266 : memref<1x80x128xf32, #tpu.memory_space<vmem>> -> memref<80x128xf32, #tpu.memory_space<vmem>>
      %dma_wait3A_268 = arith.constant 0 : i32
      %dma_wait3A_269 = tpu.memref_slice %arg8[%dma_wait3A_263, %dma_wait3A_268] : memref<32x80xi32, #tpu.memory_space<vmem>> -> memref<1x80xi32, #tpu.memory_space<vmem>>
      %dma_wait3A_270 = tpu.memref_squeeze %dma_wait3A_269 : memref<1x80xi32, #tpu.memory_space<vmem>> -> memref<80xi32, #tpu.memory_space<vmem>>
      %dma_wait3A_271 = arith.constant 0 : i32
      %dma_wait3A_272 = arith.constant 0 : i32
      %dma_wait3A_273 = tpu.memref_slice %arg10[%dma_wait3A_271, %dma_wait3A_272] : memref<10000x128xf32, #tpu.memory_space<vmem_shared>> -> memref<10000x128xf32, #tpu.memory_space<vmem_shared>>
      tpu.wait_indirect_dma semaphore(%arg12 : memref<!tpu.dma_semaphore, #tpu.memory_space<semaphore_mem>>) src(%dma_wait3A_267 : memref<80x128xf32, #tpu.memory_space<vmem>>) dst(%dma_wait3A_273 : memref<10000x128xf32, #tpu.memory_space<vmem_shared>>)
    } else {
    }
    %gt3A_164 = arith.constant 30 : i32
    %gt3A_165 = arith.cmpi sgt, %sub3A_122, %gt3A_164 : i32
    %convert_element_type3A_166 = arith.extui %gt3A_165 : i1 to i32
    %cond3A_167 = arith.constant 0 : i32
    %cond3A_168 = arith.cmpi ne, %convert_element_type3A_166, %cond3A_167 : i32
    scf.if %cond3A_168 {
      %dma_wait3A = arith.constant 30 : i32
      %dma_wait3A_240 = arith.constant 2 : i32
      %dma_wait3A_241 = arith.constant 0 : i32
      %dma_wait3A_242 = arith.constant 0 : i32
      %dma_wait3A_243 = tpu.memref_slice %arg9[%dma_wait3A_240, %dma_wait3A_241, %dma_wait3A_242] : memref<4x80x128xf32, #tpu.memory_space<vmem>> -> memref<1x80x128xf32, #tpu.memory_space<vmem>>
      %dma_wait3A_244 = tpu.memref_squeeze %dma_wait3A_243 : memref<1x80x128xf32, #tpu.memory_space<vmem>> -> memref<80x128xf32, #tpu.memory_space<vmem>>
      %dma_wait3A_245 = arith.constant 0 : i32
      %dma_wait3A_246 = tpu.memref_slice %arg7[%dma_wait3A, %dma_wait3A_245] : memref<32x80xi32, #tpu.memory_space<vmem>> -> memref<1x80xi32, #tpu.memory_space<vmem>>
      %dma_wait3A_247 = tpu.memref_squeeze %dma_wait3A_246 : memref<1x80xi32, #tpu.memory_space<vmem>> -> memref<80xi32, #tpu.memory_space<vmem>>
      %dma_wait3A_248 = arith.constant 0 : i32
      %dma_wait3A_249 = arith.constant 0 : i32
      %dma_wait3A_250 = tpu.memref_slice %arg2[%dma_wait3A_248, %dma_wait3A_249] : memref<10000x128xf32, #tpu.memory_space<hbm>> -> memref<10000x128xf32, #tpu.memory_space<hbm>>
      tpu.wait_indirect_dma semaphore(%arg13 : memref<!tpu.dma_semaphore, #tpu.memory_space<semaphore_mem>>) src(%dma_wait3A_250 : memref<10000x128xf32, #tpu.memory_space<hbm>>) dst(%dma_wait3A_244 : memref<80x128xf32, #tpu.memory_space<vmem>>)
      %dma_start3A = arith.constant 2 : i32
      %dma_start3A_251 = arith.constant 30 : i32
      %dma_start3A_252 = arith.constant 0 : i32
      %dma_start3A_253 = arith.constant 0 : i32
      %dma_start3A_254 = tpu.memref_slice %arg9[%dma_start3A, %dma_start3A_252, %dma_start3A_253] : memref<4x80x128xf32, #tpu.memory_space<vmem>> -> memref<1x80x128xf32, #tpu.memory_space<vmem>>
      %dma_start3A_255 = tpu.memref_squeeze %dma_start3A_254 : memref<1x80x128xf32, #tpu.memory_space<vmem>> -> memref<80x128xf32, #tpu.memory_space<vmem>>
      %dma_start3A_256 = arith.constant 0 : i32
      %dma_start3A_257 = tpu.memref_slice %arg8[%dma_start3A_251, %dma_start3A_256] : memref<32x80xi32, #tpu.memory_space<vmem>> -> memref<1x80xi32, #tpu.memory_space<vmem>>
      %dma_start3A_258 = tpu.memref_squeeze %dma_start3A_257 : memref<1x80xi32, #tpu.memory_space<vmem>> -> memref<80xi32, #tpu.memory_space<vmem>>
      %dma_start3A_259 = arith.constant 0 : i32
      %dma_start3A_260 = arith.constant 0 : i32
      %dma_start3A_261 = tpu.memref_slice %arg10[%dma_start3A_259, %dma_start3A_260] : memref<10000x128xf32, #tpu.memory_space<vmem_shared>> -> memref<10000x128xf32, #tpu.memory_space<vmem_shared>>
      tpu.enqueue_indirect_dma source(%dma_start3A_255 : memref<80x128xf32, #tpu.memory_space<vmem>>) target(%dma_start3A_261 : memref<10000x128xf32, #tpu.memory_space<vmem_shared>>) offsets(%dma_start3A_258 : memref<80xi32, #tpu.memory_space<vmem>>) semaphore(%arg13 : memref<!tpu.dma_semaphore, #tpu.memory_space<semaphore_mem>>) {add = true}
      %dma_wait3A_262 = arith.constant 2 : i32
      %dma_wait3A_263 = arith.constant 30 : i32
      %dma_wait3A_264 = arith.constant 0 : i32
      %dma_wait3A_265 = arith.constant 0 : i32
      %dma_wait3A_266 = tpu.memref_slice %arg9[%dma_wait3A_262, %dma_wait3A_264, %dma_wait3A_265] : memref<4x80x128xf32, #tpu.memory_space<vmem>> -> memref<1x80x128xf32, #tpu.memory_space<vmem>>
      %dma_wait3A_267 = tpu.memref_squeeze %dma_wait3A_266 : memref<1x80x128xf32, #tpu.memory_space<vmem>> -> memref<80x128xf32, #tpu.memory_space<vmem>>
      %dma_wait3A_268 = arith.constant 0 : i32
      %dma_wait3A_269 = tpu.memref_slice %arg8[%dma_wait3A_263, %dma_wait3A_268] : memref<32x80xi32, #tpu.memory_space<vmem>> -> memref<1x80xi32, #tpu.memory_space<vmem>>
      %dma_wait3A_270 = tpu.memref_squeeze %dma_wait3A_269 : memref<1x80xi32, #tpu.memory_space<vmem>> -> memref<80xi32, #tpu.memory_space<vmem>>
      %dma_wait3A_271 = arith.constant 0 : i32
      %dma_wait3A_272 = arith.constant 0 : i32
      %dma_wait3A_273 = tpu.memref_slice %arg10[%dma_wait3A_271, %dma_wait3A_272] : memref<10000x128xf32, #tpu.memory_space<vmem_shared>> -> memref<10000x128xf32, #tpu.memory_space<vmem_shared>>
      tpu.wait_indirect_dma semaphore(%arg13 : memref<!tpu.dma_semaphore, #tpu.memory_space<semaphore_mem>>) src(%dma_wait3A_267 : memref<80x128xf32, #tpu.memory_space<vmem>>) dst(%dma_wait3A_273 : memref<10000x128xf32, #tpu.memory_space<vmem_shared>>)
    } else {
    }
    %gt3A_169 = arith.constant 31 : i32
    %gt3A_170 = arith.cmpi sgt, %sub3A_122, %gt3A_169 : i32
    %convert_element_type3A_171 = arith.extui %gt3A_170 : i1 to i32
    %cond3A_172 = arith.constant 0 : i32
    %cond3A_173 = arith.cmpi ne, %convert_element_type3A_171, %cond3A_172 : i32
    scf.if %cond3A_173 {
      %dma_wait3A = arith.constant 31 : i32
      %dma_wait3A_240 = arith.constant 3 : i32
      %dma_wait3A_241 = arith.constant 0 : i32
      %dma_wait3A_242 = arith.constant 0 : i32
      %dma_wait3A_243 = tpu.memref_slice %arg9[%dma_wait3A_240, %dma_wait3A_241, %dma_wait3A_242] : memref<4x80x128xf32, #tpu.memory_space<vmem>> -> memref<1x80x128xf32, #tpu.memory_space<vmem>>
      %dma_wait3A_244 = tpu.memref_squeeze %dma_wait3A_243 : memref<1x80x128xf32, #tpu.memory_space<vmem>> -> memref<80x128xf32, #tpu.memory_space<vmem>>
      %dma_wait3A_245 = arith.constant 0 : i32
      %dma_wait3A_246 = tpu.memref_slice %arg7[%dma_wait3A, %dma_wait3A_245] : memref<32x80xi32, #tpu.memory_space<vmem>> -> memref<1x80xi32, #tpu.memory_space<vmem>>
      %dma_wait3A_247 = tpu.memref_squeeze %dma_wait3A_246 : memref<1x80xi32, #tpu.memory_space<vmem>> -> memref<80xi32, #tpu.memory_space<vmem>>
      %dma_wait3A_248 = arith.constant 0 : i32
      %dma_wait3A_249 = arith.constant 0 : i32
      %dma_wait3A_250 = tpu.memref_slice %arg2[%dma_wait3A_248, %dma_wait3A_249] : memref<10000x128xf32, #tpu.memory_space<hbm>> -> memref<10000x128xf32, #tpu.memory_space<hbm>>
      tpu.wait_indirect_dma semaphore(%arg14 : memref<!tpu.dma_semaphore, #tpu.memory_space<semaphore_mem>>) src(%dma_wait3A_250 : memref<10000x128xf32, #tpu.memory_space<hbm>>) dst(%dma_wait3A_244 : memref<80x128xf32, #tpu.memory_space<vmem>>)
      %dma_start3A = arith.constant 3 : i32
      %dma_start3A_251 = arith.constant 31 : i32
      %dma_start3A_252 = arith.constant 0 : i32
      %dma_start3A_253 = arith.constant 0 : i32
      %dma_start3A_254 = tpu.memref_slice %arg9[%dma_start3A, %dma_start3A_252, %dma_start3A_253] : memref<4x80x128xf32, #tpu.memory_space<vmem>> -> memref<1x80x128xf32, #tpu.memory_space<vmem>>
      %dma_start3A_255 = tpu.memref_squeeze %dma_start3A_254 : memref<1x80x128xf32, #tpu.memory_space<vmem>> -> memref<80x128xf32, #tpu.memory_space<vmem>>
      %dma_start3A_256 = arith.constant 0 : i32
      %dma_start3A_257 = tpu.memref_slice %arg8[%dma_start3A_251, %dma_start3A_256] : memref<32x80xi32, #tpu.memory_space<vmem>> -> memref<1x80xi32, #tpu.memory_space<vmem>>
      %dma_start3A_258 = tpu.memref_squeeze %dma_start3A_257 : memref<1x80xi32, #tpu.memory_space<vmem>> -> memref<80xi32, #tpu.memory_space<vmem>>
      %dma_start3A_259 = arith.constant 0 : i32
      %dma_start3A_260 = arith.constant 0 : i32
      %dma_start3A_261 = tpu.memref_slice %arg10[%dma_start3A_259, %dma_start3A_260] : memref<10000x128xf32, #tpu.memory_space<vmem_shared>> -> memref<10000x128xf32, #tpu.memory_space<vmem_shared>>
      tpu.enqueue_indirect_dma source(%dma_start3A_255 : memref<80x128xf32, #tpu.memory_space<vmem>>) target(%dma_start3A_261 : memref<10000x128xf32, #tpu.memory_space<vmem_shared>>) offsets(%dma_start3A_258 : memref<80xi32, #tpu.memory_space<vmem>>) semaphore(%arg14 : memref<!tpu.dma_semaphore, #tpu.memory_space<semaphore_mem>>) {add = true}
      %dma_wait3A_262 = arith.constant 3 : i32
      %dma_wait3A_263 = arith.constant 31 : i32
      %dma_wait3A_264 = arith.constant 0 : i32
      %dma_wait3A_265 = arith.constant 0 : i32
      %dma_wait3A_266 = tpu.memref_slice %arg9[%dma_wait3A_262, %dma_wait3A_264, %dma_wait3A_265] : memref<4x80x128xf32, #tpu.memory_space<vmem>> -> memref<1x80x128xf32, #tpu.memory_space<vmem>>
      %dma_wait3A_267 = tpu.memref_squeeze %dma_wait3A_266 : memref<1x80x128xf32, #tpu.memory_space<vmem>> -> memref<80x128xf32, #tpu.memory_space<vmem>>
      %dma_wait3A_268 = arith.constant 0 : i32
      %dma_wait3A_269 = tpu.memref_slice %arg8[%dma_wait3A_263, %dma_wait3A_268] : memref<32x80xi32, #tpu.memory_space<vmem>> -> memref<1x80xi32, #tpu.memory_space<vmem>>
      %dma_wait3A_270 = tpu.memref_squeeze %dma_wait3A_269 : memref<1x80xi32, #tpu.memory_space<vmem>> -> memref<80xi32, #tpu.memory_space<vmem>>
      %dma_wait3A_271 = arith.constant 0 : i32
      %dma_wait3A_272 = arith.constant 0 : i32
      %dma_wait3A_273 = tpu.memref_slice %arg10[%dma_wait3A_271, %dma_wait3A_272] : memref<10000x128xf32, #tpu.memory_space<vmem_shared>> -> memref<10000x128xf32, #tpu.memory_space<vmem_shared>>
      tpu.wait_indirect_dma semaphore(%arg14 : memref<!tpu.dma_semaphore, #tpu.memory_space<semaphore_mem>>) src(%dma_wait3A_267 : memref<80x128xf32, #tpu.memory_space<vmem>>) dst(%dma_wait3A_273 : memref<10000x128xf32, #tpu.memory_space<vmem_shared>>)
    } else {
    }
    %add3A_174 = arith.constant 96 : i32
    %add3A_175 = arith.addi %mul3A_11, %add3A_174 : i32
    %sub3A_176 = arith.constant 4000 : i32
    %sub3A_177 = arith.subi %sub3A_176, %add3A_175 : i32
    %gt3A_178 = arith.constant 0 : i32
    %gt3A_179 = arith.cmpi sgt, %sub3A_177, %gt3A_178 : i32
    %convert_element_type3A_180 = arith.extui %gt3A_179 : i1 to i32
    %cond3A_181 = arith.constant 0 : i32
    %cond3A_182 = arith.cmpi ne, %convert_element_type3A_180, %cond3A_181 : i32
    scf.if %cond3A_182 {
      "tpu.region"() ({
        %run_scoped3A = tpu.sem_alloc : memref<!tpu.dma_semaphore, #tpu.memory_space<semaphore_mem>>
        %dma_start3A = arith.constant 0 : i32
        %dma_start3A_240 = tpu.memref_slice %arg3[%add3A_175, %dma_start3A] : memref<4000x80xi32, #tpu.memory_space<hbm>> -> memref<32x80xi32, #tpu.memory_space<hbm>>
        %dma_start3A_241 = arith.constant 0 : i32
        %dma_start3A_242 = tpu.memref_slice %arg3[%add3A_175, %dma_start3A_241] : memref<4000x80xi32, #tpu.memory_space<hbm>> -> memref<32x80xi32, #tpu.memory_space<hbm>>
        tpu.enqueue_dma source(%dma_start3A_242 : memref<32x80xi32, #tpu.memory_space<hbm>>) target(%arg7 : memref<32x80xi32, #tpu.memory_space<vmem>>) target_semaphore(%run_scoped3A : memref<!tpu.dma_semaphore, #tpu.memory_space<semaphore_mem>>)
        %dma_wait3A = arith.constant 0 : i32
        %dma_wait3A_243 = tpu.memref_slice %arg3[%add3A_175, %dma_wait3A] : memref<4000x80xi32, #tpu.memory_space<hbm>> -> memref<32x80xi32, #tpu.memory_space<hbm>>
        %dma_wait3A_244 = arith.constant 0 : i32
        %dma_wait3A_245 = tpu.memref_slice %arg3[%add3A_175, %dma_wait3A_244] : memref<4000x80xi32, #tpu.memory_space<hbm>> -> memref<32x80xi32, #tpu.memory_space<hbm>>
        tpu.wait_dma2 semaphore(%run_scoped3A : memref<!tpu.dma_semaphore, #tpu.memory_space<semaphore_mem>>) src(%dma_wait3A_245 : memref<32x80xi32, #tpu.memory_space<hbm>>) dst(%arg7 : memref<32x80xi32, #tpu.memory_space<vmem>>)
        tpu.yield
      }) : () -> ()
      "tpu.region"() ({
        %run_scoped3A = tpu.sem_alloc : memref<!tpu.dma_semaphore, #tpu.memory_space<semaphore_mem>>
        %dma_start3A = arith.constant 0 : i32
        %dma_start3A_240 = tpu.memref_slice %arg4[%add3A_175, %dma_start3A] : memref<4000x80xi32, #tpu.memory_space<hbm>> -> memref<32x80xi32, #tpu.memory_space<hbm>>
        %dma_start3A_241 = arith.constant 0 : i32
        %dma_start3A_242 = tpu.memref_slice %arg4[%add3A_175, %dma_start3A_241] : memref<4000x80xi32, #tpu.memory_space<hbm>> -> memref<32x80xi32, #tpu.memory_space<hbm>>
        tpu.enqueue_dma source(%dma_start3A_242 : memref<32x80xi32, #tpu.memory_space<hbm>>) target(%arg8 : memref<32x80xi32, #tpu.memory_space<vmem>>) target_semaphore(%run_scoped3A : memref<!tpu.dma_semaphore, #tpu.memory_space<semaphore_mem>>)
        %dma_wait3A = arith.constant 0 : i32
        %dma_wait3A_243 = tpu.memref_slice %arg4[%add3A_175, %dma_wait3A] : memref<4000x80xi32, #tpu.memory_space<hbm>> -> memref<32x80xi32, #tpu.memory_space<hbm>>
        %dma_wait3A_244 = arith.constant 0 : i32
        %dma_wait3A_245 = tpu.memref_slice %arg4[%add3A_175, %dma_wait3A_244] : memref<4000x80xi32, #tpu.memory_space<hbm>> -> memref<32x80xi32, #tpu.memory_space<hbm>>
        tpu.wait_dma2 semaphore(%run_scoped3A : memref<!tpu.dma_semaphore, #tpu.memory_space<semaphore_mem>>) src(%dma_wait3A_245 : memref<32x80xi32, #tpu.memory_space<hbm>>) dst(%arg8 : memref<32x80xi32, #tpu.memory_space<vmem>>)
        tpu.yield
      }) : () -> ()
    } else {
    }
    %gt3A_183 = arith.constant 0 : i32
    %gt3A_184 = arith.cmpi sgt, %sub3A_177, %gt3A_183 : i32
    %convert_element_type3A_185 = arith.extui %gt3A_184 : i1 to i32
    %cond3A_186 = arith.constant 0 : i32
    %cond3A_187 = arith.cmpi ne, %convert_element_type3A_185, %cond3A_186 : i32
    scf.if %cond3A_187 {
      %dma_start3A = arith.constant 0 : i32
      %dma_start3A_240 = arith.constant 0 : i32
      %dma_start3A_241 = arith.constant 0 : i32
      %dma_start3A_242 = arith.constant 0 : i32
      %dma_start3A_243 = tpu.memref_slice %arg9[%dma_start3A_240, %dma_start3A_241, %dma_start3A_242] : memref<4x80x128xf32, #tpu.memory_space<vmem>> -> memref<1x80x128xf32, #tpu.memory_space<vmem>>
      %dma_start3A_244 = tpu.memref_squeeze %dma_start3A_243 : memref<1x80x128xf32, #tpu.memory_space<vmem>> -> memref<80x128xf32, #tpu.memory_space<vmem>>
      %dma_start3A_245 = arith.constant 0 : i32
      %dma_start3A_246 = tpu.memref_slice %arg7[%dma_start3A, %dma_start3A_245] : memref<32x80xi32, #tpu.memory_space<vmem>> -> memref<1x80xi32, #tpu.memory_space<vmem>>
      %dma_start3A_247 = tpu.memref_squeeze %dma_start3A_246 : memref<1x80xi32, #tpu.memory_space<vmem>> -> memref<80xi32, #tpu.memory_space<vmem>>
      %dma_start3A_248 = arith.constant 0 : i32
      %dma_start3A_249 = arith.constant 0 : i32
      %dma_start3A_250 = tpu.memref_slice %arg2[%dma_start3A_248, %dma_start3A_249] : memref<10000x128xf32, #tpu.memory_space<hbm>> -> memref<10000x128xf32, #tpu.memory_space<hbm>>
      tpu.enqueue_indirect_dma source(%dma_start3A_250 : memref<10000x128xf32, #tpu.memory_space<hbm>>) target(%dma_start3A_244 : memref<80x128xf32, #tpu.memory_space<vmem>>) offsets(%dma_start3A_247 : memref<80xi32, #tpu.memory_space<vmem>>) semaphore(%arg11 : memref<!tpu.dma_semaphore, #tpu.memory_space<semaphore_mem>>)
    } else {
    }
    %gt3A_188 = arith.constant 1 : i32
    %gt3A_189 = arith.cmpi sgt, %sub3A_177, %gt3A_188 : i32
    %convert_element_type3A_190 = arith.extui %gt3A_189 : i1 to i32
    %cond3A_191 = arith.constant 0 : i32
    %cond3A_192 = arith.cmpi ne, %convert_element_type3A_190, %cond3A_191 : i32
    scf.if %cond3A_192 {
      %dma_start3A = arith.constant 1 : i32
      %dma_start3A_240 = arith.constant 1 : i32
      %dma_start3A_241 = arith.constant 0 : i32
      %dma_start3A_242 = arith.constant 0 : i32
      %dma_start3A_243 = tpu.memref_slice %arg9[%dma_start3A_240, %dma_start3A_241, %dma_start3A_242] : memref<4x80x128xf32, #tpu.memory_space<vmem>> -> memref<1x80x128xf32, #tpu.memory_space<vmem>>
      %dma_start3A_244 = tpu.memref_squeeze %dma_start3A_243 : memref<1x80x128xf32, #tpu.memory_space<vmem>> -> memref<80x128xf32, #tpu.memory_space<vmem>>
      %dma_start3A_245 = arith.constant 0 : i32
      %dma_start3A_246 = tpu.memref_slice %arg7[%dma_start3A, %dma_start3A_245] : memref<32x80xi32, #tpu.memory_space<vmem>> -> memref<1x80xi32, #tpu.memory_space<vmem>>
      %dma_start3A_247 = tpu.memref_squeeze %dma_start3A_246 : memref<1x80xi32, #tpu.memory_space<vmem>> -> memref<80xi32, #tpu.memory_space<vmem>>
      %dma_start3A_248 = arith.constant 0 : i32
      %dma_start3A_249 = arith.constant 0 : i32
      %dma_start3A_250 = tpu.memref_slice %arg2[%dma_start3A_248, %dma_start3A_249] : memref<10000x128xf32, #tpu.memory_space<hbm>> -> memref<10000x128xf32, #tpu.memory_space<hbm>>
      tpu.enqueue_indirect_dma source(%dma_start3A_250 : memref<10000x128xf32, #tpu.memory_space<hbm>>) target(%dma_start3A_244 : memref<80x128xf32, #tpu.memory_space<vmem>>) offsets(%dma_start3A_247 : memref<80xi32, #tpu.memory_space<vmem>>) semaphore(%arg12 : memref<!tpu.dma_semaphore, #tpu.memory_space<semaphore_mem>>)
    } else {
    }
    %gt3A_193 = arith.constant 2 : i32
    %gt3A_194 = arith.cmpi sgt, %sub3A_177, %gt3A_193 : i32
    %convert_element_type3A_195 = arith.extui %gt3A_194 : i1 to i32
    %cond3A_196 = arith.constant 0 : i32
    %cond3A_197 = arith.cmpi ne, %convert_element_type3A_195, %cond3A_196 : i32
    scf.if %cond3A_197 {
      %dma_start3A = arith.constant 2 : i32
      %dma_start3A_240 = arith.constant 2 : i32
      %dma_start3A_241 = arith.constant 0 : i32
      %dma_start3A_242 = arith.constant 0 : i32
      %dma_start3A_243 = tpu.memref_slice %arg9[%dma_start3A_240, %dma_start3A_241, %dma_start3A_242] : memref<4x80x128xf32, #tpu.memory_space<vmem>> -> memref<1x80x128xf32, #tpu.memory_space<vmem>>
      %dma_start3A_244 = tpu.memref_squeeze %dma_start3A_243 : memref<1x80x128xf32, #tpu.memory_space<vmem>> -> memref<80x128xf32, #tpu.memory_space<vmem>>
      %dma_start3A_245 = arith.constant 0 : i32
      %dma_start3A_246 = tpu.memref_slice %arg7[%dma_start3A, %dma_start3A_245] : memref<32x80xi32, #tpu.memory_space<vmem>> -> memref<1x80xi32, #tpu.memory_space<vmem>>
      %dma_start3A_247 = tpu.memref_squeeze %dma_start3A_246 : memref<1x80xi32, #tpu.memory_space<vmem>> -> memref<80xi32, #tpu.memory_space<vmem>>
      %dma_start3A_248 = arith.constant 0 : i32
      %dma_start3A_249 = arith.constant 0 : i32
      %dma_start3A_250 = tpu.memref_slice %arg2[%dma_start3A_248, %dma_start3A_249] : memref<10000x128xf32, #tpu.memory_space<hbm>> -> memref<10000x128xf32, #tpu.memory_space<hbm>>
      tpu.enqueue_indirect_dma source(%dma_start3A_250 : memref<10000x128xf32, #tpu.memory_space<hbm>>) target(%dma_start3A_244 : memref<80x128xf32, #tpu.memory_space<vmem>>) offsets(%dma_start3A_247 : memref<80xi32, #tpu.memory_space<vmem>>) semaphore(%arg13 : memref<!tpu.dma_semaphore, #tpu.memory_space<semaphore_mem>>)
    } else {
    }
    %gt3A_198 = arith.constant 3 : i32
    %gt3A_199 = arith.cmpi sgt, %sub3A_177, %gt3A_198 : i32
    %convert_element_type3A_200 = arith.extui %gt3A_199 : i1 to i32
    %cond3A_201 = arith.constant 0 : i32
    %cond3A_202 = arith.cmpi ne, %convert_element_type3A_200, %cond3A_201 : i32
    scf.if %cond3A_202 {
      %dma_start3A = arith.constant 3 : i32
      %dma_start3A_240 = arith.constant 3 : i32
      %dma_start3A_241 = arith.constant 0 : i32
      %dma_start3A_242 = arith.constant 0 : i32
      %dma_start3A_243 = tpu.memref_slice %arg9[%dma_start3A_240, %dma_start3A_241, %dma_start3A_242] : memref<4x80x128xf32, #tpu.memory_space<vmem>> -> memref<1x80x128xf32, #tpu.memory_space<vmem>>
      %dma_start3A_244 = tpu.memref_squeeze %dma_start3A_243 : memref<1x80x128xf32, #tpu.memory_space<vmem>> -> memref<80x128xf32, #tpu.memory_space<vmem>>
      %dma_start3A_245 = arith.constant 0 : i32
      %dma_start3A_246 = tpu.memref_slice %arg7[%dma_start3A, %dma_start3A_245] : memref<32x80xi32, #tpu.memory_space<vmem>> -> memref<1x80xi32, #tpu.memory_space<vmem>>
      %dma_start3A_247 = tpu.memref_squeeze %dma_start3A_246 : memref<1x80xi32, #tpu.memory_space<vmem>> -> memref<80xi32, #tpu.memory_space<vmem>>
      %dma_start3A_248 = arith.constant 0 : i32
      %dma_start3A_249 = arith.constant 0 : i32
      %dma_start3A_250 = tpu.memref_slice %arg2[%dma_start3A_248, %dma_start3A_249] : memref<10000x128xf32, #tpu.memory_space<hbm>> -> memref<10000x128xf32, #tpu.memory_space<hbm>>
      tpu.enqueue_indirect_dma source(%dma_start3A_250 : memref<10000x128xf32, #tpu.memory_space<hbm>>) target(%dma_start3A_244 : memref<80x128xf32, #tpu.memory_space<vmem>>) offsets(%dma_start3A_247 : memref<80xi32, #tpu.memory_space<vmem>>) semaphore(%arg14 : memref<!tpu.dma_semaphore, #tpu.memory_space<semaphore_mem>>)
    } else {
    }
    %scan3A_203 = arith.constant 0 : i32
    %scan3A_204 = arith.constant 0 : i32
    %scan3A_205 = arith.constant 7 : i32
    %scan3A_206 = arith.addi %scan3A_204, %scan3A_205 : i32
    %scan3A_207 = arith.constant 1 : i32
    scf.for %scan3A_240 = %scan3A_204 to %scan3A_206 step %scan3A_207  : i32 {
      %mul3A_241 = arith.constant 4 : i32
      %mul3A_242 = arith.muli %mul3A_241, %scan3A_240 : i32
      %add3A_243 = arith.constant 0 : i32
      %add3A_244 = arith.addi %mul3A_242, %add3A_243 : i32
      %lt3A = arith.cmpi slt, %add3A_244, %sub3A_177 : i32
      %convert_element_type3A_245 = arith.extui %lt3A : i1 to i32
      %cond3A_246 = arith.constant 0 : i32
      %cond3A_247 = arith.cmpi ne, %convert_element_type3A_245, %cond3A_246 : i32
      scf.if %cond3A_247 {
        %dma_wait3A = arith.constant 0 : i32
        %dma_wait3A_272 = arith.constant 0 : i32
        %dma_wait3A_273 = arith.constant 0 : i32
        %dma_wait3A_274 = tpu.memref_slice %arg9[%dma_wait3A, %dma_wait3A_272, %dma_wait3A_273] : memref<4x80x128xf32, #tpu.memory_space<vmem>> -> memref<1x80x128xf32, #tpu.memory_space<vmem>>
        %dma_wait3A_275 = tpu.memref_squeeze %dma_wait3A_274 : memref<1x80x128xf32, #tpu.memory_space<vmem>> -> memref<80x128xf32, #tpu.memory_space<vmem>>
        %dma_wait3A_276 = arith.constant 0 : i32
        %dma_wait3A_277 = tpu.memref_slice %arg7[%add3A_244, %dma_wait3A_276] : memref<32x80xi32, #tpu.memory_space<vmem>> -> memref<1x80xi32, #tpu.memory_space<vmem>>
        %dma_wait3A_278 = tpu.memref_squeeze %dma_wait3A_277 : memref<1x80xi32, #tpu.memory_space<vmem>> -> memref<80xi32, #tpu.memory_space<vmem>>
        %dma_wait3A_279 = arith.constant 0 : i32
        %dma_wait3A_280 = arith.constant 0 : i32
        %dma_wait3A_281 = tpu.memref_slice %arg2[%dma_wait3A_279, %dma_wait3A_280] : memref<10000x128xf32, #tpu.memory_space<hbm>> -> memref<10000x128xf32, #tpu.memory_space<hbm>>
        tpu.wait_indirect_dma semaphore(%arg11 : memref<!tpu.dma_semaphore, #tpu.memory_space<semaphore_mem>>) src(%dma_wait3A_281 : memref<10000x128xf32, #tpu.memory_space<hbm>>) dst(%dma_wait3A_275 : memref<80x128xf32, #tpu.memory_space<vmem>>)
        %dma_start3A = arith.constant 0 : i32
        %dma_start3A_282 = arith.constant 0 : i32
        %dma_start3A_283 = arith.constant 0 : i32
        %dma_start3A_284 = tpu.memref_slice %arg9[%dma_start3A, %dma_start3A_282, %dma_start3A_283] : memref<4x80x128xf32, #tpu.memory_space<vmem>> -> memref<1x80x128xf32, #tpu.memory_space<vmem>>
        %dma_start3A_285 = tpu.memref_squeeze %dma_start3A_284 : memref<1x80x128xf32, #tpu.memory_space<vmem>> -> memref<80x128xf32, #tpu.memory_space<vmem>>
        %dma_start3A_286 = arith.constant 0 : i32
        %dma_start3A_287 = tpu.memref_slice %arg8[%add3A_244, %dma_start3A_286] : memref<32x80xi32, #tpu.memory_space<vmem>> -> memref<1x80xi32, #tpu.memory_space<vmem>>
        %dma_start3A_288 = tpu.memref_squeeze %dma_start3A_287 : memref<1x80xi32, #tpu.memory_space<vmem>> -> memref<80xi32, #tpu.memory_space<vmem>>
        %dma_start3A_289 = arith.constant 0 : i32
        %dma_start3A_290 = arith.constant 0 : i32
        %dma_start3A_291 = tpu.memref_slice %arg10[%dma_start3A_289, %dma_start3A_290] : memref<10000x128xf32, #tpu.memory_space<vmem_shared>> -> memref<10000x128xf32, #tpu.memory_space<vmem_shared>>
        tpu.enqueue_indirect_dma source(%dma_start3A_285 : memref<80x128xf32, #tpu.memory_space<vmem>>) target(%dma_start3A_291 : memref<10000x128xf32, #tpu.memory_space<vmem_shared>>) offsets(%dma_start3A_288 : memref<80xi32, #tpu.memory_space<vmem>>) semaphore(%arg11 : memref<!tpu.dma_semaphore, #tpu.memory_space<semaphore_mem>>) {add = true}
        %dma_wait3A_292 = arith.constant 0 : i32
        %dma_wait3A_293 = arith.constant 0 : i32
        %dma_wait3A_294 = arith.constant 0 : i32
        %dma_wait3A_295 = tpu.memref_slice %arg9[%dma_wait3A_292, %dma_wait3A_293, %dma_wait3A_294] : memref<4x80x128xf32, #tpu.memory_space<vmem>> -> memref<1x80x128xf32, #tpu.memory_space<vmem>>
        %dma_wait3A_296 = tpu.memref_squeeze %dma_wait3A_295 : memref<1x80x128xf32, #tpu.memory_space<vmem>> -> memref<80x128xf32, #tpu.memory_space<vmem>>
        %dma_wait3A_297 = arith.constant 0 : i32
        %dma_wait3A_298 = tpu.memref_slice %arg8[%add3A_244, %dma_wait3A_297] : memref<32x80xi32, #tpu.memory_space<vmem>> -> memref<1x80xi32, #tpu.memory_space<vmem>>
        %dma_wait3A_299 = tpu.memref_squeeze %dma_wait3A_298 : memref<1x80xi32, #tpu.memory_space<vmem>> -> memref<80xi32, #tpu.memory_space<vmem>>
        %dma_wait3A_300 = arith.constant 0 : i32
        %dma_wait3A_301 = arith.constant 0 : i32
        %dma_wait3A_302 = tpu.memref_slice %arg10[%dma_wait3A_300, %dma_wait3A_301] : memref<10000x128xf32, #tpu.memory_space<vmem_shared>> -> memref<10000x128xf32, #tpu.memory_space<vmem_shared>>
        tpu.wait_indirect_dma semaphore(%arg11 : memref<!tpu.dma_semaphore, #tpu.memory_space<semaphore_mem>>) src(%dma_wait3A_296 : memref<80x128xf32, #tpu.memory_space<vmem>>) dst(%dma_wait3A_302 : memref<10000x128xf32, #tpu.memory_space<vmem_shared>>)
        %add3A_303 = arith.constant 4 : i32
        %add3A_304 = arith.addi %add3A_244, %add3A_303 : i32
        %lt3A_305 = arith.cmpi slt, %add3A_304, %sub3A_177 : i32
        %convert_element_type3A_306 = arith.extui %lt3A_305 : i1 to i32
        %cond3A_307 = arith.constant 0 : i32
        %cond3A_308 = arith.cmpi ne, %convert_element_type3A_306, %cond3A_307 : i32
        scf.if %cond3A_308 {
          %add3A_309 = arith.constant 4 : i32
          %add3A_310 = arith.addi %add3A_244, %add3A_309 : i32
          %dma_start3A_311 = arith.constant 0 : i32
          %dma_start3A_312 = arith.constant 0 : i32
          %dma_start3A_313 = arith.constant 0 : i32
          %dma_start3A_314 = tpu.memref_slice %arg9[%dma_start3A_311, %dma_start3A_312, %dma_start3A_313] : memref<4x80x128xf32, #tpu.memory_space<vmem>> -> memref<1x80x128xf32, #tpu.memory_space<vmem>>
          %dma_start3A_315 = tpu.memref_squeeze %dma_start3A_314 : memref<1x80x128xf32, #tpu.memory_space<vmem>> -> memref<80x128xf32, #tpu.memory_space<vmem>>
          %dma_start3A_316 = arith.constant 0 : i32
          %dma_start3A_317 = tpu.memref_slice %arg7[%add3A_310, %dma_start3A_316] : memref<32x80xi32, #tpu.memory_space<vmem>> -> memref<1x80xi32, #tpu.memory_space<vmem>>
          %dma_start3A_318 = tpu.memref_squeeze %dma_start3A_317 : memref<1x80xi32, #tpu.memory_space<vmem>> -> memref<80xi32, #tpu.memory_space<vmem>>
          %dma_start3A_319 = arith.constant 0 : i32
          %dma_start3A_320 = arith.constant 0 : i32
          %dma_start3A_321 = tpu.memref_slice %arg2[%dma_start3A_319, %dma_start3A_320] : memref<10000x128xf32, #tpu.memory_space<hbm>> -> memref<10000x128xf32, #tpu.memory_space<hbm>>
          tpu.enqueue_indirect_dma source(%dma_start3A_321 : memref<10000x128xf32, #tpu.memory_space<hbm>>) target(%dma_start3A_315 : memref<80x128xf32, #tpu.memory_space<vmem>>) offsets(%dma_start3A_318 : memref<80xi32, #tpu.memory_space<vmem>>) semaphore(%arg11 : memref<!tpu.dma_semaphore, #tpu.memory_space<semaphore_mem>>)
        } else {
        }
      } else {
      }
      %mul3A_248 = arith.constant 4 : i32
      %mul3A_249 = arith.muli %mul3A_248, %scan3A_240 : i32
      %add3A_250 = arith.constant 1 : i32
      %add3A_251 = arith.addi %mul3A_249, %add3A_250 : i32
      %lt3A_252 = arith.cmpi slt, %add3A_251, %sub3A_177 : i32
      %convert_element_type3A_253 = arith.extui %lt3A_252 : i1 to i32
      %cond3A_254 = arith.constant 0 : i32
      %cond3A_255 = arith.cmpi ne, %convert_element_type3A_253, %cond3A_254 : i32
      scf.if %cond3A_255 {
        %dma_wait3A = arith.constant 1 : i32
        %dma_wait3A_272 = arith.constant 0 : i32
        %dma_wait3A_273 = arith.constant 0 : i32
        %dma_wait3A_274 = tpu.memref_slice %arg9[%dma_wait3A, %dma_wait3A_272, %dma_wait3A_273] : memref<4x80x128xf32, #tpu.memory_space<vmem>> -> memref<1x80x128xf32, #tpu.memory_space<vmem>>
        %dma_wait3A_275 = tpu.memref_squeeze %dma_wait3A_274 : memref<1x80x128xf32, #tpu.memory_space<vmem>> -> memref<80x128xf32, #tpu.memory_space<vmem>>
        %dma_wait3A_276 = arith.constant 0 : i32
        %dma_wait3A_277 = tpu.memref_slice %arg7[%add3A_251, %dma_wait3A_276] : memref<32x80xi32, #tpu.memory_space<vmem>> -> memref<1x80xi32, #tpu.memory_space<vmem>>
        %dma_wait3A_278 = tpu.memref_squeeze %dma_wait3A_277 : memref<1x80xi32, #tpu.memory_space<vmem>> -> memref<80xi32, #tpu.memory_space<vmem>>
        %dma_wait3A_279 = arith.constant 0 : i32
        %dma_wait3A_280 = arith.constant 0 : i32
        %dma_wait3A_281 = tpu.memref_slice %arg2[%dma_wait3A_279, %dma_wait3A_280] : memref<10000x128xf32, #tpu.memory_space<hbm>> -> memref<10000x128xf32, #tpu.memory_space<hbm>>
        tpu.wait_indirect_dma semaphore(%arg12 : memref<!tpu.dma_semaphore, #tpu.memory_space<semaphore_mem>>) src(%dma_wait3A_281 : memref<10000x128xf32, #tpu.memory_space<hbm>>) dst(%dma_wait3A_275 : memref<80x128xf32, #tpu.memory_space<vmem>>)
        %dma_start3A = arith.constant 1 : i32
        %dma_start3A_282 = arith.constant 0 : i32
        %dma_start3A_283 = arith.constant 0 : i32
        %dma_start3A_284 = tpu.memref_slice %arg9[%dma_start3A, %dma_start3A_282, %dma_start3A_283] : memref<4x80x128xf32, #tpu.memory_space<vmem>> -> memref<1x80x128xf32, #tpu.memory_space<vmem>>
        %dma_start3A_285 = tpu.memref_squeeze %dma_start3A_284 : memref<1x80x128xf32, #tpu.memory_space<vmem>> -> memref<80x128xf32, #tpu.memory_space<vmem>>
        %dma_start3A_286 = arith.constant 0 : i32
        %dma_start3A_287 = tpu.memref_slice %arg8[%add3A_251, %dma_start3A_286] : memref<32x80xi32, #tpu.memory_space<vmem>> -> memref<1x80xi32, #tpu.memory_space<vmem>>
        %dma_start3A_288 = tpu.memref_squeeze %dma_start3A_287 : memref<1x80xi32, #tpu.memory_space<vmem>> -> memref<80xi32, #tpu.memory_space<vmem>>
        %dma_start3A_289 = arith.constant 0 : i32
        %dma_start3A_290 = arith.constant 0 : i32
        %dma_start3A_291 = tpu.memref_slice %arg10[%dma_start3A_289, %dma_start3A_290] : memref<10000x128xf32, #tpu.memory_space<vmem_shared>> -> memref<10000x128xf32, #tpu.memory_space<vmem_shared>>
        tpu.enqueue_indirect_dma source(%dma_start3A_285 : memref<80x128xf32, #tpu.memory_space<vmem>>) target(%dma_start3A_291 : memref<10000x128xf32, #tpu.memory_space<vmem_shared>>) offsets(%dma_start3A_288 : memref<80xi32, #tpu.memory_space<vmem>>) semaphore(%arg12 : memref<!tpu.dma_semaphore, #tpu.memory_space<semaphore_mem>>) {add = true}
        %dma_wait3A_292 = arith.constant 1 : i32
        %dma_wait3A_293 = arith.constant 0 : i32
        %dma_wait3A_294 = arith.constant 0 : i32
        %dma_wait3A_295 = tpu.memref_slice %arg9[%dma_wait3A_292, %dma_wait3A_293, %dma_wait3A_294] : memref<4x80x128xf32, #tpu.memory_space<vmem>> -> memref<1x80x128xf32, #tpu.memory_space<vmem>>
        %dma_wait3A_296 = tpu.memref_squeeze %dma_wait3A_295 : memref<1x80x128xf32, #tpu.memory_space<vmem>> -> memref<80x128xf32, #tpu.memory_space<vmem>>
        %dma_wait3A_297 = arith.constant 0 : i32
        %dma_wait3A_298 = tpu.memref_slice %arg8[%add3A_251, %dma_wait3A_297] : memref<32x80xi32, #tpu.memory_space<vmem>> -> memref<1x80xi32, #tpu.memory_space<vmem>>
        %dma_wait3A_299 = tpu.memref_squeeze %dma_wait3A_298 : memref<1x80xi32, #tpu.memory_space<vmem>> -> memref<80xi32, #tpu.memory_space<vmem>>
        %dma_wait3A_300 = arith.constant 0 : i32
        %dma_wait3A_301 = arith.constant 0 : i32
        %dma_wait3A_302 = tpu.memref_slice %arg10[%dma_wait3A_300, %dma_wait3A_301] : memref<10000x128xf32, #tpu.memory_space<vmem_shared>> -> memref<10000x128xf32, #tpu.memory_space<vmem_shared>>
        tpu.wait_indirect_dma semaphore(%arg12 : memref<!tpu.dma_semaphore, #tpu.memory_space<semaphore_mem>>) src(%dma_wait3A_296 : memref<80x128xf32, #tpu.memory_space<vmem>>) dst(%dma_wait3A_302 : memref<10000x128xf32, #tpu.memory_space<vmem_shared>>)
        %add3A_303 = arith.constant 4 : i32
        %add3A_304 = arith.addi %add3A_251, %add3A_303 : i32
        %lt3A_305 = arith.cmpi slt, %add3A_304, %sub3A_177 : i32
        %convert_element_type3A_306 = arith.extui %lt3A_305 : i1 to i32
        %cond3A_307 = arith.constant 0 : i32
        %cond3A_308 = arith.cmpi ne, %convert_element_type3A_306, %cond3A_307 : i32
        scf.if %cond3A_308 {
          %add3A_309 = arith.constant 4 : i32
          %add3A_310 = arith.addi %add3A_251, %add3A_309 : i32
          %dma_start3A_311 = arith.constant 1 : i32
          %dma_start3A_312 = arith.constant 0 : i32
          %dma_start3A_313 = arith.constant 0 : i32
          %dma_start3A_314 = tpu.memref_slice %arg9[%dma_start3A_311, %dma_start3A_312, %dma_start3A_313] : memref<4x80x128xf32, #tpu.memory_space<vmem>> -> memref<1x80x128xf32, #tpu.memory_space<vmem>>
          %dma_start3A_315 = tpu.memref_squeeze %dma_start3A_314 : memref<1x80x128xf32, #tpu.memory_space<vmem>> -> memref<80x128xf32, #tpu.memory_space<vmem>>
          %dma_start3A_316 = arith.constant 0 : i32
          %dma_start3A_317 = tpu.memref_slice %arg7[%add3A_310, %dma_start3A_316] : memref<32x80xi32, #tpu.memory_space<vmem>> -> memref<1x80xi32, #tpu.memory_space<vmem>>
          %dma_start3A_318 = tpu.memref_squeeze %dma_start3A_317 : memref<1x80xi32, #tpu.memory_space<vmem>> -> memref<80xi32, #tpu.memory_space<vmem>>
          %dma_start3A_319 = arith.constant 0 : i32
          %dma_start3A_320 = arith.constant 0 : i32
          %dma_start3A_321 = tpu.memref_slice %arg2[%dma_start3A_319, %dma_start3A_320] : memref<10000x128xf32, #tpu.memory_space<hbm>> -> memref<10000x128xf32, #tpu.memory_space<hbm>>
          tpu.enqueue_indirect_dma source(%dma_start3A_321 : memref<10000x128xf32, #tpu.memory_space<hbm>>) target(%dma_start3A_315 : memref<80x128xf32, #tpu.memory_space<vmem>>) offsets(%dma_start3A_318 : memref<80xi32, #tpu.memory_space<vmem>>) semaphore(%arg12 : memref<!tpu.dma_semaphore, #tpu.memory_space<semaphore_mem>>)
        } else {
        }
      } else {
      }
      %mul3A_256 = arith.constant 4 : i32
      %mul3A_257 = arith.muli %mul3A_256, %scan3A_240 : i32
      %add3A_258 = arith.constant 2 : i32
      %add3A_259 = arith.addi %mul3A_257, %add3A_258 : i32
      %lt3A_260 = arith.cmpi slt, %add3A_259, %sub3A_177 : i32
      %convert_element_type3A_261 = arith.extui %lt3A_260 : i1 to i32
      %cond3A_262 = arith.constant 0 : i32
      %cond3A_263 = arith.cmpi ne, %convert_element_type3A_261, %cond3A_262 : i32
      scf.if %cond3A_263 {
        %dma_wait3A = arith.constant 2 : i32
        %dma_wait3A_272 = arith.constant 0 : i32
        %dma_wait3A_273 = arith.constant 0 : i32
        %dma_wait3A_274 = tpu.memref_slice %arg9[%dma_wait3A, %dma_wait3A_272, %dma_wait3A_273] : memref<4x80x128xf32, #tpu.memory_space<vmem>> -> memref<1x80x128xf32, #tpu.memory_space<vmem>>
        %dma_wait3A_275 = tpu.memref_squeeze %dma_wait3A_274 : memref<1x80x128xf32, #tpu.memory_space<vmem>> -> memref<80x128xf32, #tpu.memory_space<vmem>>
        %dma_wait3A_276 = arith.constant 0 : i32
        %dma_wait3A_277 = tpu.memref_slice %arg7[%add3A_259, %dma_wait3A_276] : memref<32x80xi32, #tpu.memory_space<vmem>> -> memref<1x80xi32, #tpu.memory_space<vmem>>
        %dma_wait3A_278 = tpu.memref_squeeze %dma_wait3A_277 : memref<1x80xi32, #tpu.memory_space<vmem>> -> memref<80xi32, #tpu.memory_space<vmem>>
        %dma_wait3A_279 = arith.constant 0 : i32
        %dma_wait3A_280 = arith.constant 0 : i32
        %dma_wait3A_281 = tpu.memref_slice %arg2[%dma_wait3A_279, %dma_wait3A_280] : memref<10000x128xf32, #tpu.memory_space<hbm>> -> memref<10000x128xf32, #tpu.memory_space<hbm>>
        tpu.wait_indirect_dma semaphore(%arg13 : memref<!tpu.dma_semaphore, #tpu.memory_space<semaphore_mem>>) src(%dma_wait3A_281 : memref<10000x128xf32, #tpu.memory_space<hbm>>) dst(%dma_wait3A_275 : memref<80x128xf32, #tpu.memory_space<vmem>>)
        %dma_start3A = arith.constant 2 : i32
        %dma_start3A_282 = arith.constant 0 : i32
        %dma_start3A_283 = arith.constant 0 : i32
        %dma_start3A_284 = tpu.memref_slice %arg9[%dma_start3A, %dma_start3A_282, %dma_start3A_283] : memref<4x80x128xf32, #tpu.memory_space<vmem>> -> memref<1x80x128xf32, #tpu.memory_space<vmem>>
        %dma_start3A_285 = tpu.memref_squeeze %dma_start3A_284 : memref<1x80x128xf32, #tpu.memory_space<vmem>> -> memref<80x128xf32, #tpu.memory_space<vmem>>
        %dma_start3A_286 = arith.constant 0 : i32
        %dma_start3A_287 = tpu.memref_slice %arg8[%add3A_259, %dma_start3A_286] : memref<32x80xi32, #tpu.memory_space<vmem>> -> memref<1x80xi32, #tpu.memory_space<vmem>>
        %dma_start3A_288 = tpu.memref_squeeze %dma_start3A_287 : memref<1x80xi32, #tpu.memory_space<vmem>> -> memref<80xi32, #tpu.memory_space<vmem>>
        %dma_start3A_289 = arith.constant 0 : i32
        %dma_start3A_290 = arith.constant 0 : i32
        %dma_start3A_291 = tpu.memref_slice %arg10[%dma_start3A_289, %dma_start3A_290] : memref<10000x128xf32, #tpu.memory_space<vmem_shared>> -> memref<10000x128xf32, #tpu.memory_space<vmem_shared>>
        tpu.enqueue_indirect_dma source(%dma_start3A_285 : memref<80x128xf32, #tpu.memory_space<vmem>>) target(%dma_start3A_291 : memref<10000x128xf32, #tpu.memory_space<vmem_shared>>) offsets(%dma_start3A_288 : memref<80xi32, #tpu.memory_space<vmem>>) semaphore(%arg13 : memref<!tpu.dma_semaphore, #tpu.memory_space<semaphore_mem>>) {add = true}
        %dma_wait3A_292 = arith.constant 2 : i32
        %dma_wait3A_293 = arith.constant 0 : i32
        %dma_wait3A_294 = arith.constant 0 : i32
        %dma_wait3A_295 = tpu.memref_slice %arg9[%dma_wait3A_292, %dma_wait3A_293, %dma_wait3A_294] : memref<4x80x128xf32, #tpu.memory_space<vmem>> -> memref<1x80x128xf32, #tpu.memory_space<vmem>>
        %dma_wait3A_296 = tpu.memref_squeeze %dma_wait3A_295 : memref<1x80x128xf32, #tpu.memory_space<vmem>> -> memref<80x128xf32, #tpu.memory_space<vmem>>
        %dma_wait3A_297 = arith.constant 0 : i32
        %dma_wait3A_298 = tpu.memref_slice %arg8[%add3A_259, %dma_wait3A_297] : memref<32x80xi32, #tpu.memory_space<vmem>> -> memref<1x80xi32, #tpu.memory_space<vmem>>
        %dma_wait3A_299 = tpu.memref_squeeze %dma_wait3A_298 : memref<1x80xi32, #tpu.memory_space<vmem>> -> memref<80xi32, #tpu.memory_space<vmem>>
        %dma_wait3A_300 = arith.constant 0 : i32
        %dma_wait3A_301 = arith.constant 0 : i32
        %dma_wait3A_302 = tpu.memref_slice %arg10[%dma_wait3A_300, %dma_wait3A_301] : memref<10000x128xf32, #tpu.memory_space<vmem_shared>> -> memref<10000x128xf32, #tpu.memory_space<vmem_shared>>
        tpu.wait_indirect_dma semaphore(%arg13 : memref<!tpu.dma_semaphore, #tpu.memory_space<semaphore_mem>>) src(%dma_wait3A_296 : memref<80x128xf32, #tpu.memory_space<vmem>>) dst(%dma_wait3A_302 : memref<10000x128xf32, #tpu.memory_space<vmem_shared>>)
        %add3A_303 = arith.constant 4 : i32
        %add3A_304 = arith.addi %add3A_259, %add3A_303 : i32
        %lt3A_305 = arith.cmpi slt, %add3A_304, %sub3A_177 : i32
        %convert_element_type3A_306 = arith.extui %lt3A_305 : i1 to i32
        %cond3A_307 = arith.constant 0 : i32
        %cond3A_308 = arith.cmpi ne, %convert_element_type3A_306, %cond3A_307 : i32
        scf.if %cond3A_308 {
          %add3A_309 = arith.constant 4 : i32
          %add3A_310 = arith.addi %add3A_259, %add3A_309 : i32
          %dma_start3A_311 = arith.constant 2 : i32
          %dma_start3A_312 = arith.constant 0 : i32
          %dma_start3A_313 = arith.constant 0 : i32
          %dma_start3A_314 = tpu.memref_slice %arg9[%dma_start3A_311, %dma_start3A_312, %dma_start3A_313] : memref<4x80x128xf32, #tpu.memory_space<vmem>> -> memref<1x80x128xf32, #tpu.memory_space<vmem>>
          %dma_start3A_315 = tpu.memref_squeeze %dma_start3A_314 : memref<1x80x128xf32, #tpu.memory_space<vmem>> -> memref<80x128xf32, #tpu.memory_space<vmem>>
          %dma_start3A_316 = arith.constant 0 : i32
          %dma_start3A_317 = tpu.memref_slice %arg7[%add3A_310, %dma_start3A_316] : memref<32x80xi32, #tpu.memory_space<vmem>> -> memref<1x80xi32, #tpu.memory_space<vmem>>
          %dma_start3A_318 = tpu.memref_squeeze %dma_start3A_317 : memref<1x80xi32, #tpu.memory_space<vmem>> -> memref<80xi32, #tpu.memory_space<vmem>>
          %dma_start3A_319 = arith.constant 0 : i32
          %dma_start3A_320 = arith.constant 0 : i32
          %dma_start3A_321 = tpu.memref_slice %arg2[%dma_start3A_319, %dma_start3A_320] : memref<10000x128xf32, #tpu.memory_space<hbm>> -> memref<10000x128xf32, #tpu.memory_space<hbm>>
          tpu.enqueue_indirect_dma source(%dma_start3A_321 : memref<10000x128xf32, #tpu.memory_space<hbm>>) target(%dma_start3A_315 : memref<80x128xf32, #tpu.memory_space<vmem>>) offsets(%dma_start3A_318 : memref<80xi32, #tpu.memory_space<vmem>>) semaphore(%arg13 : memref<!tpu.dma_semaphore, #tpu.memory_space<semaphore_mem>>)
        } else {
        }
      } else {
      }
      %mul3A_264 = arith.constant 4 : i32
      %mul3A_265 = arith.muli %mul3A_264, %scan3A_240 : i32
      %add3A_266 = arith.constant 3 : i32
      %add3A_267 = arith.addi %mul3A_265, %add3A_266 : i32
      %lt3A_268 = arith.cmpi slt, %add3A_267, %sub3A_177 : i32
      %convert_element_type3A_269 = arith.extui %lt3A_268 : i1 to i32
      %cond3A_270 = arith.constant 0 : i32
      %cond3A_271 = arith.cmpi ne, %convert_element_type3A_269, %cond3A_270 : i32
      scf.if %cond3A_271 {
        %dma_wait3A = arith.constant 3 : i32
        %dma_wait3A_272 = arith.constant 0 : i32
        %dma_wait3A_273 = arith.constant 0 : i32
        %dma_wait3A_274 = tpu.memref_slice %arg9[%dma_wait3A, %dma_wait3A_272, %dma_wait3A_273] : memref<4x80x128xf32, #tpu.memory_space<vmem>> -> memref<1x80x128xf32, #tpu.memory_space<vmem>>
        %dma_wait3A_275 = tpu.memref_squeeze %dma_wait3A_274 : memref<1x80x128xf32, #tpu.memory_space<vmem>> -> memref<80x128xf32, #tpu.memory_space<vmem>>
        %dma_wait3A_276 = arith.constant 0 : i32
        %dma_wait3A_277 = tpu.memref_slice %arg7[%add3A_267, %dma_wait3A_276] : memref<32x80xi32, #tpu.memory_space<vmem>> -> memref<1x80xi32, #tpu.memory_space<vmem>>
        %dma_wait3A_278 = tpu.memref_squeeze %dma_wait3A_277 : memref<1x80xi32, #tpu.memory_space<vmem>> -> memref<80xi32, #tpu.memory_space<vmem>>
        %dma_wait3A_279 = arith.constant 0 : i32
        %dma_wait3A_280 = arith.constant 0 : i32
        %dma_wait3A_281 = tpu.memref_slice %arg2[%dma_wait3A_279, %dma_wait3A_280] : memref<10000x128xf32, #tpu.memory_space<hbm>> -> memref<10000x128xf32, #tpu.memory_space<hbm>>
        tpu.wait_indirect_dma semaphore(%arg14 : memref<!tpu.dma_semaphore, #tpu.memory_space<semaphore_mem>>) src(%dma_wait3A_281 : memref<10000x128xf32, #tpu.memory_space<hbm>>) dst(%dma_wait3A_275 : memref<80x128xf32, #tpu.memory_space<vmem>>)
        %dma_start3A = arith.constant 3 : i32
        %dma_start3A_282 = arith.constant 0 : i32
        %dma_start3A_283 = arith.constant 0 : i32
        %dma_start3A_284 = tpu.memref_slice %arg9[%dma_start3A, %dma_start3A_282, %dma_start3A_283] : memref<4x80x128xf32, #tpu.memory_space<vmem>> -> memref<1x80x128xf32, #tpu.memory_space<vmem>>
        %dma_start3A_285 = tpu.memref_squeeze %dma_start3A_284 : memref<1x80x128xf32, #tpu.memory_space<vmem>> -> memref<80x128xf32, #tpu.memory_space<vmem>>
        %dma_start3A_286 = arith.constant 0 : i32
        %dma_start3A_287 = tpu.memref_slice %arg8[%add3A_267, %dma_start3A_286] : memref<32x80xi32, #tpu.memory_space<vmem>> -> memref<1x80xi32, #tpu.memory_space<vmem>>
        %dma_start3A_288 = tpu.memref_squeeze %dma_start3A_287 : memref<1x80xi32, #tpu.memory_space<vmem>> -> memref<80xi32, #tpu.memory_space<vmem>>
        %dma_start3A_289 = arith.constant 0 : i32
        %dma_start3A_290 = arith.constant 0 : i32
        %dma_start3A_291 = tpu.memref_slice %arg10[%dma_start3A_289, %dma_start3A_290] : memref<10000x128xf32, #tpu.memory_space<vmem_shared>> -> memref<10000x128xf32, #tpu.memory_space<vmem_shared>>
        tpu.enqueue_indirect_dma source(%dma_start3A_285 : memref<80x128xf32, #tpu.memory_space<vmem>>) target(%dma_start3A_291 : memref<10000x128xf32, #tpu.memory_space<vmem_shared>>) offsets(%dma_start3A_288 : memref<80xi32, #tpu.memory_space<vmem>>) semaphore(%arg14 : memref<!tpu.dma_semaphore, #tpu.memory_space<semaphore_mem>>) {add = true}
        %dma_wait3A_292 = arith.constant 3 : i32
        %dma_wait3A_293 = arith.constant 0 : i32
        %dma_wait3A_294 = arith.constant 0 : i32
        %dma_wait3A_295 = tpu.memref_slice %arg9[%dma_wait3A_292, %dma_wait3A_293, %dma_wait3A_294] : memref<4x80x128xf32, #tpu.memory_space<vmem>> -> memref<1x80x128xf32, #tpu.memory_space<vmem>>
        %dma_wait3A_296 = tpu.memref_squeeze %dma_wait3A_295 : memref<1x80x128xf32, #tpu.memory_space<vmem>> -> memref<80x128xf32, #tpu.memory_space<vmem>>
        %dma_wait3A_297 = arith.constant 0 : i32
        %dma_wait3A_298 = tpu.memref_slice %arg8[%add3A_267, %dma_wait3A_297] : memref<32x80xi32, #tpu.memory_space<vmem>> -> memref<1x80xi32, #tpu.memory_space<vmem>>
        %dma_wait3A_299 = tpu.memref_squeeze %dma_wait3A_298 : memref<1x80xi32, #tpu.memory_space<vmem>> -> memref<80xi32, #tpu.memory_space<vmem>>
        %dma_wait3A_300 = arith.constant 0 : i32
        %dma_wait3A_301 = arith.constant 0 : i32
        %dma_wait3A_302 = tpu.memref_slice %arg10[%dma_wait3A_300, %dma_wait3A_301] : memref<10000x128xf32, #tpu.memory_space<vmem_shared>> -> memref<10000x128xf32, #tpu.memory_space<vmem_shared>>
        tpu.wait_indirect_dma semaphore(%arg14 : memref<!tpu.dma_semaphore, #tpu.memory_space<semaphore_mem>>) src(%dma_wait3A_296 : memref<80x128xf32, #tpu.memory_space<vmem>>) dst(%dma_wait3A_302 : memref<10000x128xf32, #tpu.memory_space<vmem_shared>>)
        %add3A_303 = arith.constant 4 : i32
        %add3A_304 = arith.addi %add3A_267, %add3A_303 : i32
        %lt3A_305 = arith.cmpi slt, %add3A_304, %sub3A_177 : i32
        %convert_element_type3A_306 = arith.extui %lt3A_305 : i1 to i32
        %cond3A_307 = arith.constant 0 : i32
        %cond3A_308 = arith.cmpi ne, %convert_element_type3A_306, %cond3A_307 : i32
        scf.if %cond3A_308 {
          %add3A_309 = arith.constant 4 : i32
          %add3A_310 = arith.addi %add3A_267, %add3A_309 : i32
          %dma_start3A_311 = arith.constant 3 : i32
          %dma_start3A_312 = arith.constant 0 : i32
          %dma_start3A_313 = arith.constant 0 : i32
          %dma_start3A_314 = tpu.memref_slice %arg9[%dma_start3A_311, %dma_start3A_312, %dma_start3A_313] : memref<4x80x128xf32, #tpu.memory_space<vmem>> -> memref<1x80x128xf32, #tpu.memory_space<vmem>>
          %dma_start3A_315 = tpu.memref_squeeze %dma_start3A_314 : memref<1x80x128xf32, #tpu.memory_space<vmem>> -> memref<80x128xf32, #tpu.memory_space<vmem>>
          %dma_start3A_316 = arith.constant 0 : i32
          %dma_start3A_317 = tpu.memref_slice %arg7[%add3A_310, %dma_start3A_316] : memref<32x80xi32, #tpu.memory_space<vmem>> -> memref<1x80xi32, #tpu.memory_space<vmem>>
          %dma_start3A_318 = tpu.memref_squeeze %dma_start3A_317 : memref<1x80xi32, #tpu.memory_space<vmem>> -> memref<80xi32, #tpu.memory_space<vmem>>
          %dma_start3A_319 = arith.constant 0 : i32
          %dma_start3A_320 = arith.constant 0 : i32
          %dma_start3A_321 = tpu.memref_slice %arg2[%dma_start3A_319, %dma_start3A_320] : memref<10000x128xf32, #tpu.memory_space<hbm>> -> memref<10000x128xf32, #tpu.memory_space<hbm>>
          tpu.enqueue_indirect_dma source(%dma_start3A_321 : memref<10000x128xf32, #tpu.memory_space<hbm>>) target(%dma_start3A_315 : memref<80x128xf32, #tpu.memory_space<vmem>>) offsets(%dma_start3A_318 : memref<80xi32, #tpu.memory_space<vmem>>) semaphore(%arg14 : memref<!tpu.dma_semaphore, #tpu.memory_space<semaphore_mem>>)
        } else {
        }
      } else {
      }
    }
    %scan3A_208 = arith.constant 7 : i32
    %gt3A_209 = arith.constant 28 : i32
    %gt3A_210 = arith.cmpi sgt, %sub3A_177, %gt3A_209 : i32
    %convert_element_type3A_211 = arith.extui %gt3A_210 : i1 to i32
    %cond3A_212 = arith.constant 0 : i32
    %cond3A_213 = arith.cmpi ne, %convert_element_type3A_211, %cond3A_212 : i32
    scf.if %cond3A_213 {
      %dma_wait3A = arith.constant 28 : i32
      %dma_wait3A_240 = arith.constant 0 : i32
      %dma_wait3A_241 = arith.constant 0 : i32
      %dma_wait3A_242 = arith.constant 0 : i32
      %dma_wait3A_243 = tpu.memref_slice %arg9[%dma_wait3A_240, %dma_wait3A_241, %dma_wait3A_242] : memref<4x80x128xf32, #tpu.memory_space<vmem>> -> memref<1x80x128xf32, #tpu.memory_space<vmem>>
      %dma_wait3A_244 = tpu.memref_squeeze %dma_wait3A_243 : memref<1x80x128xf32, #tpu.memory_space<vmem>> -> memref<80x128xf32, #tpu.memory_space<vmem>>
      %dma_wait3A_245 = arith.constant 0 : i32
      %dma_wait3A_246 = tpu.memref_slice %arg7[%dma_wait3A, %dma_wait3A_245] : memref<32x80xi32, #tpu.memory_space<vmem>> -> memref<1x80xi32, #tpu.memory_space<vmem>>
      %dma_wait3A_247 = tpu.memref_squeeze %dma_wait3A_246 : memref<1x80xi32, #tpu.memory_space<vmem>> -> memref<80xi32, #tpu.memory_space<vmem>>
      %dma_wait3A_248 = arith.constant 0 : i32
      %dma_wait3A_249 = arith.constant 0 : i32
      %dma_wait3A_250 = tpu.memref_slice %arg2[%dma_wait3A_248, %dma_wait3A_249] : memref<10000x128xf32, #tpu.memory_space<hbm>> -> memref<10000x128xf32, #tpu.memory_space<hbm>>
      tpu.wait_indirect_dma semaphore(%arg11 : memref<!tpu.dma_semaphore, #tpu.memory_space<semaphore_mem>>) src(%dma_wait3A_250 : memref<10000x128xf32, #tpu.memory_space<hbm>>) dst(%dma_wait3A_244 : memref<80x128xf32, #tpu.memory_space<vmem>>)
      %dma_start3A = arith.constant 0 : i32
      %dma_start3A_251 = arith.constant 28 : i32
      %dma_start3A_252 = arith.constant 0 : i32
      %dma_start3A_253 = arith.constant 0 : i32
      %dma_start3A_254 = tpu.memref_slice %arg9[%dma_start3A, %dma_start3A_252, %dma_start3A_253] : memref<4x80x128xf32, #tpu.memory_space<vmem>> -> memref<1x80x128xf32, #tpu.memory_space<vmem>>
      %dma_start3A_255 = tpu.memref_squeeze %dma_start3A_254 : memref<1x80x128xf32, #tpu.memory_space<vmem>> -> memref<80x128xf32, #tpu.memory_space<vmem>>
      %dma_start3A_256 = arith.constant 0 : i32
      %dma_start3A_257 = tpu.memref_slice %arg8[%dma_start3A_251, %dma_start3A_256] : memref<32x80xi32, #tpu.memory_space<vmem>> -> memref<1x80xi32, #tpu.memory_space<vmem>>
      %dma_start3A_258 = tpu.memref_squeeze %dma_start3A_257 : memref<1x80xi32, #tpu.memory_space<vmem>> -> memref<80xi32, #tpu.memory_space<vmem>>
      %dma_start3A_259 = arith.constant 0 : i32
      %dma_start3A_260 = arith.constant 0 : i32
      %dma_start3A_261 = tpu.memref_slice %arg10[%dma_start3A_259, %dma_start3A_260] : memref<10000x128xf32, #tpu.memory_space<vmem_shared>> -> memref<10000x128xf32, #tpu.memory_space<vmem_shared>>
      tpu.enqueue_indirect_dma source(%dma_start3A_255 : memref<80x128xf32, #tpu.memory_space<vmem>>) target(%dma_start3A_261 : memref<10000x128xf32, #tpu.memory_space<vmem_shared>>) offsets(%dma_start3A_258 : memref<80xi32, #tpu.memory_space<vmem>>) semaphore(%arg11 : memref<!tpu.dma_semaphore, #tpu.memory_space<semaphore_mem>>) {add = true}
      %dma_wait3A_262 = arith.constant 0 : i32
      %dma_wait3A_263 = arith.constant 28 : i32
      %dma_wait3A_264 = arith.constant 0 : i32
      %dma_wait3A_265 = arith.constant 0 : i32
      %dma_wait3A_266 = tpu.memref_slice %arg9[%dma_wait3A_262, %dma_wait3A_264, %dma_wait3A_265] : memref<4x80x128xf32, #tpu.memory_space<vmem>> -> memref<1x80x128xf32, #tpu.memory_space<vmem>>
      %dma_wait3A_267 = tpu.memref_squeeze %dma_wait3A_266 : memref<1x80x128xf32, #tpu.memory_space<vmem>> -> memref<80x128xf32, #tpu.memory_space<vmem>>
      %dma_wait3A_268 = arith.constant 0 : i32
      %dma_wait3A_269 = tpu.memref_slice %arg8[%dma_wait3A_263, %dma_wait3A_268] : memref<32x80xi32, #tpu.memory_space<vmem>> -> memref<1x80xi32, #tpu.memory_space<vmem>>
      %dma_wait3A_270 = tpu.memref_squeeze %dma_wait3A_269 : memref<1x80xi32, #tpu.memory_space<vmem>> -> memref<80xi32, #tpu.memory_space<vmem>>
      %dma_wait3A_271 = arith.constant 0 : i32
      %dma_wait3A_272 = arith.constant 0 : i32
      %dma_wait3A_273 = tpu.memref_slice %arg10[%dma_wait3A_271, %dma_wait3A_272] : memref<10000x128xf32, #tpu.memory_space<vmem_shared>> -> memref<10000x128xf32, #tpu.memory_space<vmem_shared>>
      tpu.wait_indirect_dma semaphore(%arg11 : memref<!tpu.dma_semaphore, #tpu.memory_space<semaphore_mem>>) src(%dma_wait3A_267 : memref<80x128xf32, #tpu.memory_space<vmem>>) dst(%dma_wait3A_273 : memref<10000x128xf32, #tpu.memory_space<vmem_shared>>)
    } else {
    }
    %gt3A_214 = arith.constant 29 : i32
    %gt3A_215 = arith.cmpi sgt, %sub3A_177, %gt3A_214 : i32
    %convert_element_type3A_216 = arith.extui %gt3A_215 : i1 to i32
    %cond3A_217 = arith.constant 0 : i32
    %cond3A_218 = arith.cmpi ne, %convert_element_type3A_216, %cond3A_217 : i32
    scf.if %cond3A_218 {
      %dma_wait3A = arith.constant 29 : i32
      %dma_wait3A_240 = arith.constant 1 : i32
      %dma_wait3A_241 = arith.constant 0 : i32
      %dma_wait3A_242 = arith.constant 0 : i32
      %dma_wait3A_243 = tpu.memref_slice %arg9[%dma_wait3A_240, %dma_wait3A_241, %dma_wait3A_242] : memref<4x80x128xf32, #tpu.memory_space<vmem>> -> memref<1x80x128xf32, #tpu.memory_space<vmem>>
      %dma_wait3A_244 = tpu.memref_squeeze %dma_wait3A_243 : memref<1x80x128xf32, #tpu.memory_space<vmem>> -> memref<80x128xf32, #tpu.memory_space<vmem>>
      %dma_wait3A_245 = arith.constant 0 : i32
      %dma_wait3A_246 = tpu.memref_slice %arg7[%dma_wait3A, %dma_wait3A_245] : memref<32x80xi32, #tpu.memory_space<vmem>> -> memref<1x80xi32, #tpu.memory_space<vmem>>
      %dma_wait3A_247 = tpu.memref_squeeze %dma_wait3A_246 : memref<1x80xi32, #tpu.memory_space<vmem>> -> memref<80xi32, #tpu.memory_space<vmem>>
      %dma_wait3A_248 = arith.constant 0 : i32
      %dma_wait3A_249 = arith.constant 0 : i32
      %dma_wait3A_250 = tpu.memref_slice %arg2[%dma_wait3A_248, %dma_wait3A_249] : memref<10000x128xf32, #tpu.memory_space<hbm>> -> memref<10000x128xf32, #tpu.memory_space<hbm>>
      tpu.wait_indirect_dma semaphore(%arg12 : memref<!tpu.dma_semaphore, #tpu.memory_space<semaphore_mem>>) src(%dma_wait3A_250 : memref<10000x128xf32, #tpu.memory_space<hbm>>) dst(%dma_wait3A_244 : memref<80x128xf32, #tpu.memory_space<vmem>>)
      %dma_start3A = arith.constant 1 : i32
      %dma_start3A_251 = arith.constant 29 : i32
      %dma_start3A_252 = arith.constant 0 : i32
      %dma_start3A_253 = arith.constant 0 : i32
      %dma_start3A_254 = tpu.memref_slice %arg9[%dma_start3A, %dma_start3A_252, %dma_start3A_253] : memref<4x80x128xf32, #tpu.memory_space<vmem>> -> memref<1x80x128xf32, #tpu.memory_space<vmem>>
      %dma_start3A_255 = tpu.memref_squeeze %dma_start3A_254 : memref<1x80x128xf32, #tpu.memory_space<vmem>> -> memref<80x128xf32, #tpu.memory_space<vmem>>
      %dma_start3A_256 = arith.constant 0 : i32
      %dma_start3A_257 = tpu.memref_slice %arg8[%dma_start3A_251, %dma_start3A_256] : memref<32x80xi32, #tpu.memory_space<vmem>> -> memref<1x80xi32, #tpu.memory_space<vmem>>
      %dma_start3A_258 = tpu.memref_squeeze %dma_start3A_257 : memref<1x80xi32, #tpu.memory_space<vmem>> -> memref<80xi32, #tpu.memory_space<vmem>>
      %dma_start3A_259 = arith.constant 0 : i32
      %dma_start3A_260 = arith.constant 0 : i32
      %dma_start3A_261 = tpu.memref_slice %arg10[%dma_start3A_259, %dma_start3A_260] : memref<10000x128xf32, #tpu.memory_space<vmem_shared>> -> memref<10000x128xf32, #tpu.memory_space<vmem_shared>>
      tpu.enqueue_indirect_dma source(%dma_start3A_255 : memref<80x128xf32, #tpu.memory_space<vmem>>) target(%dma_start3A_261 : memref<10000x128xf32, #tpu.memory_space<vmem_shared>>) offsets(%dma_start3A_258 : memref<80xi32, #tpu.memory_space<vmem>>) semaphore(%arg12 : memref<!tpu.dma_semaphore, #tpu.memory_space<semaphore_mem>>) {add = true}
      %dma_wait3A_262 = arith.constant 1 : i32
      %dma_wait3A_263 = arith.constant 29 : i32
      %dma_wait3A_264 = arith.constant 0 : i32
      %dma_wait3A_265 = arith.constant 0 : i32
      %dma_wait3A_266 = tpu.memref_slice %arg9[%dma_wait3A_262, %dma_wait3A_264, %dma_wait3A_265] : memref<4x80x128xf32, #tpu.memory_space<vmem>> -> memref<1x80x128xf32, #tpu.memory_space<vmem>>
      %dma_wait3A_267 = tpu.memref_squeeze %dma_wait3A_266 : memref<1x80x128xf32, #tpu.memory_space<vmem>> -> memref<80x128xf32, #tpu.memory_space<vmem>>
      %dma_wait3A_268 = arith.constant 0 : i32
      %dma_wait3A_269 = tpu.memref_slice %arg8[%dma_wait3A_263, %dma_wait3A_268] : memref<32x80xi32, #tpu.memory_space<vmem>> -> memref<1x80xi32, #tpu.memory_space<vmem>>
      %dma_wait3A_270 = tpu.memref_squeeze %dma_wait3A_269 : memref<1x80xi32, #tpu.memory_space<vmem>> -> memref<80xi32, #tpu.memory_space<vmem>>
      %dma_wait3A_271 = arith.constant 0 : i32
      %dma_wait3A_272 = arith.constant 0 : i32
      %dma_wait3A_273 = tpu.memref_slice %arg10[%dma_wait3A_271, %dma_wait3A_272] : memref<10000x128xf32, #tpu.memory_space<vmem_shared>> -> memref<10000x128xf32, #tpu.memory_space<vmem_shared>>
      tpu.wait_indirect_dma semaphore(%arg12 : memref<!tpu.dma_semaphore, #tpu.memory_space<semaphore_mem>>) src(%dma_wait3A_267 : memref<80x128xf32, #tpu.memory_space<vmem>>) dst(%dma_wait3A_273 : memref<10000x128xf32, #tpu.memory_space<vmem_shared>>)
    } else {
    }
    %gt3A_219 = arith.constant 30 : i32
    %gt3A_220 = arith.cmpi sgt, %sub3A_177, %gt3A_219 : i32
    %convert_element_type3A_221 = arith.extui %gt3A_220 : i1 to i32
    %cond3A_222 = arith.constant 0 : i32
    %cond3A_223 = arith.cmpi ne, %convert_element_type3A_221, %cond3A_222 : i32
    scf.if %cond3A_223 {
      %dma_wait3A = arith.constant 30 : i32
      %dma_wait3A_240 = arith.constant 2 : i32
      %dma_wait3A_241 = arith.constant 0 : i32
      %dma_wait3A_242 = arith.constant 0 : i32
      %dma_wait3A_243 = tpu.memref_slice %arg9[%dma_wait3A_240, %dma_wait3A_241, %dma_wait3A_242] : memref<4x80x128xf32, #tpu.memory_space<vmem>> -> memref<1x80x128xf32, #tpu.memory_space<vmem>>
      %dma_wait3A_244 = tpu.memref_squeeze %dma_wait3A_243 : memref<1x80x128xf32, #tpu.memory_space<vmem>> -> memref<80x128xf32, #tpu.memory_space<vmem>>
      %dma_wait3A_245 = arith.constant 0 : i32
      %dma_wait3A_246 = tpu.memref_slice %arg7[%dma_wait3A, %dma_wait3A_245] : memref<32x80xi32, #tpu.memory_space<vmem>> -> memref<1x80xi32, #tpu.memory_space<vmem>>
      %dma_wait3A_247 = tpu.memref_squeeze %dma_wait3A_246 : memref<1x80xi32, #tpu.memory_space<vmem>> -> memref<80xi32, #tpu.memory_space<vmem>>
      %dma_wait3A_248 = arith.constant 0 : i32
      %dma_wait3A_249 = arith.constant 0 : i32
      %dma_wait3A_250 = tpu.memref_slice %arg2[%dma_wait3A_248, %dma_wait3A_249] : memref<10000x128xf32, #tpu.memory_space<hbm>> -> memref<10000x128xf32, #tpu.memory_space<hbm>>
      tpu.wait_indirect_dma semaphore(%arg13 : memref<!tpu.dma_semaphore, #tpu.memory_space<semaphore_mem>>) src(%dma_wait3A_250 : memref<10000x128xf32, #tpu.memory_space<hbm>>) dst(%dma_wait3A_244 : memref<80x128xf32, #tpu.memory_space<vmem>>)
      %dma_start3A = arith.constant 2 : i32
      %dma_start3A_251 = arith.constant 30 : i32
      %dma_start3A_252 = arith.constant 0 : i32
      %dma_start3A_253 = arith.constant 0 : i32
      %dma_start3A_254 = tpu.memref_slice %arg9[%dma_start3A, %dma_start3A_252, %dma_start3A_253] : memref<4x80x128xf32, #tpu.memory_space<vmem>> -> memref<1x80x128xf32, #tpu.memory_space<vmem>>
      %dma_start3A_255 = tpu.memref_squeeze %dma_start3A_254 : memref<1x80x128xf32, #tpu.memory_space<vmem>> -> memref<80x128xf32, #tpu.memory_space<vmem>>
      %dma_start3A_256 = arith.constant 0 : i32
      %dma_start3A_257 = tpu.memref_slice %arg8[%dma_start3A_251, %dma_start3A_256] : memref<32x80xi32, #tpu.memory_space<vmem>> -> memref<1x80xi32, #tpu.memory_space<vmem>>
      %dma_start3A_258 = tpu.memref_squeeze %dma_start3A_257 : memref<1x80xi32, #tpu.memory_space<vmem>> -> memref<80xi32, #tpu.memory_space<vmem>>
      %dma_start3A_259 = arith.constant 0 : i32
      %dma_start3A_260 = arith.constant 0 : i32
      %dma_start3A_261 = tpu.memref_slice %arg10[%dma_start3A_259, %dma_start3A_260] : memref<10000x128xf32, #tpu.memory_space<vmem_shared>> -> memref<10000x128xf32, #tpu.memory_space<vmem_shared>>
      tpu.enqueue_indirect_dma source(%dma_start3A_255 : memref<80x128xf32, #tpu.memory_space<vmem>>) target(%dma_start3A_261 : memref<10000x128xf32, #tpu.memory_space<vmem_shared>>) offsets(%dma_start3A_258 : memref<80xi32, #tpu.memory_space<vmem>>) semaphore(%arg13 : memref<!tpu.dma_semaphore, #tpu.memory_space<semaphore_mem>>) {add = true}
      %dma_wait3A_262 = arith.constant 2 : i32
      %dma_wait3A_263 = arith.constant 30 : i32
      %dma_wait3A_264 = arith.constant 0 : i32
      %dma_wait3A_265 = arith.constant 0 : i32
      %dma_wait3A_266 = tpu.memref_slice %arg9[%dma_wait3A_262, %dma_wait3A_264, %dma_wait3A_265] : memref<4x80x128xf32, #tpu.memory_space<vmem>> -> memref<1x80x128xf32, #tpu.memory_space<vmem>>
      %dma_wait3A_267 = tpu.memref_squeeze %dma_wait3A_266 : memref<1x80x128xf32, #tpu.memory_space<vmem>> -> memref<80x128xf32, #tpu.memory_space<vmem>>
      %dma_wait3A_268 = arith.constant 0 : i32
      %dma_wait3A_269 = tpu.memref_slice %arg8[%dma_wait3A_263, %dma_wait3A_268] : memref<32x80xi32, #tpu.memory_space<vmem>> -> memref<1x80xi32, #tpu.memory_space<vmem>>
      %dma_wait3A_270 = tpu.memref_squeeze %dma_wait3A_269 : memref<1x80xi32, #tpu.memory_space<vmem>> -> memref<80xi32, #tpu.memory_space<vmem>>
      %dma_wait3A_271 = arith.constant 0 : i32
      %dma_wait3A_272 = arith.constant 0 : i32
      %dma_wait3A_273 = tpu.memref_slice %arg10[%dma_wait3A_271, %dma_wait3A_272] : memref<10000x128xf32, #tpu.memory_space<vmem_shared>> -> memref<10000x128xf32, #tpu.memory_space<vmem_shared>>
      tpu.wait_indirect_dma semaphore(%arg13 : memref<!tpu.dma_semaphore, #tpu.memory_space<semaphore_mem>>) src(%dma_wait3A_267 : memref<80x128xf32, #tpu.memory_space<vmem>>) dst(%dma_wait3A_273 : memref<10000x128xf32, #tpu.memory_space<vmem_shared>>)
    } else {
    }
    %gt3A_224 = arith.constant 31 : i32
    %gt3A_225 = arith.cmpi sgt, %sub3A_177, %gt3A_224 : i32
    %convert_element_type3A_226 = arith.extui %gt3A_225 : i1 to i32
    %cond3A_227 = arith.constant 0 : i32
    %cond3A_228 = arith.cmpi ne, %convert_element_type3A_226, %cond3A_227 : i32
    scf.if %cond3A_228 {
      %dma_wait3A = arith.constant 31 : i32
      %dma_wait3A_240 = arith.constant 3 : i32
      %dma_wait3A_241 = arith.constant 0 : i32
      %dma_wait3A_242 = arith.constant 0 : i32
      %dma_wait3A_243 = tpu.memref_slice %arg9[%dma_wait3A_240, %dma_wait3A_241, %dma_wait3A_242] : memref<4x80x128xf32, #tpu.memory_space<vmem>> -> memref<1x80x128xf32, #tpu.memory_space<vmem>>
      %dma_wait3A_244 = tpu.memref_squeeze %dma_wait3A_243 : memref<1x80x128xf32, #tpu.memory_space<vmem>> -> memref<80x128xf32, #tpu.memory_space<vmem>>
      %dma_wait3A_245 = arith.constant 0 : i32
      %dma_wait3A_246 = tpu.memref_slice %arg7[%dma_wait3A, %dma_wait3A_245] : memref<32x80xi32, #tpu.memory_space<vmem>> -> memref<1x80xi32, #tpu.memory_space<vmem>>
      %dma_wait3A_247 = tpu.memref_squeeze %dma_wait3A_246 : memref<1x80xi32, #tpu.memory_space<vmem>> -> memref<80xi32, #tpu.memory_space<vmem>>
      %dma_wait3A_248 = arith.constant 0 : i32
      %dma_wait3A_249 = arith.constant 0 : i32
      %dma_wait3A_250 = tpu.memref_slice %arg2[%dma_wait3A_248, %dma_wait3A_249] : memref<10000x128xf32, #tpu.memory_space<hbm>> -> memref<10000x128xf32, #tpu.memory_space<hbm>>
      tpu.wait_indirect_dma semaphore(%arg14 : memref<!tpu.dma_semaphore, #tpu.memory_space<semaphore_mem>>) src(%dma_wait3A_250 : memref<10000x128xf32, #tpu.memory_space<hbm>>) dst(%dma_wait3A_244 : memref<80x128xf32, #tpu.memory_space<vmem>>)
      %dma_start3A = arith.constant 3 : i32
      %dma_start3A_251 = arith.constant 31 : i32
      %dma_start3A_252 = arith.constant 0 : i32
      %dma_start3A_253 = arith.constant 0 : i32
      %dma_start3A_254 = tpu.memref_slice %arg9[%dma_start3A, %dma_start3A_252, %dma_start3A_253] : memref<4x80x128xf32, #tpu.memory_space<vmem>> -> memref<1x80x128xf32, #tpu.memory_space<vmem>>
      %dma_start3A_255 = tpu.memref_squeeze %dma_start3A_254 : memref<1x80x128xf32, #tpu.memory_space<vmem>> -> memref<80x128xf32, #tpu.memory_space<vmem>>
      %dma_start3A_256 = arith.constant 0 : i32
      %dma_start3A_257 = tpu.memref_slice %arg8[%dma_start3A_251, %dma_start3A_256] : memref<32x80xi32, #tpu.memory_space<vmem>> -> memref<1x80xi32, #tpu.memory_space<vmem>>
      %dma_start3A_258 = tpu.memref_squeeze %dma_start3A_257 : memref<1x80xi32, #tpu.memory_space<vmem>> -> memref<80xi32, #tpu.memory_space<vmem>>
      %dma_start3A_259 = arith.constant 0 : i32
      %dma_start3A_260 = arith.constant 0 : i32
      %dma_start3A_261 = tpu.memref_slice %arg10[%dma_start3A_259, %dma_start3A_260] : memref<10000x128xf32, #tpu.memory_space<vmem_shared>> -> memref<10000x128xf32, #tpu.memory_space<vmem_shared>>
      tpu.enqueue_indirect_dma source(%dma_start3A_255 : memref<80x128xf32, #tpu.memory_space<vmem>>) target(%dma_start3A_261 : memref<10000x128xf32, #tpu.memory_space<vmem_shared>>) offsets(%dma_start3A_258 : memref<80xi32, #tpu.memory_space<vmem>>) semaphore(%arg14 : memref<!tpu.dma_semaphore, #tpu.memory_space<semaphore_mem>>) {add = true}
      %dma_wait3A_262 = arith.constant 3 : i32
      %dma_wait3A_263 = arith.constant 31 : i32
      %dma_wait3A_264 = arith.constant 0 : i32
      %dma_wait3A_265 = arith.constant 0 : i32
      %dma_wait3A_266 = tpu.memref_slice %arg9[%dma_wait3A_262, %dma_wait3A_264, %dma_wait3A_265] : memref<4x80x128xf32, #tpu.memory_space<vmem>> -> memref<1x80x128xf32, #tpu.memory_space<vmem>>
      %dma_wait3A_267 = tpu.memref_squeeze %dma_wait3A_266 : memref<1x80x128xf32, #tpu.memory_space<vmem>> -> memref<80x128xf32, #tpu.memory_space<vmem>>
      %dma_wait3A_268 = arith.constant 0 : i32
      %dma_wait3A_269 = tpu.memref_slice %arg8[%dma_wait3A_263, %dma_wait3A_268] : memref<32x80xi32, #tpu.memory_space<vmem>> -> memref<1x80xi32, #tpu.memory_space<vmem>>
      %dma_wait3A_270 = tpu.memref_squeeze %dma_wait3A_269 : memref<1x80xi32, #tpu.memory_space<vmem>> -> memref<80xi32, #tpu.memory_space<vmem>>
      %dma_wait3A_271 = arith.constant 0 : i32
      %dma_wait3A_272 = arith.constant 0 : i32
      %dma_wait3A_273 = tpu.memref_slice %arg10[%dma_wait3A_271, %dma_wait3A_272] : memref<10000x128xf32, #tpu.memory_space<vmem_shared>> -> memref<10000x128xf32, #tpu.memory_space<vmem_shared>>
      tpu.wait_indirect_dma semaphore(%arg14 : memref<!tpu.dma_semaphore, #tpu.memory_space<semaphore_mem>>) src(%dma_wait3A_267 : memref<80x128xf32, #tpu.memory_space<vmem>>) dst(%dma_wait3A_273 : memref<10000x128xf32, #tpu.memory_space<vmem_shared>>)
    } else {
    }
    %barrier3A_229 = arith.constant 0 : index
    tpu.barrier barrier_id(%barrier3A_229)
    %eq3A_230 = arith.constant 0 : i32
    %eq3A_231 = arith.cmpi eq, %arg0, %eq3A_230 : i32
    %convert_element_type3A_232 = arith.extui %eq3A_231 : i1 to i32
    %cond3A_233 = arith.constant 0 : i32
    %cond3A_234 = arith.cmpi ne, %convert_element_type3A_232, %cond3A_233 : i32
    scf.if %cond3A_234 {
      "tpu.region"() ({
        %run_scoped3A = tpu.sem_alloc : memref<!tpu.dma_semaphore, #tpu.memory_space<semaphore_mem>>
        %dma_start3A = arith.constant 0 : i32
        %dma_start3A_245 = tpu.memref_slice %arg5[%mul3A_2, %dma_start3A] : memref<10000x128xf32, #tpu.memory_space<hbm>> -> memref<624x128xf32, #tpu.memory_space<hbm>>
        %dma_start3A_246 = arith.constant 0 : i32
        %dma_start3A_247 = tpu.memref_slice %arg10[%mul3A_2, %dma_start3A_246] : memref<10000x128xf32, #tpu.memory_space<vmem_shared>> -> memref<624x128xf32, #tpu.memory_space<vmem_shared>>
        tpu.enqueue_dma source(%dma_start3A_247 : memref<624x128xf32, #tpu.memory_space<vmem_shared>>) target(%dma_start3A_245 : memref<624x128xf32, #tpu.memory_space<hbm>>) target_semaphore(%run_scoped3A : memref<!tpu.dma_semaphore, #tpu.memory_space<semaphore_mem>>)
        %dma_wait3A = arith.constant 0 : i32
        %dma_wait3A_248 = tpu.memref_slice %arg5[%mul3A_2, %dma_wait3A] : memref<10000x128xf32, #tpu.memory_space<hbm>> -> memref<624x128xf32, #tpu.memory_space<hbm>>
        %dma_wait3A_249 = arith.constant 0 : i32
        %dma_wait3A_250 = tpu.memref_slice %arg10[%mul3A_2, %dma_wait3A_249] : memref<10000x128xf32, #tpu.memory_space<vmem_shared>> -> memref<624x128xf32, #tpu.memory_space<vmem_shared>>
        tpu.wait_dma2 semaphore(%run_scoped3A : memref<!tpu.dma_semaphore, #tpu.memory_space<semaphore_mem>>) src(%dma_wait3A_250 : memref<624x128xf32, #tpu.memory_space<vmem_shared>>) dst(%dma_wait3A_248 : memref<624x128xf32, #tpu.memory_space<hbm>>)
        tpu.yield
      }) : () -> ()
      %eq3A_240 = arith.constant 15 : i32
      %eq3A_241 = arith.cmpi eq, %arg1, %eq3A_240 : i32
      %convert_element_type3A_242 = arith.extui %eq3A_241 : i1 to i32
      %cond3A_243 = arith.constant 0 : i32
      %cond3A_244 = arith.cmpi ne, %convert_element_type3A_242, %cond3A_243 : i32
      scf.if %cond3A_244 {
        "tpu.region"() ({
          %run_scoped3A = tpu.sem_alloc : memref<!tpu.dma_semaphore, #tpu.memory_space<semaphore_mem>>
          %dma_start3A = arith.constant 9984 : i32
          %dma_start3A_245 = arith.constant 0 : i32
          %dma_start3A_246 = tpu.memref_slice %arg5[%dma_start3A, %dma_start3A_245] : memref<10000x128xf32, #tpu.memory_space<hbm>> -> memref<16x128xf32, #tpu.memory_space<hbm>>
          %dma_start3A_247 = arith.constant 9984 : i32
          %dma_start3A_248 = arith.constant 0 : i32
          %dma_start3A_249 = tpu.memref_slice %arg10[%dma_start3A_247, %dma_start3A_248] : memref<10000x128xf32, #tpu.memory_space<vmem_shared>> -> memref<16x128xf32, #tpu.memory_space<vmem_shared>>
          tpu.enqueue_dma source(%dma_start3A_249 : memref<16x128xf32, #tpu.memory_space<vmem_shared>>) target(%dma_start3A_246 : memref<16x128xf32, #tpu.memory_space<hbm>>) target_semaphore(%run_scoped3A : memref<!tpu.dma_semaphore, #tpu.memory_space<semaphore_mem>>)
          %dma_wait3A = arith.constant 9984 : i32
          %dma_wait3A_250 = arith.constant 0 : i32
          %dma_wait3A_251 = tpu.memref_slice %arg5[%dma_wait3A, %dma_wait3A_250] : memref<10000x128xf32, #tpu.memory_space<hbm>> -> memref<16x128xf32, #tpu.memory_space<hbm>>
          %dma_wait3A_252 = arith.constant 9984 : i32
          %dma_wait3A_253 = arith.constant 0 : i32
          %dma_wait3A_254 = tpu.memref_slice %arg10[%dma_wait3A_252, %dma_wait3A_253] : memref<10000x128xf32, #tpu.memory_space<vmem_shared>> -> memref<16x128xf32, #tpu.memory_space<vmem_shared>>
          tpu.wait_dma2 semaphore(%run_scoped3A : memref<!tpu.dma_semaphore, #tpu.memory_space<semaphore_mem>>) src(%dma_wait3A_254 : memref<16x128xf32, #tpu.memory_space<vmem_shared>>) dst(%dma_wait3A_251 : memref<16x128xf32, #tpu.memory_space<hbm>>)
          tpu.yield
        }) : () -> ()
      } else {
      }
    } else {
    }
    %eq3A_235 = arith.constant 1 : i32
    %eq3A_236 = arith.cmpi eq, %arg0, %eq3A_235 : i32
    %convert_element_type3A_237 = arith.extui %eq3A_236 : i1 to i32
    %cond3A_238 = arith.constant 0 : i32
    %cond3A_239 = arith.cmpi ne, %convert_element_type3A_237, %cond3A_238 : i32
    scf.if %cond3A_239 {
      "tpu.region"() ({
        %run_scoped3A = tpu.sem_alloc : memref<!tpu.dma_semaphore, #tpu.memory_space<semaphore_mem>>
        %dma_start3A = arith.constant 0 : i32
        %dma_start3A_245 = tpu.memref_slice %arg6[%mul3A_2, %dma_start3A] : memref<10000x128xf32, #tpu.memory_space<hbm>> -> memref<624x128xf32, #tpu.memory_space<hbm>>
        %dma_start3A_246 = arith.constant 0 : i32
        %dma_start3A_247 = tpu.memref_slice %arg10[%mul3A_2, %dma_start3A_246] : memref<10000x128xf32, #tpu.memory_space<vmem_shared>> -> memref<624x128xf32, #tpu.memory_space<vmem_shared>>
        tpu.enqueue_dma source(%dma_start3A_247 : memref<624x128xf32, #tpu.memory_space<vmem_shared>>) target(%dma_start3A_245 : memref<624x128xf32, #tpu.memory_space<hbm>>) target_semaphore(%run_scoped3A : memref<!tpu.dma_semaphore, #tpu.memory_space<semaphore_mem>>)
        %dma_wait3A = arith.constant 0 : i32
        %dma_wait3A_248 = tpu.memref_slice %arg6[%mul3A_2, %dma_wait3A] : memref<10000x128xf32, #tpu.memory_space<hbm>> -> memref<624x128xf32, #tpu.memory_space<hbm>>
        %dma_wait3A_249 = arith.constant 0 : i32
        %dma_wait3A_250 = tpu.memref_slice %arg10[%mul3A_2, %dma_wait3A_249] : memref<10000x128xf32, #tpu.memory_space<vmem_shared>> -> memref<624x128xf32, #tpu.memory_space<vmem_shared>>
        tpu.wait_dma2 semaphore(%run_scoped3A : memref<!tpu.dma_semaphore, #tpu.memory_space<semaphore_mem>>) src(%dma_wait3A_250 : memref<624x128xf32, #tpu.memory_space<vmem_shared>>) dst(%dma_wait3A_248 : memref<624x128xf32, #tpu.memory_space<hbm>>)
        tpu.yield
      }) : () -> ()
      %eq3A_240 = arith.constant 15 : i32
      %eq3A_241 = arith.cmpi eq, %arg1, %eq3A_240 : i32
      %convert_element_type3A_242 = arith.extui %eq3A_241 : i1 to i32
      %cond3A_243 = arith.constant 0 : i32
      %cond3A_244 = arith.cmpi ne, %convert_element_type3A_242, %cond3A_243 : i32
      scf.if %cond3A_244 {
        "tpu.region"() ({
          %run_scoped3A = tpu.sem_alloc : memref<!tpu.dma_semaphore, #tpu.memory_space<semaphore_mem>>
          %dma_start3A = arith.constant 9984 : i32
          %dma_start3A_245 = arith.constant 0 : i32
          %dma_start3A_246 = tpu.memref_slice %arg6[%dma_start3A, %dma_start3A_245] : memref<10000x128xf32, #tpu.memory_space<hbm>> -> memref<16x128xf32, #tpu.memory_space<hbm>>
          %dma_start3A_247 = arith.constant 9984 : i32
          %dma_start3A_248 = arith.constant 0 : i32
          %dma_start3A_249 = tpu.memref_slice %arg10[%dma_start3A_247, %dma_start3A_248] : memref<10000x128xf32, #tpu.memory_space<vmem_shared>> -> memref<16x128xf32, #tpu.memory_space<vmem_shared>>
          tpu.enqueue_dma source(%dma_start3A_249 : memref<16x128xf32, #tpu.memory_space<vmem_shared>>) target(%dma_start3A_246 : memref<16x128xf32, #tpu.memory_space<hbm>>) target_semaphore(%run_scoped3A : memref<!tpu.dma_semaphore, #tpu.memory_space<semaphore_mem>>)
          %dma_wait3A = arith.constant 9984 : i32
          %dma_wait3A_250 = arith.constant 0 : i32
          %dma_wait3A_251 = tpu.memref_slice %arg6[%dma_wait3A, %dma_wait3A_250] : memref<10000x128xf32, #tpu.memory_space<hbm>> -> memref<16x128xf32, #tpu.memory_space<hbm>>
          %dma_wait3A_252 = arith.constant 9984 : i32
          %dma_wait3A_253 = arith.constant 0 : i32
          %dma_wait3A_254 = tpu.memref_slice %arg10[%dma_wait3A_252, %dma_wait3A_253] : memref<10000x128xf32, #tpu.memory_space<vmem_shared>> -> memref<16x128xf32, #tpu.memory_space<vmem_shared>>
          tpu.wait_dma2 semaphore(%run_scoped3A : memref<!tpu.dma_semaphore, #tpu.memory_space<semaphore_mem>>) src(%dma_wait3A_254 : memref<16x128xf32, #tpu.memory_space<vmem_shared>>) dst(%dma_wait3A_251 : memref<16x128xf32, #tpu.memory_space<hbm>>)
          tpu.yield
        }) : () -> ()
      } else {
      }
    } else {
    }
    return
  }
}

module attributes {stable_mosaic.version = 14 : i64} {
  func.func @_mlp_block(%arg0: i32, %arg1: memref<2000x128xf32, #tpu.memory_space<vmem>>, %arg2: memref<2000x128xf32, #tpu.memory_space<vmem>>, %arg3: memref<128x128xf32, #tpu.memory_space<vmem>>, %arg4: memref<1x128xf32, #tpu.memory_space<vmem>>, %arg5: memref<128x128xf32, #tpu.memory_space<vmem>>, %arg6: memref<1x128xf32, #tpu.memory_space<vmem>>, %arg7: memref<2000x128xf32, #tpu.memory_space<vmem>>) attributes {dimension_semantics = [#tpu.dimension_semantics<arbitrary>], iteration_bounds = array<i64: 5>, scalar_prefetch = 0 : i64, scratch_operands = 0 : i64, tpu.core_type = #tpu.core_type<tc>, window_params = [{transform_indices = @transform_0, window_bounds = array<i64: 2000, 128>}, {transform_indices = @transform_1, window_bounds = array<i64: 2000, 128>}, {pipeline_mode = #tpu.pipeline_mode<synchronous>, transform_indices = @transform_2, window_bounds = array<i64: 128, 128>}, {pipeline_mode = #tpu.pipeline_mode<synchronous>, transform_indices = @transform_3, window_bounds = array<i64: 1, 128>}, {pipeline_mode = #tpu.pipeline_mode<synchronous>, transform_indices = @transform_4, window_bounds = array<i64: 128, 128>}, {pipeline_mode = #tpu.pipeline_mode<synchronous>, transform_indices = @transform_5, window_bounds = array<i64: 1, 128>}, {transform_indices = @transform_6, window_bounds = array<i64: 2000, 128>}]} {
    %get3A = arith.constant 0 : index
    %get3A_0 = arith.constant 0 : index
    %get3A_1 = vector.load %arg1[%get3A, %get3A_0] : memref<2000x128xf32, #tpu.memory_space<vmem>>, vector<2000x128xf32>
    %get3A_2 = arith.constant 0 : index
    %get3A_3 = arith.constant 0 : index
    %get3A_4 = vector.load %arg2[%get3A_2, %get3A_3] : memref<2000x128xf32, #tpu.memory_space<vmem>>, vector<2000x128xf32>
    %add3A = arith.addf %get3A_1, %get3A_4 : vector<2000x128xf32>
    %get3A_5 = arith.constant 0 : index
    %get3A_6 = arith.constant 0 : index
    %get3A_7 = vector.load %arg3[%get3A_5, %get3A_6] : memref<128x128xf32, #tpu.memory_space<vmem>>, vector<128x128xf32>
    %dot_general3A = arith.constant dense<0.000000e+00> : vector<2000x128xf32>
    %dot_general3A_8 = tpu.matmul %add3A, %get3A_7, %dot_general3A {dimension_numbers = #tpu.dot_dimension_numbers<[1], [0], [0], [1], [0, 0, 1, 1], [], []>, transpose_lhs_hint = false} : vector<2000x128xf32>, vector<128x128xf32>, vector<2000x128xf32> -> vector<2000x128xf32>
    %get3A_9 = arith.constant 0 : index
    %get3A_10 = arith.constant 0 : index
    %get3A_11 = vector.load %arg4[%get3A_9, %get3A_10] : memref<1x128xf32, #tpu.memory_space<vmem>>, vector<1x128xf32>
    %add3A_12 = vector.broadcast %get3A_11 : vector<1x128xf32> to vector<2000x128xf32>
    %add3A_13 = arith.addf %dot_general3A_8, %add3A_12 : vector<2000x128xf32>
    %max3A = arith.constant 0.000000e+00 : f32
    %max3A_14 = vector.broadcast %max3A : f32 to vector<2000x128xf32>
    %max3A_15 = arith.maximumf %add3A_13, %max3A_14 : vector<2000x128xf32>
    %get3A_16 = arith.constant 0 : index
    %get3A_17 = arith.constant 0 : index
    %get3A_18 = vector.load %arg5[%get3A_16, %get3A_17] : memref<128x128xf32, #tpu.memory_space<vmem>>, vector<128x128xf32>
    %dot_general3A_19 = arith.constant dense<0.000000e+00> : vector<2000x128xf32>
    %dot_general3A_20 = tpu.matmul %max3A_15, %get3A_18, %dot_general3A_19 {dimension_numbers = #tpu.dot_dimension_numbers<[1], [0], [0], [1], [0, 0, 1, 1], [], []>, transpose_lhs_hint = false} : vector<2000x128xf32>, vector<128x128xf32>, vector<2000x128xf32> -> vector<2000x128xf32>
    %get3A_21 = arith.constant 0 : index
    %get3A_22 = arith.constant 0 : index
    %get3A_23 = vector.load %arg6[%get3A_21, %get3A_22] : memref<1x128xf32, #tpu.memory_space<vmem>>, vector<1x128xf32>
    %add3A_24 = vector.broadcast %get3A_23 : vector<1x128xf32> to vector<2000x128xf32>
    %add3A_25 = arith.addf %dot_general3A_20, %add3A_24 : vector<2000x128xf32>
    %swap3A = arith.constant 0 : index
    %swap3A_26 = arith.constant 0 : index
    %swap3A_27 = vector.load %arg7[%swap3A, %swap3A_26] : memref<2000x128xf32, #tpu.memory_space<vmem>>, vector<2000x128xf32>
    tpu.vector_store %arg7[%swap3A, %swap3A_26], %add3A_25 {strides = array<i32>} : memref<2000x128xf32, #tpu.memory_space<vmem>>, vector<2000x128xf32>,
    return
  }
  func.func @transform_0(%arg0: i32) -> (i32, i32) {
    %c0_i32 = arith.constant 0 : i32
    %c0_i32_0 = arith.constant 0 : i32
    return %arg0, %c0_i32 : i32, i32
  }
  func.func @transform_1(%arg0: i32) -> (i32, i32) {
    %c0_i32 = arith.constant 0 : i32
    %c0_i32_0 = arith.constant 0 : i32
    return %arg0, %c0_i32 : i32, i32
  }
  func.func @transform_2(%arg0: i32) -> (i32, i32) {
    %c0_i32 = arith.constant 0 : i32
    %c0_i32_0 = arith.constant 0 : i32
    %c0_i32_1 = arith.constant 0 : i32
    return %c0_i32, %c0_i32_0 : i32, i32
  }
  func.func @transform_3(%arg0: i32) -> (i32, i32) {
    %c0_i32 = arith.constant 0 : i32
    %c0_i32_0 = arith.constant 0 : i32
    %c0_i32_1 = arith.constant 0 : i32
    return %c0_i32, %c0_i32_0 : i32, i32
  }
  func.func @transform_4(%arg0: i32) -> (i32, i32) {
    %c0_i32 = arith.constant 0 : i32
    %c0_i32_0 = arith.constant 0 : i32
    %c0_i32_1 = arith.constant 0 : i32
    return %c0_i32, %c0_i32_0 : i32, i32
  }
  func.func @transform_5(%arg0: i32) -> (i32, i32) {
    %c0_i32 = arith.constant 0 : i32
    %c0_i32_0 = arith.constant 0 : i32
    %c0_i32_1 = arith.constant 0 : i32
    return %c0_i32, %c0_i32_0 : i32, i32
  }
  func.func @transform_6(%arg0: i32) -> (i32, i32) {
    %c0_i32 = arith.constant 0 : i32
    %c0_i32_0 = arith.constant 0 : i32
    return %arg0, %c0_i32 : i32, i32
  }
}

</mosaic_0001>

<sc_bundles>
// kernel: kernel.4.cloned.1.call-start
scs
__scs_entry_jumppad:
0x0: {  	(pc) =	sbr.rel $0x88, $3  }
0x1: {  	(tag) =	ssettag $0x0;
	lr =	simm.s32 $0x1  }
0x2: {  	[smem:$0x3F9B] =	sst lr;
	_ =	strace $0xD0000000  }
0x3: {  	_ = 	snop  }
0x4: {  	_ = 	snop  }
0x5: {  	_ = 	snop  }
0x6: {  	_ = 	snop  }
0x7: {  	_ = 	snop  }
__scs_overlays_trampoline_lowered:
0x8: {  	[smem:$0x3FAA] =	sst s0  }
0x9: {  	[smem:$0x3FAB] =	sst s1  }
0xa: {  	[smem:$0x3FAC] =	sst s2  }
0xb: {  	[smem:$0x3FAD] =	sst s3  }
0xc: {  	[smem:$0x3FAE] =	sst s4  }
0xd: {  	[smem:$0x3FAF] =	sst s5  }
0xe: {  	[smem:$0x3FB0] =	sst s6  }
0xf: {  	[smem:$0x3FB1] =	sst s7  }
0x10: {  	[smem:$0x3FB2] =	sst s8  }
0x11: {  	[smem:$0x3FB3] =	sst s9;
	s0 =	simm.s32 @!p0 $0x0  }
0x12: {  	s1 =	sld [smem:$0x3F99];
	s0 =	simm.s32 @p0 $0x1  }
0x13: {  	[smem:$0x3FB4] =	sst s0;
	s0 =	simm.s32 @!p1 $0x0  }
0x14: {  	s2 =	sld [smem:$0x3F98];
	s0 =	simm.s32 @p1 $0x1  }
0x15: {  	[smem:$0x3FB5] =	sst s0;
	s0 =	simm.s32 @!p2 $0x0  }
0x16: {  	s3 =	sld [smem:$0x3FDB];
	s0 =	simm.s32 @p2 $0x1  }
0x17: {  	s4 =	simm.s32 $0x1BF5;
	[smem:$0x3FB7] =	sst s0  }
0x18: {  	s0 =	sld [smem:$0x3F9A];
	_ =	swait.ge [sflag:s4], $0x0  }
0x19: {  	s7 =	sld [smem:$0x3F9B]  }
0x1a: {  	s8 =	sadd.s32 $0xFFFFE003, lr  }
0x1b: {  	s9 =	sadd.s32 $0xFFFFFEF7, lr;
	s5 =	simm.s32 $0xFFFFFFFF;
	p2 =	slt.u32 s8, $0xFFFFF086  }
0x1c: {  	p1 =	slt.u32 s9, $0xF7A;
	s5 =	simm.s32 @!p2 $0x0  }
0x1d: {  	s5 =	simm.s32 @p1 $0x1;
	p0 =	seq.s32 s7, s2  }
0x1e: {  	s7 =	smul.u32 @!p0 $0xF7A, s2;
	p2 =	seq.s32 @!p0 s5, $0x0  }
0x1f: {  	s9 =	smul.u32 $0xF7A, s1;
	s8 =	simm.s32 @!p0 $0x1BF5;
	p2 =	por !p2, p0  }
0x20: {  	[sflag:s8] =	ssyncset.s32 @!p0 $0xFFFFF086;
	s6 =	sadd.s32 @!p0 s3, s7;
	s7 =	simm.s32 @!p0 $0x108  }
0x21: {  	s3 =	sadd.s32 s3, s9;
	s6 =	sadd.s32 @!p0 $0x88, s6;
	s7 =	simm.s32 @p2 $0x1082  }
0x22: {  	[simem:s7], [sflag:s8] =	dma.local @!p0 [hbm:s6], $0xF7A  }
0x23: {  	s9 =	sor.u32 $0xD0000000, s2;
	s6 =	simm.s32 $0x108;
	_ =	swait.ge @!p0 [sflag:s8], $0x0  }
0x24: {  	s3 =	sadd.s32 $0x88, s3;
	s6 =	simm.s32 @!p1 $0x1082;
	[sflag:s4] =	ssyncset.s32 $0xFFFFF086  }
0x25: {  	[simem:s6], [sflag:s4] =	dma.local [hbm:s3], $0xF7A  }
0x26: {  	[smem:$0x3F9B] =	sst s1;
	(tag) =	ssettag s2;
	_ =	strace s9  }
0x27: {  	s1 =	sld [smem:$0x3FAB]  }
0x28: {  	s2 =	sld [smem:$0x3FAC]  }
0x29: {  	s4 =	sld [smem:$0x3FAE]  }
0x2a: {  	p0 =	seq.s32 s5, $0x0;
	s5 =	sld [smem:$0x3FAF]  }
0x2b: {  	s6 =	sld [smem:$0x3FB0]  }
0x2c: {  	s7 =	sld [smem:$0x3FB1]  }
0x2d: {  	s3 =	simm.s32 $0x108;
	s8 =	sld [smem:$0x3FB2]  }
0x2e: {  	s3 =	simm.s32 @!p0 $0x1082;
	s9 =	sld [smem:$0x3FB3]  }
0x2f: {  	lr =	sadd.s32 s0, s3;
	s0 =	sld [smem:$0x3FAA]  }
0x30: {  	s3 =	sld [smem:$0x3FAD]  }
0x31: {  	[smem:$0x3FB6] =	sst s10  }
0x32: {  	s10 =	sld [smem:$0x3FB4];
	_ =	sdelay $0x3  }
0x33: {  	p0 =	seq.s32 s10, $0x1;
	s10 =	sld [smem:$0x3FB6];
	_ =	sdelay $0x3  }
0x34: {  	[smem:$0x3FB6] =	sst s10  }
0x35: {  	s10 =	sld [smem:$0x3FB5];
	_ =	sdelay $0x3  }
0x36: {  	p1 =	seq.s32 s10, $0x1;
	s10 =	sld [smem:$0x3FB6];
	_ =	sdelay $0x3  }
0x37: {  	[smem:$0x3FB6] =	sst s10  }
0x38: {  	s10 =	sld [smem:$0x3FB7]  }
0x39: {  	_ = 	snop;
	(pc) =	sbr.ind lr, $3  }
0x3a: {  	_ = 	snop  }
0x3b: {  	_ = 	snop  }
0x3c: {  	p2 =	seq.s32 s10, $0x1;
	s10 =	sld [smem:$0x3FB6]  }
0x3d: {  	_ =	shalt  }
0x3e: {  	_ =	shalt  }
0x3f: {  	_ =	shalt  }
0x40: {  	_ =	shalt  }
0x41: {  	_ =	shalt  }
0x42: {  	_ =	shalt  }
0x43: {  	_ =	shalt  }
0x44: {  	_ =	shalt  }
0x45: {  	_ =	shalt  }
0x46: {  	_ =	shalt  }
0x47: {  	_ =	shalt  }
0x48: {  	_ =	shalt  }
0x49: {  	_ =	shalt  }
0x4a: {  	_ =	shalt  }
0x4b: {  	_ =	shalt  }
0x4c: {  	_ =	shalt  }
0x4d: {  	_ =	shalt  }
0x4e: {  	_ =	shalt  }
0x4f: {  	_ =	shalt  }
0x50: {  	_ =	shalt  }
0x51: {  	_ =	shalt  }
0x52: {  	_ =	shalt  }
0x53: {  	_ =	shalt  }
0x54: {  	_ =	shalt  }
0x55: {  	_ =	shalt  }
0x56: {  	_ =	shalt  }
0x57: {  	_ =	shalt  }
0x58: {  	_ =	shalt  }
0x59: {  	_ =	shalt  }
0x5a: {  	_ =	shalt  }
0x5b: {  	_ =	shalt  }
0x5c: {  	_ =	shalt  }
0x5d: {  	_ =	shalt  }
0x5e: {  	_ =	shalt  }
0x5f: {  	_ =	shalt  }
0x60: {  	_ =	shalt  }
0x61: {  	_ =	shalt  }
0x62: {  	_ =	shalt  }
0x63: {  	_ =	shalt  }
0x64: {  	_ =	shalt  }
0x65: {  	_ =	shalt  }
0x66: {  	_ =	shalt  }
0x67: {  	_ =	shalt  }
0x68: {  	_ =	shalt  }
0x69: {  	_ =	shalt  }
0x6a: {  	_ =	shalt  }
0x6b: {  	_ =	shalt  }
0x6c: {  	_ =	shalt  }
0x6d: {  	_ =	shalt  }
0x6e: {  	_ =	shalt  }
0x6f: {  	_ =	shalt  }
0x70: {  	_ =	shalt  }
0x71: {  	_ =	shalt  }
0x72: {  	_ =	shalt  }
0x73: {  	_ =	shalt  }
0x74: {  	_ =	shalt  }
0x75: {  	_ =	shalt  }
0x76: {  	_ =	shalt  }
0x77: {  	_ =	shalt  }
0x78: {  	_ =	shalt  }
0x79: {  	_ =	shalt  }
0x7a: {  	_ =	shalt  }
0x7b: {  	_ =	shalt  }
0x7c: {  	_ =	shalt  }
0x7d: {  	_ =	shalt  }
0x7e: {  	_ =	shalt  }
0x7f: {  	_ =	shalt  }
0x80: {  	_ =	shalt  }
0x81: {  	_ =	shalt  }
0x82: {  	_ =	shalt  }
0x83: {  	_ =	shalt  }
0x84: {  	_ =	shalt  }
0x85: {  	_ =	shalt  }
0x86: {  	_ =	shalt  }
0x87: {  	_ =	shalt  }
.Lfunc_end0:
.L_simem_size_0:
called_computation_lowered:
.L_overlay_start_0:
0x88: {  	s2 =	sld [smem:$0x3FD9]  }
0x89: {  	s3 =	sld [smem:$0x3FFE];
	_ =	sdelay $0x1  }
0x8a: {  	s1 =	srdreg.scid  }
0x8b: {  	s0 =	sand.u32 $0x1, s1  }
0x8c: {  	s17 =	sshll.u32 s0, $0xA;
	s2 =	sadd.s32 s3, s2  }
0x8d: {  	s2 =	sadd.s32 s2, s17  }
0x8e: {  	[smem:$0x3FC2] =	sst s2  }
0x8f: {  	_ = 	snop  }
0x90: {  	s2 =	sld [smem:$0x3FC9]  }
0x91: {  	s18 =	sld [smem:$0x3FD0];
	(tm) =	ssettm $0x1  }
0x92: {  	s4 =	sld [smem:$0x3FFB];
	_ =	sdelay $0x3  }
0x93: {  	_ =	strace s4  }
0x94: {  	s4 =	sld [smem:$0x3FFC];
	_ =	sdelay $0x3  }
0x95: {  	_ =	strace s4  }
0x96: {  	s4 =	sld [smem:$0x3FFD];
	_ =	sdelay $0x3  }
0x97: {  	_ =	strace s4  }
0x98: {  	_ =	strace $0x8FFFFFFF  }
0x99: {  	s19 =	sld [smem:$0x3FDB];
	_ =	sdelay $0x1  }
0x9a: {  	s5 =	simm.s32 $_scs_section_size  }
0x9b: {  	s6 =	simm.s32 $_size__tile_overlayer_lowered;
	s7 =	simm.s32 $_tile_overlayer_lowered  }
0x9c: {  	s22 =	simm.s32 $0x1BFF;
	s21 =	sshll.u32 s7, $0x1;
	s4 =	sadd.s32 s5, s19  }
0x9d: {  	s8 =	simm.s32 $0x0;
	s20 =	sshll.u32 s6, $0x1;
	s6 =	sadd.s32 s21, s4  }
0x9e: {  	[timem:s8], [sflag:s22] =	dma.local [hbm:s6], s20  }
0x9f: {  	_ =	swait.ge [sflag:s22], s20  }
0xa0: {  	s5 =	ssub.s32 $0x0, s20;
	[sflag:s22] =	ssyncset.done $0x0  }
0xa1: {  	[sflag:s22] =	ssyncadd.s32 s5;
	_ =	sdelay $0x1  }
0xa2: {  	s23 =	simm.s32 $0x1B8B  }
0xa3: {  	_ =	swait.ge [sflag:s23], $0x1  }
0xa4: {  	[sflag:s23] =	ssyncset.done $0x0  }
0xa5: {  	s25 =	simm.s32 $0x1B8E;
	s24 =	sld [smem:$0x3FFE];
	[sflag:s23] =	ssyncadd.s32 $0xFFFFFFFF  }
0xa6: {  	s26 =	simm.s32 $execute0_lowered;
	[smem:$0x3FD2] =	sst s25  }
0xa7: {  	s6 =	sshll.u32 s26, $0x1;
	_ =	strace $0x80000046;
	[dreg:$0x1] =	wrdreg $0xFFFFFFFF  }
0xa8: {  	s28 =	simm.s32 $_size_execute0_lowered;
	s4 =	sadd.s32 s4, s6;
	[dreg:$0x0] =	wrdreg $0x0  }
0xa9: {  	s6 =	sshll.u32 s28, $0x1;
	[dreg:$0x2] =	wrdreg s4  }
0xaa: {  	[dreg:$0x3] =	wrdreg s6  }
0xab: {  	[dreg:$0x4] =	wrdreg $0xC0  }
0xac: {  	_ =	task [dreg:s8], $0x5FFFF  }
0xad: {  	[dreg:$0x1] =	wrdreg $0xFFFFFFFF  }
0xae: {  	[dreg:$0x0] =	wrdreg $0x60  }
0xaf: {  	[dreg:$0x2] =	wrdreg s2  }
0xb0: {  	[dreg:$0x3] =	wrdreg s24  }
0xb1: {  	[dreg:$0x4] =	wrdreg s18  }
0xb2: {  	[dreg:$0x5] =	wrdreg $0xC0000  }
0xb3: {  	[dreg:$0x6] =	wrdreg $0x9  }
0xb4: {  	_ =	task.clear_ibuf [dreg:s8], $0x7FFFF;
	_ =	strace $0x90000046  }
0xb5: {  	s29 =	simm.s32 $0x9;
	_ =	strace $0x80000048  }
0xb6: {  	_ =	swait.ge [sflag:s29], $0x1  }
0xb7: {  	[sflag:s29] =	ssyncadd.s32 $0xFFFFFFFF  }
0xb8: {  	_ =	strace $0x90000048  }
0xb9: {  	_ =	sfence  }
0xba: {  	s30 =	sld [smem:$0x0];
	_ =	sdelay $0x2  }
0xbb: {  	s31 =	sshll.u32 s1, $0xD;
	s1 =	sshrl.u32 s1, $0x2  }
0xbc: {  	s3 =	sand.u32 $0x4000, s31;
	s1 =	sadd.s32 s1, s30  }
0xbd: {  	s0 =	sor.u32 s3, s0;
	s1 =	sshll.u32 s1, $0x11  }
0xbe: {  	s0 =	sor.u32 s1, s0  }
0xbf: {  	s0 =	sadd.s32 $0x8F2B, s0  }
0xc0: {  	[sflag:s0] =	ssyncadd.remote.s32 $0x1  }
0xc1: {  	_ =	sfence.sel $0xFFFF  }
0xc2: {  	[dreg:$0x0] =	wrdreg $0xFFFFFFFF;
	(pc) =	sbr.abs _section_cstart, $3  }
0xc3: {  	[dreg:$0x1] =	wrdreg $0xFFFFFFFF  }
0xc4: {  	_ =	task.clear_ibuf [dreg:s8], $0x2FFFF;
	_ =	strace $0x9FFFFFFF  }
0xc5: {  	(tm) =	ssettm $0x7FFFFFFF  }
tec
execute0_lowered:
.L_overlay_start_1:
0x0: {  	(tag) =	ssettag $0x1  }
0x1: {  	s1 =	rddreg [dreg:$0x0]  }
0x2: {  	s0 =	rddreg [dreg:$0x1]  }
0x3: {  	s10 =	rddreg [dreg:$0x2]  }
0x4: {  	s3 =	rddreg [dreg:$0x3];
	s5 =	simm.s32 $0x0;
	s2 =	srdreg.scid  }
0x5: {  	s13 =	stileid.u32;
	[smem:$0x7FF] =	sst s5;
	s2 =	sand.u32 $0x1, s2  }
0x6: {  	s6 =	smul.u32 $0x4E000, s13;
	s8 =	sadd.s32 $0x10600, s0;
	s9 =	sadd.s32 $0xC00, s0  }
0x7: {  	s14 =	sadd.s32 $0x20000, s0;
	s21 =	sshll.u32 s13, $0x8;
	s30 =	smul.u32 $0x2700, s13  }
0x8: {  	s29 =	sadd.s32 $0x138000, s3;
	_ =	strace $0x80000047;
	s4 =	ssub.s32 $0x2, s2  }
0x9: {  	s22 =	sshll.u32 s2, $0x7;
	[dreg:$0x5] =	wrdreg s14;
	s7 =	sshrl.u32 s4, $0x1  }
0xa: {  	s20 =	sshrl.u32 s6, $0x2;
	s15 =	sor.u32 s22, s21;
	s22 =	sadd.s32 s1, s30  }
0xb: {  	s0 =	ssub.s32 s4, s7;
	s7 =	sadd.s32 s20, s3;
	[dreg:$0x14] =	wrdreg s22  }
0xc: {  	p4 =	sne.s32 s2, $0x0;
	[dreg:$0x8] =	wrdreg s15;
	s11 =	sadd.s32 $0x2800, s7  }
0xd: {  	s26 =	sshll.u32 s15, $0x4;
	s23 =	sadd.s32 $0x5000, s7;
	[dreg:$0x6] =	wrdreg s11  }
0xe: {  	p2 =	sgt.u32 s15, $0xF41;
	s24 =	sadd.s32 $0x7800, s7;
	[dreg:$0x7] =	wrdreg s23  }
0xf: {  	p3 =	sgt.u32 s15, $0xF23;
	s25 =	sadd.s32 $0xA000, s7;
	[dreg:$0x9] =	wrdreg s24  }
0x10: {  	s31 =	sxor.u32 $0xF80, s15;
	s28 =	sadd.s32 $0xC800, s7;
	[dreg:$0xa] =	wrdreg s25  }
0x11: {  	s22 =	simm.s32 $0x3;
	s17 =	sadd.s32 s8, s26;
	[dreg:$0xb] =	wrdreg s28  }
0x12: {  	s18 =	sadd.s32 s9, s26;
	s19 =	sor.u32 $0x200, s26;
	[dreg:$0xc] =	wrdreg s17  }
0x13: {  	s12 =	sor.u32 $0x400, s26;
	s0 =	smax.u32 s0, $0x1;
	[dreg:$0xd] =	wrdreg s18  }
0x14: {  	s4 =	sor.u32 $0x600, s26;
	s26 =	sadd.s32 $0x11800, s7;
	[dreg:$0x17] =	wrdreg s0  }
0x15: {  	p0 =	sgt.u32 @!p2 s15, $0xF3F;
	s16 =	sadd.s32 s8, s19;
	[dreg:$0x19] =	wrdreg s26  }
0x16: {  	s11 =	sadd.s32 s9, s19;
	s20 =	sadd.s32 s8, s12;
	[dreg:$0xe] =	wrdreg s16  }
0x17: {  	s21 =	sadd.s32 s9, s12;
	s8 =	sadd.s32 s8, s4;
	[dreg:$0xf] =	wrdreg s11  }
0x18: {  	s4 =	sadd.s32 s9, s4;
	p1 =	por p0, p2;
	[dreg:$0x10] =	wrdreg s20  }
0x19: {  	s23 =	sadd.s32 s14, s30;
	s24 =	sadd.s32 s10, s30;
	[dreg:$0x11] =	wrdreg s21  }
0x1a: {  	s25 =	sadd.s32 $0xF000, s7;
	s28 =	sadd.s32 $0x27000, s1;
	[dreg:$0x12] =	wrdreg s8  }
0x1b: {  	s30 =	ssub.s32 $0xF60, s15;
	[dreg:$0x13] =	wrdreg s4;
	s2 =	simm.s32 @!p1 $0x0  }
0x1c: {  	[dreg:$0x15] =	wrdreg s23;
	s2 =	simm.s32 @p1 $0x1;
	p1 =	sgt.u32 @!p1 s15, $0xF3D  }
0x1d: {  	[dreg:$0x16] =	wrdreg s24;
	p0 =	por @!p2 p1, p0;
	p1 =	sne.s32 s13, $0xF  }
0x1e: {  	s12 =	simm.s32 $0x2000;
	[dreg:$0x18] =	wrdreg s25;
	s0 =	simm.s32 @!p1 $0x0  }
0x1f: {  	s18 =	simm.s32 $0x7000;
	[dreg:$0x1a] =	wrdreg s28;
	s0 =	simm.s32 @p1 $0x1  }
0x20: {  	s19 =	simm.s32 $0x9800;
	[smem:$0x7F9] =	sst s0;
	s0 =	simm.s32 @!p2 $0x0  }
0x21: {  	[dreg:$0x1b] =	wrdreg s30;
	p0 =	por p0, p2;
	s0 =	simm.s32 @p2 $0x1  }
0x22: {  	s8 =	simm.s32 $0x5;
	[smem:$0x7FA] =	sst s0;
	s0 =	simm.s32 @!p0 $0x0  }
0x23: {  	s11 =	simm.s32 $0x50;
	s0 =	simm.s32 @p0 $0x1;
	p0 =	sgt.u32 @!p3 s15, $0xF21  }
0x24: {  	s20 =	simm.s32 $0x1;
	p6 =	por p0, p3;
	p0 =	sgt.u32 s15, $0xF43  }
.Ltmp0:
0x25: {  	[smem:$0x7FB] =	sst s0;
	s0 =	simm.s32 @!p0 $0x0;
	(pc) =	sbr.rel .LBB2_1-.Ltmp0, $4  }
0x26: {  	s21 =	simm.s32 $0x2;
	s23 =	simm.s32 $0x4;
	s0 =	simm.s32 @p0 $0x1  }
0x27: {  	s24 =	simm.s32 $0x0;
	[smem:$0x7FC] =	sst s0;
	s0 =	simm.s32 @!p4 $0x0  }
0x28: {  	[smem:$0x7F8] =	sst s2;
	s2 =	ssub.s32 $0xF40, s15;
	s0 =	simm.s32 @p4 $0x1  }
0x29: {  	v0 =	vimm.f32 $0.0e+00;
	s13 =	simm.s32 $0x4800;
	p1 =	seq.s32 s15, $0xF80;
	[smem:$0x7FD] =	sst s0  }
.LBB2_19:
0x2a: {  	s0 =	sadd.s32 $0x27000, s4;
	s30 =	sshrl.u32 s29, $0x3  }
0x2b: {  	[hbm:s0], [sflag:s6] =	dma.local [spmem:s30], $0x100  }
0x2c: {  	_ =	swait.ge [sflag:s8], $0x100  }
0x2d: {  	[sflag:s8] =	ssyncset.done $0x0  }
0x2e: {  	[sflag:s8] =	ssyncadd.s32 $0xFFFFFF00  }
.LBB2_20:
0x2f: {  	s24 =	sadd.s32 $0x1, s24;
	s0 =	rddreg [dreg:$0x17]  }
0x30: {  	p0 =	sne.s32 s24, s0  }
.Ltmp1:
0x31: {  	_ = 	snop;
	(pc) =	sbr.rel @!p0 .LBB2_21-.Ltmp1, $1  }
0x32: {  	_ =	sdelay $0x3  }
.LBB2_1:
.Ltmp2:
0x33: {  	(pc) =	sbr.rel @p4 .LBB2_3-.Ltmp2, $4  }
0x34: {  	_ = 	snop  }
0x35: {  	s0 =	stileid.u32  }
0x36: {  	s28 =	sshll.u32 s0, $0x6  }
0x37: {  	s4 =	sshrl.u32 s7, $0x3;
	s6 =	sor.u32 $0x1C05, s28  }
0x38: {  	s9 =	sor.u32 $0x1C05, s28;
	s0 =	rddreg [dreg:$0x14]  }
0x39: {  	[spmem:s4], [sflag:s9] =	dma.local [hbm:s0], $0x2700  }
0x3a: {  	_ =	swait.ge [sflag:s8], $0x2700  }
0x3b: {  	s30 =	sld [smem:$0x7F9];
	_ =	sdelay $0x2  }
0x3c: {  	[sflag:s8] =	ssyncset.done $0x0;
	p0 =	seq.s32 s30, $0x1  }
0x3d: {  	s0 =	rddreg [dreg:$0x1a];
	[sflag:s8] =	ssyncadd.s32 $0xFFFFD900;
	s14 =	sshrl.u32 @!p0 s29, $0x3  }
0x3e: {  	[spmem:s14], [sflag:s9] =	dma.local @!p0 [hbm:s0], $0x100  }
.Ltmp3:
0x3f: {  	_ = 	snop;
	(pc) =	sbr.rel .LBB2_6-.Ltmp3, $4  }
0x40: {  	s9 =	simm.s32 @!p0 $0x5  }
0x41: {  	_ =	swait.ge @!p0 [sflag:s9], $0x100  }
0x42: {  	[sflag:s9] =	ssyncset.done @!p0 $0x0  }
0x43: {  	[sflag:s9] =	ssyncadd.s32 @!p0 $0xFFFFFF00  }
.LBB2_3:
0x44: {  	s9 =	sshra.s32 s5, $0x2;
	s14 =	sadd.s32 $0x200, s5  }
.LBB2_4:
0x45: {  	p0 =	sne.s32 s14, $0x9E00;
	[tilespmem:s9+$0x2070] =	vst v0  }
0x46: {  	[tilespmem:s9+$0x2000] =	vst v0  }
0x47: {  	[tilespmem:s9+$0x2010] =	vst v0  }
.Ltmp4:
0x48: {  	[tilespmem:s9+$0x2020] =	vst v0;
	(pc) =	sbr.rel @p0 .LBB2_4-.Ltmp4, $4  }
0x49: {  	[tilespmem:s9+$0x2030] =	vst v0  }
0x4a: {  	[tilespmem:s9+$0x2040] =	vst v0  }
0x4b: {  	[tilespmem:s9+$0x2050] =	vst v0  }
0x4c: {  	[tilespmem:s9+$0x2060] =	vst v0;
	s9 =	sshra.s32 s14, $0x2;
	s14 =	sadd.s32 $0x200, s14  }
0x4d: {  	[tilespmem:s9+$0x2070] =	vst v0  }
0x4e: {  	[tilespmem:s9+$0x2000] =	vst v0  }
0x4f: {  	[tilespmem:s9+$0x2010] =	vst v0  }
0x50: {  	[tilespmem:s9+$0x2020] =	vst v0  }
0x51: {  	[tilespmem:s9+$0x2030] =	vst v0  }
0x52: {  	[tilespmem:s9+$0x2040] =	vst v0  }
0x53: {  	[tilespmem:s9+$0x2050] =	vst v0  }
0x54: {  	[tilespmem:s9+$0x2060] =	vst v0  }
0x55: {  	[spmem:s7] =	stream.linear.scatter [tilespmem:s12], [sflag:$0x5], $0x2800, $0x38;
	[tilespmem:$0x1F880] =	vst v63  }
0x56: {  	_ =	swait.ge [sflag:s8], $0x2800  }
0x57: {  	[sflag:s8] =	ssyncset.done $0x0  }
0x58: {  	s0 =	rddreg [dreg:$0x6];
	[sflag:s8] =	ssyncadd.s32 $0xFFFFD800  }
0x59: {  	[spmem:s0] =	stream.linear.scatter [tilespmem:s12], [sflag:$0x5], $0x2800, $0x38;
	[tilespmem:$0x1F880] =	vst v63  }
0x5a: {  	_ =	swait.ge [sflag:s8], $0x2800  }
0x5b: {  	[sflag:s8] =	ssyncset.done $0x0  }
0x5c: {  	s14 =	rddreg [dreg:$0x7];
	[sflag:s8] =	ssyncadd.s32 $0xFFFFD800  }
0x5d: {  	[spmem:s14] =	stream.linear.scatter [tilespmem:s12], [sflag:$0x5], $0x2800, $0x38;
	[tilespmem:$0x1F880] =	vst v63  }
0x5e: {  	_ =	swait.ge [sflag:s8], $0x2800  }
0x5f: {  	[sflag:s8] =	ssyncset.done $0x0  }
0x60: {  	s15 =	rddreg [dreg:$0x9];
	[sflag:s8] =	ssyncadd.s32 $0xFFFFD800  }
0x61: {  	[spmem:s15] =	stream.linear.scatter [tilespmem:s12], [sflag:$0x5], $0x2800, $0x38;
	[tilespmem:$0x1F880] =	vst v63  }
0x62: {  	_ =	swait.ge [sflag:s8], $0x2800  }
0x63: {  	[sflag:s8] =	ssyncset.done $0x0  }
0x64: {  	s16 =	rddreg [dreg:$0xa];
	[sflag:s8] =	ssyncadd.s32 $0xFFFFD800  }
0x65: {  	[spmem:s16] =	stream.linear.scatter [tilespmem:s12], [sflag:$0x5], $0x2800, $0x38;
	[tilespmem:$0x1F880] =	vst v63  }
0x66: {  	_ =	swait.ge [sflag:s8], $0x2800  }
0x67: {  	[sflag:s8] =	ssyncset.done $0x0  }
0x68: {  	s17 =	rddreg [dreg:$0xb];
	[sflag:s8] =	ssyncadd.s32 $0xFFFFD800  }
0x69: {  	[spmem:s17] =	stream.linear.scatter [tilespmem:s12], [sflag:$0x5], $0x2800, $0x38;
	[tilespmem:$0x1F880] =	vst v63  }
0x6a: {  	_ =	swait.ge [sflag:s8], $0x2800  }
0x6b: {  	[sflag:s8] =	ssyncset.done $0x0  }
0x6c: {  	s25 =	rddreg [dreg:$0x18];
	[sflag:s8] =	ssyncadd.s32 $0xFFFFD800  }
0x6d: {  	[spmem:s25] =	stream.linear.scatter [tilespmem:s12], [sflag:$0x5], $0x2800, $0x38;
	[tilespmem:$0x1F880] =	vst v63  }
0x6e: {  	_ =	swait.ge [sflag:s8], $0x2800  }
0x6f: {  	[sflag:s8] =	ssyncset.done $0x0  }
0x70: {  	s26 =	rddreg [dreg:$0x19];
	[sflag:s8] =	ssyncadd.s32 $0xFFFFD800  }
0x71: {  	[spmem:s26] =	stream.linear.scatter [tilespmem:s12], [sflag:$0x5], $0x2000, $0x38;
	[tilespmem:$0x1F880] =	vst v63  }
0x72: {  	_ =	swait.ge [sflag:s8], $0x2000  }
0x73: {  	s30 =	sld [smem:$0x7F9];
	_ =	sdelay $0x2  }
0x74: {  	[sflag:s8] =	ssyncset.done $0x0;
	p0 =	seq.s32 s30, $0x1  }
0x75: {  	[sflag:s8] =	ssyncadd.s32 $0xFFFFE000;
	s9 =	simm.s32 @!p0 $0x2000  }
0x76: {  	[spmem:s29] =	stream.linear.scatter @!p0 [tilespmem:s9], [sflag:$0x5], $0x800, $0x38;
	[tilespmem:$0x1F880] =	vst v63  }
0x77: {  	s9 =	simm.s32 @!p0 $0x5  }
0x78: {  	_ =	swait.ge @!p0 [sflag:s9], $0x800  }
0x79: {  	[sflag:s9] =	ssyncset.done @!p0 $0x0  }
0x7a: {  	[sflag:s9] =	ssyncadd.s32 @!p0 $0xFFFFF800  }
.LBB2_6:
0x7b: {  	[bflag:$0x0] =	sbarrier.arrive $0xFFFF  }
0x7c: {  	s0 =	rddreg [dreg:$0xc]  }
0x7d: {  	[tilespmem:s5], [sflag:$0x5] =	stream.linear.gather [hbm4b:s0+s5], $0x1000, $0x38;
	[tilespmem:$0x1F880] =	vst v63  }
0x7e: {  	_ =	swait.ge [sflag:s8], $0x1000  }
0x7f: {  	[sflag:s8] =	ssyncset.done $0x0  }
0x80: {  	s9 =	simm.s32 $0x1000;
	s30 =	rddreg [dreg:$0xd];
	[sflag:s8] =	ssyncadd.s32 $0xFFFFF000  }
0x81: {  	[tilespmem:s9], [sflag:$0x5] =	stream.linear.gather [hbm4b:s30+s5], $0x1000, $0x38;
	[tilespmem:$0x1F880] =	vst v63  }
0x82: {  	_ =	swait.ge [sflag:s8], $0x1000  }
0x83: {  	[sflag:s8] =	ssyncset.done $0x0  }
0x84: {  	[sflag:s8] =	ssyncadd.s32 $0xFFFFF000  }
0x85: {  	[tilespmem:s12], [sflag:$0x1] =	stream.indirect.gather [hbm4b:s1+s11], $0x80, s5, s11, $0xb8;
	[tilespmem:$0x1F880] =	vst v63  }
0x86: {  	s10 =	simm.s32 $0x80  }
0x87: {  	[tilespmem:s13], [sflag:$0x2] =	stream.indirect.gather [hbm4b:s1+s11], $0x80, s10, s11, $0xb8;
	[tilespmem:$0x1F880] =	vst v63  }
0x88: {  	s14 =	simm.s32 $0x100  }
0x89: {  	[tilespmem:s18], [sflag:$0x3] =	stream.indirect.gather [hbm4b:s1+s11], $0x80, s14, s11, $0xb8;
	[tilespmem:$0x1F880] =	vst v63  }
0x8a: {  	s15 =	simm.s32 $0x180  }
0x8b: {  	[tilespmem:s19], [sflag:$0x4] =	stream.indirect.gather [hbm4b:s1+s11], $0x80, s15, s11, $0xb8;
	[tilespmem:$0x1F880] =	vst v63  }
0x8c: {  	_ =	swait.ge [sflag:s20], $0x2800  }
0x8d: {  	[sflag:s20] =	ssyncset.done $0x0  }
0x8e: {  	[sflag:s20] =	ssyncadd.s32 $0xFFFFD800  }
0x8f: {  	[spmem:s3] =	stream.indirect.scatter.add.f32 [tilespmem:s12], [sflag:$0x1], $0x80, s9, s11, $0xb8;
	[tilespmem:$0x1F880] =	vst v63  }
0x90: {  	_ =	swait.ge [sflag:s20], $0x2800  }
0x91: {  	[sflag:s20] =	ssyncset.done $0x0  }
0x92: {  	s16 =	simm.s32 $0x200;
	[sflag:s20] =	ssyncadd.s32 $0xFFFFD800  }
0x93: {  	[tilespmem:s12], [sflag:$0x1] =	stream.indirect.gather [hbm4b:s1+s11], $0x80, s16, s11, $0xb8;
	[tilespmem:$0x1F880] =	vst v63  }
0x94: {  	_ =	swait.ge [sflag:s21], $0x2800  }
0x95: {  	[sflag:s21] =	ssyncset.done $0x0  }
0x96: {  	s17 =	simm.s32 $0x1080;
	[sflag:s21] =	ssyncadd.s32 $0xFFFFD800  }
0x97: {  	[spmem:s3] =	stream.indirect.scatter.add.f32 [tilespmem:s13], [sflag:$0x2], $0x80, s17, s11, $0xb8;
	[tilespmem:$0x1F880] =	vst v63  }
0x98: {  	_ =	swait.ge [sflag:s21], $0x2800  }
0x99: {  	[sflag:s21] =	ssyncset.done $0x0  }
0x9a: {  	s25 =	simm.s32 $0x280;
	[sflag:s21] =	ssyncadd.s32 $0xFFFFD800  }
0x9b: {  	[tilespmem:s13], [sflag:$0x2] =	stream.indirect.gather [hbm4b:s1+s11], $0x80, s25, s11, $0xb8;
	[tilespmem:$0x1F880] =	vst v63  }
0x9c: {  	_ =	swait.ge [sflag:s22], $0x2800  }
0x9d: {  	[sflag:s22] =	ssyncset.done $0x0  }
0x9e: {  	s26 =	simm.s32 $0x1100;
	[sflag:s22] =	ssyncadd.s32 $0xFFFFD800  }
0x9f: {  	[spmem:s3] =	stream.indirect.scatter.add.f32 [tilespmem:s18], [sflag:$0x3], $0x80, s26, s11, $0xb8;
	[tilespmem:$0x1F880] =	vst v63  }
0xa0: {  	_ =	swait.ge [sflag:s22], $0x2800  }
0xa1: {  	[sflag:s22] =	ssyncset.done $0x0  }
0xa2: {  	s30 =	simm.s32 $0x300;
	[sflag:s22] =	ssyncadd.s32 $0xFFFFD800  }
0xa3: {  	[tilespmem:s18], [sflag:$0x3] =	stream.indirect.gather [hbm4b:s1+s11], $0x80, s30, s11, $0xb8;
	[tilespmem:$0x1F880] =	vst v63  }
0xa4: {  	_ =	swait.ge [sflag:s23], $0x2800  }
0xa5: {  	[sflag:s23] =	ssyncset.done $0x0  }
0xa6: {  	s9 =	simm.s32 $0x1180;
	[sflag:s23] =	ssyncadd.s32 $0xFFFFD800  }
0xa7: {  	[spmem:s3] =	stream.indirect.scatter.add.f32 [tilespmem:s19], [sflag:$0x4], $0x80, s9, s11, $0xb8;
	[tilespmem:$0x1F880] =	vst v63  }
0xa8: {  	_ =	swait.ge [sflag:s23], $0x2800  }
0xa9: {  	[sflag:s23] =	ssyncset.done $0x0  }
0xaa: {  	s10 =	simm.s32 $0x380;
	[sflag:s23] =	ssyncadd.s32 $0xFFFFD800  }
0xab: {  	[tilespmem:s19], [sflag:$0x4] =	stream.indirect.gather [hbm4b:s1+s11], $0x80, s10, s11, $0xb8;
	[tilespmem:$0x1F880] =	vst v63  }
0xac: {  	_ =	swait.ge [sflag:s20], $0x2800  }
0xad: {  	[sflag:s20] =	ssyncset.done $0x0  }
0xae: {  	s14 =	simm.s32 $0x1200;
	[sflag:s20] =	ssyncadd.s32 $0xFFFFD800  }
0xaf: {  	[spmem:s3] =	stream.indirect.scatter.add.f32 [tilespmem:s12], [sflag:$0x1], $0x80, s14, s11, $0xb8;
	[tilespmem:$0x1F880] =	vst v63  }
0xb0: {  	_ =	swait.ge [sflag:s20], $0x2800  }
0xb1: {  	[sflag:s20] =	ssyncset.done $0x0  }
0xb2: {  	s15 =	simm.s32 $0x400;
	[sflag:s20] =	ssyncadd.s32 $0xFFFFD800  }
0xb3: {  	[tilespmem:s12], [sflag:$0x1] =	stream.indirect.gather [hbm4b:s1+s11], $0x80, s15, s11, $0xb8;
	[tilespmem:$0x1F880] =	vst v63  }
0xb4: {  	_ =	swait.ge [sflag:s21], $0x2800  }
0xb5: {  	[sflag:s21] =	ssyncset.done $0x0  }
0xb6: {  	s16 =	simm.s32 $0x1280;
	[sflag:s21] =	ssyncadd.s32 $0xFFFFD800  }
0xb7: {  	[spmem:s3] =	stream.indirect.scatter.add.f32 [tilespmem:s13], [sflag:$0x2], $0x80, s16, s11, $0xb8;
	[tilespmem:$0x1F880] =	vst v63  }
0xb8: {  	_ =	swait.ge [sflag:s21], $0x2800  }
0xb9: {  	[sflag:s21] =	ssyncset.done $0x0  }
0xba: {  	s17 =	simm.s32 $0x480;
	[sflag:s21] =	ssyncadd.s32 $0xFFFFD800  }
0xbb: {  	[tilespmem:s13], [sflag:$0x2] =	stream.indirect.gather [hbm4b:s1+s11], $0x80, s17, s11, $0xb8;
	[tilespmem:$0x1F880] =	vst v63  }
0xbc: {  	_ =	swait.ge [sflag:s22], $0x2800  }
0xbd: {  	[sflag:s22] =	ssyncset.done $0x0  }
0xbe: {  	s25 =	simm.s32 $0x1300;
	[sflag:s22] =	ssyncadd.s32 $0xFFFFD800  }
0xbf: {  	[spmem:s3] =	stream.indirect.scatter.add.f32 [tilespmem:s18], [sflag:$0x3], $0x80, s25, s11, $0xb8;
	[tilespmem:$0x1F880] =	vst v63  }
0xc0: {  	_ =	swait.ge [sflag:s22], $0x2800  }
0xc1: {  	[sflag:s22] =	ssyncset.done $0x0  }
0xc2: {  	s26 =	simm.s32 $0x500;
	[sflag:s22] =	ssyncadd.s32 $0xFFFFD800  }
0xc3: {  	[tilespmem:s18], [sflag:$0x3] =	stream.indirect.gather [hbm4b:s1+s11], $0x80, s26, s11, $0xb8;
	[tilespmem:$0x1F880] =	vst v63  }
0xc4: {  	_ =	swait.ge [sflag:s23], $0x2800  }
0xc5: {  	[sflag:s23] =	ssyncset.done $0x0  }
0xc6: {  	s30 =	simm.s32 $0x1380;
	[sflag:s23] =	ssyncadd.s32 $0xFFFFD800  }
0xc7: {  	[spmem:s3] =	stream.indirect.scatter.add.f32 [tilespmem:s19], [sflag:$0x4], $0x80, s30, s11, $0xb8;
	[tilespmem:$0x1F880] =	vst v63  }
0xc8: {  	_ =	swait.ge [sflag:s23], $0x2800  }
0xc9: {  	[sflag:s23] =	ssyncset.done $0x0  }
0xca: {  	s9 =	simm.s32 $0x580;
	[sflag:s23] =	ssyncadd.s32 $0xFFFFD800  }
0xcb: {  	[tilespmem:s19], [sflag:$0x4] =	stream.indirect.gather [hbm4b:s1+s11], $0x80, s9, s11, $0xb8;
	[tilespmem:$0x1F880] =	vst v63  }
0xcc: {  	_ =	swait.ge [sflag:s20], $0x2800  }
0xcd: {  	[sflag:s20] =	ssyncset.done $0x0  }
0xce: {  	s10 =	simm.s32 $0x1400;
	[sflag:s20] =	ssyncadd.s32 $0xFFFFD800  }
0xcf: {  	[spmem:s3] =	stream.indirect.scatter.add.f32 [tilespmem:s12], [sflag:$0x1], $0x80, s10, s11, $0xb8;
	[tilespmem:$0x1F880] =	vst v63  }
0xd0: {  	_ =	swait.ge [sflag:s20], $0x2800  }
0xd1: {  	[sflag:s20] =	ssyncset.done $0x0  }
0xd2: {  	s14 =	simm.s32 $0x600;
	[sflag:s20] =	ssyncadd.s32 $0xFFFFD800  }
0xd3: {  	[tilespmem:s12], [sflag:$0x1] =	stream.indirect.gather [hbm4b:s1+s11], $0x80, s14, s11, $0xb8;
	[tilespmem:$0x1F880] =	vst v63  }
0xd4: {  	_ =	swait.ge [sflag:s21], $0x2800  }
0xd5: {  	[sflag:s21] =	ssyncset.done $0x0  }
0xd6: {  	s15 =	simm.s32 $0x1480;
	[sflag:s21] =	ssyncadd.s32 $0xFFFFD800  }
0xd7: {  	[spmem:s3] =	stream.indirect.scatter.add.f32 [tilespmem:s13], [sflag:$0x2], $0x80, s15, s11, $0xb8;
	[tilespmem:$0x1F880] =	vst v63  }
0xd8: {  	_ =	swait.ge [sflag:s21], $0x2800  }
0xd9: {  	[sflag:s21] =	ssyncset.done $0x0  }
0xda: {  	s16 =	simm.s32 $0x680;
	[sflag:s21] =	ssyncadd.s32 $0xFFFFD800  }
0xdb: {  	[tilespmem:s13], [sflag:$0x2] =	stream.indirect.gather [hbm4b:s1+s11], $0x80, s16, s11, $0xb8;
	[tilespmem:$0x1F880] =	vst v63  }
0xdc: {  	_ =	swait.ge [sflag:s22], $0x2800  }
0xdd: {  	[sflag:s22] =	ssyncset.done $0x0  }
0xde: {  	s17 =	simm.s32 $0x1500;
	[sflag:s22] =	ssyncadd.s32 $0xFFFFD800  }
0xdf: {  	[spmem:s3] =	stream.indirect.scatter.add.f32 [tilespmem:s18], [sflag:$0x3], $0x80, s17, s11, $0xb8;
	[tilespmem:$0x1F880] =	vst v63  }
0xe0: {  	_ =	swait.ge [sflag:s22], $0x2800  }
0xe1: {  	[sflag:s22] =	ssyncset.done $0x0  }
0xe2: {  	s25 =	simm.s32 $0x700;
	[sflag:s22] =	ssyncadd.s32 $0xFFFFD800  }
0xe3: {  	[tilespmem:s18], [sflag:$0x3] =	stream.indirect.gather [hbm4b:s1+s11], $0x80, s25, s11, $0xb8;
	[tilespmem:$0x1F880] =	vst v63  }
0xe4: {  	_ =	swait.ge [sflag:s23], $0x2800  }
0xe5: {  	[sflag:s23] =	ssyncset.done $0x0  }
0xe6: {  	s26 =	simm.s32 $0x1580;
	[sflag:s23] =	ssyncadd.s32 $0xFFFFD800  }
0xe7: {  	[spmem:s3] =	stream.indirect.scatter.add.f32 [tilespmem:s19], [sflag:$0x4], $0x80, s26, s11, $0xb8;
	[tilespmem:$0x1F880] =	vst v63  }
0xe8: {  	_ =	swait.ge [sflag:s23], $0x2800  }
0xe9: {  	[sflag:s23] =	ssyncset.done $0x0  }
0xea: {  	s30 =	simm.s32 $0x780;
	[sflag:s23] =	ssyncadd.s32 $0xFFFFD800  }
0xeb: {  	[tilespmem:s19], [sflag:$0x4] =	stream.indirect.gather [hbm4b:s1+s11], $0x80, s30, s11, $0xb8;
	[tilespmem:$0x1F880] =	vst v63  }
0xec: {  	_ =	swait.ge [sflag:s20], $0x2800  }
0xed: {  	[sflag:s20] =	ssyncset.done $0x0  }
0xee: {  	s9 =	simm.s32 $0x1600;
	[sflag:s20] =	ssyncadd.s32 $0xFFFFD800  }
0xef: {  	[spmem:s3] =	stream.indirect.scatter.add.f32 [tilespmem:s12], [sflag:$0x1], $0x80, s9, s11, $0xb8;
	[tilespmem:$0x1F880] =	vst v63  }
0xf0: {  	_ =	swait.ge [sflag:s20], $0x2800  }
0xf1: {  	[sflag:s20] =	ssyncset.done $0x0  }
0xf2: {  	s10 =	simm.s32 $0x800;
	[sflag:s20] =	ssyncadd.s32 $0xFFFFD800  }
0xf3: {  	[tilespmem:s12], [sflag:$0x1] =	stream.indirect.gather [hbm4b:s1+s11], $0x80, s10, s11, $0xb8;
	[tilespmem:$0x1F880] =	vst v63  }
0xf4: {  	_ =	swait.ge [sflag:s21], $0x2800  }
0xf5: {  	[sflag:s21] =	ssyncset.done $0x0  }
0xf6: {  	s14 =	simm.s32 $0x1680;
	[sflag:s21] =	ssyncadd.s32 $0xFFFFD800  }
0xf7: {  	[spmem:s3] =	stream.indirect.scatter.add.f32 [tilespmem:s13], [sflag:$0x2], $0x80, s14, s11, $0xb8;
	[tilespmem:$0x1F880] =	vst v63  }
0xf8: {  	_ =	swait.ge [sflag:s21], $0x2800  }
0xf9: {  	[sflag:s21] =	ssyncset.done $0x0  }
0xfa: {  	s15 =	simm.s32 $0x880;
	[sflag:s21] =	ssyncadd.s32 $0xFFFFD800  }
0xfb: {  	[tilespmem:s13], [sflag:$0x2] =	stream.indirect.gather [hbm4b:s1+s11], $0x80, s15, s11, $0xb8;
	[tilespmem:$0x1F880] =	vst v63  }
0xfc: {  	_ =	swait.ge [sflag:s22], $0x2800  }
0xfd: {  	[sflag:s22] =	ssyncset.done $0x0  }
0xfe: {  	s16 =	simm.s32 $0x1700;
	[sflag:s22] =	ssyncadd.s32 $0xFFFFD800  }
0xff: {  	[spmem:s3] =	stream.indirect.scatter.add.f32 [tilespmem:s18], [sflag:$0x3], $0x80, s16, s11, $0xb8;
	[tilespmem:$0x1F880] =	vst v63  }
0x100: {  	_ =	swait.ge [sflag:s22], $0x2800  }
0x101: {  	[sflag:s22] =	ssyncset.done $0x0  }
0x102: {  	s17 =	simm.s32 $0x900;
	[sflag:s22] =	ssyncadd.s32 $0xFFFFD800  }
0x103: {  	[tilespmem:s18], [sflag:$0x3] =	stream.indirect.gather [hbm4b:s1+s11], $0x80, s17, s11, $0xb8;
	[tilespmem:$0x1F880] =	vst v63  }
0x104: {  	_ =	swait.ge [sflag:s23], $0x2800  }
0x105: {  	[sflag:s23] =	ssyncset.done $0x0  }
0x106: {  	s25 =	simm.s32 $0x1780;
	[sflag:s23] =	ssyncadd.s32 $0xFFFFD800  }
0x107: {  	[spmem:s3] =	stream.indirect.scatter.add.f32 [tilespmem:s19], [sflag:$0x4], $0x80, s25, s11, $0xb8;
	[tilespmem:$0x1F880] =	vst v63  }
0x108: {  	_ =	swait.ge [sflag:s23], $0x2800  }
0x109: {  	[sflag:s23] =	ssyncset.done $0x0  }
0x10a: {  	s26 =	simm.s32 $0x980;
	[sflag:s23] =	ssyncadd.s32 $0xFFFFD800  }
0x10b: {  	[tilespmem:s19], [sflag:$0x4] =	stream.indirect.gather [hbm4b:s1+s11], $0x80, s26, s11, $0xb8;
	[tilespmem:$0x1F880] =	vst v63  }
0x10c: {  	_ =	swait.ge [sflag:s20], $0x2800  }
0x10d: {  	[sflag:s20] =	ssyncset.done $0x0  }
0x10e: {  	s30 =	simm.s32 $0x1800;
	[sflag:s20] =	ssyncadd.s32 $0xFFFFD800  }
0x10f: {  	[spmem:s3] =	stream.indirect.scatter.add.f32 [tilespmem:s12], [sflag:$0x1], $0x80, s30, s11, $0xb8;
	[tilespmem:$0x1F880] =	vst v63  }
0x110: {  	_ =	swait.ge [sflag:s20], $0x2800  }
0x111: {  	[sflag:s20] =	ssyncset.done $0x0  }
0x112: {  	s9 =	simm.s32 $0xA00;
	[sflag:s20] =	ssyncadd.s32 $0xFFFFD800  }
0x113: {  	[tilespmem:s12], [sflag:$0x1] =	stream.indirect.gather [hbm4b:s1+s11], $0x80, s9, s11, $0xb8;
	[tilespmem:$0x1F880] =	vst v63  }
0x114: {  	_ =	swait.ge [sflag:s21], $0x2800  }
0x115: {  	[sflag:s21] =	ssyncset.done $0x0  }
0x116: {  	s10 =	simm.s32 $0x1880;
	[sflag:s21] =	ssyncadd.s32 $0xFFFFD800  }
0x117: {  	[spmem:s3] =	stream.indirect.scatter.add.f32 [tilespmem:s13], [sflag:$0x2], $0x80, s10, s11, $0xb8;
	[tilespmem:$0x1F880] =	vst v63  }
0x118: {  	_ =	swait.ge [sflag:s21], $0x2800  }
0x119: {  	[sflag:s21] =	ssyncset.done $0x0  }
0x11a: {  	s14 =	simm.s32 $0xA80;
	[sflag:s21] =	ssyncadd.s32 $0xFFFFD800  }
0x11b: {  	[tilespmem:s13], [sflag:$0x2] =	stream.indirect.gather [hbm4b:s1+s11], $0x80, s14, s11, $0xb8;
	[tilespmem:$0x1F880] =	vst v63  }
0x11c: {  	_ =	swait.ge [sflag:s22], $0x2800  }
0x11d: {  	[sflag:s22] =	ssyncset.done $0x0  }
0x11e: {  	s15 =	simm.s32 $0x1900;
	[sflag:s22] =	ssyncadd.s32 $0xFFFFD800  }
0x11f: {  	[spmem:s3] =	stream.indirect.scatter.add.f32 [tilespmem:s18], [sflag:$0x3], $0x80, s15, s11, $0xb8;
	[tilespmem:$0x1F880] =	vst v63  }
0x120: {  	_ =	swait.ge [sflag:s22], $0x2800  }
0x121: {  	[sflag:s22] =	ssyncset.done $0x0  }
0x122: {  	s16 =	simm.s32 $0xB00;
	[sflag:s22] =	ssyncadd.s32 $0xFFFFD800  }
0x123: {  	[tilespmem:s18], [sflag:$0x3] =	stream.indirect.gather [hbm4b:s1+s11], $0x80, s16, s11, $0xb8;
	[tilespmem:$0x1F880] =	vst v63  }
0x124: {  	_ =	swait.ge [sflag:s23], $0x2800  }
0x125: {  	[sflag:s23] =	ssyncset.done $0x0  }
0x126: {  	s17 =	simm.s32 $0x1980;
	[sflag:s23] =	ssyncadd.s32 $0xFFFFD800  }
0x127: {  	[spmem:s3] =	stream.indirect.scatter.add.f32 [tilespmem:s19], [sflag:$0x4], $0x80, s17, s11, $0xb8;
	[tilespmem:$0x1F880] =	vst v63  }
0x128: {  	_ =	swait.ge [sflag:s23], $0x2800  }
0x129: {  	[sflag:s23] =	ssyncset.done $0x0  }
0x12a: {  	s25 =	simm.s32 $0xB80;
	[sflag:s23] =	ssyncadd.s32 $0xFFFFD800  }
0x12b: {  	[tilespmem:s19], [sflag:$0x4] =	stream.indirect.gather [hbm4b:s1+s11], $0x80, s25, s11, $0xb8;
	[tilespmem:$0x1F880] =	vst v63  }
0x12c: {  	_ =	swait.ge [sflag:s20], $0x2800  }
0x12d: {  	[sflag:s20] =	ssyncset.done $0x0  }
0x12e: {  	s26 =	simm.s32 $0x1A00;
	[sflag:s20] =	ssyncadd.s32 $0xFFFFD800  }
0x12f: {  	[spmem:s3] =	stream.indirect.scatter.add.f32 [tilespmem:s12], [sflag:$0x1], $0x80, s26, s11, $0xb8;
	[tilespmem:$0x1F880] =	vst v63  }
0x130: {  	_ =	swait.ge [sflag:s20], $0x2800  }
0x131: {  	[sflag:s20] =	ssyncset.done $0x0  }
0x132: {  	s30 =	simm.s32 $0xC00;
	[sflag:s20] =	ssyncadd.s32 $0xFFFFD800  }
0x133: {  	[tilespmem:s12], [sflag:$0x1] =	stream.indirect.gather [hbm4b:s1+s11], $0x80, s30, s11, $0xb8;
	[tilespmem:$0x1F880] =	vst v63  }
0x134: {  	_ =	swait.ge [sflag:s21], $0x2800  }
0x135: {  	[sflag:s21] =	ssyncset.done $0x0  }
0x136: {  	s9 =	simm.s32 $0x1A80;
	[sflag:s21] =	ssyncadd.s32 $0xFFFFD800  }
0x137: {  	[spmem:s3] =	stream.indirect.scatter.add.f32 [tilespmem:s13], [sflag:$0x2], $0x80, s9, s11, $0xb8;
	[tilespmem:$0x1F880] =	vst v63  }
0x138: {  	_ =	swait.ge [sflag:s21], $0x2800  }
0x139: {  	[sflag:s21] =	ssyncset.done $0x0  }
0x13a: {  	s10 =	simm.s32 $0xC80;
	[sflag:s21] =	ssyncadd.s32 $0xFFFFD800  }
0x13b: {  	[tilespmem:s13], [sflag:$0x2] =	stream.indirect.gather [hbm4b:s1+s11], $0x80, s10, s11, $0xb8;
	[tilespmem:$0x1F880] =	vst v63  }
0x13c: {  	_ =	swait.ge [sflag:s22], $0x2800  }
0x13d: {  	[sflag:s22] =	ssyncset.done $0x0  }
0x13e: {  	s14 =	simm.s32 $0x1B00;
	[sflag:s22] =	ssyncadd.s32 $0xFFFFD800  }
0x13f: {  	[spmem:s3] =	stream.indirect.scatter.add.f32 [tilespmem:s18], [sflag:$0x3], $0x80, s14, s11, $0xb8;
	[tilespmem:$0x1F880] =	vst v63  }
0x140: {  	_ =	swait.ge [sflag:s22], $0x2800  }
0x141: {  	[sflag:s22] =	ssyncset.done $0x0  }
0x142: {  	s15 =	simm.s32 $0xD00;
	[sflag:s22] =	ssyncadd.s32 $0xFFFFD800  }
0x143: {  	[tilespmem:s18], [sflag:$0x3] =	stream.indirect.gather [hbm4b:s1+s11], $0x80, s15, s11, $0xb8;
	[tilespmem:$0x1F880] =	vst v63  }
0x144: {  	_ =	swait.ge [sflag:s23], $0x2800  }
0x145: {  	[sflag:s23] =	ssyncset.done $0x0  }
0x146: {  	s16 =	simm.s32 $0x1B80;
	[sflag:s23] =	ssyncadd.s32 $0xFFFFD800  }
0x147: {  	[spmem:s3] =	stream.indirect.scatter.add.f32 [tilespmem:s19], [sflag:$0x4], $0x80, s16, s11, $0xb8;
	[tilespmem:$0x1F880] =	vst v63  }
0x148: {  	_ =	swait.ge [sflag:s23], $0x2800  }
0x149: {  	[sflag:s23] =	ssyncset.done $0x0  }
0x14a: {  	s17 =	simm.s32 $0xD80;
	[sflag:s23] =	ssyncadd.s32 $0xFFFFD800  }
0x14b: {  	[tilespmem:s19], [sflag:$0x4] =	stream.indirect.gather [hbm4b:s1+s11], $0x80, s17, s11, $0xb8;
	[tilespmem:$0x1F880] =	vst v63  }
0x14c: {  	_ =	swait.ge [sflag:s20], $0x2800  }
0x14d: {  	[sflag:s20] =	ssyncset.done $0x0  }
0x14e: {  	s25 =	simm.s32 $0x1C00;
	[sflag:s20] =	ssyncadd.s32 $0xFFFFD800  }
0x14f: {  	[spmem:s3] =	stream.indirect.scatter.add.f32 [tilespmem:s12], [sflag:$0x1], $0x80, s25, s11, $0xb8;
	[tilespmem:$0x1F880] =	vst v63  }
0x150: {  	_ =	swait.ge [sflag:s20], $0x2800  }
0x151: {  	[sflag:s20] =	ssyncset.done $0x0  }
0x152: {  	s26 =	simm.s32 $0xE00;
	[sflag:s20] =	ssyncadd.s32 $0xFFFFD800  }
0x153: {  	[tilespmem:s12], [sflag:$0x1] =	stream.indirect.gather [hbm4b:s1+s11], $0x80, s26, s11, $0xb8;
	[tilespmem:$0x1F880] =	vst v63  }
0x154: {  	_ =	swait.ge [sflag:s21], $0x2800  }
0x155: {  	[sflag:s21] =	ssyncset.done $0x0  }
0x156: {  	s30 =	simm.s32 $0x1C80;
	[sflag:s21] =	ssyncadd.s32 $0xFFFFD800  }
0x157: {  	[spmem:s3] =	stream.indirect.scatter.add.f32 [tilespmem:s13], [sflag:$0x2], $0x80, s30, s11, $0xb8;
	[tilespmem:$0x1F880] =	vst v63  }
0x158: {  	_ =	swait.ge [sflag:s21], $0x2800  }
0x159: {  	[sflag:s21] =	ssyncset.done $0x0  }
0x15a: {  	s9 =	simm.s32 $0xE80;
	[sflag:s21] =	ssyncadd.s32 $0xFFFFD800  }
0x15b: {  	[tilespmem:s13], [sflag:$0x2] =	stream.indirect.gather [hbm4b:s1+s11], $0x80, s9, s11, $0xb8;
	[tilespmem:$0x1F880] =	vst v63  }
0x15c: {  	_ =	swait.ge [sflag:s22], $0x2800  }
0x15d: {  	[sflag:s22] =	ssyncset.done $0x0  }
0x15e: {  	s10 =	simm.s32 $0x1D00;
	[sflag:s22] =	ssyncadd.s32 $0xFFFFD800  }
0x15f: {  	[spmem:s3] =	stream.indirect.scatter.add.f32 [tilespmem:s18], [sflag:$0x3], $0x80, s10, s11, $0xb8;
	[tilespmem:$0x1F880] =	vst v63  }
0x160: {  	_ =	swait.ge [sflag:s22], $0x2800  }
0x161: {  	[sflag:s22] =	ssyncset.done $0x0  }
0x162: {  	s14 =	simm.s32 $0xF00;
	[sflag:s22] =	ssyncadd.s32 $0xFFFFD800  }
0x163: {  	[tilespmem:s18], [sflag:$0x3] =	stream.indirect.gather [hbm4b:s1+s11], $0x80, s14, s11, $0xb8;
	[tilespmem:$0x1F880] =	vst v63  }
0x164: {  	_ =	swait.ge [sflag:s23], $0x2800  }
0x165: {  	[sflag:s23] =	ssyncset.done $0x0  }
0x166: {  	s15 =	simm.s32 $0x1D80;
	[sflag:s23] =	ssyncadd.s32 $0xFFFFD800  }
0x167: {  	[spmem:s3] =	stream.indirect.scatter.add.f32 [tilespmem:s19], [sflag:$0x4], $0x80, s15, s11, $0xb8;
	[tilespmem:$0x1F880] =	vst v63  }
0x168: {  	_ =	swait.ge [sflag:s23], $0x2800  }
0x169: {  	[sflag:s23] =	ssyncset.done $0x0  }
0x16a: {  	s16 =	simm.s32 $0xF80;
	[sflag:s23] =	ssyncadd.s32 $0xFFFFD800  }
0x16b: {  	[tilespmem:s19], [sflag:$0x4] =	stream.indirect.gather [hbm4b:s1+s11], $0x80, s16, s11, $0xb8;
	[tilespmem:$0x1F880] =	vst v63  }
0x16c: {  	_ =	swait.ge [sflag:s20], $0x2800  }
0x16d: {  	[sflag:s20] =	ssyncset.done $0x0  }
0x16e: {  	s17 =	simm.s32 $0x1E00;
	[sflag:s20] =	ssyncadd.s32 $0xFFFFD800  }
0x16f: {  	[spmem:s3] =	stream.indirect.scatter.add.f32 [tilespmem:s12], [sflag:$0x1], $0x80, s17, s11, $0xb8;
	[tilespmem:$0x1F880] =	vst v63  }
0x170: {  	_ =	swait.ge [sflag:s20], $0x2800  }
0x171: {  	[sflag:s20] =	ssyncset.done $0x0  }
0x172: {  	[sflag:s20] =	ssyncadd.s32 $0xFFFFD800  }
0x173: {  	_ =	swait.ge [sflag:s21], $0x2800  }
0x174: {  	[sflag:s21] =	ssyncset.done $0x0  }
0x175: {  	s25 =	simm.s32 $0x1E80;
	[sflag:s21] =	ssyncadd.s32 $0xFFFFD800  }
0x176: {  	[spmem:s3] =	stream.indirect.scatter.add.f32 [tilespmem:s13], [sflag:$0x2], $0x80, s25, s11, $0xb8;
	[tilespmem:$0x1F880] =	vst v63  }
0x177: {  	_ =	swait.ge [sflag:s21], $0x2800  }
0x178: {  	[sflag:s21] =	ssyncset.done $0x0  }
0x179: {  	[sflag:s21] =	ssyncadd.s32 $0xFFFFD800  }
0x17a: {  	_ =	swait.ge [sflag:s22], $0x2800  }
0x17b: {  	[sflag:s22] =	ssyncset.done $0x0  }
0x17c: {  	s26 =	simm.s32 $0x1F00;
	[sflag:s22] =	ssyncadd.s32 $0xFFFFD800  }
0x17d: {  	[spmem:s3] =	stream.indirect.scatter.add.f32 [tilespmem:s18], [sflag:$0x3], $0x80, s26, s11, $0xb8;
	[tilespmem:$0x1F880] =	vst v63  }
0x17e: {  	_ =	swait.ge [sflag:s22], $0x2800  }
0x17f: {  	[sflag:s22] =	ssyncset.done $0x0  }
0x180: {  	[sflag:s22] =	ssyncadd.s32 $0xFFFFD800  }
0x181: {  	_ =	swait.ge [sflag:s23], $0x2800  }
0x182: {  	[sflag:s23] =	ssyncset.done $0x0  }
0x183: {  	s30 =	simm.s32 $0x1F80;
	[sflag:s23] =	ssyncadd.s32 $0xFFFFD800  }
0x184: {  	[spmem:s3] =	stream.indirect.scatter.add.f32 [tilespmem:s19], [sflag:$0x4], $0x80, s30, s11, $0xb8;
	[tilespmem:$0x1F880] =	vst v63  }
0x185: {  	_ =	swait.ge [sflag:s23], $0x2800  }
0x186: {  	s9 =	simm.s32 @!p1 $0x0;
	[sflag:s23] =	ssyncset.done $0x0  }
0x187: {  	s14 =	simm.s32 @!p1 $0x5;
	s0 =	rddreg [dreg:$0xe];
	[sflag:s23] =	ssyncadd.s32 $0xFFFFD800  }
0x188: {  	[tilespmem:s9], [sflag:$0x5] =	stream.linear.gather @!p1 [hbm4b:s0+s9], $0x1000, $0x38;
	[tilespmem:$0x1F880] =	vst v63  }
0x189: {  	_ =	swait.ge @!p1 [sflag:s14], $0x1000  }
0x18a: {  	[sflag:s14] =	ssyncset.done @!p1 $0x0  }
0x18b: {  	s15 =	simm.s32 @!p1 $0x1000;
	s0 =	rddreg [dreg:$0xf];
	[sflag:s14] =	ssyncadd.s32 @!p1 $0xFFFFF000  }
0x18c: {  	[tilespmem:s15], [sflag:$0x5] =	stream.linear.gather @!p1 [hbm4b:s0+s9], $0x1000, $0x38;
	[tilespmem:$0x1F880] =	vst v63  }
0x18d: {  	_ =	swait.ge @!p1 [sflag:s14], $0x1000  }
0x18e: {  	[sflag:s14] =	ssyncset.done @!p1 $0x0  }
0x18f: {  	s15 =	simm.s32 @!p1 $0x2000;
	[sflag:s14] =	ssyncadd.s32 @!p1 $0xFFFFF000;
	s14 =	simm.s32 @!p1 $0x50  }
0x190: {  	[tilespmem:s15], [sflag:$0x1] =	stream.indirect.gather @!p1 [hbm4b:s1+s14], $0x80, s9, s14, $0xb8;
	[tilespmem:$0x1F880] =	vst v63  }
0x191: {  	s9 =	simm.s32 @!p1 $0x80;
	s15 =	simm.s32 @!p1 $0x4800  }
0x192: {  	[tilespmem:s15], [sflag:$0x2] =	stream.indirect.gather @!p1 [hbm4b:s1+s14], $0x80, s9, s14, $0xb8;
	[tilespmem:$0x1F880] =	vst v63  }
0x193: {  	s9 =	simm.s32 @!p1 $0x100;
	s15 =	simm.s32 @!p1 $0x7000  }
0x194: {  	[tilespmem:s15], [sflag:$0x3] =	stream.indirect.gather @!p1 [hbm4b:s1+s14], $0x80, s9, s14, $0xb8;
	[tilespmem:$0x1F880] =	vst v63  }
0x195: {  	p0 =	sle.u32 s31, $0x0;
	s9 =	simm.s32 @!p1 $0x180;
	s15 =	simm.s32 @!p1 $0x9800  }
0x196: {  	[tilespmem:s15], [sflag:$0x4] =	stream.indirect.gather @!p1 [hbm4b:s1+s14], $0x80, s9, s14, $0xb8;
	[tilespmem:$0x1F880] =	vst v63  }
0x197: {  	s9 =	simm.s32 @!p0 $0x1  }
0x198: {  	_ =	swait.ge @!p0 [sflag:s9], $0x2800  }
0x199: {  	p2 =	sle.u32 @!p0 s31, $0x4;
	s16 =	simm.s32 @!p0 $0x2000;
	[sflag:s9] =	ssyncset.done @!p0 $0x0  }
0x19a: {  	s14 =	simm.s32 @!p0 $0x1000;
	s15 =	simm.s32 @!p0 $0x50;
	[sflag:s9] =	ssyncadd.s32 @!p0 $0xFFFFD800  }
0x19b: {  	[spmem:s3] =	stream.indirect.scatter.add.f32 @!p0 [tilespmem:s16], [sflag:$0x1], $0x80, s14, s15, $0xb8;
	[tilespmem:$0x1F880] =	vst v63  }
0x19c: {  	p2 =	por p2, p0;
	_ =	swait.ge @!p0 [sflag:s9], $0x2800  }
0x19d: {  	s14 =	simm.s32 @!p2 $0x2000;
	s15 =	simm.s32 @!p2 $0x200;
	[sflag:s9] =	ssyncset.done @!p0 $0x0  }
0x19e: {  	[sflag:s9] =	ssyncadd.s32 @!p0 $0xFFFFD800;
	s9 =	simm.s32 @!p2 $0x50;
	p0 =	sle.u32 s31, $0x1  }
0x19f: {  	[tilespmem:s14], [sflag:$0x1] =	stream.indirect.gather @!p2 [hbm4b:s1+s9], $0x80, s15, s9, $0xb8;
	[tilespmem:$0x1F880] =	vst v63  }
0x1a0: {  	s9 =	simm.s32 @!p0 $0x2  }
0x1a1: {  	_ =	swait.ge @!p0 [sflag:s9], $0x2800  }
0x1a2: {  	s14 =	simm.s32 @!p0 $0x1080;
	p2 =	sle.u32 @!p0 s31, $0x5;
	[sflag:s9] =	ssyncset.done @!p0 $0x0  }
0x1a3: {  	s15 =	simm.s32 @!p0 $0x50;
	s16 =	simm.s32 @!p0 $0x4800;
	[sflag:s9] =	ssyncadd.s32 @!p0 $0xFFFFD800  }
0x1a4: {  	[spmem:s3] =	stream.indirect.scatter.add.f32 @!p0 [tilespmem:s16], [sflag:$0x2], $0x80, s14, s15, $0xb8;
	[tilespmem:$0x1F880] =	vst v63  }
0x1a5: {  	p2 =	por p2, p0;
	_ =	swait.ge @!p0 [sflag:s9], $0x2800  }
0x1a6: {  	s14 =	simm.s32 @!p2 $0x4800;
	s15 =	simm.s32 @!p2 $0x280;
	[sflag:s9] =	ssyncset.done @!p0 $0x0  }
0x1a7: {  	s16 =	simm.s32 @!p2 $0x50;
	[sflag:s9] =	ssyncadd.s32 @!p0 $0xFFFFD800;
	p0 =	sle.u32 s31, $0x2  }
0x1a8: {  	[tilespmem:s14], [sflag:$0x2] =	stream.indirect.gather @!p2 [hbm4b:s1+s16], $0x80, s15, s16, $0xb8;
	[tilespmem:$0x1F880] =	vst v63  }
0x1a9: {  	s9 =	simm.s32 @!p0 $0x3  }
0x1aa: {  	_ =	swait.ge @!p0 [sflag:s9], $0x2800  }
0x1ab: {  	s14 =	simm.s32 @!p0 $0x1100;
	p2 =	sle.u32 @!p0 s31, $0x6;
	[sflag:s9] =	ssyncset.done @!p0 $0x0  }
0x1ac: {  	s15 =	simm.s32 @!p0 $0x50;
	s16 =	simm.s32 @!p0 $0x7000;
	[sflag:s9] =	ssyncadd.s32 @!p0 $0xFFFFD800  }
0x1ad: {  	[spmem:s3] =	stream.indirect.scatter.add.f32 @!p0 [tilespmem:s16], [sflag:$0x3], $0x80, s14, s15, $0xb8;
	[tilespmem:$0x1F880] =	vst v63  }
0x1ae: {  	p4 =	sle.u32 s31, $0x3;
	p2 =	por p2, p0;
	_ =	swait.ge @!p0 [sflag:s9], $0x2800  }
0x1af: {  	s17 =	simm.s32 @!p4 $0x4;
	s14 =	simm.s32 @!p2 $0x7000;
	[sflag:s9] =	ssyncset.done @!p0 $0x0  }
0x1b0: {  	s15 =	simm.s32 @!p2 $0x300;
	s16 =	simm.s32 @!p2 $0x50;
	[sflag:s9] =	ssyncadd.s32 @!p0 $0xFFFFD800  }
0x1b1: {  	[tilespmem:s14], [sflag:$0x3] =	stream.indirect.gather @!p2 [hbm4b:s1+s16], $0x80, s15, s16, $0xb8;
	[tilespmem:$0x1F880] =	vst v63  }
0x1b2: {  	s26 =	simm.s32 $0x4;
	_ =	swait.ge @!p4 [sflag:s17], $0x2800  }
0x1b3: {  	s9 =	simm.s32 @!p4 $0x1180;
	p0 =	sle.u32 @!p4 s31, $0x7;
	[sflag:s17] =	ssyncset.done @!p4 $0x0  }
0x1b4: {  	s14 =	simm.s32 @!p4 $0x50;
	s15 =	simm.s32 @!p4 $0x9800;
	[sflag:s17] =	ssyncadd.s32 @!p4 $0xFFFFD800  }
0x1b5: {  	[spmem:s3] =	stream.indirect.scatter.add.f32 @!p4 [tilespmem:s15], [sflag:$0x4], $0x80, s9, s14, $0xb8;
	[tilespmem:$0x1F880] =	vst v63  }
0x1b6: {  	p2 =	por p0, p4;
	s15 =	simm.s32 $0x0;
	s14 =	simm.s32 $0x800  }
.LBB2_7:
0x1b7: {  	_ =	swait.ge @!p4 [sflag:s17], $0x2800;
	s9 =	sshra.s32 @!p2 s15, $0x2;
	s15 =	simm.s32 @!p2 $0x9800  }
0x1b8: {  	s25 =	simm.s32 @!p2 $0x50;
	[sflag:s17] =	ssyncset.done @!p4 $0x0;
	s9 =	sadd.s32 @!p2 $0x380, s9  }
0x1b9: {  	s16 =	smov.u32 s26;
	s26 =	sadd.s32 $0x4, s26;
	[sflag:s17] =	ssyncadd.s32 @!p4 $0xFFFFD800  }
0x1ba: {  	[tilespmem:s15], [sflag:$0x4] =	stream.indirect.gather @!p2 [hbm4b:s1+s25], $0x80, s9, s25, $0xb8;
	[tilespmem:$0x1F880] =	vst v63  }
0x1bb: {  	p5 =	sne.s32 s26, $0x1C;
	p2 =	sge.u32 s16, s31;
	s15 =	smov.u32 s14  }
0x1bc: {  	s9 =	simm.s32 @!p2 $0x1;
	s17 =	sshra.s32 @!p2 s14, $0x2;
	s25 =	sadd.s32 @!p2 $0x4, s16  }
0x1bd: {  	s17 =	sadd.s32 @!p2 $0x1000, s17;
	p0 =	sge.u32 @!p2 s25, s31;
	_ =	swait.ge @!p2 [sflag:s9], $0x2800  }
0x1be: {  	p0 =	por p0, p2;
	[sflag:s9] =	ssyncset.done @!p2 $0x0  }
0x1bf: {  	s0 =	simm.s32 @!p2 $0x2000;
	s25 =	simm.s32 @!p2 $0x50;
	[sflag:s9] =	ssyncadd.s32 @!p2 $0xFFFFD800  }
0x1c0: {  	[spmem:s3] =	stream.indirect.scatter.add.f32 @!p2 [tilespmem:s0], [sflag:$0x1], $0x80, s17, s25, $0xb8;
	[tilespmem:$0x1F880] =	vst v63  }
0x1c1: {  	s0 =	sshra.s32 @!p0 s14, $0x2;
	s17 =	simm.s32 @!p0 $0x2000;
	_ =	swait.ge @!p2 [sflag:s9], $0x2800  }
0x1c2: {  	s25 =	sadd.s32 $0x1, s16;
	s0 =	sadd.s32 @!p0 $0x200, s0;
	[sflag:s9] =	ssyncset.done @!p2 $0x0  }
0x1c3: {  	p4 =	sge.u32 s25, s31;
	[sflag:s9] =	ssyncadd.s32 @!p2 $0xFFFFD800;
	s9 =	simm.s32 @!p0 $0x50  }
0x1c4: {  	[tilespmem:s17], [sflag:$0x1] =	stream.indirect.gather @!p0 [hbm4b:s1+s9], $0x80, s0, s9, $0xb8;
	[tilespmem:$0x1F880] =	vst v63  }
0x1c5: {  	s0 =	simm.s32 @!p4 $0x2;
	s9 =	sshra.s32 @!p4 s14, $0x2;
	s17 =	sadd.s32 @!p4 $0x5, s16  }
0x1c6: {  	s9 =	sadd.s32 @!p4 $0x1080, s9;
	p0 =	sge.u32 @!p4 s17, s31;
	_ =	swait.ge @!p4 [sflag:s0], $0x2800  }
0x1c7: {  	s25 =	simm.s32 @!p4 $0x4800;
	s17 =	simm.s32 @!p4 $0x50;
	[sflag:s0] =	ssyncset.done @!p4 $0x0  }
0x1c8: {  	s30 =	sadd.s32 $0x2, s16;
	p0 =	por p0, p4;
	[sflag:s0] =	ssyncadd.s32 @!p4 $0xFFFFD800  }
0x1c9: {  	[spmem:s3] =	stream.indirect.scatter.add.f32 @!p4 [tilespmem:s25], [sflag:$0x2], $0x80, s9, s17, $0xb8;
	[tilespmem:$0x1F880] =	vst v63  }
0x1ca: {  	s9 =	sshra.s32 @!p0 s14, $0x2;
	s17 =	simm.s32 @!p0 $0x4800;
	_ =	swait.ge @!p4 [sflag:s0], $0x2800  }
0x1cb: {  	s25 =	simm.s32 @!p0 $0x50;
	s9 =	sadd.s32 @!p0 $0x280, s9;
	[sflag:s0] =	ssyncset.done @!p4 $0x0  }
0x1cc: {  	[sflag:s0] =	ssyncadd.s32 @!p4 $0xFFFFD800;
	p4 =	sge.u32 s30, s31  }
0x1cd: {  	[tilespmem:s17], [sflag:$0x2] =	stream.indirect.gather @!p0 [hbm4b:s1+s25], $0x80, s9, s25, $0xb8;
	[tilespmem:$0x1F880] =	vst v63  }
0x1ce: {  	s0 =	simm.s32 @!p4 $0x3;
	s9 =	sshra.s32 @!p4 s14, $0x2;
	s17 =	sadd.s32 @!p4 $0x6, s16  }
0x1cf: {  	s9 =	sadd.s32 @!p4 $0x1100, s9;
	p0 =	sge.u32 @!p4 s17, s31;
	_ =	swait.ge @!p4 [sflag:s0], $0x2800  }
0x1d0: {  	s25 =	simm.s32 @!p4 $0x7000;
	s17 =	simm.s32 @!p4 $0x50;
	[sflag:s0] =	ssyncset.done @!p4 $0x0  }
0x1d1: {  	s30 =	sadd.s32 $0x3, s16;
	p0 =	por p0, p4;
	[sflag:s0] =	ssyncadd.s32 @!p4 $0xFFFFD800  }
0x1d2: {  	[spmem:s3] =	stream.indirect.scatter.add.f32 @!p4 [tilespmem:s25], [sflag:$0x3], $0x80, s9, s17, $0xb8;
	[tilespmem:$0x1F880] =	vst v63  }
0x1d3: {  	s9 =	sshra.s32 @!p0 s14, $0x2;
	s17 =	simm.s32 @!p0 $0x7000;
	_ =	swait.ge @!p4 [sflag:s0], $0x2800  }
0x1d4: {  	s25 =	simm.s32 @!p0 $0x50;
	s9 =	sadd.s32 @!p0 $0x300, s9;
	[sflag:s0] =	ssyncset.done @!p4 $0x0  }
0x1d5: {  	[sflag:s0] =	ssyncadd.s32 @!p4 $0xFFFFD800;
	p4 =	sge.u32 s30, s31  }
0x1d6: {  	[tilespmem:s17], [sflag:$0x3] =	stream.indirect.gather @!p0 [hbm4b:s1+s25], $0x80, s9, s25, $0xb8;
	[tilespmem:$0x1F880] =	vst v63  }
0x1d7: {  	s17 =	simm.s32 @!p4 $0x4  }
.Ltmp5:
0x1d8: {  	s0 =	sshra.s32 @!p4 s14, $0x2;
	s9 =	sadd.s32 @!p4 $0x7, s16;
	(pc) =	sbr.rel @p5 .LBB2_7-.Ltmp5, $4  }
0x1d9: {  	s0 =	sadd.s32 @!p4 $0x1180, s0;
	p0 =	sge.u32 @!p4 s9, s31;
	_ =	swait.ge @!p4 [sflag:s17], $0x2800  }
0x1da: {  	s16 =	simm.s32 @!p4 $0x9800;
	s9 =	simm.s32 @!p4 $0x50;
	[sflag:s17] =	ssyncset.done @!p4 $0x0  }
0x1db: {  	s14 =	sadd.s32 $0x800, s14;
	p2 =	por p0, p4;
	[sflag:s17] =	ssyncadd.s32 @!p4 $0xFFFFD800  }
0x1dc: {  	[spmem:s3] =	stream.indirect.scatter.add.f32 @!p4 [tilespmem:s16], [sflag:$0x4], $0x80, s0, s9, $0xb8;
	[tilespmem:$0x1F880] =	vst v63  }
.Ltmp6:
0x1dd: {  	(pc) =	sbr.rel @p1 .LBB2_10-.Ltmp6, $4  }
0x1de: {  	_ =	swait.ge @!p4 [sflag:s17], $0x2800;
	s0 =	sshra.s32 @!p2 s15, $0x2  }
0x1df: {  	s9 =	simm.s32 @!p2 $0x9800;
	s14 =	simm.s32 @!p2 $0x50;
	[sflag:s17] =	ssyncset.done @!p4 $0x0  }
0x1e0: {  	s26 =	simm.s32 $0xFFFFFFE0;
	s0 =	sadd.s32 @!p2 $0x380, s0;
	[sflag:s17] =	ssyncadd.s32 @!p4 $0xFFFFD800  }
0x1e1: {  	[tilespmem:s9], [sflag:$0x4] =	stream.indirect.gather @!p2 [hbm4b:s1+s14], $0x80, s0, s14, $0xb8;
	[tilespmem:$0x1F880] =	vst v63  }
0x1e2: {  	_ =	swait.ge [sflag:s20], $0x2800  }
0x1e3: {  	[sflag:s20] =	ssyncset.done $0x0  }
0x1e4: {  	s0 =	simm.s32 $0x1E00;
	[sflag:s20] =	ssyncadd.s32 $0xFFFFD800  }
0x1e5: {  	[spmem:s3] =	stream.indirect.scatter.add.f32 [tilespmem:s12], [sflag:$0x1], $0x80, s0, s11, $0xb8;
	[tilespmem:$0x1F880] =	vst v63  }
0x1e6: {  	_ =	swait.ge [sflag:s20], $0x2800  }
0x1e7: {  	[sflag:s20] =	ssyncset.done $0x0  }
0x1e8: {  	[sflag:s20] =	ssyncadd.s32 $0xFFFFD800  }
0x1e9: {  	_ =	swait.ge [sflag:s21], $0x2800  }
0x1ea: {  	[sflag:s21] =	ssyncset.done $0x0  }
0x1eb: {  	s25 =	simm.s32 $0x1E80;
	[sflag:s21] =	ssyncadd.s32 $0xFFFFD800  }
0x1ec: {  	[spmem:s3] =	stream.indirect.scatter.add.f32 [tilespmem:s13], [sflag:$0x2], $0x80, s25, s11, $0xb8;
	[tilespmem:$0x1F880] =	vst v63  }
0x1ed: {  	_ =	swait.ge [sflag:s21], $0x2800  }
0x1ee: {  	[sflag:s21] =	ssyncset.done $0x0  }
0x1ef: {  	[sflag:s21] =	ssyncadd.s32 $0xFFFFD800  }
0x1f0: {  	_ =	swait.ge [sflag:s22], $0x2800  }
0x1f1: {  	[sflag:s22] =	ssyncset.done $0x0  }
0x1f2: {  	s26 =	simm.s32 $0x1F00;
	[sflag:s22] =	ssyncadd.s32 $0xFFFFD800  }
0x1f3: {  	[spmem:s3] =	stream.indirect.scatter.add.f32 [tilespmem:s18], [sflag:$0x3], $0x80, s26, s11, $0xb8;
	[tilespmem:$0x1F880] =	vst v63  }
0x1f4: {  	_ =	swait.ge [sflag:s22], $0x2800  }
0x1f5: {  	[sflag:s22] =	ssyncset.done $0x0  }
0x1f6: {  	[sflag:s22] =	ssyncadd.s32 $0xFFFFD800  }
0x1f7: {  	_ =	swait.ge [sflag:s23], $0x2800  }
0x1f8: {  	[sflag:s23] =	ssyncset.done $0x0  }
0x1f9: {  	s30 =	simm.s32 $0x1F80;
	[sflag:s23] =	ssyncadd.s32 $0xFFFFD800  }
0x1fa: {  	[spmem:s3] =	stream.indirect.scatter.add.f32 [tilespmem:s19], [sflag:$0x4], $0x80, s30, s11, $0xb8;
	[tilespmem:$0x1F880] =	vst v63  }
0x1fb: {  	_ =	swait.ge [sflag:s23], $0x2800  }
0x1fc: {  	s10 =	rddreg [dreg:$0x8]  }
0x1fd: {  	[sflag:s23] =	ssyncset.done $0x0;
	p2 =	sgt.u32 s10, $0xF5F  }
0x1fe: {  	s9 =	rddreg [dreg:$0x10];
	[sflag:s23] =	ssyncadd.s32 $0xFFFFD800;
	s0 =	simm.s32 @!p2 $0x0  }
0x1ff: {  	[tilespmem:s0], [sflag:$0x5] =	stream.linear.gather @!p2 [hbm4b:s9+s0], $0x1000, $0x38;
	[tilespmem:$0x1F880] =	vst v63  }
0x200: {  	s9 =	simm.s32 @!p2 $0x5  }
0x201: {  	_ =	swait.ge @!p2 [sflag:s9], $0x1000  }
0x202: {  	[sflag:s9] =	ssyncset.done @!p2 $0x0  }
0x203: {  	s14 =	simm.s32 @!p2 $0x1000;
	s15 =	rddreg [dreg:$0x11];
	[sflag:s9] =	ssyncadd.s32 @!p2 $0xFFFFF000  }
0x204: {  	[tilespmem:s14], [sflag:$0x5] =	stream.linear.gather @!p2 [hbm4b:s15+s0], $0x1000, $0x38;
	[tilespmem:$0x1F880] =	vst v63  }
0x205: {  	_ =	swait.ge @!p2 [sflag:s9], $0x1000  }
0x206: {  	p0 =	sgt.u32 @!p2 s10, $0xF5D;
	[sflag:s9] =	ssyncset.done @!p2 $0x0  }
0x207: {  	s14 =	simm.s32 @!p2 $0x2000;
	[sflag:s9] =	ssyncadd.s32 @!p2 $0xFFFFF000;
	s9 =	simm.s32 @!p2 $0x50  }
0x208: {  	[tilespmem:s14], [sflag:$0x1] =	stream.indirect.gather @!p2 [hbm4b:s1+s9], $0x80, s0, s9, $0xb8;
	[tilespmem:$0x1F880] =	vst v63  }
0x209: {  	p0 =	por p0, p2;
	s0 =	simm.s32 @!p2 $0x80;
	s14 =	simm.s32 @!p2 $0x4800  }
0x20a: {  	[tilespmem:s14], [sflag:$0x2] =	stream.indirect.gather @!p2 [hbm4b:s1+s9], $0x80, s0, s9, $0xb8;
	[tilespmem:$0x1F880] =	vst v63  }
0x20b: {  	s0 =	simm.s32 @!p0 $0x50;
	s9 =	simm.s32 @!p0 $0x100;
	s14 =	simm.s32 @!p0 $0x7000  }
0x20c: {  	[tilespmem:s14], [sflag:$0x3] =	stream.indirect.gather @!p0 [hbm4b:s1+s0], $0x80, s9, s0, $0xb8;
	[tilespmem:$0x1F880] =	vst v63  }
0x20d: {  	s26 =	rddreg [dreg:$0x1b];
	s9 =	simm.s32 @!p0 $0x180;
	s14 =	simm.s32 @!p0 $0x9800  }
0x20e: {  	[tilespmem:s14], [sflag:$0x4] =	stream.indirect.gather @!p0 [hbm4b:s1+s0], $0x80, s9, s0, $0xb8;
	[tilespmem:$0x1F880] =	vst v63  }
.LBB2_10:
0x20f: {  	p0 =	sle.s32 s26, $0x0  }
0x210: {  	s0 =	simm.s32 @!p0 $0x1  }
0x211: {  	_ =	swait.ge @!p0 [sflag:s0], $0x2800  }
0x212: {  	s9 =	simm.s32 @!p0 $0x1000;
	p2 =	sle.u32 @!p0 s26, $0x4;
	[sflag:s0] =	ssyncset.done @!p0 $0x0  }
0x213: {  	s14 =	simm.s32 @!p0 $0x50;
	s15 =	simm.s32 @!p0 $0x2000;
	[sflag:s0] =	ssyncadd.s32 @!p0 $0xFFFFD800  }
0x214: {  	[spmem:s3] =	stream.indirect.scatter.add.f32 @!p0 [tilespmem:s15], [sflag:$0x1], $0x80, s9, s14, $0xb8;
	[tilespmem:$0x1F880] =	vst v63  }
0x215: {  	p2 =	por p2, p0;
	_ =	swait.ge @!p0 [sflag:s0], $0x2800  }
0x216: {  	s9 =	simm.s32 @!p2 $0x2000;
	s14 =	simm.s32 @!p2 $0x200;
	[sflag:s0] =	ssyncset.done @!p0 $0x0  }
0x217: {  	[sflag:s0] =	ssyncadd.s32 @!p0 $0xFFFFD800;
	s0 =	simm.s32 @!p2 $0x50;
	p0 =	sle.s32 s26, $0x1  }
0x218: {  	[tilespmem:s9], [sflag:$0x1] =	stream.indirect.gather @!p2 [hbm4b:s1+s0], $0x80, s14, s0, $0xb8;
	[tilespmem:$0x1F880] =	vst v63  }
0x219: {  	s0 =	simm.s32 @!p0 $0x2  }
0x21a: {  	_ =	swait.ge @!p0 [sflag:s0], $0x2800  }
0x21b: {  	s9 =	simm.s32 @!p0 $0x1080;
	p2 =	sle.s32 @!p0 s26, $0x5;
	[sflag:s0] =	ssyncset.done @!p0 $0x0  }
0x21c: {  	s14 =	simm.s32 @!p0 $0x50;
	s15 =	simm.s32 @!p0 $0x4800;
	[sflag:s0] =	ssyncadd.s32 @!p0 $0xFFFFD800  }
0x21d: {  	[spmem:s3] =	stream.indirect.scatter.add.f32 @!p0 [tilespmem:s15], [sflag:$0x2], $0x80, s9, s14, $0xb8;
	[tilespmem:$0x1F880] =	vst v63  }
0x21e: {  	p2 =	por p2, p0;
	_ =	swait.ge @!p0 [sflag:s0], $0x2800  }
0x21f: {  	s9 =	simm.s32 @!p2 $0x4800;
	s14 =	simm.s32 @!p2 $0x280;
	[sflag:s0] =	ssyncset.done @!p0 $0x0  }
0x220: {  	s15 =	simm.s32 @!p2 $0x50;
	[sflag:s0] =	ssyncadd.s32 @!p0 $0xFFFFD800;
	p0 =	sle.s32 s26, $0x2  }
0x221: {  	[tilespmem:s9], [sflag:$0x2] =	stream.indirect.gather @!p2 [hbm4b:s1+s15], $0x80, s14, s15, $0xb8;
	[tilespmem:$0x1F880] =	vst v63  }
0x222: {  	s0 =	simm.s32 @!p0 $0x3  }
0x223: {  	_ =	swait.ge @!p0 [sflag:s0], $0x2800  }
0x224: {  	s9 =	simm.s32 @!p0 $0x1100;
	p2 =	sle.s32 @!p0 s26, $0x6;
	[sflag:s0] =	ssyncset.done @!p0 $0x0  }
0x225: {  	s14 =	simm.s32 @!p0 $0x50;
	s15 =	simm.s32 @!p0 $0x7000;
	[sflag:s0] =	ssyncadd.s32 @!p0 $0xFFFFD800  }
0x226: {  	[spmem:s3] =	stream.indirect.scatter.add.f32 @!p0 [tilespmem:s15], [sflag:$0x3], $0x80, s9, s14, $0xb8;
	[tilespmem:$0x1F880] =	vst v63  }
0x227: {  	p2 =	por p2, p0;
	_ =	swait.ge @!p0 [sflag:s0], $0x2800  }
0x228: {  	p4 =	sle.s32 s26, $0x3;
	s9 =	simm.s32 @!p2 $0x7000;
	[sflag:s0] =	ssyncset.done @!p0 $0x0  }
0x229: {  	s14 =	simm.s32 @!p2 $0x300;
	s15 =	simm.s32 @!p2 $0x50;
	[sflag:s0] =	ssyncadd.s32 @!p0 $0xFFFFD800  }
0x22a: {  	[tilespmem:s9], [sflag:$0x3] =	stream.indirect.gather @!p2 [hbm4b:s1+s15], $0x80, s14, s15, $0xb8;
	[tilespmem:$0x1F880] =	vst v63  }
0x22b: {  	s9 =	simm.s32 @!p4 $0x4  }
0x22c: {  	s16 =	simm.s32 $0x0;
	_ =	swait.ge @!p4 [sflag:s9], $0x2800  }
0x22d: {  	s0 =	simm.s32 @!p4 $0x1180;
	p0 =	sle.s32 @!p4 s26, $0x7;
	[sflag:s9] =	ssyncset.done @!p4 $0x0  }
0x22e: {  	s14 =	simm.s32 @!p4 $0x50;
	s15 =	simm.s32 @!p4 $0x9800;
	[sflag:s9] =	ssyncadd.s32 @!p4 $0xFFFFD800  }
0x22f: {  	[spmem:s3] =	stream.indirect.scatter.add.f32 @!p4 [tilespmem:s15], [sflag:$0x4], $0x80, s0, s14, $0xb8;
	[tilespmem:$0x1F880] =	vst v63  }
0x230: {  	p2 =	por p0, p4;
	s14 =	simm.s32 $0x4;
	s15 =	simm.s32 $0x800  }
.LBB2_11:
0x231: {  	_ =	swait.ge @!p4 [sflag:s9], $0x2800;
	s0 =	sshra.s32 @!p2 s16, $0x2;
	s16 =	simm.s32 @!p2 $0x9800  }
0x232: {  	s25 =	simm.s32 @!p2 $0x50;
	[sflag:s9] =	ssyncset.done @!p4 $0x0;
	s0 =	sadd.s32 @!p2 $0x380, s0  }
0x233: {  	s17 =	smov.u32 s14;
	s14 =	sadd.s32 $0x4, s14;
	[sflag:s9] =	ssyncadd.s32 @!p4 $0xFFFFD800  }
0x234: {  	[tilespmem:s16], [sflag:$0x4] =	stream.indirect.gather @!p2 [hbm4b:s1+s25], $0x80, s0, s25, $0xb8;
	[tilespmem:$0x1F880] =	vst v63  }
0x235: {  	p5 =	sne.s32 s14, $0x1C;
	p2 =	sge.s32 s17, s26;
	s16 =	smov.u32 s15  }
0x236: {  	s0 =	simm.s32 @!p2 $0x1;
	s9 =	sshra.s32 @!p2 s15, $0x2;
	s25 =	sadd.s32 @!p2 $0x4, s17  }
0x237: {  	s9 =	sadd.s32 @!p2 $0x1000, s9;
	p0 =	sge.u32 @!p2 s25, s26;
	_ =	swait.ge @!p2 [sflag:s0], $0x2800  }
0x238: {  	p0 =	por p0, p2;
	[sflag:s0] =	ssyncset.done @!p2 $0x0  }
0x239: {  	s30 =	simm.s32 @!p2 $0x2000;
	s25 =	simm.s32 @!p2 $0x50;
	[sflag:s0] =	ssyncadd.s32 @!p2 $0xFFFFD800  }
0x23a: {  	[spmem:s3] =	stream.indirect.scatter.add.f32 @!p2 [tilespmem:s30], [sflag:$0x1], $0x80, s9, s25, $0xb8;
	[tilespmem:$0x1F880] =	vst v63  }
0x23b: {  	s9 =	sshra.s32 @!p0 s15, $0x2;
	s25 =	simm.s32 @!p0 $0x2000;
	_ =	swait.ge @!p2 [sflag:s0], $0x2800  }
0x23c: {  	s30 =	sadd.s32 $0x1, s17;
	s9 =	sadd.s32 @!p0 $0x200, s9;
	[sflag:s0] =	ssyncset.done @!p2 $0x0  }
0x23d: {  	p4 =	sge.s32 s30, s26;
	[sflag:s0] =	ssyncadd.s32 @!p2 $0xFFFFD800;
	s0 =	simm.s32 @!p0 $0x50  }
0x23e: {  	[tilespmem:s25], [sflag:$0x1] =	stream.indirect.gather @!p0 [hbm4b:s1+s0], $0x80, s9, s0, $0xb8;
	[tilespmem:$0x1F880] =	vst v63  }
0x23f: {  	s0 =	simm.s32 @!p4 $0x2;
	s9 =	sshra.s32 @!p4 s15, $0x2;
	s25 =	sadd.s32 @!p4 $0x5, s17  }
0x240: {  	s9 =	sadd.s32 @!p4 $0x1080, s9;
	p0 =	sge.s32 @!p4 s25, s26;
	_ =	swait.ge @!p4 [sflag:s0], $0x2800  }
0x241: {  	s30 =	simm.s32 @!p4 $0x4800;
	s25 =	simm.s32 @!p4 $0x50;
	[sflag:s0] =	ssyncset.done @!p4 $0x0  }
0x242: {  	s10 =	sadd.s32 $0x2, s17;
	p0 =	por p0, p4;
	[sflag:s0] =	ssyncadd.s32 @!p4 $0xFFFFD800  }
0x243: {  	[spmem:s3] =	stream.indirect.scatter.add.f32 @!p4 [tilespmem:s30], [sflag:$0x2], $0x80, s9, s25, $0xb8;
	[tilespmem:$0x1F880] =	vst v63  }
0x244: {  	s9 =	sshra.s32 @!p0 s15, $0x2;
	s25 =	simm.s32 @!p0 $0x4800;
	_ =	swait.ge @!p4 [sflag:s0], $0x2800  }
0x245: {  	s30 =	simm.s32 @!p0 $0x50;
	s9 =	sadd.s32 @!p0 $0x280, s9;
	[sflag:s0] =	ssyncset.done @!p4 $0x0  }
0x246: {  	[sflag:s0] =	ssyncadd.s32 @!p4 $0xFFFFD800;
	p4 =	sge.s32 s10, s26  }
0x247: {  	[tilespmem:s25], [sflag:$0x2] =	stream.indirect.gather @!p0 [hbm4b:s1+s30], $0x80, s9, s30, $0xb8;
	[tilespmem:$0x1F880] =	vst v63  }
0x248: {  	s0 =	simm.s32 @!p4 $0x3;
	s9 =	sshra.s32 @!p4 s15, $0x2;
	s10 =	sadd.s32 @!p4 $0x6, s17  }
0x249: {  	s9 =	sadd.s32 @!p4 $0x1100, s9;
	p0 =	sge.s32 @!p4 s10, s26;
	_ =	swait.ge @!p4 [sflag:s0], $0x2800  }
0x24a: {  	s25 =	simm.s32 @!p4 $0x7000;
	s10 =	simm.s32 @!p4 $0x50;
	[sflag:s0] =	ssyncset.done @!p4 $0x0  }
0x24b: {  	s30 =	sadd.s32 $0x3, s17;
	p0 =	por p0, p4;
	[sflag:s0] =	ssyncadd.s32 @!p4 $0xFFFFD800  }
0x24c: {  	[spmem:s3] =	stream.indirect.scatter.add.f32 @!p4 [tilespmem:s25], [sflag:$0x3], $0x80, s9, s10, $0xb8;
	[tilespmem:$0x1F880] =	vst v63  }
0x24d: {  	s9 =	sshra.s32 @!p0 s15, $0x2;
	s10 =	simm.s32 @!p0 $0x7000;
	_ =	swait.ge @!p4 [sflag:s0], $0x2800  }
0x24e: {  	s25 =	simm.s32 @!p0 $0x50;
	s9 =	sadd.s32 @!p0 $0x300, s9;
	[sflag:s0] =	ssyncset.done @!p4 $0x0  }
0x24f: {  	[sflag:s0] =	ssyncadd.s32 @!p4 $0xFFFFD800;
	p4 =	sge.s32 s30, s26  }
0x250: {  	[tilespmem:s10], [sflag:$0x3] =	stream.indirect.gather @!p0 [hbm4b:s1+s25], $0x80, s9, s25, $0xb8;
	[tilespmem:$0x1F880] =	vst v63  }
0x251: {  	s9 =	simm.s32 @!p4 $0x4  }
.Ltmp7:
0x252: {  	s0 =	sshra.s32 @!p4 s15, $0x2;
	s10 =	sadd.s32 @!p4 $0x7, s17;
	(pc) =	sbr.rel @p5 .LBB2_11-.Ltmp7, $4  }
0x253: {  	s0 =	sadd.s32 @!p4 $0x1180, s0;
	p0 =	sge.s32 @!p4 s10, s26;
	_ =	swait.ge @!p4 [sflag:s9], $0x2800  }
0x254: {  	s17 =	simm.s32 @!p4 $0x9800;
	s10 =	simm.s32 @!p4 $0x50;
	[sflag:s9] =	ssyncset.done @!p4 $0x0  }
0x255: {  	s15 =	sadd.s32 $0x800, s15;
	p2 =	por p0, p4;
	[sflag:s9] =	ssyncadd.s32 @!p4 $0xFFFFD800  }
0x256: {  	[spmem:s3] =	stream.indirect.scatter.add.f32 @!p4 [tilespmem:s17], [sflag:$0x4], $0x80, s0, s10, $0xb8;
	[tilespmem:$0x1F880] =	vst v63  }
0x257: {  	_ =	swait.ge @!p4 [sflag:s9], $0x2800  }
0x258: {  	s30 =	sld [smem:$0x7FC];
	_ =	sdelay $0x2  }
0x259: {  	p0 =	seq.s32 s30, $0x1  }
.Ltmp8:
0x25a: {  	_ = 	snop;
	(pc) =	sbr.rel @p0 .LBB2_14-.Ltmp8, $4  }
0x25b: {  	_ = 	snop  }
0x25c: {  	s0 =	sshra.s32 @!p2 s16, $0x2;
	s10 =	simm.s32 @!p2 $0x9800;
	[sflag:s9] =	ssyncset.done @!p4 $0x0  }
0x25d: {  	s14 =	simm.s32 @!p2 $0x50;
	s0 =	sadd.s32 @!p2 $0x380, s0;
	[sflag:s9] =	ssyncadd.s32 @!p4 $0xFFFFD800  }
0x25e: {  	[tilespmem:s10], [sflag:$0x4] =	stream.indirect.gather @!p2 [hbm4b:s1+s14], $0x80, s0, s14, $0xb8;
	[tilespmem:$0x1F880] =	vst v63  }
0x25f: {  	_ =	swait.ge [sflag:s20], $0x2800  }
0x260: {  	[sflag:s20] =	ssyncset.done $0x0  }
0x261: {  	s0 =	simm.s32 $0x1E00;
	[sflag:s20] =	ssyncadd.s32 $0xFFFFD800  }
0x262: {  	[spmem:s3] =	stream.indirect.scatter.add.f32 [tilespmem:s12], [sflag:$0x1], $0x80, s0, s11, $0xb8;
	[tilespmem:$0x1F880] =	vst v63  }
0x263: {  	_ =	swait.ge [sflag:s20], $0x2800  }
0x264: {  	[sflag:s20] =	ssyncset.done $0x0  }
0x265: {  	[sflag:s20] =	ssyncadd.s32 $0xFFFFD800  }
0x266: {  	_ =	swait.ge [sflag:s21], $0x2800  }
0x267: {  	[sflag:s21] =	ssyncset.done $0x0  }
0x268: {  	s17 =	simm.s32 $0x1E80;
	[sflag:s21] =	ssyncadd.s32 $0xFFFFD800  }
0x269: {  	[spmem:s3] =	stream.indirect.scatter.add.f32 [tilespmem:s13], [sflag:$0x2], $0x80, s17, s11, $0xb8;
	[tilespmem:$0x1F880] =	vst v63  }
0x26a: {  	_ =	swait.ge [sflag:s21], $0x2800  }
0x26b: {  	s25 =	sld [smem:$0x7FA];
	_ =	sdelay $0x2  }
0x26c: {  	[sflag:s21] =	ssyncset.done $0x0;
	p0 =	seq.s32 s25, $0x1  }
0x26d: {  	[sflag:s21] =	ssyncadd.s32 $0xFFFFD800;
	s0 =	simm.s32 @!p0 $0x3  }
0x26e: {  	_ =	swait.ge @!p0 [sflag:s0], $0x2800  }
0x26f: {  	s9 =	simm.s32 @!p0 $0x50;
	[sflag:s0] =	ssyncset.done @!p0 $0x0  }
0x270: {  	s10 =	simm.s32 @!p0 $0x1F00;
	s14 =	simm.s32 @!p0 $0x7000;
	[sflag:s0] =	ssyncadd.s32 @!p0 $0xFFFFD800  }
0x271: {  	[spmem:s3] =	stream.indirect.scatter.add.f32 @!p0 [tilespmem:s14], [sflag:$0x3], $0x80, s10, s9, $0xb8;
	[tilespmem:$0x1F880] =	vst v63  }
0x272: {  	_ =	swait.ge @!p0 [sflag:s0], $0x2800  }
0x273: {  	[sflag:s0] =	ssyncset.done @!p0 $0x0  }
0x274: {  	[sflag:s0] =	ssyncadd.s32 @!p0 $0xFFFFD800;
	s0 =	simm.s32 @!p0 $0x4  }
0x275: {  	_ =	swait.ge @!p0 [sflag:s0], $0x2800  }
0x276: {  	[sflag:s0] =	ssyncset.done @!p0 $0x0  }
0x277: {  	s10 =	simm.s32 @!p0 $0x1F80;
	s14 =	simm.s32 @!p0 $0x9800;
	[sflag:s0] =	ssyncadd.s32 @!p0 $0xFFFFD800  }
0x278: {  	[spmem:s3] =	stream.indirect.scatter.add.f32 @!p0 [tilespmem:s14], [sflag:$0x4], $0x80, s10, s9, $0xb8;
	[tilespmem:$0x1F880] =	vst v63  }
0x279: {  	_ =	swait.ge @!p0 [sflag:s0], $0x2800  }
0x27a: {  	s26 =	sld [smem:$0x7F8];
	_ =	sdelay $0x1  }
0x27b: {  	[sflag:s0] =	ssyncset.done @!p0 $0x0  }
0x27c: {  	[sflag:s0] =	ssyncadd.s32 @!p0 $0xFFFFD800;
	p0 =	seq.s32 s26, $0x1  }
0x27d: {  	s9 =	rddreg [dreg:$0x12];
	s0 =	simm.s32 @!p0 $0x0  }
0x27e: {  	[tilespmem:s0], [sflag:$0x5] =	stream.linear.gather @!p0 [hbm4b:s9+s0], $0x1000, $0x38;
	[tilespmem:$0x1F880] =	vst v63  }
0x27f: {  	s9 =	simm.s32 @!p0 $0x5  }
0x280: {  	_ =	swait.ge @!p0 [sflag:s9], $0x1000  }
0x281: {  	[sflag:s9] =	ssyncset.done @!p0 $0x0  }
0x282: {  	s10 =	simm.s32 @!p0 $0x1000;
	s14 =	rddreg [dreg:$0x13];
	[sflag:s9] =	ssyncadd.s32 @!p0 $0xFFFFF000  }
0x283: {  	[tilespmem:s10], [sflag:$0x5] =	stream.linear.gather @!p0 [hbm4b:s14+s0], $0x1000, $0x38;
	[tilespmem:$0x1F880] =	vst v63  }
0x284: {  	_ =	swait.ge @!p0 [sflag:s9], $0x1000  }
0x285: {  	s10 =	simm.s32 @!p0 $0x2000;
	[sflag:s9] =	ssyncset.done @!p0 $0x0  }
0x286: {  	s30 =	sld [smem:$0x7FB];
	[sflag:s9] =	ssyncadd.s32 @!p0 $0xFFFFF000;
	s9 =	simm.s32 @!p0 $0x50  }
0x287: {  	[tilespmem:s10], [sflag:$0x1] =	stream.indirect.gather @!p0 [hbm4b:s1+s9], $0x80, s0, s9, $0xb8;
	[tilespmem:$0x1F880] =	vst v63  }
0x288: {  	s0 =	simm.s32 @!p0 $0x80;
	s10 =	simm.s32 @!p0 $0x4800  }
0x289: {  	[tilespmem:s10], [sflag:$0x2] =	stream.indirect.gather @!p0 [hbm4b:s1+s9], $0x80, s0, s9, $0xb8;
	[tilespmem:$0x1F880] =	vst v63  }
0x28a: {  	p0 =	seq.s32 s30, $0x1  }
0x28b: {  	s0 =	simm.s32 @!p0 $0x50;
	s9 =	simm.s32 @!p0 $0x100;
	s10 =	simm.s32 @!p0 $0x7000  }
0x28c: {  	[tilespmem:s10], [sflag:$0x3] =	stream.indirect.gather @!p0 [hbm4b:s1+s0], $0x80, s9, s0, $0xb8;
	[tilespmem:$0x1F880] =	vst v63  }
0x28d: {  	s9 =	simm.s32 @!p0 $0x180;
	s10 =	simm.s32 @!p0 $0x9800  }
0x28e: {  	[tilespmem:s10], [sflag:$0x4] =	stream.indirect.gather @!p0 [hbm4b:s1+s0], $0x80, s9, s0, $0xb8;
	[tilespmem:$0x1F880] =	vst v63  }
.LBB2_14:
0x28f: {  	p0 =	sle.s32 s2, $0x0  }
0x290: {  	s0 =	simm.s32 @!p0 $0x1  }
0x291: {  	_ =	swait.ge @!p0 [sflag:s0], $0x2800  }
0x292: {  	s9 =	simm.s32 @!p0 $0x1000;
	p2 =	sle.u32 @!p0 s2, $0x4;
	[sflag:s0] =	ssyncset.done @!p0 $0x0  }
0x293: {  	s10 =	simm.s32 @!p0 $0x50;
	s14 =	simm.s32 @!p0 $0x2000;
	[sflag:s0] =	ssyncadd.s32 @!p0 $0xFFFFD800  }
0x294: {  	[spmem:s3] =	stream.indirect.scatter.add.f32 @!p0 [tilespmem:s14], [sflag:$0x1], $0x80, s9, s10, $0xb8;
	[tilespmem:$0x1F880] =	vst v63  }
0x295: {  	p2 =	por p2, p0;
	_ =	swait.ge @!p0 [sflag:s0], $0x2800  }
0x296: {  	s9 =	simm.s32 @!p2 $0x2000;
	s10 =	simm.s32 @!p2 $0x200;
	[sflag:s0] =	ssyncset.done @!p0 $0x0  }
0x297: {  	[sflag:s0] =	ssyncadd.s32 @!p0 $0xFFFFD800;
	s0 =	simm.s32 @!p2 $0x50;
	p0 =	sle.s32 s2, $0x1  }
0x298: {  	[tilespmem:s9], [sflag:$0x1] =	stream.indirect.gather @!p2 [hbm4b:s1+s0], $0x80, s10, s0, $0xb8;
	[tilespmem:$0x1F880] =	vst v63  }
0x299: {  	s0 =	simm.s32 @!p0 $0x2  }
0x29a: {  	_ =	swait.ge @!p0 [sflag:s0], $0x2800  }
0x29b: {  	s9 =	simm.s32 @!p0 $0x1080;
	p2 =	sle.s32 @!p0 s2, $0x5;
	[sflag:s0] =	ssyncset.done @!p0 $0x0  }
0x29c: {  	s10 =	simm.s32 @!p0 $0x50;
	s14 =	simm.s32 @!p0 $0x4800;
	[sflag:s0] =	ssyncadd.s32 @!p0 $0xFFFFD800  }
0x29d: {  	[spmem:s3] =	stream.indirect.scatter.add.f32 @!p0 [tilespmem:s14], [sflag:$0x2], $0x80, s9, s10, $0xb8;
	[tilespmem:$0x1F880] =	vst v63  }
0x29e: {  	p2 =	por p2, p0;
	_ =	swait.ge @!p0 [sflag:s0], $0x2800  }
0x29f: {  	s9 =	simm.s32 @!p2 $0x4800;
	s10 =	simm.s32 @!p2 $0x280;
	[sflag:s0] =	ssyncset.done @!p0 $0x0  }
0x2a0: {  	s14 =	simm.s32 @!p2 $0x50;
	[sflag:s0] =	ssyncadd.s32 @!p0 $0xFFFFD800;
	p0 =	sle.s32 s2, $0x2  }
0x2a1: {  	[tilespmem:s9], [sflag:$0x2] =	stream.indirect.gather @!p2 [hbm4b:s1+s14], $0x80, s10, s14, $0xb8;
	[tilespmem:$0x1F880] =	vst v63  }
0x2a2: {  	s0 =	simm.s32 @!p0 $0x3  }
0x2a3: {  	_ =	swait.ge @!p0 [sflag:s0], $0x2800  }
0x2a4: {  	s9 =	simm.s32 @!p0 $0x1100;
	p2 =	sle.s32 @!p0 s2, $0x6;
	[sflag:s0] =	ssyncset.done @!p0 $0x0  }
0x2a5: {  	s10 =	simm.s32 @!p0 $0x50;
	s14 =	simm.s32 @!p0 $0x7000;
	[sflag:s0] =	ssyncadd.s32 @!p0 $0xFFFFD800  }
0x2a6: {  	[spmem:s3] =	stream.indirect.scatter.add.f32 @!p0 [tilespmem:s14], [sflag:$0x3], $0x80, s9, s10, $0xb8;
	[tilespmem:$0x1F880] =	vst v63  }
0x2a7: {  	p2 =	por p2, p0;
	_ =	swait.ge @!p0 [sflag:s0], $0x2800  }
0x2a8: {  	p4 =	sle.s32 s2, $0x3;
	s9 =	simm.s32 @!p2 $0x7000;
	[sflag:s0] =	ssyncset.done @!p0 $0x0  }
0x2a9: {  	s10 =	simm.s32 @!p2 $0x300;
	s14 =	simm.s32 @!p2 $0x50;
	[sflag:s0] =	ssyncadd.s32 @!p0 $0xFFFFD800  }
0x2aa: {  	[tilespmem:s9], [sflag:$0x3] =	stream.indirect.gather @!p2 [hbm4b:s1+s14], $0x80, s10, s14, $0xb8;
	[tilespmem:$0x1F880] =	vst v63  }
0x2ab: {  	s9 =	simm.s32 @!p4 $0x4  }
0x2ac: {  	s16 =	simm.s32 $0x0;
	_ =	swait.ge @!p4 [sflag:s9], $0x2800  }
0x2ad: {  	s0 =	simm.s32 @!p4 $0x1180;
	p0 =	sle.s32 @!p4 s2, $0x7;
	[sflag:s9] =	ssyncset.done @!p4 $0x0  }
0x2ae: {  	s10 =	simm.s32 @!p4 $0x50;
	s14 =	simm.s32 @!p4 $0x9800;
	[sflag:s9] =	ssyncadd.s32 @!p4 $0xFFFFD800  }
0x2af: {  	[spmem:s3] =	stream.indirect.scatter.add.f32 @!p4 [tilespmem:s14], [sflag:$0x4], $0x80, s0, s10, $0xb8;
	[tilespmem:$0x1F880] =	vst v63  }
0x2b0: {  	s15 =	simm.s32 $0x800;
	p2 =	por p0, p4;
	s14 =	simm.s32 $0x4  }
.LBB2_15:
0x2b1: {  	_ =	swait.ge @!p4 [sflag:s9], $0x2800;
	s0 =	sshra.s32 @!p2 s16, $0x2;
	s10 =	simm.s32 @!p2 $0x9800  }
0x2b2: {  	s16 =	simm.s32 @!p2 $0x50;
	[sflag:s9] =	ssyncset.done @!p4 $0x0;
	s0 =	sadd.s32 @!p2 $0x380, s0  }
0x2b3: {  	s17 =	smov.u32 s14;
	s14 =	sadd.s32 $0x4, s14;
	[sflag:s9] =	ssyncadd.s32 @!p4 $0xFFFFD800  }
0x2b4: {  	[tilespmem:s10], [sflag:$0x4] =	stream.indirect.gather @!p2 [hbm4b:s1+s16], $0x80, s0, s16, $0xb8;
	[tilespmem:$0x1F880] =	vst v63  }
0x2b5: {  	p5 =	sne.s32 s14, $0x1C;
	p2 =	sge.s32 s17, s2;
	s16 =	smov.u32 s15  }
0x2b6: {  	s0 =	simm.s32 @!p2 $0x1;
	s9 =	sshra.s32 @!p2 s15, $0x2;
	s10 =	sadd.s32 @!p2 $0x4, s17  }
0x2b7: {  	s9 =	sadd.s32 @!p2 $0x1000, s9;
	p0 =	sge.u32 @!p2 s10, s2;
	_ =	swait.ge @!p2 [sflag:s0], $0x2800  }
0x2b8: {  	p0 =	por p0, p2;
	[sflag:s0] =	ssyncset.done @!p2 $0x0  }
0x2b9: {  	s25 =	simm.s32 @!p2 $0x2000;
	s10 =	simm.s32 @!p2 $0x50;
	[sflag:s0] =	ssyncadd.s32 @!p2 $0xFFFFD800  }
0x2ba: {  	[spmem:s3] =	stream.indirect.scatter.add.f32 @!p2 [tilespmem:s25], [sflag:$0x1], $0x80, s9, s10, $0xb8;
	[tilespmem:$0x1F880] =	vst v63  }
0x2bb: {  	s9 =	sshra.s32 @!p0 s15, $0x2;
	s10 =	simm.s32 @!p0 $0x2000;
	_ =	swait.ge @!p2 [sflag:s0], $0x2800  }
0x2bc: {  	s25 =	sadd.s32 $0x1, s17;
	s9 =	sadd.s32 @!p0 $0x200, s9;
	[sflag:s0] =	ssyncset.done @!p2 $0x0  }
0x2bd: {  	p4 =	sge.s32 s25, s2;
	[sflag:s0] =	ssyncadd.s32 @!p2 $0xFFFFD800;
	s0 =	simm.s32 @!p0 $0x50  }
0x2be: {  	[tilespmem:s10], [sflag:$0x1] =	stream.indirect.gather @!p0 [hbm4b:s1+s0], $0x80, s9, s0, $0xb8;
	[tilespmem:$0x1F880] =	vst v63  }
0x2bf: {  	s0 =	simm.s32 @!p4 $0x2;
	s9 =	sshra.s32 @!p4 s15, $0x2;
	s10 =	sadd.s32 @!p4 $0x5, s17  }
0x2c0: {  	s9 =	sadd.s32 @!p4 $0x1080, s9;
	p0 =	sge.s32 @!p4 s10, s2;
	_ =	swait.ge @!p4 [sflag:s0], $0x2800  }
0x2c1: {  	s25 =	simm.s32 @!p4 $0x4800;
	s10 =	simm.s32 @!p4 $0x50;
	[sflag:s0] =	ssyncset.done @!p4 $0x0  }
0x2c2: {  	s26 =	sadd.s32 $0x2, s17;
	p0 =	por p0, p4;
	[sflag:s0] =	ssyncadd.s32 @!p4 $0xFFFFD800  }
0x2c3: {  	[spmem:s3] =	stream.indirect.scatter.add.f32 @!p4 [tilespmem:s25], [sflag:$0x2], $0x80, s9, s10, $0xb8;
	[tilespmem:$0x1F880] =	vst v63  }
0x2c4: {  	s9 =	sshra.s32 @!p0 s15, $0x2;
	s10 =	simm.s32 @!p0 $0x4800;
	_ =	swait.ge @!p4 [sflag:s0], $0x2800  }
0x2c5: {  	s25 =	simm.s32 @!p0 $0x50;
	s9 =	sadd.s32 @!p0 $0x280, s9;
	[sflag:s0] =	ssyncset.done @!p4 $0x0  }
0x2c6: {  	[sflag:s0] =	ssyncadd.s32 @!p4 $0xFFFFD800;
	p4 =	sge.s32 s26, s2  }
0x2c7: {  	[tilespmem:s10], [sflag:$0x2] =	stream.indirect.gather @!p0 [hbm4b:s1+s25], $0x80, s9, s25, $0xb8;
	[tilespmem:$0x1F880] =	vst v63  }
0x2c8: {  	s0 =	simm.s32 @!p4 $0x3;
	s9 =	sshra.s32 @!p4 s15, $0x2;
	s10 =	sadd.s32 @!p4 $0x6, s17  }
0x2c9: {  	s9 =	sadd.s32 @!p4 $0x1100, s9;
	p0 =	sge.s32 @!p4 s10, s2;
	_ =	swait.ge @!p4 [sflag:s0], $0x2800  }
0x2ca: {  	s25 =	simm.s32 @!p4 $0x7000;
	s10 =	simm.s32 @!p4 $0x50;
	[sflag:s0] =	ssyncset.done @!p4 $0x0  }
0x2cb: {  	s26 =	sadd.s32 $0x3, s17;
	p0 =	por p0, p4;
	[sflag:s0] =	ssyncadd.s32 @!p4 $0xFFFFD800  }
0x2cc: {  	[spmem:s3] =	stream.indirect.scatter.add.f32 @!p4 [tilespmem:s25], [sflag:$0x3], $0x80, s9, s10, $0xb8;
	[tilespmem:$0x1F880] =	vst v63  }
0x2cd: {  	s9 =	sshra.s32 @!p0 s15, $0x2;
	s10 =	simm.s32 @!p0 $0x7000;
	_ =	swait.ge @!p4 [sflag:s0], $0x2800  }
0x2ce: {  	s25 =	simm.s32 @!p0 $0x50;
	s9 =	sadd.s32 @!p0 $0x300, s9;
	[sflag:s0] =	ssyncset.done @!p4 $0x0  }
0x2cf: {  	[sflag:s0] =	ssyncadd.s32 @!p4 $0xFFFFD800;
	p4 =	sge.s32 s26, s2  }
0x2d0: {  	[tilespmem:s10], [sflag:$0x3] =	stream.indirect.gather @!p0 [hbm4b:s1+s25], $0x80, s9, s25, $0xb8;
	[tilespmem:$0x1F880] =	vst v63  }
0x2d1: {  	s9 =	simm.s32 @!p4 $0x4  }
.Ltmp9:
0x2d2: {  	s0 =	sshra.s32 @!p4 s15, $0x2;
	s10 =	sadd.s32 @!p4 $0x7, s17;
	(pc) =	sbr.rel @p5 .LBB2_15-.Ltmp9, $4  }
0x2d3: {  	s0 =	sadd.s32 @!p4 $0x1180, s0;
	p0 =	sge.s32 @!p4 s10, s2;
	_ =	swait.ge @!p4 [sflag:s9], $0x2800  }
0x2d4: {  	s17 =	simm.s32 @!p4 $0x9800;
	s10 =	simm.s32 @!p4 $0x50;
	[sflag:s9] =	ssyncset.done @!p4 $0x0  }
0x2d5: {  	s15 =	sadd.s32 $0x800, s15;
	p2 =	por p0, p4;
	[sflag:s9] =	ssyncadd.s32 @!p4 $0xFFFFD800  }
0x2d6: {  	[spmem:s3] =	stream.indirect.scatter.add.f32 @!p4 [tilespmem:s17], [sflag:$0x4], $0x80, s0, s10, $0xb8;
	[tilespmem:$0x1F880] =	vst v63  }
0x2d7: {  	_ =	swait.ge @!p4 [sflag:s9], $0x2800  }
0x2d8: {  	s0 =	sshra.s32 @!p2 s16, $0x2;
	s10 =	simm.s32 @!p2 $0x9800;
	[sflag:s9] =	ssyncset.done @!p4 $0x0  }
0x2d9: {  	s14 =	simm.s32 @!p2 $0x50;
	s0 =	sadd.s32 @!p2 $0x380, s0;
	[sflag:s9] =	ssyncadd.s32 @!p4 $0xFFFFD800  }
0x2da: {  	[tilespmem:s10], [sflag:$0x4] =	stream.indirect.gather @!p2 [hbm4b:s1+s14], $0x80, s0, s14, $0xb8;
	[tilespmem:$0x1F880] =	vst v63  }
0x2db: {  	s0 =	simm.s32 @!p3 $0x1  }
0x2dc: {  	_ =	swait.ge @!p3 [sflag:s0], $0x2800  }
0x2dd: {  	s9 =	simm.s32 @!p3 $0x50;
	[sflag:s0] =	ssyncset.done @!p3 $0x0  }
0x2de: {  	s10 =	simm.s32 @!p3 $0x1E00;
	s14 =	simm.s32 @!p3 $0x2000;
	[sflag:s0] =	ssyncadd.s32 @!p3 $0xFFFFD800  }
0x2df: {  	[spmem:s3] =	stream.indirect.scatter.add.f32 @!p3 [tilespmem:s14], [sflag:$0x1], $0x80, s10, s9, $0xb8;
	[tilespmem:$0x1F880] =	vst v63  }
0x2e0: {  	_ =	swait.ge @!p3 [sflag:s0], $0x2800  }
0x2e1: {  	[sflag:s0] =	ssyncset.done @!p3 $0x0  }
0x2e2: {  	[sflag:s0] =	ssyncadd.s32 @!p3 $0xFFFFD800;
	s0 =	simm.s32 @!p3 $0x2  }
0x2e3: {  	_ =	swait.ge @!p3 [sflag:s0], $0x2800  }
0x2e4: {  	[sflag:s0] =	ssyncset.done @!p3 $0x0  }
0x2e5: {  	s10 =	simm.s32 @!p3 $0x1E80;
	s14 =	simm.s32 @!p3 $0x4800;
	[sflag:s0] =	ssyncadd.s32 @!p3 $0xFFFFD800  }
0x2e6: {  	[spmem:s3] =	stream.indirect.scatter.add.f32 @!p3 [tilespmem:s14], [sflag:$0x2], $0x80, s10, s9, $0xb8;
	[tilespmem:$0x1F880] =	vst v63  }
0x2e7: {  	_ =	swait.ge @!p3 [sflag:s0], $0x2800  }
0x2e8: {  	[sflag:s0] =	ssyncset.done @!p3 $0x0  }
0x2e9: {  	[sflag:s0] =	ssyncadd.s32 @!p3 $0xFFFFD800;
	s0 =	simm.s32 @!p6 $0x3  }
0x2ea: {  	_ =	swait.ge @!p6 [sflag:s0], $0x2800  }
0x2eb: {  	s9 =	simm.s32 @!p6 $0x50;
	[sflag:s0] =	ssyncset.done @!p6 $0x0  }
0x2ec: {  	s10 =	simm.s32 @!p6 $0x1F00;
	s14 =	simm.s32 @!p6 $0x7000;
	[sflag:s0] =	ssyncadd.s32 @!p6 $0xFFFFD800  }
0x2ed: {  	[spmem:s3] =	stream.indirect.scatter.add.f32 @!p6 [tilespmem:s14], [sflag:$0x3], $0x80, s10, s9, $0xb8;
	[tilespmem:$0x1F880] =	vst v63  }
0x2ee: {  	_ =	swait.ge @!p6 [sflag:s0], $0x2800  }
0x2ef: {  	[sflag:s0] =	ssyncset.done @!p6 $0x0  }
0x2f0: {  	[sflag:s0] =	ssyncadd.s32 @!p6 $0xFFFFD800;
	s0 =	simm.s32 @!p6 $0x4  }
0x2f1: {  	_ =	swait.ge @!p6 [sflag:s0], $0x2800  }
0x2f2: {  	[sflag:s0] =	ssyncset.done @!p6 $0x0  }
0x2f3: {  	s10 =	simm.s32 @!p6 $0x1F80;
	s14 =	simm.s32 @!p6 $0x9800;
	[sflag:s0] =	ssyncadd.s32 @!p6 $0xFFFFD800  }
0x2f4: {  	[spmem:s3] =	stream.indirect.scatter.add.f32 @!p6 [tilespmem:s14], [sflag:$0x4], $0x80, s10, s9, $0xb8;
	[tilespmem:$0x1F880] =	vst v63  }
0x2f5: {  	_ =	swait.ge @!p6 [sflag:s0], $0x2800  }
0x2f6: {  	[sflag:s0] =	ssyncset.done @!p6 $0x0  }
0x2f7: {  	[sflag:s0] =	ssyncadd.s32 @!p6 $0xFFFFD800  }
0x2f8: {  	[bflag:$0x0] =	sbarrier.arrive $0xFFFF  }
0x2f9: {  	s30 =	sld [smem:$0x7FD];
	_ =	sdelay $0x2  }
0x2fa: {  	p4 =	seq.s32 s30, $0x1  }
.Ltmp10:
0x2fb: {  	_ = 	snop;
	(pc) =	sbr.rel @p4 .LBB2_18-.Ltmp10, $1  }
0x2fc: {  	_ =	sdelay $0x3  }
0x2fd: {  	s6 =	sor.u32 $0x1C05, s28;
	s0 =	rddreg [dreg:$0x16];
	s30 =	stileid.u32  }
0x2fe: {  	[hbm:s0], [sflag:s6] =	dma.local [spmem:s4], $0x2700  }
0x2ff: {  	p0 =	seq.s32 s30, $0xF  }
.Ltmp11:
0x300: {  	_ = 	snop;
	(pc) =	sbr.rel @p0 .LBB2_19-.Ltmp11, $4  }
.Ltmp12:
0x301: {  	_ =	swait.ge [sflag:s8], $0x2700;
	(pc) =	sbr.rel @!p0 .LBB2_20-.Ltmp12, $4  }
0x302: {  	[sflag:s8] =	ssyncset.done $0x0  }
0x303: {  	[sflag:s8] =	ssyncadd.s32 $0xFFFFD900  }
0x304: {  	s4 =	rddreg [dreg:$0x2]  }
0x305: {  	_ = 	snop  }
.LBB2_18:
0x306: {  	s0 =	rddreg [dreg:$0x15]  }
0x307: {  	[hbm:s0], [sflag:s6] =	dma.local [spmem:s4], $0x2700  }
0x308: {  	_ =	swait.ge [sflag:s8], $0x2700  }
0x309: {  	s30 =	sld [smem:$0x7F9];
	_ =	sdelay $0x2  }
0x30a: {  	p0 =	seq.s32 s30, $0x1  }
.Ltmp13:
0x30b: {  	_ = 	snop;
	(pc) =	sbr.rel @p0 .LBB2_20-.Ltmp13, $4  }
.Ltmp14:
0x30c: {  	_ = 	snop;
	(pc) =	sbr.rel @!p0 .LBB2_19-.Ltmp14, $4  }
0x30d: {  	_ = 	snop  }
0x30e: {  	[sflag:s8] =	ssyncset.done $0x0  }
0x30f: {  	s4 =	rddreg [dreg:$0x5];
	[sflag:s8] =	ssyncadd.s32 $0xFFFFD900  }
0x310: {  	_ = 	snop  }
.LBB2_21:
0x311: {  	_ =	sfence.sel $0x180000  }
0x312: {  	[bflag:$0x0] =	sbarrier.arrive $0xFFFF  }
0x313: {  	_ =	strace $0x90000047  }
0x314: {  	s0 =	stileid.u32;
	[bflag:$0x2] =	sbarrier.arrive $0xFFFF  }
0x315: {  	p0 =	sne.s32 s0, $0x0;
	s0 =	rddreg [dreg:$0x4]  }
0x316: {  	s0 =	sadd.s32 @!p0 $0x100000, s0  }
0x317: {  	[sflag:s0] =	ssyncadd.tile.s32 @!p0 $0x1;
	_ =	shalt  }
.Lfunc_end2:
_tile_overlayer_lowered:
.L_overlay_start_2:
0x318: {  	(tag) =	ssettag $0x2  }
0x319: {  	s0 =	rddreg [dreg:$0x0];
	s2 =	stileid.u32  }
0x31a: {  	s1 =	rddreg [dreg:$0x1];
	p0 =	sne.s32 s2, $0x0  }
0x31b: {  	s3 =	rddreg [dreg:$0x2];
	[bflag:$0x3] =	sbarrier.arrive $0xFFFF;
	s2 =	simm.s32 @!p0 $0x1C05  }
0x31c: {  	[timem:s3], [sflag:s2] =	dma.local @!p0 [hbm:s0], s1  }
0x31d: {  	s0 =	simm.s32 @!p0 $0x5  }
0x31e: {  	_ =	swait.ge @!p0 [sflag:s0], s1  }
0x31f: {  	s1 =	ssub.s32 @!p0 $0x0, s1;
	[sflag:s0] =	ssyncset.done @!p0 $0x0  }
0x320: {  	[sflag:s0] =	ssyncadd.s32 @!p0 s1  }
0x321: {  	[bflag:$0x3] =	sbarrier.arrive $0xFFFF  }
0x322: {  	_ =	shalt  }

</sc_bundles>
